<compile_context>
chip_gen: v7x
topology: tpu7x:2x2x1
jax: 0.10.2.dev20260603
libtpu: 0.0.44.dev20260713+nightly
codegen_flags: <defaults>
</compile_context>

<pallas_src>
import functools

import jax
import jax.numpy as jnp
from jax import lax
from jax.experimental import pallas as pl
from jax.experimental.pallas import tpu as pltpu
from jax.experimental.pallas import tpu_sc as plsc

N = 10000
E = 320000
D = 128

NC = 2
NS = 16
NW = NC * NS

CH = 128
CPW = 80
BS = 16
NB = CPW // BS
EPAD = NW * CPW * CH
ROWS_MAIN = 624
ROWS_LAST = 640
WCH = 104


def _logmap0_body(x_ref, o_ref):
    x = x_ref[...]
    n2 = jnp.sum(x * x, axis=1, keepdims=True)
    norm = jnp.maximum(jnp.sqrt(n2), 1e-15)
    t = jnp.clip(norm, -1.0 + 1e-7, 1.0 - 1e-7)
    artanh = 0.5 * jnp.log((1.0 + t) / (1.0 - t))
    o_ref[...] = x / norm * artanh


def _logmap0(x):
    bn = 2000
    return pl.pallas_call(
        _logmap0_body,
        grid=(N // bn,),
        in_specs=[pl.BlockSpec((bn, D), lambda i: (i, 0))],
        out_specs=pl.BlockSpec((bn, D), lambda i: (i, 0)),
        out_shape=jax.ShapeDtypeStruct((N, D), jnp.float32),
    )(x)


def _combine_body(p0_ref, p1_ref, h0_ref, a_ref, t_ref, w_ref, o_ref):
    a = a_ref[0, 0]
    th = t_ref[0, 0]
    hi = p0_ref[0] + p1_ref[0]
    support = (1.0 - a) * hi + a * h0_ref[...]
    out = th * jnp.dot(support, w_ref[...],
                       preferred_element_type=jnp.float32) + (1.0 - th) * support
    un = jnp.maximum(jnp.sqrt(jnp.sum(out * out, axis=1, keepdims=True)), 1e-15)
    e = jnp.tanh(un) * out / un
    en = jnp.maximum(jnp.sqrt(jnp.sum(e * e, axis=1, keepdims=True)), 1e-15)
    maxnorm = 1.0 - 1e-5
    o_ref[...] = jnp.where(en > maxnorm, e / en * maxnorm, e)


def _combine(partials, h0, alpha, theta, weight):
    bn = 2000
    return pl.pallas_call(
        _combine_body,
        grid=(N // bn,),
        in_specs=[
            pl.BlockSpec((1, bn, D), lambda i: (0, i, 0)),
            pl.BlockSpec((1, bn, D), lambda i: (1, i, 0)),
            pl.BlockSpec((bn, D), lambda i: (i, 0)),
            pl.BlockSpec((1, 1), lambda i: (0, 0)),
            pl.BlockSpec((1, 1), lambda i: (0, 0)),
            pl.BlockSpec((D, D), lambda i: (0, 0)),
        ],
        out_specs=pl.BlockSpec((bn, D), lambda i: (i, 0)),
        out_shape=jax.ShapeDtypeStruct((N, D), jnp.float32),
    )(partials, partials, h0, alpha, theta, weight)


def _sc_body(xt_hbm, src_hbm, dst_hbm, w_hbm, out_hbm,
             src_v, dst_v, w_v, rowbuf, rb1, hi_sh,
             g0, g1, s0, s1, isem, dsem, wsem):
    c = lax.axis_index("c")
    s = lax.axis_index("s")
    wid = c * NS + s
    bufs = (rowbuf, rb1)
    gsem = (g0, g1)
    ssem = (s0, s1)

    pltpu.async_copy(src_hbm.at[wid, 0], src_v.at[0], isem)
    pltpu.async_copy(dst_hbm.at[wid, 0], dst_v.at[0], dsem)
    pltpu.async_copy(w_hbm.at[wid, 0], w_v.at[0], wsem)

    z = jnp.zeros((16,), jnp.float32)

    def _zero_row(i, carry):
        for j in range(D // 16):
            rowbuf[i, pl.ds(j * 16, 16)] = z
        return carry

    lax.fori_loop(0, CH, _zero_row, 0)

    r0 = s * ROWS_MAIN
    nzc = jnp.where(s == NS - 1, ROWS_LAST // WCH, ROWS_MAIN // WCH)

    def _zero_stripe(t, carry):
        pltpu.async_copy(rowbuf.at[pl.ds(0, WCH)],
                         hi_sh.at[pl.ds(r0 + t * WCH, WCH)], g1)
        return carry

    lax.fori_loop(0, nzc, _zero_stripe, 0)

    @pl.when(s == NS - 1)
    def _zero_tail():
        pltpu.async_copy(rowbuf.at[pl.ds(0, ROWS_LAST % WCH)],
                         hi_sh.at[pl.ds(r0 + (ROWS_LAST // WCH) * WCH,
                                        ROWS_LAST % WCH)], g1)

    def _zero_drain(t, carry):
        pltpu.make_async_copy(rowbuf.at[pl.ds(0, WCH)],
                              hi_sh.at[pl.ds(r0, WCH)], g1).wait()
        return carry

    lax.fori_loop(0, nzc, _zero_drain, 0)

    @pl.when(s == NS - 1)
    def _zero_tail_drain():
        pltpu.make_async_copy(rowbuf.at[pl.ds(0, ROWS_LAST % WCH)],
                              hi_sh.at[pl.ds(r0, ROWS_LAST % WCH)], g1).wait()

    plsc.subcore_barrier()

    def _scale(pp, row, rb):
        def body(ib, inner):
            wv = w_v[pp, row, pl.ds(ib * 16, 16)]
            for r in range(16):
                rr = ib * 16 + r
                wi = jnp.full((16,), wv[r], dtype=jnp.float32)
                for j in range(D // 16):
                    sl = pl.ds(j * 16, 16)
                    rb[rr, sl] = rb[rr, sl] * wi
            return inner

        lax.fori_loop(0, CH // 16, body, 0)

    pltpu.make_async_copy(src_hbm.at[wid, 0], src_v.at[0], isem).wait()
    pltpu.make_async_copy(dst_hbm.at[wid, 0], dst_v.at[0], dsem).wait()
    pltpu.make_async_copy(w_hbm.at[wid, 0], w_v.at[0], wsem).wait()
    pltpu.async_copy(src_hbm.at[wid, 1], src_v.at[1], isem)
    pltpu.async_copy(dst_hbm.at[wid, 1], dst_v.at[1], dsem)
    pltpu.async_copy(w_hbm.at[wid, 1], w_v.at[1], wsem)
    pltpu.async_copy(xt_hbm.at[src_v.at[0, 0]], bufs[0], gsem[0])

    def _step(k2, carry):
        for b in range(2):
            kk = k2 * 2 + b
            pp = (kk // BS) % 2
            row = kk % BS
            ob = 1 - b

            pltpu.make_async_copy(
                xt_hbm.at[src_v.at[pp, row]], bufs[b], gsem[b]).wait()

            if b == 0:
                @pl.when(k2 > 0)
                def _():
                    pltpu.make_async_copy(
                        bufs[ob], hi_sh.at[dst_v.at[pp, row]], ssem[ob]).wait()

                @pl.when(jnp.logical_and(row == 0, jnp.logical_and(
                    kk >= BS, kk // BS + 1 < NB)))
                def _():
                    q2 = kk // BS + 1
                    qq2 = q2 % 2
                    pltpu.async_copy(src_hbm.at[wid, q2], src_v.at[qq2], isem)
                    pltpu.async_copy(dst_hbm.at[wid, q2], dst_v.at[qq2], dsem)
                    pltpu.async_copy(w_hbm.at[wid, q2], w_v.at[qq2], wsem)
            else:
                pltpu.make_async_copy(
                    bufs[ob], hi_sh.at[dst_v.at[pp, row]], ssem[ob]).wait()

            if b == 1:
                @pl.when(jnp.logical_and(row == BS - 1, kk < CPW - 1))
                def _():
                    q = (kk + 1) // BS
                    qq = q % 2
                    pltpu.make_async_copy(src_hbm.at[wid, q], src_v.at[qq], isem).wait()
                    pltpu.make_async_copy(dst_hbm.at[wid, q], dst_v.at[qq], dsem).wait()
                    pltpu.make_async_copy(w_hbm.at[wid, q], w_v.at[qq], wsem).wait()

            @pl.when(kk < CPW - 1)
            def _():
                kn = kk + 1
                ppn = (kn // BS) % 2
                pltpu.async_copy(
                    xt_hbm.at[src_v.at[ppn, kn % BS]], bufs[ob], gsem[ob])

            _scale(pp, row, bufs[b])
            pltpu.async_copy(bufs[b], hi_sh.at[dst_v.at[pp, row]], ssem[b],
                             add=True)
        return carry

    lax.fori_loop(0, CPW // 2, _step, 0)
    pltpu.make_async_copy(bufs[1], hi_sh.at[dst_v.at[1, BS - 1]], ssem[1]).wait()

    plsc.subcore_barrier()

    def _writeout(t, carry):
        ro = r0 + t * WCH
        pltpu.async_copy(hi_sh.at[pl.ds(ro, WCH)],
                         out_hbm.at[c].at[pl.ds(ro, WCH)], g0)
        return carry

    lax.fori_loop(0, nzc, _writeout, 0)

    @pl.when(s == NS - 1)
    def _write_tail():
        tail = ROWS_LAST % WCH
        ro = r0 + (ROWS_LAST // WCH) * WCH
        pltpu.async_copy(hi_sh.at[pl.ds(ro, tail)],
                         out_hbm.at[c].at[pl.ds(ro, tail)], g0)

    def _write_drain(t, carry):
        pltpu.make_async_copy(hi_sh.at[pl.ds(r0, WCH)],
                              out_hbm.at[c].at[pl.ds(r0, WCH)], g0).wait()
        return carry

    lax.fori_loop(0, nzc, _write_drain, 0)

    @pl.when(s == NS - 1)
    def _write_tail_drain():
        tail = ROWS_LAST % WCH
        pltpu.make_async_copy(hi_sh.at[pl.ds(r0, tail)],
                              out_hbm.at[c].at[pl.ds(r0, tail)], g0).wait()


_sc_spmm = functools.partial(
    pl.kernel,
    out_type=jax.ShapeDtypeStruct((NC, N, D), jnp.float32),
    mesh=plsc.VectorSubcoreMesh(core_axis_name="c", subcore_axis_name="s"),
    scratch_types=[
        pltpu.VMEM((2, BS, CH), jnp.int32),
        pltpu.VMEM((2, BS, CH), jnp.int32),
        pltpu.VMEM((2, BS, CH), jnp.float32),
        pltpu.VMEM((CH, D), jnp.float32),
        pltpu.VMEM((CH, D), jnp.float32),
        pltpu.VMEM_SHARED((N, D), jnp.float32),
        pltpu.SemaphoreType.DMA,
        pltpu.SemaphoreType.DMA,
        pltpu.SemaphoreType.DMA,
        pltpu.SemaphoreType.DMA,
        pltpu.SemaphoreType.DMA,
        pltpu.SemaphoreType.DMA,
        pltpu.SemaphoreType.DMA,
    ],
)(_sc_body)


def kernel(x, edge_index, edge_weight, h0, alpha, theta, weight):
    npad = EPAD - E
    pad_idx = jnp.arange(npad, dtype=jnp.int32) % N
    src = jnp.concatenate(
        [edge_index[0].astype(jnp.int32), pad_idx]
    ).reshape(NW, NB, BS, CH)
    dst = jnp.concatenate(
        [edge_index[1].astype(jnp.int32), pad_idx]
    ).reshape(NW, NB, BS, CH)
    w2 = jnp.concatenate(
        [edge_weight, jnp.zeros((npad,), jnp.float32)]
    ).reshape(NW, NB, BS, CH)
    xt = _logmap0(x)
    partials = _sc_spmm(xt, src, dst, w2)
    return _combine(partials, h0,
                    alpha.reshape(1, 1), theta.reshape(1, 1), weight)

# --- scband reference (transcript-rebuilt; emitter-appended) ---
"""Pipeline reference for scband-hyp-agg-ii-35476429864980 (READ-ONLY COPY).

The authoritative reference and input builder live on the scoring server;
editing this copy changes nothing except your own understanding.
"""

import jax, jax.numpy as jnp
import numpy as np

N = 10000
E = 320000
D = 128
C = 1.0


def artanh(x):
    x = jnp.clip(x, -1.0 + 1e-7, 1.0 - 1e-7)
    return 0.5 * jnp.log((1.0 + x) / (1.0 - x))


def logmap0(p, c):
    sqrt_c = c ** 0.5
    p_norm = jnp.maximum(jnp.linalg.norm(p, axis=-1, keepdims=True), 1e-15)
    return p / (sqrt_c * p_norm) * artanh(sqrt_c * p_norm)


def expmap0(u, c):
    sqrt_c = c ** 0.5
    u_norm = jnp.maximum(jnp.linalg.norm(u, axis=-1, keepdims=True), 1e-15)
    return jnp.tanh(sqrt_c * u_norm) * u / (sqrt_c * u_norm)


def proj(p, c):
    norm = jnp.maximum(jnp.linalg.norm(p, axis=-1, keepdims=True), 1e-15)
    maxnorm = (1.0 - 1e-5) / (c ** 0.5)
    return jnp.where(norm > maxnorm, p / norm * maxnorm, p)


def setup_inputs(seed: int = 0) -> dict:
    key = jax.random.key(seed)
    k1, k2, k3, k4, k5, k6, k7 = jax.random.split(key, 7)
    x = jax.random.normal(k1, (N, D), dtype=jnp.float32)
    edge_index = jax.random.randint(k2, (2, E), 0, N, dtype=jnp.int64)
    edge_weight = jax.random.uniform(k3, (E,), dtype=jnp.float32)
    h0 = jax.random.normal(k4, (N, D), dtype=jnp.float32)
    alpha = jax.random.uniform(k5, (1,), dtype=jnp.float32)
    theta = jax.random.uniform(k6, (1,), dtype=jnp.float32)
    # xavier_uniform with gain=sqrt(2): bound = gain * sqrt(6 / (fan_in + fan_out))
    bound = (2.0 ** 0.5) * (6.0 / (D + D)) ** 0.5
    weight = jax.random.uniform(k7, (D, D), dtype=jnp.float32, minval=-bound, maxval=bound)
    return {"x": x, "edge_index": edge_index, "edge_weight": edge_weight,
            "h0": h0, "alpha": alpha, "theta": theta, "weight": weight}


def reference(x, edge_index, edge_weight, h0, alpha, theta, weight):
    # x_tangent = manifold.logmap0(x, c)
    x_tangent = logmap0(x, C)
    # hi = torch.spmm(adj, x_tangent) with adj given as COO (edge_index, edge_weight)
    src = edge_index[0]
    dst = edge_index[1]
    msgs = edge_weight[:, None] * jnp.take(x_tangent, src, axis=0)
    hi = jax.ops.segment_sum(msgs, dst, num_segments=N)
    support = (1.0 - alpha) * hi + alpha * h0
    r = support
    output = theta * jnp.dot(support, weight) + (1.0 - theta) * r
    output = proj(expmap0(output, C), C)
    return output

if __name__ == "__main__":
    import jax
    _d = setup_inputs()
    print(jax.jit(kernel)(*tuple(_d.values())))

</pallas_src>

<mosaic_0001>
#map = affine_map<(d0, d1) -> (0, 0)>
#map1 = affine_map<(d0, d1) -> (0, 0, 0, 0)>
#map2 = affine_map<(d0, d1) -> (0, 0, 0)>
module attributes {stable_mosaic.version = 14 : i64} {
  func.func @_sc_body(%arg0: i32, %arg1: i32, %arg2: memref<10000x128xf32, #tpu.memory_space<hbm>>, %arg3: memref<32x5x16x128xi32, #tpu.memory_space<hbm>>, %arg4: memref<32x5x16x128xi32, #tpu.memory_space<hbm>>, %arg5: memref<32x5x16x128xf32, #tpu.memory_space<hbm>>, %arg6: memref<2x10000x128xf32, #tpu.memory_space<hbm>>, %arg7: memref<2x16x128xi32, #tpu.memory_space<vmem>>, %arg8: memref<2x16x128xi32, #tpu.memory_space<vmem>>, %arg9: memref<2x16x128xf32, #tpu.memory_space<vmem>>, %arg10: memref<128x128xf32, #tpu.memory_space<vmem>>, %arg11: memref<128x128xf32, #tpu.memory_space<vmem>>, %arg12: memref<10000x128xf32, #tpu.memory_space<vmem_shared>>, %arg13: memref<!tpu.dma_semaphore, #tpu.memory_space<semaphore_mem>>, %arg14: memref<!tpu.dma_semaphore, #tpu.memory_space<semaphore_mem>>, %arg15: memref<!tpu.dma_semaphore, #tpu.memory_space<semaphore_mem>>, %arg16: memref<!tpu.dma_semaphore, #tpu.memory_space<semaphore_mem>>, %arg17: memref<!tpu.dma_semaphore, #tpu.memory_space<semaphore_mem>>, %arg18: memref<!tpu.dma_semaphore, #tpu.memory_space<semaphore_mem>>, %arg19: memref<!tpu.dma_semaphore, #tpu.memory_space<semaphore_mem>>) attributes {dimension_semantics = [#tpu.dimension_semantics<core_parallel>, #tpu.dimension_semantics<subcore_parallel>], iteration_bounds = array<i64: 2, 16>, scalar_prefetch = 0 : i64, scratch_operands = 13 : i64, tpu.core_type = #tpu.core_type<sc_vector_subcore>, window_params = [{transform_indices = #map}, {transform_indices = #map1}, {transform_indices = #map1}, {transform_indices = #map1}, {transform_indices = #map2}]} {
    %mul3A = arith.constant 16 : i32
    %mul3A_0 = arith.muli %arg0, %mul3A : i32
    %add3A = arith.addi %mul3A_0, %arg1 : i32
    %dma_start3A = arith.constant 0 : i32
    %dma_start3A_1 = arith.constant 0 : i32
    %dma_start3A_2 = arith.constant 0 : i32
    %dma_start3A_3 = arith.constant 0 : i32
    %dma_start3A_4 = tpu.memref_slice %arg7[%dma_start3A_1, %dma_start3A_2, %dma_start3A_3] : memref<2x16x128xi32, #tpu.memory_space<vmem>> -> memref<1x16x128xi32, #tpu.memory_space<vmem>>
    %dma_start3A_5 = tpu.memref_squeeze %dma_start3A_4 : memref<1x16x128xi32, #tpu.memory_space<vmem>> -> memref<16x128xi32, #tpu.memory_space<vmem>>
    %dma_start3A_6 = arith.constant 0 : i32
    %dma_start3A_7 = arith.constant 0 : i32
    %dma_start3A_8 = tpu.memref_slice %arg3[%add3A, %dma_start3A, %dma_start3A_6, %dma_start3A_7] : memref<32x5x16x128xi32, #tpu.memory_space<hbm>> -> memref<1x1x16x128xi32, #tpu.memory_space<hbm>>
    %dma_start3A_9 = tpu.memref_squeeze %dma_start3A_8 : memref<1x1x16x128xi32, #tpu.memory_space<hbm>> -> memref<16x128xi32, #tpu.memory_space<hbm>>
    %dma_start3A_10 = arith.constant 0 : i32
    %dma_start3A_11 = arith.constant 0 : i32
    %dma_start3A_12 = tpu.memref_slice %arg7[%dma_start3A_1, %dma_start3A_10, %dma_start3A_11] : memref<2x16x128xi32, #tpu.memory_space<vmem>> -> memref<1x16x128xi32, #tpu.memory_space<vmem>>
    %dma_start3A_13 = tpu.memref_squeeze %dma_start3A_12 : memref<1x16x128xi32, #tpu.memory_space<vmem>> -> memref<16x128xi32, #tpu.memory_space<vmem>>
    %dma_start3A_14 = arith.constant 0 : i32
    %dma_start3A_15 = arith.constant 0 : i32
    %dma_start3A_16 = tpu.memref_slice %arg3[%add3A, %dma_start3A, %dma_start3A_14, %dma_start3A_15] : memref<32x5x16x128xi32, #tpu.memory_space<hbm>> -> memref<1x1x16x128xi32, #tpu.memory_space<hbm>>
    %dma_start3A_17 = tpu.memref_squeeze %dma_start3A_16 : memref<1x1x16x128xi32, #tpu.memory_space<hbm>> -> memref<16x128xi32, #tpu.memory_space<hbm>>
    tpu.enqueue_dma source(%dma_start3A_17 : memref<16x128xi32, #tpu.memory_space<hbm>>) target(%dma_start3A_13 : memref<16x128xi32, #tpu.memory_space<vmem>>) target_semaphore(%arg17 : memref<!tpu.dma_semaphore, #tpu.memory_space<semaphore_mem>>)
    %dma_start3A_18 = arith.constant 0 : i32
    %dma_start3A_19 = arith.constant 0 : i32
    %dma_start3A_20 = arith.constant 0 : i32
    %dma_start3A_21 = arith.constant 0 : i32
    %dma_start3A_22 = tpu.memref_slice %arg8[%dma_start3A_19, %dma_start3A_20, %dma_start3A_21] : memref<2x16x128xi32, #tpu.memory_space<vmem>> -> memref<1x16x128xi32, #tpu.memory_space<vmem>>
    %dma_start3A_23 = tpu.memref_squeeze %dma_start3A_22 : memref<1x16x128xi32, #tpu.memory_space<vmem>> -> memref<16x128xi32, #tpu.memory_space<vmem>>
    %dma_start3A_24 = arith.constant 0 : i32
    %dma_start3A_25 = arith.constant 0 : i32
    %dma_start3A_26 = tpu.memref_slice %arg4[%add3A, %dma_start3A_18, %dma_start3A_24, %dma_start3A_25] : memref<32x5x16x128xi32, #tpu.memory_space<hbm>> -> memref<1x1x16x128xi32, #tpu.memory_space<hbm>>
    %dma_start3A_27 = tpu.memref_squeeze %dma_start3A_26 : memref<1x1x16x128xi32, #tpu.memory_space<hbm>> -> memref<16x128xi32, #tpu.memory_space<hbm>>
    %dma_start3A_28 = arith.constant 0 : i32
    %dma_start3A_29 = arith.constant 0 : i32
    %dma_start3A_30 = tpu.memref_slice %arg8[%dma_start3A_19, %dma_start3A_28, %dma_start3A_29] : memref<2x16x128xi32, #tpu.memory_space<vmem>> -> memref<1x16x128xi32, #tpu.memory_space<vmem>>
    %dma_start3A_31 = tpu.memref_squeeze %dma_start3A_30 : memref<1x16x128xi32, #tpu.memory_space<vmem>> -> memref<16x128xi32, #tpu.memory_space<vmem>>
    %dma_start3A_32 = arith.constant 0 : i32
    %dma_start3A_33 = arith.constant 0 : i32
    %dma_start3A_34 = tpu.memref_slice %arg4[%add3A, %dma_start3A_18, %dma_start3A_32, %dma_start3A_33] : memref<32x5x16x128xi32, #tpu.memory_space<hbm>> -> memref<1x1x16x128xi32, #tpu.memory_space<hbm>>
    %dma_start3A_35 = tpu.memref_squeeze %dma_start3A_34 : memref<1x1x16x128xi32, #tpu.memory_space<hbm>> -> memref<16x128xi32, #tpu.memory_space<hbm>>
    tpu.enqueue_dma source(%dma_start3A_35 : memref<16x128xi32, #tpu.memory_space<hbm>>) target(%dma_start3A_31 : memref<16x128xi32, #tpu.memory_space<vmem>>) target_semaphore(%arg18 : memref<!tpu.dma_semaphore, #tpu.memory_space<semaphore_mem>>)
    %dma_start3A_36 = arith.constant 0 : i32
    %dma_start3A_37 = arith.constant 0 : i32
    %dma_start3A_38 = arith.constant 0 : i32
    %dma_start3A_39 = arith.constant 0 : i32
    %dma_start3A_40 = tpu.memref_slice %arg9[%dma_start3A_37, %dma_start3A_38, %dma_start3A_39] : memref<2x16x128xf32, #tpu.memory_space<vmem>> -> memref<1x16x128xf32, #tpu.memory_space<vmem>>
    %dma_start3A_41 = tpu.memref_squeeze %dma_start3A_40 : memref<1x16x128xf32, #tpu.memory_space<vmem>> -> memref<16x128xf32, #tpu.memory_space<vmem>>
    %dma_start3A_42 = arith.constant 0 : i32
    %dma_start3A_43 = arith.constant 0 : i32
    %dma_start3A_44 = tpu.memref_slice %arg5[%add3A, %dma_start3A_36, %dma_start3A_42, %dma_start3A_43] : memref<32x5x16x128xf32, #tpu.memory_space<hbm>> -> memref<1x1x16x128xf32, #tpu.memory_space<hbm>>
    %dma_start3A_45 = tpu.memref_squeeze %dma_start3A_44 : memref<1x1x16x128xf32, #tpu.memory_space<hbm>> -> memref<16x128xf32, #tpu.memory_space<hbm>>
    %dma_start3A_46 = arith.constant 0 : i32
    %dma_start3A_47 = arith.constant 0 : i32
    %dma_start3A_48 = tpu.memref_slice %arg9[%dma_start3A_37, %dma_start3A_46, %dma_start3A_47] : memref<2x16x128xf32, #tpu.memory_space<vmem>> -> memref<1x16x128xf32, #tpu.memory_space<vmem>>
    %dma_start3A_49 = tpu.memref_squeeze %dma_start3A_48 : memref<1x16x128xf32, #tpu.memory_space<vmem>> -> memref<16x128xf32, #tpu.memory_space<vmem>>
    %dma_start3A_50 = arith.constant 0 : i32
    %dma_start3A_51 = arith.constant 0 : i32
    %dma_start3A_52 = tpu.memref_slice %arg5[%add3A, %dma_start3A_36, %dma_start3A_50, %dma_start3A_51] : memref<32x5x16x128xf32, #tpu.memory_space<hbm>> -> memref<1x1x16x128xf32, #tpu.memory_space<hbm>>
    %dma_start3A_53 = tpu.memref_squeeze %dma_start3A_52 : memref<1x1x16x128xf32, #tpu.memory_space<hbm>> -> memref<16x128xf32, #tpu.memory_space<hbm>>
    tpu.enqueue_dma source(%dma_start3A_53 : memref<16x128xf32, #tpu.memory_space<hbm>>) target(%dma_start3A_49 : memref<16x128xf32, #tpu.memory_space<vmem>>) target_semaphore(%arg19 : memref<!tpu.dma_semaphore, #tpu.memory_space<semaphore_mem>>)
    %broadcast_in_dim3A = arith.constant 0.000000e+00 : f32
    %broadcast_in_dim3A_54 = vector.broadcast %broadcast_in_dim3A : f32 to vector<16xf32>
    %scan3A = arith.constant 0 : i32
    %scan3A_55 = arith.constant 0 : i32
    %scan3A_56 = arith.constant 128 : i32
    %scan3A_57 = arith.addi %scan3A_55, %scan3A_56 : i32
    %scan3A_58 = arith.constant 1 : i32
    scf.for %scan3A_251 = %scan3A_55 to %scan3A_57 step %scan3A_58  : i32 {
      %swap3A = arith.index_cast %scan3A_251 : i32 to index
      %swap3A_252 = arith.constant 0 : index
      %swap3A_253 = tpu.vector_load %arg10[%swap3A, %swap3A_252] {strides = array<i32>} : memref<128x128xf32, #tpu.memory_space<vmem>>, vector<1x16xf32>,
      %swap3A_254 = vector.shape_cast %swap3A_253 : vector<1x16xf32> to vector<16xf32>
      %swap3A_255 = vector.shape_cast %broadcast_in_dim3A_54 : vector<16xf32> to vector<1x16xf32>
      tpu.vector_store %arg10[%swap3A, %swap3A_252], %swap3A_255 {strides = array<i32>} : memref<128x128xf32, #tpu.memory_space<vmem>>, vector<1x16xf32>,
      %swap3A_256 = arith.index_cast %scan3A_251 : i32 to index
      %swap3A_257 = arith.constant 16 : index
      %swap3A_258 = tpu.vector_load %arg10[%swap3A_256, %swap3A_257] {strides = array<i32>} : memref<128x128xf32, #tpu.memory_space<vmem>>, vector<1x16xf32>,
      %swap3A_259 = vector.shape_cast %swap3A_258 : vector<1x16xf32> to vector<16xf32>
      %swap3A_260 = vector.shape_cast %broadcast_in_dim3A_54 : vector<16xf32> to vector<1x16xf32>
      tpu.vector_store %arg10[%swap3A_256, %swap3A_257], %swap3A_260 {strides = array<i32>} : memref<128x128xf32, #tpu.memory_space<vmem>>, vector<1x16xf32>,
      %swap3A_261 = arith.index_cast %scan3A_251 : i32 to index
      %swap3A_262 = arith.constant 32 : index
      %swap3A_263 = tpu.vector_load %arg10[%swap3A_261, %swap3A_262] {strides = array<i32>} : memref<128x128xf32, #tpu.memory_space<vmem>>, vector<1x16xf32>,
      %swap3A_264 = vector.shape_cast %swap3A_263 : vector<1x16xf32> to vector<16xf32>
      %swap3A_265 = vector.shape_cast %broadcast_in_dim3A_54 : vector<16xf32> to vector<1x16xf32>
      tpu.vector_store %arg10[%swap3A_261, %swap3A_262], %swap3A_265 {strides = array<i32>} : memref<128x128xf32, #tpu.memory_space<vmem>>, vector<1x16xf32>,
      %swap3A_266 = arith.index_cast %scan3A_251 : i32 to index
      %swap3A_267 = arith.constant 48 : index
      %swap3A_268 = tpu.vector_load %arg10[%swap3A_266, %swap3A_267] {strides = array<i32>} : memref<128x128xf32, #tpu.memory_space<vmem>>, vector<1x16xf32>,
      %swap3A_269 = vector.shape_cast %swap3A_268 : vector<1x16xf32> to vector<16xf32>
      %swap3A_270 = vector.shape_cast %broadcast_in_dim3A_54 : vector<16xf32> to vector<1x16xf32>
      tpu.vector_store %arg10[%swap3A_266, %swap3A_267], %swap3A_270 {strides = array<i32>} : memref<128x128xf32, #tpu.memory_space<vmem>>, vector<1x16xf32>,
      %swap3A_271 = arith.index_cast %scan3A_251 : i32 to index
      %swap3A_272 = arith.constant 64 : index
      %swap3A_273 = tpu.vector_load %arg10[%swap3A_271, %swap3A_272] {strides = array<i32>} : memref<128x128xf32, #tpu.memory_space<vmem>>, vector<1x16xf32>,
      %swap3A_274 = vector.shape_cast %swap3A_273 : vector<1x16xf32> to vector<16xf32>
      %swap3A_275 = vector.shape_cast %broadcast_in_dim3A_54 : vector<16xf32> to vector<1x16xf32>
      tpu.vector_store %arg10[%swap3A_271, %swap3A_272], %swap3A_275 {strides = array<i32>} : memref<128x128xf32, #tpu.memory_space<vmem>>, vector<1x16xf32>,
      %swap3A_276 = arith.index_cast %scan3A_251 : i32 to index
      %swap3A_277 = arith.constant 80 : index
      %swap3A_278 = tpu.vector_load %arg10[%swap3A_276, %swap3A_277] {strides = array<i32>} : memref<128x128xf32, #tpu.memory_space<vmem>>, vector<1x16xf32>,
      %swap3A_279 = vector.shape_cast %swap3A_278 : vector<1x16xf32> to vector<16xf32>
      %swap3A_280 = vector.shape_cast %broadcast_in_dim3A_54 : vector<16xf32> to vector<1x16xf32>
      tpu.vector_store %arg10[%swap3A_276, %swap3A_277], %swap3A_280 {strides = array<i32>} : memref<128x128xf32, #tpu.memory_space<vmem>>, vector<1x16xf32>,
      %swap3A_281 = arith.index_cast %scan3A_251 : i32 to index
      %swap3A_282 = arith.constant 96 : index
      %swap3A_283 = tpu.vector_load %arg10[%swap3A_281, %swap3A_282] {strides = array<i32>} : memref<128x128xf32, #tpu.memory_space<vmem>>, vector<1x16xf32>,
      %swap3A_284 = vector.shape_cast %swap3A_283 : vector<1x16xf32> to vector<16xf32>
      %swap3A_285 = vector.shape_cast %broadcast_in_dim3A_54 : vector<16xf32> to vector<1x16xf32>
      tpu.vector_store %arg10[%swap3A_281, %swap3A_282], %swap3A_285 {strides = array<i32>} : memref<128x128xf32, #tpu.memory_space<vmem>>, vector<1x16xf32>,
      %swap3A_286 = arith.index_cast %scan3A_251 : i32 to index
      %swap3A_287 = arith.constant 112 : index
      %swap3A_288 = tpu.vector_load %arg10[%swap3A_286, %swap3A_287] {strides = array<i32>} : memref<128x128xf32, #tpu.memory_space<vmem>>, vector<1x16xf32>,
      %swap3A_289 = vector.shape_cast %swap3A_288 : vector<1x16xf32> to vector<16xf32>
      %swap3A_290 = vector.shape_cast %broadcast_in_dim3A_54 : vector<16xf32> to vector<1x16xf32>
      tpu.vector_store %arg10[%swap3A_286, %swap3A_287], %swap3A_290 {strides = array<i32>} : memref<128x128xf32, #tpu.memory_space<vmem>>, vector<1x16xf32>,
    }
    %scan3A_59 = arith.constant 128 : i32
    %mul3A_60 = arith.constant 624 : i32
    %mul3A_61 = arith.muli %arg1, %mul3A_60 : i32
    %eq3A = arith.constant 15 : i32
    %eq3A_62 = arith.cmpi eq, %arg1, %eq3A : i32
    %jit3A = arith.constant 6 : i32
    %jit3A_63 = arith.constant 6 : i32
    %select_n3A = arith.select %eq3A_62, %jit3A, %jit3A_63 : i32
    %while3A = arith.constant 0 : i32
    %while3A_64 = arith.constant 0 : i32
    %while3A_65 = arith.subi %select_n3A, %while3A_64 : i32
    %while3A_66 = arith.addi %while3A_64, %while3A_65 : i32
    %while3A_67 = arith.constant 1 : i32
    %while3A_68 = arith.divsi %while3A_65, %while3A_67 : i32
    %while3A_69 = arith.muli %while3A_68, %while3A_67 : i32
    %while3A_70 = arith.addi %while3A_64, %while3A_69 : i32
    %while3A_71 = arith.constant 1 : i32
    scf.for %while3A_251 = %while3A_64 to %while3A_70 step %while3A_71  : i32 {
      %mul3A_252 = arith.constant 104 : i32
      %mul3A_253 = arith.muli %while3A_251, %mul3A_252 : i32
      %add3A_254 = arith.addi %mul3A_61, %mul3A_253 : i32
      %dma_start3A_255 = arith.constant 0 : i32
      %dma_start3A_256 = arith.constant 0 : i32
      %dma_start3A_257 = tpu.memref_slice %arg10[%dma_start3A_255, %dma_start3A_256] : memref<128x128xf32, #tpu.memory_space<vmem>> -> memref<104x128xf32, #tpu.memory_space<vmem>>
      %dma_start3A_258 = arith.constant 0 : i32
      %dma_start3A_259 = tpu.memref_slice %arg12[%add3A_254, %dma_start3A_258] : memref<10000x128xf32, #tpu.memory_space<vmem_shared>> -> memref<104x128xf32, #tpu.memory_space<vmem_shared>>
      %dma_start3A_260 = arith.constant 0 : i32
      %dma_start3A_261 = tpu.memref_slice %arg12[%add3A_254, %dma_start3A_260] : memref<10000x128xf32, #tpu.memory_space<vmem_shared>> -> memref<104x128xf32, #tpu.memory_space<vmem_shared>>
      %dma_start3A_262 = arith.constant 0 : i32
      %dma_start3A_263 = arith.constant 0 : i32
      %dma_start3A_264 = tpu.memref_slice %arg10[%dma_start3A_262, %dma_start3A_263] : memref<128x128xf32, #tpu.memory_space<vmem>> -> memref<104x128xf32, #tpu.memory_space<vmem>>
      tpu.enqueue_dma source(%dma_start3A_264 : memref<104x128xf32, #tpu.memory_space<vmem>>) target(%dma_start3A_261 : memref<104x128xf32, #tpu.memory_space<vmem_shared>>) target_semaphore(%arg14 : memref<!tpu.dma_semaphore, #tpu.memory_space<semaphore_mem>>)
    }
    %while3A_72 = arith.constant 1 : i32
    scf.for %while3A_251 = %while3A_70 to %while3A_66 step %while3A_72  : i32 {
      %mul3A_252 = arith.constant 104 : i32
      %mul3A_253 = arith.muli %while3A_251, %mul3A_252 : i32
      %add3A_254 = arith.addi %mul3A_61, %mul3A_253 : i32
      %dma_start3A_255 = arith.constant 0 : i32
      %dma_start3A_256 = arith.constant 0 : i32
      %dma_start3A_257 = tpu.memref_slice %arg10[%dma_start3A_255, %dma_start3A_256] : memref<128x128xf32, #tpu.memory_space<vmem>> -> memref<104x128xf32, #tpu.memory_space<vmem>>
      %dma_start3A_258 = arith.constant 0 : i32
      %dma_start3A_259 = tpu.memref_slice %arg12[%add3A_254, %dma_start3A_258] : memref<10000x128xf32, #tpu.memory_space<vmem_shared>> -> memref<104x128xf32, #tpu.memory_space<vmem_shared>>
      %dma_start3A_260 = arith.constant 0 : i32
      %dma_start3A_261 = tpu.memref_slice %arg12[%add3A_254, %dma_start3A_260] : memref<10000x128xf32, #tpu.memory_space<vmem_shared>> -> memref<104x128xf32, #tpu.memory_space<vmem_shared>>
      %dma_start3A_262 = arith.constant 0 : i32
      %dma_start3A_263 = arith.constant 0 : i32
      %dma_start3A_264 = tpu.memref_slice %arg10[%dma_start3A_262, %dma_start3A_263] : memref<128x128xf32, #tpu.memory_space<vmem>> -> memref<104x128xf32, #tpu.memory_space<vmem>>
      tpu.enqueue_dma source(%dma_start3A_264 : memref<104x128xf32, #tpu.memory_space<vmem>>) target(%dma_start3A_261 : memref<104x128xf32, #tpu.memory_space<vmem_shared>>) target_semaphore(%arg14 : memref<!tpu.dma_semaphore, #tpu.memory_space<semaphore_mem>>)
    }
    %eq3A_73 = arith.constant 15 : i32
    %eq3A_74 = arith.cmpi eq, %arg1, %eq3A_73 : i32
    %convert_element_type3A = arith.extui %eq3A_74 : i1 to i32
    %cond3A = arith.constant 0 : i32
    %cond3A_75 = arith.cmpi ne, %convert_element_type3A, %cond3A : i32
    scf.if %cond3A_75 {
      %add3A_251 = arith.constant 624 : i32
      %add3A_252 = arith.addi %mul3A_61, %add3A_251 : i32
      %dma_start3A_253 = arith.constant 0 : i32
      %dma_start3A_254 = arith.constant 0 : i32
      %dma_start3A_255 = tpu.memref_slice %arg10[%dma_start3A_253, %dma_start3A_254] : memref<128x128xf32, #tpu.memory_space<vmem>> -> memref<16x128xf32, #tpu.memory_space<vmem>>
      %dma_start3A_256 = arith.constant 0 : i32
      %dma_start3A_257 = tpu.memref_slice %arg12[%add3A_252, %dma_start3A_256] : memref<10000x128xf32, #tpu.memory_space<vmem_shared>> -> memref<16x128xf32, #tpu.memory_space<vmem_shared>>
      %dma_start3A_258 = arith.constant 0 : i32
      %dma_start3A_259 = tpu.memref_slice %arg12[%add3A_252, %dma_start3A_258] : memref<10000x128xf32, #tpu.memory_space<vmem_shared>> -> memref<16x128xf32, #tpu.memory_space<vmem_shared>>
      %dma_start3A_260 = arith.constant 0 : i32
      %dma_start3A_261 = arith.constant 0 : i32
      %dma_start3A_262 = tpu.memref_slice %arg10[%dma_start3A_260, %dma_start3A_261] : memref<128x128xf32, #tpu.memory_space<vmem>> -> memref<16x128xf32, #tpu.memory_space<vmem>>
      tpu.enqueue_dma source(%dma_start3A_262 : memref<16x128xf32, #tpu.memory_space<vmem>>) target(%dma_start3A_259 : memref<16x128xf32, #tpu.memory_space<vmem_shared>>) target_semaphore(%arg14 : memref<!tpu.dma_semaphore, #tpu.memory_space<semaphore_mem>>)
    } else {
    }
    %while3A_76 = arith.constant 0 : i32
    %while3A_77 = arith.constant 0 : i32
    %while3A_78 = arith.subi %select_n3A, %while3A_77 : i32
    %while3A_79 = arith.addi %while3A_77, %while3A_78 : i32
    %while3A_80 = arith.constant 1 : i32
    %while3A_81 = arith.divsi %while3A_78, %while3A_80 : i32
    %while3A_82 = arith.muli %while3A_81, %while3A_80 : i32
    %while3A_83 = arith.addi %while3A_77, %while3A_82 : i32
    %while3A_84 = arith.constant 1 : i32
    scf.for %while3A_251 = %while3A_77 to %while3A_83 step %while3A_84  : i32 {
      %dma_wait3A_252 = arith.constant 0 : i32
      %dma_wait3A_253 = arith.constant 0 : i32
      %dma_wait3A_254 = tpu.memref_slice %arg10[%dma_wait3A_252, %dma_wait3A_253] : memref<128x128xf32, #tpu.memory_space<vmem>> -> memref<104x128xf32, #tpu.memory_space<vmem>>
      %dma_wait3A_255 = arith.constant 0 : i32
      %dma_wait3A_256 = tpu.memref_slice %arg12[%mul3A_61, %dma_wait3A_255] : memref<10000x128xf32, #tpu.memory_space<vmem_shared>> -> memref<104x128xf32, #tpu.memory_space<vmem_shared>>
      %dma_wait3A_257 = arith.constant 0 : i32
      %dma_wait3A_258 = tpu.memref_slice %arg12[%mul3A_61, %dma_wait3A_257] : memref<10000x128xf32, #tpu.memory_space<vmem_shared>> -> memref<104x128xf32, #tpu.memory_space<vmem_shared>>
      %dma_wait3A_259 = arith.constant 0 : i32
      %dma_wait3A_260 = arith.constant 0 : i32
      %dma_wait3A_261 = tpu.memref_slice %arg10[%dma_wait3A_259, %dma_wait3A_260] : memref<128x128xf32, #tpu.memory_space<vmem>> -> memref<104x128xf32, #tpu.memory_space<vmem>>
      tpu.wait_dma2 semaphore(%arg14 : memref<!tpu.dma_semaphore, #tpu.memory_space<semaphore_mem>>) src(%dma_wait3A_261 : memref<104x128xf32, #tpu.memory_space<vmem>>) dst(%dma_wait3A_258 : memref<104x128xf32, #tpu.memory_space<vmem_shared>>)
    }
    %while3A_85 = arith.constant 1 : i32
    scf.for %while3A_251 = %while3A_83 to %while3A_79 step %while3A_85  : i32 {
      %dma_wait3A_252 = arith.constant 0 : i32
      %dma_wait3A_253 = arith.constant 0 : i32
      %dma_wait3A_254 = tpu.memref_slice %arg10[%dma_wait3A_252, %dma_wait3A_253] : memref<128x128xf32, #tpu.memory_space<vmem>> -> memref<104x128xf32, #tpu.memory_space<vmem>>
      %dma_wait3A_255 = arith.constant 0 : i32
      %dma_wait3A_256 = tpu.memref_slice %arg12[%mul3A_61, %dma_wait3A_255] : memref<10000x128xf32, #tpu.memory_space<vmem_shared>> -> memref<104x128xf32, #tpu.memory_space<vmem_shared>>
      %dma_wait3A_257 = arith.constant 0 : i32
      %dma_wait3A_258 = tpu.memref_slice %arg12[%mul3A_61, %dma_wait3A_257] : memref<10000x128xf32, #tpu.memory_space<vmem_shared>> -> memref<104x128xf32, #tpu.memory_space<vmem_shared>>
      %dma_wait3A_259 = arith.constant 0 : i32
      %dma_wait3A_260 = arith.constant 0 : i32
      %dma_wait3A_261 = tpu.memref_slice %arg10[%dma_wait3A_259, %dma_wait3A_260] : memref<128x128xf32, #tpu.memory_space<vmem>> -> memref<104x128xf32, #tpu.memory_space<vmem>>
      tpu.wait_dma2 semaphore(%arg14 : memref<!tpu.dma_semaphore, #tpu.memory_space<semaphore_mem>>) src(%dma_wait3A_261 : memref<104x128xf32, #tpu.memory_space<vmem>>) dst(%dma_wait3A_258 : memref<104x128xf32, #tpu.memory_space<vmem_shared>>)
    }
    %eq3A_86 = arith.constant 15 : i32
    %eq3A_87 = arith.cmpi eq, %arg1, %eq3A_86 : i32
    %convert_element_type3A_88 = arith.extui %eq3A_87 : i1 to i32
    %cond3A_89 = arith.constant 0 : i32
    %cond3A_90 = arith.cmpi ne, %convert_element_type3A_88, %cond3A_89 : i32
    scf.if %cond3A_90 {
      %dma_wait3A_251 = arith.constant 0 : i32
      %dma_wait3A_252 = arith.constant 0 : i32
      %dma_wait3A_253 = tpu.memref_slice %arg10[%dma_wait3A_251, %dma_wait3A_252] : memref<128x128xf32, #tpu.memory_space<vmem>> -> memref<16x128xf32, #tpu.memory_space<vmem>>
      %dma_wait3A_254 = arith.constant 0 : i32
      %dma_wait3A_255 = tpu.memref_slice %arg12[%mul3A_61, %dma_wait3A_254] : memref<10000x128xf32, #tpu.memory_space<vmem_shared>> -> memref<16x128xf32, #tpu.memory_space<vmem_shared>>
      %dma_wait3A_256 = arith.constant 0 : i32
      %dma_wait3A_257 = tpu.memref_slice %arg12[%mul3A_61, %dma_wait3A_256] : memref<10000x128xf32, #tpu.memory_space<vmem_shared>> -> memref<16x128xf32, #tpu.memory_space<vmem_shared>>
      %dma_wait3A_258 = arith.constant 0 : i32
      %dma_wait3A_259 = arith.constant 0 : i32
      %dma_wait3A_260 = tpu.memref_slice %arg10[%dma_wait3A_258, %dma_wait3A_259] : memref<128x128xf32, #tpu.memory_space<vmem>> -> memref<16x128xf32, #tpu.memory_space<vmem>>
      tpu.wait_dma2 semaphore(%arg14 : memref<!tpu.dma_semaphore, #tpu.memory_space<semaphore_mem>>) src(%dma_wait3A_260 : memref<16x128xf32, #tpu.memory_space<vmem>>) dst(%dma_wait3A_257 : memref<16x128xf32, #tpu.memory_space<vmem_shared>>)
    } else {
    }
    %barrier3A = arith.constant 0 : index
    tpu.barrier barrier_id(%barrier3A)
    %dma_wait3A = arith.constant 0 : i32
    %dma_wait3A_91 = arith.constant 0 : i32
    %dma_wait3A_92 = arith.constant 0 : i32
    %dma_wait3A_93 = arith.constant 0 : i32
    %dma_wait3A_94 = tpu.memref_slice %arg7[%dma_wait3A_91, %dma_wait3A_92, %dma_wait3A_93] : memref<2x16x128xi32, #tpu.memory_space<vmem>> -> memref<1x16x128xi32, #tpu.memory_space<vmem>>
    %dma_wait3A_95 = tpu.memref_squeeze %dma_wait3A_94 : memref<1x16x128xi32, #tpu.memory_space<vmem>> -> memref<16x128xi32, #tpu.memory_space<vmem>>
    %dma_wait3A_96 = arith.constant 0 : i32
    %dma_wait3A_97 = arith.constant 0 : i32
    %dma_wait3A_98 = tpu.memref_slice %arg3[%add3A, %dma_wait3A, %dma_wait3A_96, %dma_wait3A_97] : memref<32x5x16x128xi32, #tpu.memory_space<hbm>> -> memref<1x1x16x128xi32, #tpu.memory_space<hbm>>
    %dma_wait3A_99 = tpu.memref_squeeze %dma_wait3A_98 : memref<1x1x16x128xi32, #tpu.memory_space<hbm>> -> memref<16x128xi32, #tpu.memory_space<hbm>>
    %dma_wait3A_100 = arith.constant 0 : i32
    %dma_wait3A_101 = arith.constant 0 : i32
    %dma_wait3A_102 = tpu.memref_slice %arg7[%dma_wait3A_91, %dma_wait3A_100, %dma_wait3A_101] : memref<2x16x128xi32, #tpu.memory_space<vmem>> -> memref<1x16x128xi32, #tpu.memory_space<vmem>>
    %dma_wait3A_103 = tpu.memref_squeeze %dma_wait3A_102 : memref<1x16x128xi32, #tpu.memory_space<vmem>> -> memref<16x128xi32, #tpu.memory_space<vmem>>
    %dma_wait3A_104 = arith.constant 0 : i32
    %dma_wait3A_105 = arith.constant 0 : i32
    %dma_wait3A_106 = tpu.memref_slice %arg3[%add3A, %dma_wait3A, %dma_wait3A_104, %dma_wait3A_105] : memref<32x5x16x128xi32, #tpu.memory_space<hbm>> -> memref<1x1x16x128xi32, #tpu.memory_space<hbm>>
    %dma_wait3A_107 = tpu.memref_squeeze %dma_wait3A_106 : memref<1x1x16x128xi32, #tpu.memory_space<hbm>> -> memref<16x128xi32, #tpu.memory_space<hbm>>
    tpu.wait_dma2 semaphore(%arg17 : memref<!tpu.dma_semaphore, #tpu.memory_space<semaphore_mem>>) src(%dma_wait3A_107 : memref<16x128xi32, #tpu.memory_space<hbm>>) dst(%dma_wait3A_103 : memref<16x128xi32, #tpu.memory_space<vmem>>)
    %dma_wait3A_108 = arith.constant 0 : i32
    %dma_wait3A_109 = arith.constant 0 : i32
    %dma_wait3A_110 = arith.constant 0 : i32
    %dma_wait3A_111 = arith.constant 0 : i32
    %dma_wait3A_112 = tpu.memref_slice %arg8[%dma_wait3A_109, %dma_wait3A_110, %dma_wait3A_111] : memref<2x16x128xi32, #tpu.memory_space<vmem>> -> memref<1x16x128xi32, #tpu.memory_space<vmem>>
    %dma_wait3A_113 = tpu.memref_squeeze %dma_wait3A_112 : memref<1x16x128xi32, #tpu.memory_space<vmem>> -> memref<16x128xi32, #tpu.memory_space<vmem>>
    %dma_wait3A_114 = arith.constant 0 : i32
    %dma_wait3A_115 = arith.constant 0 : i32
    %dma_wait3A_116 = tpu.memref_slice %arg4[%add3A, %dma_wait3A_108, %dma_wait3A_114, %dma_wait3A_115] : memref<32x5x16x128xi32, #tpu.memory_space<hbm>> -> memref<1x1x16x128xi32, #tpu.memory_space<hbm>>
    %dma_wait3A_117 = tpu.memref_squeeze %dma_wait3A_116 : memref<1x1x16x128xi32, #tpu.memory_space<hbm>> -> memref<16x128xi32, #tpu.memory_space<hbm>>
    %dma_wait3A_118 = arith.constant 0 : i32
    %dma_wait3A_119 = arith.constant 0 : i32
    %dma_wait3A_120 = tpu.memref_slice %arg8[%dma_wait3A_109, %dma_wait3A_118, %dma_wait3A_119] : memref<2x16x128xi32, #tpu.memory_space<vmem>> -> memref<1x16x128xi32, #tpu.memory_space<vmem>>
    %dma_wait3A_121 = tpu.memref_squeeze %dma_wait3A_120 : memref<1x16x128xi32, #tpu.memory_space<vmem>> -> memref<16x128xi32, #tpu.memory_space<vmem>>
    %dma_wait3A_122 = arith.constant 0 : i32
    %dma_wait3A_123 = arith.constant 0 : i32
    %dma_wait3A_124 = tpu.memref_slice %arg4[%add3A, %dma_wait3A_108, %dma_wait3A_122, %dma_wait3A_123] : memref<32x5x16x128xi32, #tpu.memory_space<hbm>> -> memref<1x1x16x128xi32, #tpu.memory_space<hbm>>
    %dma_wait3A_125 = tpu.memref_squeeze %dma_wait3A_124 : memref<1x1x16x128xi32, #tpu.memory_space<hbm>> -> memref<16x128xi32, #tpu.memory_space<hbm>>
    tpu.wait_dma2 semaphore(%arg18 : memref<!tpu.dma_semaphore, #tpu.memory_space<semaphore_mem>>) src(%dma_wait3A_125 : memref<16x128xi32, #tpu.memory_space<hbm>>) dst(%dma_wait3A_121 : memref<16x128xi32, #tpu.memory_space<vmem>>)
    %dma_wait3A_126 = arith.constant 0 : i32
    %dma_wait3A_127 = arith.constant 0 : i32
    %dma_wait3A_128 = arith.constant 0 : i32
    %dma_wait3A_129 = arith.constant 0 : i32
    %dma_wait3A_130 = tpu.memref_slice %arg9[%dma_wait3A_127, %dma_wait3A_128, %dma_wait3A_129] : memref<2x16x128xf32, #tpu.memory_space<vmem>> -> memref<1x16x128xf32, #tpu.memory_space<vmem>>
    %dma_wait3A_131 = tpu.memref_squeeze %dma_wait3A_130 : memref<1x16x128xf32, #tpu.memory_space<vmem>> -> memref<16x128xf32, #tpu.memory_space<vmem>>
    %dma_wait3A_132 = arith.constant 0 : i32
    %dma_wait3A_133 = arith.constant 0 : i32
    %dma_wait3A_134 = tpu.memref_slice %arg5[%add3A, %dma_wait3A_126, %dma_wait3A_132, %dma_wait3A_133] : memref<32x5x16x128xf32, #tpu.memory_space<hbm>> -> memref<1x1x16x128xf32, #tpu.memory_space<hbm>>
    %dma_wait3A_135 = tpu.memref_squeeze %dma_wait3A_134 : memref<1x1x16x128xf32, #tpu.memory_space<hbm>> -> memref<16x128xf32, #tpu.memory_space<hbm>>
    %dma_wait3A_136 = arith.constant 0 : i32
    %dma_wait3A_137 = arith.constant 0 : i32
    %dma_wait3A_138 = tpu.memref_slice %arg9[%dma_wait3A_127, %dma_wait3A_136, %dma_wait3A_137] : memref<2x16x128xf32, #tpu.memory_space<vmem>> -> memref<1x16x128xf32, #tpu.memory_space<vmem>>
    %dma_wait3A_139 = tpu.memref_squeeze %dma_wait3A_138 : memref<1x16x128xf32, #tpu.memory_space<vmem>> -> memref<16x128xf32, #tpu.memory_space<vmem>>
    %dma_wait3A_140 = arith.constant 0 : i32
    %dma_wait3A_141 = arith.constant 0 : i32
    %dma_wait3A_142 = tpu.memref_slice %arg5[%add3A, %dma_wait3A_126, %dma_wait3A_140, %dma_wait3A_141] : memref<32x5x16x128xf32, #tpu.memory_space<hbm>> -> memref<1x1x16x128xf32, #tpu.memory_space<hbm>>
    %dma_wait3A_143 = tpu.memref_squeeze %dma_wait3A_142 : memref<1x1x16x128xf32, #tpu.memory_space<hbm>> -> memref<16x128xf32, #tpu.memory_space<hbm>>
    tpu.wait_dma2 semaphore(%arg19 : memref<!tpu.dma_semaphore, #tpu.memory_space<semaphore_mem>>) src(%dma_wait3A_143 : memref<16x128xf32, #tpu.memory_space<hbm>>) dst(%dma_wait3A_139 : memref<16x128xf32, #tpu.memory_space<vmem>>)
    %dma_start3A_144 = arith.constant 1 : i32
    %dma_start3A_145 = arith.constant 1 : i32
    %dma_start3A_146 = arith.constant 0 : i32
    %dma_start3A_147 = arith.constant 0 : i32
    %dma_start3A_148 = tpu.memref_slice %arg7[%dma_start3A_145, %dma_start3A_146, %dma_start3A_147] : memref<2x16x128xi32, #tpu.memory_space<vmem>> -> memref<1x16x128xi32, #tpu.memory_space<vmem>>
    %dma_start3A_149 = tpu.memref_squeeze %dma_start3A_148 : memref<1x16x128xi32, #tpu.memory_space<vmem>> -> memref<16x128xi32, #tpu.memory_space<vmem>>
    %dma_start3A_150 = arith.constant 0 : i32
    %dma_start3A_151 = arith.constant 0 : i32
    %dma_start3A_152 = tpu.memref_slice %arg3[%add3A, %dma_start3A_144, %dma_start3A_150, %dma_start3A_151] : memref<32x5x16x128xi32, #tpu.memory_space<hbm>> -> memref<1x1x16x128xi32, #tpu.memory_space<hbm>>
    %dma_start3A_153 = tpu.memref_squeeze %dma_start3A_152 : memref<1x1x16x128xi32, #tpu.memory_space<hbm>> -> memref<16x128xi32, #tpu.memory_space<hbm>>
    %dma_start3A_154 = arith.constant 0 : i32
    %dma_start3A_155 = arith.constant 0 : i32
    %dma_start3A_156 = tpu.memref_slice %arg7[%dma_start3A_145, %dma_start3A_154, %dma_start3A_155] : memref<2x16x128xi32, #tpu.memory_space<vmem>> -> memref<1x16x128xi32, #tpu.memory_space<vmem>>
    %dma_start3A_157 = tpu.memref_squeeze %dma_start3A_156 : memref<1x16x128xi32, #tpu.memory_space<vmem>> -> memref<16x128xi32, #tpu.memory_space<vmem>>
    %dma_start3A_158 = arith.constant 0 : i32
    %dma_start3A_159 = arith.constant 0 : i32
    %dma_start3A_160 = tpu.memref_slice %arg3[%add3A, %dma_start3A_144, %dma_start3A_158, %dma_start3A_159] : memref<32x5x16x128xi32, #tpu.memory_space<hbm>> -> memref<1x1x16x128xi32, #tpu.memory_space<hbm>>
    %dma_start3A_161 = tpu.memref_squeeze %dma_start3A_160 : memref<1x1x16x128xi32, #tpu.memory_space<hbm>> -> memref<16x128xi32, #tpu.memory_space<hbm>>
    tpu.enqueue_dma source(%dma_start3A_161 : memref<16x128xi32, #tpu.memory_space<hbm>>) target(%dma_start3A_157 : memref<16x128xi32, #tpu.memory_space<vmem>>) target_semaphore(%arg17 : memref<!tpu.dma_semaphore, #tpu.memory_space<semaphore_mem>>)
    %dma_start3A_162 = arith.constant 1 : i32
    %dma_start3A_163 = arith.constant 1 : i32
    %dma_start3A_164 = arith.constant 0 : i32
    %dma_start3A_165 = arith.constant 0 : i32
    %dma_start3A_166 = tpu.memref_slice %arg8[%dma_start3A_163, %dma_start3A_164, %dma_start3A_165] : memref<2x16x128xi32, #tpu.memory_space<vmem>> -> memref<1x16x128xi32, #tpu.memory_space<vmem>>
    %dma_start3A_167 = tpu.memref_squeeze %dma_start3A_166 : memref<1x16x128xi32, #tpu.memory_space<vmem>> -> memref<16x128xi32, #tpu.memory_space<vmem>>
    %dma_start3A_168 = arith.constant 0 : i32
    %dma_start3A_169 = arith.constant 0 : i32
    %dma_start3A_170 = tpu.memref_slice %arg4[%add3A, %dma_start3A_162, %dma_start3A_168, %dma_start3A_169] : memref<32x5x16x128xi32, #tpu.memory_space<hbm>> -> memref<1x1x16x128xi32, #tpu.memory_space<hbm>>
    %dma_start3A_171 = tpu.memref_squeeze %dma_start3A_170 : memref<1x1x16x128xi32, #tpu.memory_space<hbm>> -> memref<16x128xi32, #tpu.memory_space<hbm>>
    %dma_start3A_172 = arith.constant 0 : i32
    %dma_start3A_173 = arith.constant 0 : i32
    %dma_start3A_174 = tpu.memref_slice %arg8[%dma_start3A_163, %dma_start3A_172, %dma_start3A_173] : memref<2x16x128xi32, #tpu.memory_space<vmem>> -> memref<1x16x128xi32, #tpu.memory_space<vmem>>
    %dma_start3A_175 = tpu.memref_squeeze %dma_start3A_174 : memref<1x16x128xi32, #tpu.memory_space<vmem>> -> memref<16x128xi32, #tpu.memory_space<vmem>>
    %dma_start3A_176 = arith.constant 0 : i32
    %dma_start3A_177 = arith.constant 0 : i32
    %dma_start3A_178 = tpu.memref_slice %arg4[%add3A, %dma_start3A_162, %dma_start3A_176, %dma_start3A_177] : memref<32x5x16x128xi32, #tpu.memory_space<hbm>> -> memref<1x1x16x128xi32, #tpu.memory_space<hbm>>
    %dma_start3A_179 = tpu.memref_squeeze %dma_start3A_178 : memref<1x1x16x128xi32, #tpu.memory_space<hbm>> -> memref<16x128xi32, #tpu.memory_space<hbm>>
    tpu.enqueue_dma source(%dma_start3A_179 : memref<16x128xi32, #tpu.memory_space<hbm>>) target(%dma_start3A_175 : memref<16x128xi32, #tpu.memory_space<vmem>>) target_semaphore(%arg18 : memref<!tpu.dma_semaphore, #tpu.memory_space<semaphore_mem>>)
    %dma_start3A_180 = arith.constant 1 : i32
    %dma_start3A_181 = arith.constant 1 : i32
    %dma_start3A_182 = arith.constant 0 : i32
    %dma_start3A_183 = arith.constant 0 : i32
    %dma_start3A_184 = tpu.memref_slice %arg9[%dma_start3A_181, %dma_start3A_182, %dma_start3A_183] : memref<2x16x128xf32, #tpu.memory_space<vmem>> -> memref<1x16x128xf32, #tpu.memory_space<vmem>>
    %dma_start3A_185 = tpu.memref_squeeze %dma_start3A_184 : memref<1x16x128xf32, #tpu.memory_space<vmem>> -> memref<16x128xf32, #tpu.memory_space<vmem>>
    %dma_start3A_186 = arith.constant 0 : i32
    %dma_start3A_187 = arith.constant 0 : i32
    %dma_start3A_188 = tpu.memref_slice %arg5[%add3A, %dma_start3A_180, %dma_start3A_186, %dma_start3A_187] : memref<32x5x16x128xf32, #tpu.memory_space<hbm>> -> memref<1x1x16x128xf32, #tpu.memory_space<hbm>>
    %dma_start3A_189 = tpu.memref_squeeze %dma_start3A_188 : memref<1x1x16x128xf32, #tpu.memory_space<hbm>> -> memref<16x128xf32, #tpu.memory_space<hbm>>
    %dma_start3A_190 = arith.constant 0 : i32
    %dma_start3A_191 = arith.constant 0 : i32
    %dma_start3A_192 = tpu.memref_slice %arg9[%dma_start3A_181, %dma_start3A_190, %dma_start3A_191] : memref<2x16x128xf32, #tpu.memory_space<vmem>> -> memref<1x16x128xf32, #tpu.memory_space<vmem>>
    %dma_start3A_193 = tpu.memref_squeeze %dma_start3A_192 : memref<1x16x128xf32, #tpu.memory_space<vmem>> -> memref<16x128xf32, #tpu.memory_space<vmem>>
    %dma_start3A_194 = arith.constant 0 : i32
    %dma_start3A_195 = arith.constant 0 : i32
    %dma_start3A_196 = tpu.memref_slice %arg5[%add3A, %dma_start3A_180, %dma_start3A_194, %dma_start3A_195] : memref<32x5x16x128xf32, #tpu.memory_space<hbm>> -> memref<1x1x16x128xf32, #tpu.memory_space<hbm>>
    %dma_start3A_197 = tpu.memref_squeeze %dma_start3A_196 : memref<1x1x16x128xf32, #tpu.memory_space<hbm>> -> memref<16x128xf32, #tpu.memory_space<hbm>>
    tpu.enqueue_dma source(%dma_start3A_197 : memref<16x128xf32, #tpu.memory_space<hbm>>) target(%dma_start3A_193 : memref<16x128xf32, #tpu.memory_space<vmem>>) target_semaphore(%arg19 : memref<!tpu.dma_semaphore, #tpu.memory_space<semaphore_mem>>)
    %dma_start3A_198 = arith.constant 0 : i32
    %dma_start3A_199 = arith.constant 0 : i32
    %dma_start3A_200 = arith.constant 0 : i32
    %dma_start3A_201 = tpu.memref_slice %arg7[%dma_start3A_198, %dma_start3A_199, %dma_start3A_200] : memref<2x16x128xi32, #tpu.memory_space<vmem>> -> memref<1x1x128xi32, #tpu.memory_space<vmem>>
    %dma_start3A_202 = tpu.memref_squeeze %dma_start3A_201 : memref<1x1x128xi32, #tpu.memory_space<vmem>> -> memref<128xi32, #tpu.memory_space<vmem>>
    %dma_start3A_203 = arith.constant 0 : i32
    %dma_start3A_204 = arith.constant 0 : i32
    %dma_start3A_205 = tpu.memref_slice %arg2[%dma_start3A_203, %dma_start3A_204] : memref<10000x128xf32, #tpu.memory_space<hbm>> -> memref<10000x128xf32, #tpu.memory_space<hbm>>
    tpu.enqueue_indirect_dma source(%dma_start3A_205 : memref<10000x128xf32, #tpu.memory_space<hbm>>) target(%arg10 : memref<128x128xf32, #tpu.memory_space<vmem>>) offsets(%dma_start3A_202 : memref<128xi32, #tpu.memory_space<vmem>>) semaphore(%arg13 : memref<!tpu.dma_semaphore, #tpu.memory_space<semaphore_mem>>)
    %scan3A_206 = arith.constant 0 : i32
    %scan3A_207 = arith.constant 0 : i32
    %scan3A_208 = arith.constant 40 : i32
    %scan3A_209 = arith.addi %scan3A_207, %scan3A_208 : i32
    %scan3A_210 = arith.constant 1 : i32
    scf.for %scan3A_251 = %scan3A_207 to %scan3A_209 step %scan3A_210  : i32 {
      %mul3A_252 = arith.constant 2 : i32
      %mul3A_253 = arith.muli %scan3A_251, %mul3A_252 : i32
      %add3A_254 = arith.constant 0 : i32
      %add3A_255 = arith.addi %mul3A_253, %add3A_254 : i32
      %jit3A_256 = arith.constant 16 : i32
      %div3A = arith.divsi %add3A_255, %jit3A_256 : i32
      %sign3A = arith.constant 0 : i32
      %sign3A_257 = arith.cmpi sgt, %add3A_255, %sign3A : i32
      %sign3A_258 = arith.extui %sign3A_257 : i1 to i32
      %sign3A_259 = arith.constant 0 : i32
      %sign3A_260 = arith.cmpi slt, %add3A_255, %sign3A_259 : i32
      %sign3A_261 = arith.extui %sign3A_260 : i1 to i32
      %sign3A_262 = arith.subi %sign3A_258, %sign3A_261 : i32
      %sign3A_263 = arith.constant 0 : i32
      %sign3A_264 = arith.cmpi sgt, %jit3A_256, %sign3A_263 : i32
      %sign3A_265 = arith.extui %sign3A_264 : i1 to i32
      %sign3A_266 = arith.constant 0 : i32
      %sign3A_267 = arith.cmpi slt, %jit3A_256, %sign3A_266 : i32
      %sign3A_268 = arith.extui %sign3A_267 : i1 to i32
      %sign3A_269 = arith.subi %sign3A_265, %sign3A_268 : i32
      %ne3A = arith.cmpi ne, %sign3A_262, %sign3A_269 : i32
      %rem3A = arith.remsi %add3A_255, %jit3A_256 : i32
      %ne3A_270 = arith.constant 0 : i32
      %ne3A_271 = arith.cmpi ne, %rem3A, %ne3A_270 : i32
      %and3A = arith.andi %ne3A, %ne3A_271 : i1
      %sub3A = arith.constant 1 : i32
      %sub3A_272 = arith.subi %div3A, %sub3A : i32
      %select_n3A_273 = arith.select %and3A, %sub3A_272, %div3A : i32
      %jit3A_274 = arith.constant 2 : i32
      %eq3A_275 = arith.constant 0 : i32
      %eq3A_276 = arith.cmpi eq, %jit3A_274, %eq3A_275 : i32
      %jit3A_277 = arith.constant 1 : i32
      %select_n3A_278 = arith.select %eq3A_276, %jit3A_277, %jit3A_274 : i32
      %rem3A_279 = arith.remsi %select_n3A_273, %select_n3A_278 : i32
      %ne3A_280 = arith.constant 0 : i32
      %ne3A_281 = arith.cmpi ne, %rem3A_279, %ne3A_280 : i32
      %lt3A = arith.constant 0 : i32
      %lt3A_282 = arith.cmpi slt, %rem3A_279, %lt3A : i32
      %lt3A_283 = arith.constant 0 : i32
      %lt3A_284 = arith.cmpi slt, %select_n3A_278, %lt3A_283 : i32
      %ne3A_285 = arith.xori %lt3A_282, %lt3A_284 : i1
      %and3A_286 = arith.andi %ne3A_285, %ne3A_281 : i1
      %add3A_287 = arith.addi %rem3A_279, %select_n3A_278 : i32
      %select_n3A_288 = arith.select %and3A_286, %add3A_287, %rem3A_279 : i32
      %jit3A_289 = arith.constant 16 : i32
      %eq3A_290 = arith.constant 0 : i32
      %eq3A_291 = arith.cmpi eq, %jit3A_289, %eq3A_290 : i32
      %jit3A_292 = arith.constant 1 : i32
      %select_n3A_293 = arith.select %eq3A_291, %jit3A_292, %jit3A_289 : i32
      %rem3A_294 = arith.remsi %add3A_255, %select_n3A_293 : i32
      %ne3A_295 = arith.constant 0 : i32
      %ne3A_296 = arith.cmpi ne, %rem3A_294, %ne3A_295 : i32
      %lt3A_297 = arith.constant 0 : i32
      %lt3A_298 = arith.cmpi slt, %rem3A_294, %lt3A_297 : i32
      %lt3A_299 = arith.constant 0 : i32
      %lt3A_300 = arith.cmpi slt, %select_n3A_293, %lt3A_299 : i32
      %ne3A_301 = arith.xori %lt3A_298, %lt3A_300 : i1
      %and3A_302 = arith.andi %ne3A_301, %ne3A_296 : i1
      %add3A_303 = arith.addi %rem3A_294, %select_n3A_293 : i32
      %select_n3A_304 = arith.select %and3A_302, %add3A_303, %rem3A_294 : i32
      %dma_wait3A_305 = arith.constant 0 : i32
      %dma_wait3A_306 = tpu.memref_slice %arg7[%select_n3A_288, %select_n3A_304, %dma_wait3A_305] : memref<2x16x128xi32, #tpu.memory_space<vmem>> -> memref<1x1x128xi32, #tpu.memory_space<vmem>>
      %dma_wait3A_307 = tpu.memref_squeeze %dma_wait3A_306 : memref<1x1x128xi32, #tpu.memory_space<vmem>> -> memref<128xi32, #tpu.memory_space<vmem>>
      %dma_wait3A_308 = arith.constant 0 : i32
      %dma_wait3A_309 = arith.constant 0 : i32
      %dma_wait3A_310 = tpu.memref_slice %arg2[%dma_wait3A_308, %dma_wait3A_309] : memref<10000x128xf32, #tpu.memory_space<hbm>> -> memref<10000x128xf32, #tpu.memory_space<hbm>>
      tpu.wait_indirect_dma semaphore(%arg13 : memref<!tpu.dma_semaphore, #tpu.memory_space<semaphore_mem>>) src(%dma_wait3A_310 : memref<10000x128xf32, #tpu.memory_space<hbm>>) dst(%arg10 : memref<128x128xf32, #tpu.memory_space<vmem>>)
      %gt3A = arith.constant 0 : i32
      %gt3A_311 = arith.cmpi sgt, %scan3A_251, %gt3A : i32
      %convert_element_type3A_312 = arith.extui %gt3A_311 : i1 to i32
      %cond3A_313 = arith.constant 0 : i32
      %cond3A_314 = arith.cmpi ne, %convert_element_type3A_312, %cond3A_313 : i32
      scf.if %cond3A_314 {
        %dma_wait3A_465 = arith.constant 0 : i32
        %dma_wait3A_466 = tpu.memref_slice %arg8[%select_n3A_288, %select_n3A_304, %dma_wait3A_465] : memref<2x16x128xi32, #tpu.memory_space<vmem>> -> memref<1x1x128xi32, #tpu.memory_space<vmem>>
        %dma_wait3A_467 = tpu.memref_squeeze %dma_wait3A_466 : memref<1x1x128xi32, #tpu.memory_space<vmem>> -> memref<128xi32, #tpu.memory_space<vmem>>
        %dma_wait3A_468 = arith.constant 0 : i32
        %dma_wait3A_469 = arith.constant 0 : i32
        %dma_wait3A_470 = tpu.memref_slice %arg12[%dma_wait3A_468, %dma_wait3A_469] : memref<10000x128xf32, #tpu.memory_space<vmem_shared>> -> memref<10000x128xf32, #tpu.memory_space<vmem_shared>>
        tpu.wait_indirect_dma semaphore(%arg16 : memref<!tpu.dma_semaphore, #tpu.memory_space<semaphore_mem>>) src(%arg11 : memref<128x128xf32, #tpu.memory_space<vmem>>) dst(%dma_wait3A_470 : memref<10000x128xf32, #tpu.memory_space<vmem_shared>>)
      } else {
      }
      %eq3A_315 = arith.constant 0 : i32
      %eq3A_316 = arith.cmpi eq, %select_n3A_304, %eq3A_315 : i32
      %ge3A = arith.constant 16 : i32
      %ge3A_317 = arith.cmpi sge, %add3A_255, %ge3A : i32
      %jit3A_318 = arith.constant 16 : i32
      %div3A_319 = arith.divsi %add3A_255, %jit3A_318 : i32
      %sign3A_320 = arith.constant 0 : i32
      %sign3A_321 = arith.cmpi sgt, %add3A_255, %sign3A_320 : i32
      %sign3A_322 = arith.extui %sign3A_321 : i1 to i32
      %sign3A_323 = arith.constant 0 : i32
      %sign3A_324 = arith.cmpi slt, %add3A_255, %sign3A_323 : i32
      %sign3A_325 = arith.extui %sign3A_324 : i1 to i32
      %sign3A_326 = arith.subi %sign3A_322, %sign3A_325 : i32
      %sign3A_327 = arith.constant 0 : i32
      %sign3A_328 = arith.cmpi sgt, %jit3A_318, %sign3A_327 : i32
      %sign3A_329 = arith.extui %sign3A_328 : i1 to i32
      %sign3A_330 = arith.constant 0 : i32
      %sign3A_331 = arith.cmpi slt, %jit3A_318, %sign3A_330 : i32
      %sign3A_332 = arith.extui %sign3A_331 : i1 to i32
      %sign3A_333 = arith.subi %sign3A_329, %sign3A_332 : i32
      %ne3A_334 = arith.cmpi ne, %sign3A_326, %sign3A_333 : i32
      %rem3A_335 = arith.remsi %add3A_255, %jit3A_318 : i32
      %ne3A_336 = arith.constant 0 : i32
      %ne3A_337 = arith.cmpi ne, %rem3A_335, %ne3A_336 : i32
      %and3A_338 = arith.andi %ne3A_334, %ne3A_337 : i1
      %sub3A_339 = arith.constant 1 : i32
      %sub3A_340 = arith.subi %div3A_319, %sub3A_339 : i32
      %select_n3A_341 = arith.select %and3A_338, %sub3A_340, %div3A_319 : i32
      %add3A_342 = arith.constant 1 : i32
      %add3A_343 = arith.addi %select_n3A_341, %add3A_342 : i32
      %lt3A_344 = arith.constant 5 : i32
      %lt3A_345 = arith.cmpi slt, %add3A_343, %lt3A_344 : i32
      %and3A_346 = arith.andi %ge3A_317, %lt3A_345 : i1
      %and3A_347 = arith.andi %eq3A_316, %and3A_346 : i1
      %convert_element_type3A_348 = arith.extui %and3A_347 : i1 to i32
      %cond3A_349 = arith.constant 0 : i32
      %cond3A_350 = arith.cmpi ne, %convert_element_type3A_348, %cond3A_349 : i32
      scf.if %cond3A_350 {
        %jit3A_465 = arith.constant 16 : i32
        %div3A_466 = arith.divsi %add3A_255, %jit3A_465 : i32
        %sign3A_467 = arith.constant 0 : i32
        %sign3A_468 = arith.cmpi sgt, %add3A_255, %sign3A_467 : i32
        %sign3A_469 = arith.extui %sign3A_468 : i1 to i32
        %sign3A_470 = arith.constant 0 : i32
        %sign3A_471 = arith.cmpi slt, %add3A_255, %sign3A_470 : i32
        %sign3A_472 = arith.extui %sign3A_471 : i1 to i32
        %sign3A_473 = arith.subi %sign3A_469, %sign3A_472 : i32
        %sign3A_474 = arith.constant 0 : i32
        %sign3A_475 = arith.cmpi sgt, %jit3A_465, %sign3A_474 : i32
        %sign3A_476 = arith.extui %sign3A_475 : i1 to i32
        %sign3A_477 = arith.constant 0 : i32
        %sign3A_478 = arith.cmpi slt, %jit3A_465, %sign3A_477 : i32
        %sign3A_479 = arith.extui %sign3A_478 : i1 to i32
        %sign3A_480 = arith.subi %sign3A_476, %sign3A_479 : i32
        %ne3A_481 = arith.cmpi ne, %sign3A_473, %sign3A_480 : i32
        %rem3A_482 = arith.remsi %add3A_255, %jit3A_465 : i32
        %ne3A_483 = arith.constant 0 : i32
        %ne3A_484 = arith.cmpi ne, %rem3A_482, %ne3A_483 : i32
        %and3A_485 = arith.andi %ne3A_481, %ne3A_484 : i1
        %sub3A_486 = arith.constant 1 : i32
        %sub3A_487 = arith.subi %div3A_466, %sub3A_486 : i32
        %select_n3A_488 = arith.select %and3A_485, %sub3A_487, %div3A_466 : i32
        %add3A_489 = arith.constant 1 : i32
        %add3A_490 = arith.addi %select_n3A_488, %add3A_489 : i32
        %jit3A_491 = arith.constant 2 : i32
        %eq3A_492 = arith.constant 0 : i32
        %eq3A_493 = arith.cmpi eq, %jit3A_491, %eq3A_492 : i32
        %jit3A_494 = arith.constant 1 : i32
        %select_n3A_495 = arith.select %eq3A_493, %jit3A_494, %jit3A_491 : i32
        %rem3A_496 = arith.remsi %add3A_490, %select_n3A_495 : i32
        %ne3A_497 = arith.constant 0 : i32
        %ne3A_498 = arith.cmpi ne, %rem3A_496, %ne3A_497 : i32
        %lt3A_499 = arith.constant 0 : i32
        %lt3A_500 = arith.cmpi slt, %rem3A_496, %lt3A_499 : i32
        %lt3A_501 = arith.constant 0 : i32
        %lt3A_502 = arith.cmpi slt, %select_n3A_495, %lt3A_501 : i32
        %ne3A_503 = arith.xori %lt3A_500, %lt3A_502 : i1
        %and3A_504 = arith.andi %ne3A_503, %ne3A_498 : i1
        %add3A_505 = arith.addi %rem3A_496, %select_n3A_495 : i32
        %select_n3A_506 = arith.select %and3A_504, %add3A_505, %rem3A_496 : i32
        %dma_start3A_507 = arith.constant 0 : i32
        %dma_start3A_508 = arith.constant 0 : i32
        %dma_start3A_509 = tpu.memref_slice %arg7[%select_n3A_506, %dma_start3A_507, %dma_start3A_508] : memref<2x16x128xi32, #tpu.memory_space<vmem>> -> memref<1x16x128xi32, #tpu.memory_space<vmem>>
        %dma_start3A_510 = tpu.memref_squeeze %dma_start3A_509 : memref<1x16x128xi32, #tpu.memory_space<vmem>> -> memref<16x128xi32, #tpu.memory_space<vmem>>
        %dma_start3A_511 = arith.constant 0 : i32
        %dma_start3A_512 = arith.constant 0 : i32
        %dma_start3A_513 = tpu.memref_slice %arg3[%add3A, %add3A_490, %dma_start3A_511, %dma_start3A_512] : memref<32x5x16x128xi32, #tpu.memory_space<hbm>> -> memref<1x1x16x128xi32, #tpu.memory_space<hbm>>
        %dma_start3A_514 = tpu.memref_squeeze %dma_start3A_513 : memref<1x1x16x128xi32, #tpu.memory_space<hbm>> -> memref<16x128xi32, #tpu.memory_space<hbm>>
        %dma_start3A_515 = arith.constant 0 : i32
        %dma_start3A_516 = arith.constant 0 : i32
        %dma_start3A_517 = tpu.memref_slice %arg7[%select_n3A_506, %dma_start3A_515, %dma_start3A_516] : memref<2x16x128xi32, #tpu.memory_space<vmem>> -> memref<1x16x128xi32, #tpu.memory_space<vmem>>
        %dma_start3A_518 = tpu.memref_squeeze %dma_start3A_517 : memref<1x16x128xi32, #tpu.memory_space<vmem>> -> memref<16x128xi32, #tpu.memory_space<vmem>>
        %dma_start3A_519 = arith.constant 0 : i32
        %dma_start3A_520 = arith.constant 0 : i32
        %dma_start3A_521 = tpu.memref_slice %arg3[%add3A, %add3A_490, %dma_start3A_519, %dma_start3A_520] : memref<32x5x16x128xi32, #tpu.memory_space<hbm>> -> memref<1x1x16x128xi32, #tpu.memory_space<hbm>>
        %dma_start3A_522 = tpu.memref_squeeze %dma_start3A_521 : memref<1x1x16x128xi32, #tpu.memory_space<hbm>> -> memref<16x128xi32, #tpu.memory_space<hbm>>
        tpu.enqueue_dma source(%dma_start3A_522 : memref<16x128xi32, #tpu.memory_space<hbm>>) target(%dma_start3A_518 : memref<16x128xi32, #tpu.memory_space<vmem>>) target_semaphore(%arg17 : memref<!tpu.dma_semaphore, #tpu.memory_space<semaphore_mem>>)
        %dma_start3A_523 = arith.constant 0 : i32
        %dma_start3A_524 = arith.constant 0 : i32
        %dma_start3A_525 = tpu.memref_slice %arg8[%select_n3A_506, %dma_start3A_523, %dma_start3A_524] : memref<2x16x128xi32, #tpu.memory_space<vmem>> -> memref<1x16x128xi32, #tpu.memory_space<vmem>>
        %dma_start3A_526 = tpu.memref_squeeze %dma_start3A_525 : memref<1x16x128xi32, #tpu.memory_space<vmem>> -> memref<16x128xi32, #tpu.memory_space<vmem>>
        %dma_start3A_527 = arith.constant 0 : i32
        %dma_start3A_528 = arith.constant 0 : i32
        %dma_start3A_529 = tpu.memref_slice %arg4[%add3A, %add3A_490, %dma_start3A_527, %dma_start3A_528] : memref<32x5x16x128xi32, #tpu.memory_space<hbm>> -> memref<1x1x16x128xi32, #tpu.memory_space<hbm>>
        %dma_start3A_530 = tpu.memref_squeeze %dma_start3A_529 : memref<1x1x16x128xi32, #tpu.memory_space<hbm>> -> memref<16x128xi32, #tpu.memory_space<hbm>>
        %dma_start3A_531 = arith.constant 0 : i32
        %dma_start3A_532 = arith.constant 0 : i32
        %dma_start3A_533 = tpu.memref_slice %arg8[%select_n3A_506, %dma_start3A_531, %dma_start3A_532] : memref<2x16x128xi32, #tpu.memory_space<vmem>> -> memref<1x16x128xi32, #tpu.memory_space<vmem>>
        %dma_start3A_534 = tpu.memref_squeeze %dma_start3A_533 : memref<1x16x128xi32, #tpu.memory_space<vmem>> -> memref<16x128xi32, #tpu.memory_space<vmem>>
        %dma_start3A_535 = arith.constant 0 : i32
        %dma_start3A_536 = arith.constant 0 : i32
        %dma_start3A_537 = tpu.memref_slice %arg4[%add3A, %add3A_490, %dma_start3A_535, %dma_start3A_536] : memref<32x5x16x128xi32, #tpu.memory_space<hbm>> -> memref<1x1x16x128xi32, #tpu.memory_space<hbm>>
        %dma_start3A_538 = tpu.memref_squeeze %dma_start3A_537 : memref<1x1x16x128xi32, #tpu.memory_space<hbm>> -> memref<16x128xi32, #tpu.memory_space<hbm>>
        tpu.enqueue_dma source(%dma_start3A_538 : memref<16x128xi32, #tpu.memory_space<hbm>>) target(%dma_start3A_534 : memref<16x128xi32, #tpu.memory_space<vmem>>) target_semaphore(%arg18 : memref<!tpu.dma_semaphore, #tpu.memory_space<semaphore_mem>>)
        %dma_start3A_539 = arith.constant 0 : i32
        %dma_start3A_540 = arith.constant 0 : i32
        %dma_start3A_541 = tpu.memref_slice %arg9[%select_n3A_506, %dma_start3A_539, %dma_start3A_540] : memref<2x16x128xf32, #tpu.memory_space<vmem>> -> memref<1x16x128xf32, #tpu.memory_space<vmem>>
        %dma_start3A_542 = tpu.memref_squeeze %dma_start3A_541 : memref<1x16x128xf32, #tpu.memory_space<vmem>> -> memref<16x128xf32, #tpu.memory_space<vmem>>
        %dma_start3A_543 = arith.constant 0 : i32
        %dma_start3A_544 = arith.constant 0 : i32
        %dma_start3A_545 = tpu.memref_slice %arg5[%add3A, %add3A_490, %dma_start3A_543, %dma_start3A_544] : memref<32x5x16x128xf32, #tpu.memory_space<hbm>> -> memref<1x1x16x128xf32, #tpu.memory_space<hbm>>
        %dma_start3A_546 = tpu.memref_squeeze %dma_start3A_545 : memref<1x1x16x128xf32, #tpu.memory_space<hbm>> -> memref<16x128xf32, #tpu.memory_space<hbm>>
        %dma_start3A_547 = arith.constant 0 : i32
        %dma_start3A_548 = arith.constant 0 : i32
        %dma_start3A_549 = tpu.memref_slice %arg9[%select_n3A_506, %dma_start3A_547, %dma_start3A_548] : memref<2x16x128xf32, #tpu.memory_space<vmem>> -> memref<1x16x128xf32, #tpu.memory_space<vmem>>
        %dma_start3A_550 = tpu.memref_squeeze %dma_start3A_549 : memref<1x16x128xf32, #tpu.memory_space<vmem>> -> memref<16x128xf32, #tpu.memory_space<vmem>>
        %dma_start3A_551 = arith.constant 0 : i32
        %dma_start3A_552 = arith.constant 0 : i32
        %dma_start3A_553 = tpu.memref_slice %arg5[%add3A, %add3A_490, %dma_start3A_551, %dma_start3A_552] : memref<32x5x16x128xf32, #tpu.memory_space<hbm>> -> memref<1x1x16x128xf32, #tpu.memory_space<hbm>>
        %dma_start3A_554 = tpu.memref_squeeze %dma_start3A_553 : memref<1x1x16x128xf32, #tpu.memory_space<hbm>> -> memref<16x128xf32, #tpu.memory_space<hbm>>
        tpu.enqueue_dma source(%dma_start3A_554 : memref<16x128xf32, #tpu.memory_space<hbm>>) target(%dma_start3A_550 : memref<16x128xf32, #tpu.memory_space<vmem>>) target_semaphore(%arg19 : memref<!tpu.dma_semaphore, #tpu.memory_space<semaphore_mem>>)
      } else {
      }
      %lt3A_351 = arith.constant 79 : i32
      %lt3A_352 = arith.cmpi slt, %add3A_255, %lt3A_351 : i32
      %convert_element_type3A_353 = arith.extui %lt3A_352 : i1 to i32
      %cond3A_354 = arith.constant 0 : i32
      %cond3A_355 = arith.cmpi ne, %convert_element_type3A_353, %cond3A_354 : i32
      scf.if %cond3A_355 {
        %add3A_465 = arith.constant 1 : i32
        %add3A_466 = arith.addi %add3A_255, %add3A_465 : i32
        %jit3A_467 = arith.constant 16 : i32
        %div3A_468 = arith.divsi %add3A_466, %jit3A_467 : i32
        %sign3A_469 = arith.constant 0 : i32
        %sign3A_470 = arith.cmpi sgt, %add3A_466, %sign3A_469 : i32
        %sign3A_471 = arith.extui %sign3A_470 : i1 to i32
        %sign3A_472 = arith.constant 0 : i32
        %sign3A_473 = arith.cmpi slt, %add3A_466, %sign3A_472 : i32
        %sign3A_474 = arith.extui %sign3A_473 : i1 to i32
        %sign3A_475 = arith.subi %sign3A_471, %sign3A_474 : i32
        %sign3A_476 = arith.constant 0 : i32
        %sign3A_477 = arith.cmpi sgt, %jit3A_467, %sign3A_476 : i32
        %sign3A_478 = arith.extui %sign3A_477 : i1 to i32
        %sign3A_479 = arith.constant 0 : i32
        %sign3A_480 = arith.cmpi slt, %jit3A_467, %sign3A_479 : i32
        %sign3A_481 = arith.extui %sign3A_480 : i1 to i32
        %sign3A_482 = arith.subi %sign3A_478, %sign3A_481 : i32
        %ne3A_483 = arith.cmpi ne, %sign3A_475, %sign3A_482 : i32
        %rem3A_484 = arith.remsi %add3A_466, %jit3A_467 : i32
        %ne3A_485 = arith.constant 0 : i32
        %ne3A_486 = arith.cmpi ne, %rem3A_484, %ne3A_485 : i32
        %and3A_487 = arith.andi %ne3A_483, %ne3A_486 : i1
        %sub3A_488 = arith.constant 1 : i32
        %sub3A_489 = arith.subi %div3A_468, %sub3A_488 : i32
        %select_n3A_490 = arith.select %and3A_487, %sub3A_489, %div3A_468 : i32
        %jit3A_491 = arith.constant 2 : i32
        %eq3A_492 = arith.constant 0 : i32
        %eq3A_493 = arith.cmpi eq, %jit3A_491, %eq3A_492 : i32
        %jit3A_494 = arith.constant 1 : i32
        %select_n3A_495 = arith.select %eq3A_493, %jit3A_494, %jit3A_491 : i32
        %rem3A_496 = arith.remsi %select_n3A_490, %select_n3A_495 : i32
        %ne3A_497 = arith.constant 0 : i32
        %ne3A_498 = arith.cmpi ne, %rem3A_496, %ne3A_497 : i32
        %lt3A_499 = arith.constant 0 : i32
        %lt3A_500 = arith.cmpi slt, %rem3A_496, %lt3A_499 : i32
        %lt3A_501 = arith.constant 0 : i32
        %lt3A_502 = arith.cmpi slt, %select_n3A_495, %lt3A_501 : i32
        %ne3A_503 = arith.xori %lt3A_500, %lt3A_502 : i1
        %and3A_504 = arith.andi %ne3A_503, %ne3A_498 : i1
        %add3A_505 = arith.addi %rem3A_496, %select_n3A_495 : i32
        %select_n3A_506 = arith.select %and3A_504, %add3A_505, %rem3A_496 : i32
        %jit3A_507 = arith.constant 16 : i32
        %eq3A_508 = arith.constant 0 : i32
        %eq3A_509 = arith.cmpi eq, %jit3A_507, %eq3A_508 : i32
        %jit3A_510 = arith.constant 1 : i32
        %select_n3A_511 = arith.select %eq3A_509, %jit3A_510, %jit3A_507 : i32
        %rem3A_512 = arith.remsi %add3A_466, %select_n3A_511 : i32
        %ne3A_513 = arith.constant 0 : i32
        %ne3A_514 = arith.cmpi ne, %rem3A_512, %ne3A_513 : i32
        %lt3A_515 = arith.constant 0 : i32
        %lt3A_516 = arith.cmpi slt, %rem3A_512, %lt3A_515 : i32
        %lt3A_517 = arith.constant 0 : i32
        %lt3A_518 = arith.cmpi slt, %select_n3A_511, %lt3A_517 : i32
        %ne3A_519 = arith.xori %lt3A_516, %lt3A_518 : i1
        %and3A_520 = arith.andi %ne3A_519, %ne3A_514 : i1
        %add3A_521 = arith.addi %rem3A_512, %select_n3A_511 : i32
        %select_n3A_522 = arith.select %and3A_520, %add3A_521, %rem3A_512 : i32
        %dma_start3A_523 = arith.constant 0 : i32
        %dma_start3A_524 = tpu.memref_slice %arg7[%select_n3A_506, %select_n3A_522, %dma_start3A_523] : memref<2x16x128xi32, #tpu.memory_space<vmem>> -> memref<1x1x128xi32, #tpu.memory_space<vmem>>
        %dma_start3A_525 = tpu.memref_squeeze %dma_start3A_524 : memref<1x1x128xi32, #tpu.memory_space<vmem>> -> memref<128xi32, #tpu.memory_space<vmem>>
        %dma_start3A_526 = arith.constant 0 : i32
        %dma_start3A_527 = arith.constant 0 : i32
        %dma_start3A_528 = tpu.memref_slice %arg2[%dma_start3A_526, %dma_start3A_527] : memref<10000x128xf32, #tpu.memory_space<hbm>> -> memref<10000x128xf32, #tpu.memory_space<hbm>>
        tpu.enqueue_indirect_dma source(%dma_start3A_528 : memref<10000x128xf32, #tpu.memory_space<hbm>>) target(%arg11 : memref<128x128xf32, #tpu.memory_space<vmem>>) offsets(%dma_start3A_525 : memref<128xi32, #tpu.memory_space<vmem>>) semaphore(%arg14 : memref<!tpu.dma_semaphore, #tpu.memory_space<semaphore_mem>>)
      } else {
      }
      %scan3A_356 = arith.constant 0 : i32
      %scan3A_357 = arith.constant 0 : i32
      %scan3A_358 = arith.constant 8 : i32
      %scan3A_359 = arith.addi %scan3A_357, %scan3A_358 : i32
      %scan3A_360 = arith.constant 1 : i32
      scf.for %scan3A_465 = %scan3A_357 to %scan3A_359 step %scan3A_360  : i32 {
        %mul3A_466 = arith.constant 16 : i32
        %mul3A_467 = arith.muli %scan3A_465, %mul3A_466 : i32
        %get3A = arith.index_cast %select_n3A_288 : i32 to index
        %get3A_468 = arith.index_cast %select_n3A_304 : i32 to index
        %get3A_469 = arith.index_cast %mul3A_467 : i32 to index
        %get3A_470 = tpu.vector_load %arg9[%get3A, %get3A_468, %get3A_469] {strides = array<i32>} : memref<2x16x128xf32, #tpu.memory_space<vmem>>, vector<1x1x16xf32>,
        %get3A_471 = vector.shape_cast %get3A_470 : vector<1x1x16xf32> to vector<16xf32>
        %mul3A_472 = arith.constant 16 : i32
        %mul3A_473 = arith.muli %scan3A_465, %mul3A_472 : i32
        %add3A_474 = arith.constant 0 : i32
        %add3A_475 = arith.addi %mul3A_473, %add3A_474 : i32
        %slice3A = vector.extract_strided_slice %get3A_471 {offsets = [0], sizes = [1], strides = [1]} : vector<16xf32> to vector<1xf32>
        %squeeze3A = vector.extract %slice3A[0] : f32 from vector<1xf32>
        %broadcast_in_dim3A_476 = vector.broadcast %squeeze3A : f32 to vector<16xf32>
        %get3A_477 = arith.index_cast %add3A_475 : i32 to index
        %get3A_478 = arith.constant 0 : index
        %get3A_479 = tpu.vector_load %arg10[%get3A_477, %get3A_478] {strides = array<i32>} : memref<128x128xf32, #tpu.memory_space<vmem>>, vector<1x16xf32>,
        %get3A_480 = vector.shape_cast %get3A_479 : vector<1x16xf32> to vector<16xf32>
        %mul3A_481 = arith.mulf %get3A_480, %broadcast_in_dim3A_476 : vector<16xf32>
        %swap3A = arith.index_cast %add3A_475 : i32 to index
        %swap3A_482 = arith.constant 0 : index
        %swap3A_483 = tpu.vector_load %arg10[%swap3A, %swap3A_482] {strides = array<i32>} : memref<128x128xf32, #tpu.memory_space<vmem>>, vector<1x16xf32>,
        %swap3A_484 = vector.shape_cast %swap3A_483 : vector<1x16xf32> to vector<16xf32>
        %swap3A_485 = vector.shape_cast %mul3A_481 : vector<16xf32> to vector<1x16xf32>
        tpu.vector_store %arg10[%swap3A, %swap3A_482], %swap3A_485 {strides = array<i32>} : memref<128x128xf32, #tpu.memory_space<vmem>>, vector<1x16xf32>,
        %get3A_486 = arith.index_cast %add3A_475 : i32 to index
        %get3A_487 = arith.constant 16 : index
        %get3A_488 = tpu.vector_load %arg10[%get3A_486, %get3A_487] {strides = array<i32>} : memref<128x128xf32, #tpu.memory_space<vmem>>, vector<1x16xf32>,
        %get3A_489 = vector.shape_cast %get3A_488 : vector<1x16xf32> to vector<16xf32>
        %mul3A_490 = arith.mulf %get3A_489, %broadcast_in_dim3A_476 : vector<16xf32>
        %swap3A_491 = arith.index_cast %add3A_475 : i32 to index
        %swap3A_492 = arith.constant 16 : index
        %swap3A_493 = tpu.vector_load %arg10[%swap3A_491, %swap3A_492] {strides = array<i32>} : memref<128x128xf32, #tpu.memory_space<vmem>>, vector<1x16xf32>,
        %swap3A_494 = vector.shape_cast %swap3A_493 : vector<1x16xf32> to vector<16xf32>
        %swap3A_495 = vector.shape_cast %mul3A_490 : vector<16xf32> to vector<1x16xf32>
        tpu.vector_store %arg10[%swap3A_491, %swap3A_492], %swap3A_495 {strides = array<i32>} : memref<128x128xf32, #tpu.memory_space<vmem>>, vector<1x16xf32>,
        %get3A_496 = arith.index_cast %add3A_475 : i32 to index
        %get3A_497 = arith.constant 32 : index
        %get3A_498 = tpu.vector_load %arg10[%get3A_496, %get3A_497] {strides = array<i32>} : memref<128x128xf32, #tpu.memory_space<vmem>>, vector<1x16xf32>,
        %get3A_499 = vector.shape_cast %get3A_498 : vector<1x16xf32> to vector<16xf32>
        %mul3A_500 = arith.mulf %get3A_499, %broadcast_in_dim3A_476 : vector<16xf32>
        %swap3A_501 = arith.index_cast %add3A_475 : i32 to index
        %swap3A_502 = arith.constant 32 : index
        %swap3A_503 = tpu.vector_load %arg10[%swap3A_501, %swap3A_502] {strides = array<i32>} : memref<128x128xf32, #tpu.memory_space<vmem>>, vector<1x16xf32>,
        %swap3A_504 = vector.shape_cast %swap3A_503 : vector<1x16xf32> to vector<16xf32>
        %swap3A_505 = vector.shape_cast %mul3A_500 : vector<16xf32> to vector<1x16xf32>
        tpu.vector_store %arg10[%swap3A_501, %swap3A_502], %swap3A_505 {strides = array<i32>} : memref<128x128xf32, #tpu.memory_space<vmem>>, vector<1x16xf32>,
        %get3A_506 = arith.index_cast %add3A_475 : i32 to index
        %get3A_507 = arith.constant 48 : index
        %get3A_508 = tpu.vector_load %arg10[%get3A_506, %get3A_507] {strides = array<i32>} : memref<128x128xf32, #tpu.memory_space<vmem>>, vector<1x16xf32>,
        %get3A_509 = vector.shape_cast %get3A_508 : vector<1x16xf32> to vector<16xf32>
        %mul3A_510 = arith.mulf %get3A_509, %broadcast_in_dim3A_476 : vector<16xf32>
        %swap3A_511 = arith.index_cast %add3A_475 : i32 to index
        %swap3A_512 = arith.constant 48 : index
        %swap3A_513 = tpu.vector_load %arg10[%swap3A_511, %swap3A_512] {strides = array<i32>} : memref<128x128xf32, #tpu.memory_space<vmem>>, vector<1x16xf32>,
        %swap3A_514 = vector.shape_cast %swap3A_513 : vector<1x16xf32> to vector<16xf32>
        %swap3A_515 = vector.shape_cast %mul3A_510 : vector<16xf32> to vector<1x16xf32>
        tpu.vector_store %arg10[%swap3A_511, %swap3A_512], %swap3A_515 {strides = array<i32>} : memref<128x128xf32, #tpu.memory_space<vmem>>, vector<1x16xf32>,
        %get3A_516 = arith.index_cast %add3A_475 : i32 to index
        %get3A_517 = arith.constant 64 : index
        %get3A_518 = tpu.vector_load %arg10[%get3A_516, %get3A_517] {strides = array<i32>} : memref<128x128xf32, #tpu.memory_space<vmem>>, vector<1x16xf32>,
        %get3A_519 = vector.shape_cast %get3A_518 : vector<1x16xf32> to vector<16xf32>
        %mul3A_520 = arith.mulf %get3A_519, %broadcast_in_dim3A_476 : vector<16xf32>
        %swap3A_521 = arith.index_cast %add3A_475 : i32 to index
        %swap3A_522 = arith.constant 64 : index
        %swap3A_523 = tpu.vector_load %arg10[%swap3A_521, %swap3A_522] {strides = array<i32>} : memref<128x128xf32, #tpu.memory_space<vmem>>, vector<1x16xf32>,
        %swap3A_524 = vector.shape_cast %swap3A_523 : vector<1x16xf32> to vector<16xf32>
        %swap3A_525 = vector.shape_cast %mul3A_520 : vector<16xf32> to vector<1x16xf32>
        tpu.vector_store %arg10[%swap3A_521, %swap3A_522], %swap3A_525 {strides = array<i32>} : memref<128x128xf32, #tpu.memory_space<vmem>>, vector<1x16xf32>,
        %get3A_526 = arith.index_cast %add3A_475 : i32 to index
        %get3A_527 = arith.constant 80 : index
        %get3A_528 = tpu.vector_load %arg10[%get3A_526, %get3A_527] {strides = array<i32>} : memref<128x128xf32, #tpu.memory_space<vmem>>, vector<1x16xf32>,
        %get3A_529 = vector.shape_cast %get3A_528 : vector<1x16xf32> to vector<16xf32>
        %mul3A_530 = arith.mulf %get3A_529, %broadcast_in_dim3A_476 : vector<16xf32>
        %swap3A_531 = arith.index_cast %add3A_475 : i32 to index
        %swap3A_532 = arith.constant 80 : index
        %swap3A_533 = tpu.vector_load %arg10[%swap3A_531, %swap3A_532] {strides = array<i32>} : memref<128x128xf32, #tpu.memory_space<vmem>>, vector<1x16xf32>,
        %swap3A_534 = vector.shape_cast %swap3A_533 : vector<1x16xf32> to vector<16xf32>
        %swap3A_535 = vector.shape_cast %mul3A_530 : vector<16xf32> to vector<1x16xf32>
        tpu.vector_store %arg10[%swap3A_531, %swap3A_532], %swap3A_535 {strides = array<i32>} : memref<128x128xf32, #tpu.memory_space<vmem>>, vector<1x16xf32>,
        %get3A_536 = arith.index_cast %add3A_475 : i32 to index
        %get3A_537 = arith.constant 96 : index
        %get3A_538 = tpu.vector_load %arg10[%get3A_536, %get3A_537] {strides = array<i32>} : memref<128x128xf32, #tpu.memory_space<vmem>>, vector<1x16xf32>,
        %get3A_539 = vector.shape_cast %get3A_538 : vector<1x16xf32> to vector<16xf32>
        %mul3A_540 = arith.mulf %get3A_539, %broadcast_in_dim3A_476 : vector<16xf32>
        %swap3A_541 = arith.index_cast %add3A_475 : i32 to index
        %swap3A_542 = arith.constant 96 : index
        %swap3A_543 = tpu.vector_load %arg10[%swap3A_541, %swap3A_542] {strides = array<i32>} : memref<128x128xf32, #tpu.memory_space<vmem>>, vector<1x16xf32>,
        %swap3A_544 = vector.shape_cast %swap3A_543 : vector<1x16xf32> to vector<16xf32>
        %swap3A_545 = vector.shape_cast %mul3A_540 : vector<16xf32> to vector<1x16xf32>
        tpu.vector_store %arg10[%swap3A_541, %swap3A_542], %swap3A_545 {strides = array<i32>} : memref<128x128xf32, #tpu.memory_space<vmem>>, vector<1x16xf32>,
        %get3A_546 = arith.index_cast %add3A_475 : i32 to index
        %get3A_547 = arith.constant 112 : index
        %get3A_548 = tpu.vector_load %arg10[%get3A_546, %get3A_547] {strides = array<i32>} : memref<128x128xf32, #tpu.memory_space<vmem>>, vector<1x16xf32>,
        %get3A_549 = vector.shape_cast %get3A_548 : vector<1x16xf32> to vector<16xf32>
        %mul3A_550 = arith.mulf %get3A_549, %broadcast_in_dim3A_476 : vector<16xf32>
        %swap3A_551 = arith.index_cast %add3A_475 : i32 to index
        %swap3A_552 = arith.constant 112 : index
        %swap3A_553 = tpu.vector_load %arg10[%swap3A_551, %swap3A_552] {strides = array<i32>} : memref<128x128xf32, #tpu.memory_space<vmem>>, vector<1x16xf32>,
        %swap3A_554 = vector.shape_cast %swap3A_553 : vector<1x16xf32> to vector<16xf32>
        %swap3A_555 = vector.shape_cast %mul3A_550 : vector<16xf32> to vector<1x16xf32>
        tpu.vector_store %arg10[%swap3A_551, %swap3A_552], %swap3A_555 {strides = array<i32>} : memref<128x128xf32, #tpu.memory_space<vmem>>, vector<1x16xf32>,
        %mul3A_556 = arith.constant 16 : i32
        %mul3A_557 = arith.muli %scan3A_465, %mul3A_556 : i32
        %add3A_558 = arith.constant 1 : i32
        %add3A_559 = arith.addi %mul3A_557, %add3A_558 : i32
        %slice3A_560 = vector.extract_strided_slice %get3A_471 {offsets = [1], sizes = [1], strides = [1]} : vector<16xf32> to vector<1xf32>
        %squeeze3A_561 = vector.extract %slice3A_560[0] : f32 from vector<1xf32>
        %broadcast_in_dim3A_562 = vector.broadcast %squeeze3A_561 : f32 to vector<16xf32>
        %get3A_563 = arith.index_cast %add3A_559 : i32 to index
        %get3A_564 = arith.constant 0 : index
        %get3A_565 = tpu.vector_load %arg10[%get3A_563, %get3A_564] {strides = array<i32>} : memref<128x128xf32, #tpu.memory_space<vmem>>, vector<1x16xf32>,
        %get3A_566 = vector.shape_cast %get3A_565 : vector<1x16xf32> to vector<16xf32>
        %mul3A_567 = arith.mulf %get3A_566, %broadcast_in_dim3A_562 : vector<16xf32>
        %swap3A_568 = arith.index_cast %add3A_559 : i32 to index
        %swap3A_569 = arith.constant 0 : index
        %swap3A_570 = tpu.vector_load %arg10[%swap3A_568, %swap3A_569] {strides = array<i32>} : memref<128x128xf32, #tpu.memory_space<vmem>>, vector<1x16xf32>,
        %swap3A_571 = vector.shape_cast %swap3A_570 : vector<1x16xf32> to vector<16xf32>
        %swap3A_572 = vector.shape_cast %mul3A_567 : vector<16xf32> to vector<1x16xf32>
        tpu.vector_store %arg10[%swap3A_568, %swap3A_569], %swap3A_572 {strides = array<i32>} : memref<128x128xf32, #tpu.memory_space<vmem>>, vector<1x16xf32>,
        %get3A_573 = arith.index_cast %add3A_559 : i32 to index
        %get3A_574 = arith.constant 16 : index
        %get3A_575 = tpu.vector_load %arg10[%get3A_573, %get3A_574] {strides = array<i32>} : memref<128x128xf32, #tpu.memory_space<vmem>>, vector<1x16xf32>,
        %get3A_576 = vector.shape_cast %get3A_575 : vector<1x16xf32> to vector<16xf32>
        %mul3A_577 = arith.mulf %get3A_576, %broadcast_in_dim3A_562 : vector<16xf32>
        %swap3A_578 = arith.index_cast %add3A_559 : i32 to index
        %swap3A_579 = arith.constant 16 : index
        %swap3A_580 = tpu.vector_load %arg10[%swap3A_578, %swap3A_579] {strides = array<i32>} : memref<128x128xf32, #tpu.memory_space<vmem>>, vector<1x16xf32>,
        %swap3A_581 = vector.shape_cast %swap3A_580 : vector<1x16xf32> to vector<16xf32>
        %swap3A_582 = vector.shape_cast %mul3A_577 : vector<16xf32> to vector<1x16xf32>
        tpu.vector_store %arg10[%swap3A_578, %swap3A_579], %swap3A_582 {strides = array<i32>} : memref<128x128xf32, #tpu.memory_space<vmem>>, vector<1x16xf32>,
        %get3A_583 = arith.index_cast %add3A_559 : i32 to index
        %get3A_584 = arith.constant 32 : index
        %get3A_585 = tpu.vector_load %arg10[%get3A_583, %get3A_584] {strides = array<i32>} : memref<128x128xf32, #tpu.memory_space<vmem>>, vector<1x16xf32>,
        %get3A_586 = vector.shape_cast %get3A_585 : vector<1x16xf32> to vector<16xf32>
        %mul3A_587 = arith.mulf %get3A_586, %broadcast_in_dim3A_562 : vector<16xf32>
        %swap3A_588 = arith.index_cast %add3A_559 : i32 to index
        %swap3A_589 = arith.constant 32 : index
        %swap3A_590 = tpu.vector_load %arg10[%swap3A_588, %swap3A_589] {strides = array<i32>} : memref<128x128xf32, #tpu.memory_space<vmem>>, vector<1x16xf32>,
        %swap3A_591 = vector.shape_cast %swap3A_590 : vector<1x16xf32> to vector<16xf32>
        %swap3A_592 = vector.shape_cast %mul3A_587 : vector<16xf32> to vector<1x16xf32>
        tpu.vector_store %arg10[%swap3A_588, %swap3A_589], %swap3A_592 {strides = array<i32>} : memref<128x128xf32, #tpu.memory_space<vmem>>, vector<1x16xf32>,
        %get3A_593 = arith.index_cast %add3A_559 : i32 to index
        %get3A_594 = arith.constant 48 : index
        %get3A_595 = tpu.vector_load %arg10[%get3A_593, %get3A_594] {strides = array<i32>} : memref<128x128xf32, #tpu.memory_space<vmem>>, vector<1x16xf32>,
        %get3A_596 = vector.shape_cast %get3A_595 : vector<1x16xf32> to vector<16xf32>
        %mul3A_597 = arith.mulf %get3A_596, %broadcast_in_dim3A_562 : vector<16xf32>
        %swap3A_598 = arith.index_cast %add3A_559 : i32 to index
        %swap3A_599 = arith.constant 48 : index
        %swap3A_600 = tpu.vector_load %arg10[%swap3A_598, %swap3A_599] {strides = array<i32>} : memref<128x128xf32, #tpu.memory_space<vmem>>, vector<1x16xf32>,
        %swap3A_601 = vector.shape_cast %swap3A_600 : vector<1x16xf32> to vector<16xf32>
        %swap3A_602 = vector.shape_cast %mul3A_597 : vector<16xf32> to vector<1x16xf32>
        tpu.vector_store %arg10[%swap3A_598, %swap3A_599], %swap3A_602 {strides = array<i32>} : memref<128x128xf32, #tpu.memory_space<vmem>>, vector<1x16xf32>,
        %get3A_603 = arith.index_cast %add3A_559 : i32 to index
        %get3A_604 = arith.constant 64 : index
        %get3A_605 = tpu.vector_load %arg10[%get3A_603, %get3A_604] {strides = array<i32>} : memref<128x128xf32, #tpu.memory_space<vmem>>, vector<1x16xf32>,
        %get3A_606 = vector.shape_cast %get3A_605 : vector<1x16xf32> to vector<16xf32>
        %mul3A_607 = arith.mulf %get3A_606, %broadcast_in_dim3A_562 : vector<16xf32>
        %swap3A_608 = arith.index_cast %add3A_559 : i32 to index
        %swap3A_609 = arith.constant 64 : index
        %swap3A_610 = tpu.vector_load %arg10[%swap3A_608, %swap3A_609] {strides = array<i32>} : memref<128x128xf32, #tpu.memory_space<vmem>>, vector<1x16xf32>,
        %swap3A_611 = vector.shape_cast %swap3A_610 : vector<1x16xf32> to vector<16xf32>
        %swap3A_612 = vector.shape_cast %mul3A_607 : vector<16xf32> to vector<1x16xf32>
        tpu.vector_store %arg10[%swap3A_608, %swap3A_609], %swap3A_612 {strides = array<i32>} : memref<128x128xf32, #tpu.memory_space<vmem>>, vector<1x16xf32>,
        %get3A_613 = arith.index_cast %add3A_559 : i32 to index
        %get3A_614 = arith.constant 80 : index
        %get3A_615 = tpu.vector_load %arg10[%get3A_613, %get3A_614] {strides = array<i32>} : memref<128x128xf32, #tpu.memory_space<vmem>>, vector<1x16xf32>,
        %get3A_616 = vector.shape_cast %get3A_615 : vector<1x16xf32> to vector<16xf32>
        %mul3A_617 = arith.mulf %get3A_616, %broadcast_in_dim3A_562 : vector<16xf32>
        %swap3A_618 = arith.index_cast %add3A_559 : i32 to index
        %swap3A_619 = arith.constant 80 : index
        %swap3A_620 = tpu.vector_load %arg10[%swap3A_618, %swap3A_619] {strides = array<i32>} : memref<128x128xf32, #tpu.memory_space<vmem>>, vector<1x16xf32>,
        %swap3A_621 = vector.shape_cast %swap3A_620 : vector<1x16xf32> to vector<16xf32>
        %swap3A_622 = vector.shape_cast %mul3A_617 : vector<16xf32> to vector<1x16xf32>
        tpu.vector_store %arg10[%swap3A_618, %swap3A_619], %swap3A_622 {strides = array<i32>} : memref<128x128xf32, #tpu.memory_space<vmem>>, vector<1x16xf32>,
        %get3A_623 = arith.index_cast %add3A_559 : i32 to index
        %get3A_624 = arith.constant 96 : index
        %get3A_625 = tpu.vector_load %arg10[%get3A_623, %get3A_624] {strides = array<i32>} : memref<128x128xf32, #tpu.memory_space<vmem>>, vector<1x16xf32>,
        %get3A_626 = vector.shape_cast %get3A_625 : vector<1x16xf32> to vector<16xf32>
        %mul3A_627 = arith.mulf %get3A_626, %broadcast_in_dim3A_562 : vector<16xf32>
        %swap3A_628 = arith.index_cast %add3A_559 : i32 to index
        %swap3A_629 = arith.constant 96 : index
        %swap3A_630 = tpu.vector_load %arg10[%swap3A_628, %swap3A_629] {strides = array<i32>} : memref<128x128xf32, #tpu.memory_space<vmem>>, vector<1x16xf32>,
        %swap3A_631 = vector.shape_cast %swap3A_630 : vector<1x16xf32> to vector<16xf32>
        %swap3A_632 = vector.shape_cast %mul3A_627 : vector<16xf32> to vector<1x16xf32>
        tpu.vector_store %arg10[%swap3A_628, %swap3A_629], %swap3A_632 {strides = array<i32>} : memref<128x128xf32, #tpu.memory_space<vmem>>, vector<1x16xf32>,
        %get3A_633 = arith.index_cast %add3A_559 : i32 to index
        %get3A_634 = arith.constant 112 : index
        %get3A_635 = tpu.vector_load %arg10[%get3A_633, %get3A_634] {strides = array<i32>} : memref<128x128xf32, #tpu.memory_space<vmem>>, vector<1x16xf32>,
        %get3A_636 = vector.shape_cast %get3A_635 : vector<1x16xf32> to vector<16xf32>
        %mul3A_637 = arith.mulf %get3A_636, %broadcast_in_dim3A_562 : vector<16xf32>
        %swap3A_638 = arith.index_cast %add3A_559 : i32 to index
        %swap3A_639 = arith.constant 112 : index
        %swap3A_640 = tpu.vector_load %arg10[%swap3A_638, %swap3A_639] {strides = array<i32>} : memref<128x128xf32, #tpu.memory_space<vmem>>, vector<1x16xf32>,
        %swap3A_641 = vector.shape_cast %swap3A_640 : vector<1x16xf32> to vector<16xf32>
        %swap3A_642 = vector.shape_cast %mul3A_637 : vector<16xf32> to vector<1x16xf32>
        tpu.vector_store %arg10[%swap3A_638, %swap3A_639], %swap3A_642 {strides = array<i32>} : memref<128x128xf32, #tpu.memory_space<vmem>>, vector<1x16xf32>,
        %mul3A_643 = arith.constant 16 : i32
        %mul3A_644 = arith.muli %scan3A_465, %mul3A_643 : i32
        %add3A_645 = arith.constant 2 : i32
        %add3A_646 = arith.addi %mul3A_644, %add3A_645 : i32
        %slice3A_647 = vector.extract_strided_slice %get3A_471 {offsets = [2], sizes = [1], strides = [1]} : vector<16xf32> to vector<1xf32>
        %squeeze3A_648 = vector.extract %slice3A_647[0] : f32 from vector<1xf32>
        %broadcast_in_dim3A_649 = vector.broadcast %squeeze3A_648 : f32 to vector<16xf32>
        %get3A_650 = arith.index_cast %add3A_646 : i32 to index
        %get3A_651 = arith.constant 0 : index
        %get3A_652 = tpu.vector_load %arg10[%get3A_650, %get3A_651] {strides = array<i32>} : memref<128x128xf32, #tpu.memory_space<vmem>>, vector<1x16xf32>,
        %get3A_653 = vector.shape_cast %get3A_652 : vector<1x16xf32> to vector<16xf32>
        %mul3A_654 = arith.mulf %get3A_653, %broadcast_in_dim3A_649 : vector<16xf32>
        %swap3A_655 = arith.index_cast %add3A_646 : i32 to index
        %swap3A_656 = arith.constant 0 : index
        %swap3A_657 = tpu.vector_load %arg10[%swap3A_655, %swap3A_656] {strides = array<i32>} : memref<128x128xf32, #tpu.memory_space<vmem>>, vector<1x16xf32>,
        %swap3A_658 = vector.shape_cast %swap3A_657 : vector<1x16xf32> to vector<16xf32>
        %swap3A_659 = vector.shape_cast %mul3A_654 : vector<16xf32> to vector<1x16xf32>
        tpu.vector_store %arg10[%swap3A_655, %swap3A_656], %swap3A_659 {strides = array<i32>} : memref<128x128xf32, #tpu.memory_space<vmem>>, vector<1x16xf32>,
        %get3A_660 = arith.index_cast %add3A_646 : i32 to index
        %get3A_661 = arith.constant 16 : index
        %get3A_662 = tpu.vector_load %arg10[%get3A_660, %get3A_661] {strides = array<i32>} : memref<128x128xf32, #tpu.memory_space<vmem>>, vector<1x16xf32>,
        %get3A_663 = vector.shape_cast %get3A_662 : vector<1x16xf32> to vector<16xf32>
        %mul3A_664 = arith.mulf %get3A_663, %broadcast_in_dim3A_649 : vector<16xf32>
        %swap3A_665 = arith.index_cast %add3A_646 : i32 to index
        %swap3A_666 = arith.constant 16 : index
        %swap3A_667 = tpu.vector_load %arg10[%swap3A_665, %swap3A_666] {strides = array<i32>} : memref<128x128xf32, #tpu.memory_space<vmem>>, vector<1x16xf32>,
        %swap3A_668 = vector.shape_cast %swap3A_667 : vector<1x16xf32> to vector<16xf32>
        %swap3A_669 = vector.shape_cast %mul3A_664 : vector<16xf32> to vector<1x16xf32>
        tpu.vector_store %arg10[%swap3A_665, %swap3A_666], %swap3A_669 {strides = array<i32>} : memref<128x128xf32, #tpu.memory_space<vmem>>, vector<1x16xf32>,
        %get3A_670 = arith.index_cast %add3A_646 : i32 to index
        %get3A_671 = arith.constant 32 : index
        %get3A_672 = tpu.vector_load %arg10[%get3A_670, %get3A_671] {strides = array<i32>} : memref<128x128xf32, #tpu.memory_space<vmem>>, vector<1x16xf32>,
        %get3A_673 = vector.shape_cast %get3A_672 : vector<1x16xf32> to vector<16xf32>
        %mul3A_674 = arith.mulf %get3A_673, %broadcast_in_dim3A_649 : vector<16xf32>
        %swap3A_675 = arith.index_cast %add3A_646 : i32 to index
        %swap3A_676 = arith.constant 32 : index
        %swap3A_677 = tpu.vector_load %arg10[%swap3A_675, %swap3A_676] {strides = array<i32>} : memref<128x128xf32, #tpu.memory_space<vmem>>, vector<1x16xf32>,
        %swap3A_678 = vector.shape_cast %swap3A_677 : vector<1x16xf32> to vector<16xf32>
        %swap3A_679 = vector.shape_cast %mul3A_674 : vector<16xf32> to vector<1x16xf32>
        tpu.vector_store %arg10[%swap3A_675, %swap3A_676], %swap3A_679 {strides = array<i32>} : memref<128x128xf32, #tpu.memory_space<vmem>>, vector<1x16xf32>,
        %get3A_680 = arith.index_cast %add3A_646 : i32 to index
        %get3A_681 = arith.constant 48 : index
        %get3A_682 = tpu.vector_load %arg10[%get3A_680, %get3A_681] {strides = array<i32>} : memref<128x128xf32, #tpu.memory_space<vmem>>, vector<1x16xf32>,
        %get3A_683 = vector.shape_cast %get3A_682 : vector<1x16xf32> to vector<16xf32>
        %mul3A_684 = arith.mulf %get3A_683, %broadcast_in_dim3A_649 : vector<16xf32>
        %swap3A_685 = arith.index_cast %add3A_646 : i32 to index
        %swap3A_686 = arith.constant 48 : index
        %swap3A_687 = tpu.vector_load %arg10[%swap3A_685, %swap3A_686] {strides = array<i32>} : memref<128x128xf32, #tpu.memory_space<vmem>>, vector<1x16xf32>,
        %swap3A_688 = vector.shape_cast %swap3A_687 : vector<1x16xf32> to vector<16xf32>
        %swap3A_689 = vector.shape_cast %mul3A_684 : vector<16xf32> to vector<1x16xf32>
        tpu.vector_store %arg10[%swap3A_685, %swap3A_686], %swap3A_689 {strides = array<i32>} : memref<128x128xf32, #tpu.memory_space<vmem>>, vector<1x16xf32>,
        %get3A_690 = arith.index_cast %add3A_646 : i32 to index
        %get3A_691 = arith.constant 64 : index
        %get3A_692 = tpu.vector_load %arg10[%get3A_690, %get3A_691] {strides = array<i32>} : memref<128x128xf32, #tpu.memory_space<vmem>>, vector<1x16xf32>,
        %get3A_693 = vector.shape_cast %get3A_692 : vector<1x16xf32> to vector<16xf32>
        %mul3A_694 = arith.mulf %get3A_693, %broadcast_in_dim3A_649 : vector<16xf32>
        %swap3A_695 = arith.index_cast %add3A_646 : i32 to index
        %swap3A_696 = arith.constant 64 : index
        %swap3A_697 = tpu.vector_load %arg10[%swap3A_695, %swap3A_696] {strides = array<i32>} : memref<128x128xf32, #tpu.memory_space<vmem>>, vector<1x16xf32>,
        %swap3A_698 = vector.shape_cast %swap3A_697 : vector<1x16xf32> to vector<16xf32>
        %swap3A_699 = vector.shape_cast %mul3A_694 : vector<16xf32> to vector<1x16xf32>
        tpu.vector_store %arg10[%swap3A_695, %swap3A_696], %swap3A_699 {strides = array<i32>} : memref<128x128xf32, #tpu.memory_space<vmem>>, vector<1x16xf32>,
        %get3A_700 = arith.index_cast %add3A_646 : i32 to index
        %get3A_701 = arith.constant 80 : index
        %get3A_702 = tpu.vector_load %arg10[%get3A_700, %get3A_701] {strides = array<i32>} : memref<128x128xf32, #tpu.memory_space<vmem>>, vector<1x16xf32>,
        %get3A_703 = vector.shape_cast %get3A_702 : vector<1x16xf32> to vector<16xf32>
        %mul3A_704 = arith.mulf %get3A_703, %broadcast_in_dim3A_649 : vector<16xf32>
        %swap3A_705 = arith.index_cast %add3A_646 : i32 to index
        %swap3A_706 = arith.constant 80 : index
        %swap3A_707 = tpu.vector_load %arg10[%swap3A_705, %swap3A_706] {strides = array<i32>} : memref<128x128xf32, #tpu.memory_space<vmem>>, vector<1x16xf32>,
        %swap3A_708 = vector.shape_cast %swap3A_707 : vector<1x16xf32> to vector<16xf32>
        %swap3A_709 = vector.shape_cast %mul3A_704 : vector<16xf32> to vector<1x16xf32>
        tpu.vector_store %arg10[%swap3A_705, %swap3A_706], %swap3A_709 {strides = array<i32>} : memref<128x128xf32, #tpu.memory_space<vmem>>, vector<1x16xf32>,
        %get3A_710 = arith.index_cast %add3A_646 : i32 to index
        %get3A_711 = arith.constant 96 : index
        %get3A_712 = tpu.vector_load %arg10[%get3A_710, %get3A_711] {strides = array<i32>} : memref<128x128xf32, #tpu.memory_space<vmem>>, vector<1x16xf32>,
        %get3A_713 = vector.shape_cast %get3A_712 : vector<1x16xf32> to vector<16xf32>
        %mul3A_714 = arith.mulf %get3A_713, %broadcast_in_dim3A_649 : vector<16xf32>
        %swap3A_715 = arith.index_cast %add3A_646 : i32 to index
        %swap3A_716 = arith.constant 96 : index
        %swap3A_717 = tpu.vector_load %arg10[%swap3A_715, %swap3A_716] {strides = array<i32>} : memref<128x128xf32, #tpu.memory_space<vmem>>, vector<1x16xf32>,
        %swap3A_718 = vector.shape_cast %swap3A_717 : vector<1x16xf32> to vector<16xf32>
        %swap3A_719 = vector.shape_cast %mul3A_714 : vector<16xf32> to vector<1x16xf32>
        tpu.vector_store %arg10[%swap3A_715, %swap3A_716], %swap3A_719 {strides = array<i32>} : memref<128x128xf32, #tpu.memory_space<vmem>>, vector<1x16xf32>,
        %get3A_720 = arith.index_cast %add3A_646 : i32 to index
        %get3A_721 = arith.constant 112 : index
        %get3A_722 = tpu.vector_load %arg10[%get3A_720, %get3A_721] {strides = array<i32>} : memref<128x128xf32, #tpu.memory_space<vmem>>, vector<1x16xf32>,
        %get3A_723 = vector.shape_cast %get3A_722 : vector<1x16xf32> to vector<16xf32>
        %mul3A_724 = arith.mulf %get3A_723, %broadcast_in_dim3A_649 : vector<16xf32>
        %swap3A_725 = arith.index_cast %add3A_646 : i32 to index
        %swap3A_726 = arith.constant 112 : index
        %swap3A_727 = tpu.vector_load %arg10[%swap3A_725, %swap3A_726] {strides = array<i32>} : memref<128x128xf32, #tpu.memory_space<vmem>>, vector<1x16xf32>,
        %swap3A_728 = vector.shape_cast %swap3A_727 : vector<1x16xf32> to vector<16xf32>
        %swap3A_729 = vector.shape_cast %mul3A_724 : vector<16xf32> to vector<1x16xf32>
        tpu.vector_store %arg10[%swap3A_725, %swap3A_726], %swap3A_729 {strides = array<i32>} : memref<128x128xf32, #tpu.memory_space<vmem>>, vector<1x16xf32>,
        %mul3A_730 = arith.constant 16 : i32
        %mul3A_731 = arith.muli %scan3A_465, %mul3A_730 : i32
        %add3A_732 = arith.constant 3 : i32
        %add3A_733 = arith.addi %mul3A_731, %add3A_732 : i32
        %slice3A_734 = vector.extract_strided_slice %get3A_471 {offsets = [3], sizes = [1], strides = [1]} : vector<16xf32> to vector<1xf32>
        %squeeze3A_735 = vector.extract %slice3A_734[0] : f32 from vector<1xf32>
        %broadcast_in_dim3A_736 = vector.broadcast %squeeze3A_735 : f32 to vector<16xf32>
        %get3A_737 = arith.index_cast %add3A_733 : i32 to index
        %get3A_738 = arith.constant 0 : index
        %get3A_739 = tpu.vector_load %arg10[%get3A_737, %get3A_738] {strides = array<i32>} : memref<128x128xf32, #tpu.memory_space<vmem>>, vector<1x16xf32>,
        %get3A_740 = vector.shape_cast %get3A_739 : vector<1x16xf32> to vector<16xf32>
        %mul3A_741 = arith.mulf %get3A_740, %broadcast_in_dim3A_736 : vector<16xf32>
        %swap3A_742 = arith.index_cast %add3A_733 : i32 to index
        %swap3A_743 = arith.constant 0 : index
        %swap3A_744 = tpu.vector_load %arg10[%swap3A_742, %swap3A_743] {strides = array<i32>} : memref<128x128xf32, #tpu.memory_space<vmem>>, vector<1x16xf32>,
        %swap3A_745 = vector.shape_cast %swap3A_744 : vector<1x16xf32> to vector<16xf32>
        %swap3A_746 = vector.shape_cast %mul3A_741 : vector<16xf32> to vector<1x16xf32>
        tpu.vector_store %arg10[%swap3A_742, %swap3A_743], %swap3A_746 {strides = array<i32>} : memref<128x128xf32, #tpu.memory_space<vmem>>, vector<1x16xf32>,
        %get3A_747 = arith.index_cast %add3A_733 : i32 to index
        %get3A_748 = arith.constant 16 : index
        %get3A_749 = tpu.vector_load %arg10[%get3A_747, %get3A_748] {strides = array<i32>} : memref<128x128xf32, #tpu.memory_space<vmem>>, vector<1x16xf32>,
        %get3A_750 = vector.shape_cast %get3A_749 : vector<1x16xf32> to vector<16xf32>
        %mul3A_751 = arith.mulf %get3A_750, %broadcast_in_dim3A_736 : vector<16xf32>
        %swap3A_752 = arith.index_cast %add3A_733 : i32 to index
        %swap3A_753 = arith.constant 16 : index
        %swap3A_754 = tpu.vector_load %arg10[%swap3A_752, %swap3A_753] {strides = array<i32>} : memref<128x128xf32, #tpu.memory_space<vmem>>, vector<1x16xf32>,
        %swap3A_755 = vector.shape_cast %swap3A_754 : vector<1x16xf32> to vector<16xf32>
        %swap3A_756 = vector.shape_cast %mul3A_751 : vector<16xf32> to vector<1x16xf32>
        tpu.vector_store %arg10[%swap3A_752, %swap3A_753], %swap3A_756 {strides = array<i32>} : memref<128x128xf32, #tpu.memory_space<vmem>>, vector<1x16xf32>,
        %get3A_757 = arith.index_cast %add3A_733 : i32 to index
        %get3A_758 = arith.constant 32 : index
        %get3A_759 = tpu.vector_load %arg10[%get3A_757, %get3A_758] {strides = array<i32>} : memref<128x128xf32, #tpu.memory_space<vmem>>, vector<1x16xf32>,
        %get3A_760 = vector.shape_cast %get3A_759 : vector<1x16xf32> to vector<16xf32>
        %mul3A_761 = arith.mulf %get3A_760, %broadcast_in_dim3A_736 : vector<16xf32>
        %swap3A_762 = arith.index_cast %add3A_733 : i32 to index
        %swap3A_763 = arith.constant 32 : index
        %swap3A_764 = tpu.vector_load %arg10[%swap3A_762, %swap3A_763] {strides = array<i32>} : memref<128x128xf32, #tpu.memory_space<vmem>>, vector<1x16xf32>,
        %swap3A_765 = vector.shape_cast %swap3A_764 : vector<1x16xf32> to vector<16xf32>
        %swap3A_766 = vector.shape_cast %mul3A_761 : vector<16xf32> to vector<1x16xf32>
        tpu.vector_store %arg10[%swap3A_762, %swap3A_763], %swap3A_766 {strides = array<i32>} : memref<128x128xf32, #tpu.memory_space<vmem>>, vector<1x16xf32>,
        %get3A_767 = arith.index_cast %add3A_733 : i32 to index
        %get3A_768 = arith.constant 48 : index
        %get3A_769 = tpu.vector_load %arg10[%get3A_767, %get3A_768] {strides = array<i32>} : memref<128x128xf32, #tpu.memory_space<vmem>>, vector<1x16xf32>,
        %get3A_770 = vector.shape_cast %get3A_769 : vector<1x16xf32> to vector<16xf32>
        %mul3A_771 = arith.mulf %get3A_770, %broadcast_in_dim3A_736 : vector<16xf32>
        %swap3A_772 = arith.index_cast %add3A_733 : i32 to index
        %swap3A_773 = arith.constant 48 : index
        %swap3A_774 = tpu.vector_load %arg10[%swap3A_772, %swap3A_773] {strides = array<i32>} : memref<128x128xf32, #tpu.memory_space<vmem>>, vector<1x16xf32>,
        %swap3A_775 = vector.shape_cast %swap3A_774 : vector<1x16xf32> to vector<16xf32>
        %swap3A_776 = vector.shape_cast %mul3A_771 : vector<16xf32> to vector<1x16xf32>
        tpu.vector_store %arg10[%swap3A_772, %swap3A_773], %swap3A_776 {strides = array<i32>} : memref<128x128xf32, #tpu.memory_space<vmem>>, vector<1x16xf32>,
        %get3A_777 = arith.index_cast %add3A_733 : i32 to index
        %get3A_778 = arith.constant 64 : index
        %get3A_779 = tpu.vector_load %arg10[%get3A_777, %get3A_778] {strides = array<i32>} : memref<128x128xf32, #tpu.memory_space<vmem>>, vector<1x16xf32>,
        %get3A_780 = vector.shape_cast %get3A_779 : vector<1x16xf32> to vector<16xf32>
        %mul3A_781 = arith.mulf %get3A_780, %broadcast_in_dim3A_736 : vector<16xf32>
        %swap3A_782 = arith.index_cast %add3A_733 : i32 to index
        %swap3A_783 = arith.constant 64 : index
        %swap3A_784 = tpu.vector_load %arg10[%swap3A_782, %swap3A_783] {strides = array<i32>} : memref<128x128xf32, #tpu.memory_space<vmem>>, vector<1x16xf32>,
        %swap3A_785 = vector.shape_cast %swap3A_784 : vector<1x16xf32> to vector<16xf32>
        %swap3A_786 = vector.shape_cast %mul3A_781 : vector<16xf32> to vector<1x16xf32>
        tpu.vector_store %arg10[%swap3A_782, %swap3A_783], %swap3A_786 {strides = array<i32>} : memref<128x128xf32, #tpu.memory_space<vmem>>, vector<1x16xf32>,
        %get3A_787 = arith.index_cast %add3A_733 : i32 to index
        %get3A_788 = arith.constant 80 : index
        %get3A_789 = tpu.vector_load %arg10[%get3A_787, %get3A_788] {strides = array<i32>} : memref<128x128xf32, #tpu.memory_space<vmem>>, vector<1x16xf32>,
        %get3A_790 = vector.shape_cast %get3A_789 : vector<1x16xf32> to vector<16xf32>
        %mul3A_791 = arith.mulf %get3A_790, %broadcast_in_dim3A_736 : vector<16xf32>
        %swap3A_792 = arith.index_cast %add3A_733 : i32 to index
        %swap3A_793 = arith.constant 80 : index
        %swap3A_794 = tpu.vector_load %arg10[%swap3A_792, %swap3A_793] {strides = array<i32>} : memref<128x128xf32, #tpu.memory_space<vmem>>, vector<1x16xf32>,
        %swap3A_795 = vector.shape_cast %swap3A_794 : vector<1x16xf32> to vector<16xf32>
        %swap3A_796 = vector.shape_cast %mul3A_791 : vector<16xf32> to vector<1x16xf32>
        tpu.vector_store %arg10[%swap3A_792, %swap3A_793], %swap3A_796 {strides = array<i32>} : memref<128x128xf32, #tpu.memory_space<vmem>>, vector<1x16xf32>,
        %get3A_797 = arith.index_cast %add3A_733 : i32 to index
        %get3A_798 = arith.constant 96 : index
        %get3A_799 = tpu.vector_load %arg10[%get3A_797, %get3A_798] {strides = array<i32>} : memref<128x128xf32, #tpu.memory_space<vmem>>, vector<1x16xf32>,
        %get3A_800 = vector.shape_cast %get3A_799 : vector<1x16xf32> to vector<16xf32>
        %mul3A_801 = arith.mulf %get3A_800, %broadcast_in_dim3A_736 : vector<16xf32>
        %swap3A_802 = arith.index_cast %add3A_733 : i32 to index
        %swap3A_803 = arith.constant 96 : index
        %swap3A_804 = tpu.vector_load %arg10[%swap3A_802, %swap3A_803] {strides = array<i32>} : memref<128x128xf32, #tpu.memory_space<vmem>>, vector<1x16xf32>,
        %swap3A_805 = vector.shape_cast %swap3A_804 : vector<1x16xf32> to vector<16xf32>
        %swap3A_806 = vector.shape_cast %mul3A_801 : vector<16xf32> to vector<1x16xf32>
        tpu.vector_store %arg10[%swap3A_802, %swap3A_803], %swap3A_806 {strides = array<i32>} : memref<128x128xf32, #tpu.memory_space<vmem>>, vector<1x16xf32>,
        %get3A_807 = arith.index_cast %add3A_733 : i32 to index
        %get3A_808 = arith.constant 112 : index
        %get3A_809 = tpu.vector_load %arg10[%get3A_807, %get3A_808] {strides = array<i32>} : memref<128x128xf32, #tpu.memory_space<vmem>>, vector<1x16xf32>,
        %get3A_810 = vector.shape_cast %get3A_809 : vector<1x16xf32> to vector<16xf32>
        %mul3A_811 = arith.mulf %get3A_810, %broadcast_in_dim3A_736 : vector<16xf32>
        %swap3A_812 = arith.index_cast %add3A_733 : i32 to index
        %swap3A_813 = arith.constant 112 : index
        %swap3A_814 = tpu.vector_load %arg10[%swap3A_812, %swap3A_813] {strides = array<i32>} : memref<128x128xf32, #tpu.memory_space<vmem>>, vector<1x16xf32>,
        %swap3A_815 = vector.shape_cast %swap3A_814 : vector<1x16xf32> to vector<16xf32>
        %swap3A_816 = vector.shape_cast %mul3A_811 : vector<16xf32> to vector<1x16xf32>
        tpu.vector_store %arg10[%swap3A_812, %swap3A_813], %swap3A_816 {strides = array<i32>} : memref<128x128xf32, #tpu.memory_space<vmem>>, vector<1x16xf32>,
        %mul3A_817 = arith.constant 16 : i32
        %mul3A_818 = arith.muli %scan3A_465, %mul3A_817 : i32
        %add3A_819 = arith.constant 4 : i32
        %add3A_820 = arith.addi %mul3A_818, %add3A_819 : i32
        %slice3A_821 = vector.extract_strided_slice %get3A_471 {offsets = [4], sizes = [1], strides = [1]} : vector<16xf32> to vector<1xf32>
        %squeeze3A_822 = vector.extract %slice3A_821[0] : f32 from vector<1xf32>
        %broadcast_in_dim3A_823 = vector.broadcast %squeeze3A_822 : f32 to vector<16xf32>
        %get3A_824 = arith.index_cast %add3A_820 : i32 to index
        %get3A_825 = arith.constant 0 : index
        %get3A_826 = tpu.vector_load %arg10[%get3A_824, %get3A_825] {strides = array<i32>} : memref<128x128xf32, #tpu.memory_space<vmem>>, vector<1x16xf32>,
        %get3A_827 = vector.shape_cast %get3A_826 : vector<1x16xf32> to vector<16xf32>
        %mul3A_828 = arith.mulf %get3A_827, %broadcast_in_dim3A_823 : vector<16xf32>
        %swap3A_829 = arith.index_cast %add3A_820 : i32 to index
        %swap3A_830 = arith.constant 0 : index
        %swap3A_831 = tpu.vector_load %arg10[%swap3A_829, %swap3A_830] {strides = array<i32>} : memref<128x128xf32, #tpu.memory_space<vmem>>, vector<1x16xf32>,
        %swap3A_832 = vector.shape_cast %swap3A_831 : vector<1x16xf32> to vector<16xf32>
        %swap3A_833 = vector.shape_cast %mul3A_828 : vector<16xf32> to vector<1x16xf32>
        tpu.vector_store %arg10[%swap3A_829, %swap3A_830], %swap3A_833 {strides = array<i32>} : memref<128x128xf32, #tpu.memory_space<vmem>>, vector<1x16xf32>,
        %get3A_834 = arith.index_cast %add3A_820 : i32 to index
        %get3A_835 = arith.constant 16 : index
        %get3A_836 = tpu.vector_load %arg10[%get3A_834, %get3A_835] {strides = array<i32>} : memref<128x128xf32, #tpu.memory_space<vmem>>, vector<1x16xf32>,
        %get3A_837 = vector.shape_cast %get3A_836 : vector<1x16xf32> to vector<16xf32>
        %mul3A_838 = arith.mulf %get3A_837, %broadcast_in_dim3A_823 : vector<16xf32>
        %swap3A_839 = arith.index_cast %add3A_820 : i32 to index
        %swap3A_840 = arith.constant 16 : index
        %swap3A_841 = tpu.vector_load %arg10[%swap3A_839, %swap3A_840] {strides = array<i32>} : memref<128x128xf32, #tpu.memory_space<vmem>>, vector<1x16xf32>,
        %swap3A_842 = vector.shape_cast %swap3A_841 : vector<1x16xf32> to vector<16xf32>
        %swap3A_843 = vector.shape_cast %mul3A_838 : vector<16xf32> to vector<1x16xf32>
        tpu.vector_store %arg10[%swap3A_839, %swap3A_840], %swap3A_843 {strides = array<i32>} : memref<128x128xf32, #tpu.memory_space<vmem>>, vector<1x16xf32>,
        %get3A_844 = arith.index_cast %add3A_820 : i32 to index
        %get3A_845 = arith.constant 32 : index
        %get3A_846 = tpu.vector_load %arg10[%get3A_844, %get3A_845] {strides = array<i32>} : memref<128x128xf32, #tpu.memory_space<vmem>>, vector<1x16xf32>,
        %get3A_847 = vector.shape_cast %get3A_846 : vector<1x16xf32> to vector<16xf32>
        %mul3A_848 = arith.mulf %get3A_847, %broadcast_in_dim3A_823 : vector<16xf32>
        %swap3A_849 = arith.index_cast %add3A_820 : i32 to index
        %swap3A_850 = arith.constant 32 : index
        %swap3A_851 = tpu.vector_load %arg10[%swap3A_849, %swap3A_850] {strides = array<i32>} : memref<128x128xf32, #tpu.memory_space<vmem>>, vector<1x16xf32>,
        %swap3A_852 = vector.shape_cast %swap3A_851 : vector<1x16xf32> to vector<16xf32>
        %swap3A_853 = vector.shape_cast %mul3A_848 : vector<16xf32> to vector<1x16xf32>
        tpu.vector_store %arg10[%swap3A_849, %swap3A_850], %swap3A_853 {strides = array<i32>} : memref<128x128xf32, #tpu.memory_space<vmem>>, vector<1x16xf32>,
        %get3A_854 = arith.index_cast %add3A_820 : i32 to index
        %get3A_855 = arith.constant 48 : index
        %get3A_856 = tpu.vector_load %arg10[%get3A_854, %get3A_855] {strides = array<i32>} : memref<128x128xf32, #tpu.memory_space<vmem>>, vector<1x16xf32>,
        %get3A_857 = vector.shape_cast %get3A_856 : vector<1x16xf32> to vector<16xf32>
        %mul3A_858 = arith.mulf %get3A_857, %broadcast_in_dim3A_823 : vector<16xf32>
        %swap3A_859 = arith.index_cast %add3A_820 : i32 to index
        %swap3A_860 = arith.constant 48 : index
        %swap3A_861 = tpu.vector_load %arg10[%swap3A_859, %swap3A_860] {strides = array<i32>} : memref<128x128xf32, #tpu.memory_space<vmem>>, vector<1x16xf32>,
        %swap3A_862 = vector.shape_cast %swap3A_861 : vector<1x16xf32> to vector<16xf32>
        %swap3A_863 = vector.shape_cast %mul3A_858 : vector<16xf32> to vector<1x16xf32>
        tpu.vector_store %arg10[%swap3A_859, %swap3A_860], %swap3A_863 {strides = array<i32>} : memref<128x128xf32, #tpu.memory_space<vmem>>, vector<1x16xf32>,
        %get3A_864 = arith.index_cast %add3A_820 : i32 to index
        %get3A_865 = arith.constant 64 : index
        %get3A_866 = tpu.vector_load %arg10[%get3A_864, %get3A_865] {strides = array<i32>} : memref<128x128xf32, #tpu.memory_space<vmem>>, vector<1x16xf32>,
        %get3A_867 = vector.shape_cast %get3A_866 : vector<1x16xf32> to vector<16xf32>
        %mul3A_868 = arith.mulf %get3A_867, %broadcast_in_dim3A_823 : vector<16xf32>
        %swap3A_869 = arith.index_cast %add3A_820 : i32 to index
        %swap3A_870 = arith.constant 64 : index
        %swap3A_871 = tpu.vector_load %arg10[%swap3A_869, %swap3A_870] {strides = array<i32>} : memref<128x128xf32, #tpu.memory_space<vmem>>, vector<1x16xf32>,
        %swap3A_872 = vector.shape_cast %swap3A_871 : vector<1x16xf32> to vector<16xf32>
        %swap3A_873 = vector.shape_cast %mul3A_868 : vector<16xf32> to vector<1x16xf32>
        tpu.vector_store %arg10[%swap3A_869, %swap3A_870], %swap3A_873 {strides = array<i32>} : memref<128x128xf32, #tpu.memory_space<vmem>>, vector<1x16xf32>,
        %get3A_874 = arith.index_cast %add3A_820 : i32 to index
        %get3A_875 = arith.constant 80 : index
        %get3A_876 = tpu.vector_load %arg10[%get3A_874, %get3A_875] {strides = array<i32>} : memref<128x128xf32, #tpu.memory_space<vmem>>, vector<1x16xf32>,
        %get3A_877 = vector.shape_cast %get3A_876 : vector<1x16xf32> to vector<16xf32>
        %mul3A_878 = arith.mulf %get3A_877, %broadcast_in_dim3A_823 : vector<16xf32>
        %swap3A_879 = arith.index_cast %add3A_820 : i32 to index
        %swap3A_880 = arith.constant 80 : index
        %swap3A_881 = tpu.vector_load %arg10[%swap3A_879, %swap3A_880] {strides = array<i32>} : memref<128x128xf32, #tpu.memory_space<vmem>>, vector<1x16xf32>,
        %swap3A_882 = vector.shape_cast %swap3A_881 : vector<1x16xf32> to vector<16xf32>
        %swap3A_883 = vector.shape_cast %mul3A_878 : vector<16xf32> to vector<1x16xf32>
        tpu.vector_store %arg10[%swap3A_879, %swap3A_880], %swap3A_883 {strides = array<i32>} : memref<128x128xf32, #tpu.memory_space<vmem>>, vector<1x16xf32>,
        %get3A_884 = arith.index_cast %add3A_820 : i32 to index
        %get3A_885 = arith.constant 96 : index
        %get3A_886 = tpu.vector_load %arg10[%get3A_884, %get3A_885] {strides = array<i32>} : memref<128x128xf32, #tpu.memory_space<vmem>>, vector<1x16xf32>,
        %get3A_887 = vector.shape_cast %get3A_886 : vector<1x16xf32> to vector<16xf32>
        %mul3A_888 = arith.mulf %get3A_887, %broadcast_in_dim3A_823 : vector<16xf32>
        %swap3A_889 = arith.index_cast %add3A_820 : i32 to index
        %swap3A_890 = arith.constant 96 : index
        %swap3A_891 = tpu.vector_load %arg10[%swap3A_889, %swap3A_890] {strides = array<i32>} : memref<128x128xf32, #tpu.memory_space<vmem>>, vector<1x16xf32>,
        %swap3A_892 = vector.shape_cast %swap3A_891 : vector<1x16xf32> to vector<16xf32>
        %swap3A_893 = vector.shape_cast %mul3A_888 : vector<16xf32> to vector<1x16xf32>
        tpu.vector_store %arg10[%swap3A_889, %swap3A_890], %swap3A_893 {strides = array<i32>} : memref<128x128xf32, #tpu.memory_space<vmem>>, vector<1x16xf32>,
        %get3A_894 = arith.index_cast %add3A_820 : i32 to index
        %get3A_895 = arith.constant 112 : index
        %get3A_896 = tpu.vector_load %arg10[%get3A_894, %get3A_895] {strides = array<i32>} : memref<128x128xf32, #tpu.memory_space<vmem>>, vector<1x16xf32>,
        %get3A_897 = vector.shape_cast %get3A_896 : vector<1x16xf32> to vector<16xf32>
        %mul3A_898 = arith.mulf %get3A_897, %broadcast_in_dim3A_823 : vector<16xf32>
        %swap3A_899 = arith.index_cast %add3A_820 : i32 to index
        %swap3A_900 = arith.constant 112 : index
        %swap3A_901 = tpu.vector_load %arg10[%swap3A_899, %swap3A_900] {strides = array<i32>} : memref<128x128xf32, #tpu.memory_space<vmem>>, vector<1x16xf32>,
        %swap3A_902 = vector.shape_cast %swap3A_901 : vector<1x16xf32> to vector<16xf32>
        %swap3A_903 = vector.shape_cast %mul3A_898 : vector<16xf32> to vector<1x16xf32>
        tpu.vector_store %arg10[%swap3A_899, %swap3A_900], %swap3A_903 {strides = array<i32>} : memref<128x128xf32, #tpu.memory_space<vmem>>, vector<1x16xf32>,
        %mul3A_904 = arith.constant 16 : i32
        %mul3A_905 = arith.muli %scan3A_465, %mul3A_904 : i32
        %add3A_906 = arith.constant 5 : i32
        %add3A_907 = arith.addi %mul3A_905, %add3A_906 : i32
        %slice3A_908 = vector.extract_strided_slice %get3A_471 {offsets = [5], sizes = [1], strides = [1]} : vector<16xf32> to vector<1xf32>
        %squeeze3A_909 = vector.extract %slice3A_908[0] : f32 from vector<1xf32>
        %broadcast_in_dim3A_910 = vector.broadcast %squeeze3A_909 : f32 to vector<16xf32>
        %get3A_911 = arith.index_cast %add3A_907 : i32 to index
        %get3A_912 = arith.constant 0 : index
        %get3A_913 = tpu.vector_load %arg10[%get3A_911, %get3A_912] {strides = array<i32>} : memref<128x128xf32, #tpu.memory_space<vmem>>, vector<1x16xf32>,
        %get3A_914 = vector.shape_cast %get3A_913 : vector<1x16xf32> to vector<16xf32>
        %mul3A_915 = arith.mulf %get3A_914, %broadcast_in_dim3A_910 : vector<16xf32>
        %swap3A_916 = arith.index_cast %add3A_907 : i32 to index
        %swap3A_917 = arith.constant 0 : index
        %swap3A_918 = tpu.vector_load %arg10[%swap3A_916, %swap3A_917] {strides = array<i32>} : memref<128x128xf32, #tpu.memory_space<vmem>>, vector<1x16xf32>,
        %swap3A_919 = vector.shape_cast %swap3A_918 : vector<1x16xf32> to vector<16xf32>
        %swap3A_920 = vector.shape_cast %mul3A_915 : vector<16xf32> to vector<1x16xf32>
        tpu.vector_store %arg10[%swap3A_916, %swap3A_917], %swap3A_920 {strides = array<i32>} : memref<128x128xf32, #tpu.memory_space<vmem>>, vector<1x16xf32>,
        %get3A_921 = arith.index_cast %add3A_907 : i32 to index
        %get3A_922 = arith.constant 16 : index
        %get3A_923 = tpu.vector_load %arg10[%get3A_921, %get3A_922] {strides = array<i32>} : memref<128x128xf32, #tpu.memory_space<vmem>>, vector<1x16xf32>,
        %get3A_924 = vector.shape_cast %get3A_923 : vector<1x16xf32> to vector<16xf32>
        %mul3A_925 = arith.mulf %get3A_924, %broadcast_in_dim3A_910 : vector<16xf32>
        %swap3A_926 = arith.index_cast %add3A_907 : i32 to index
        %swap3A_927 = arith.constant 16 : index
        %swap3A_928 = tpu.vector_load %arg10[%swap3A_926, %swap3A_927] {strides = array<i32>} : memref<128x128xf32, #tpu.memory_space<vmem>>, vector<1x16xf32>,
        %swap3A_929 = vector.shape_cast %swap3A_928 : vector<1x16xf32> to vector<16xf32>
        %swap3A_930 = vector.shape_cast %mul3A_925 : vector<16xf32> to vector<1x16xf32>
        tpu.vector_store %arg10[%swap3A_926, %swap3A_927], %swap3A_930 {strides = array<i32>} : memref<128x128xf32, #tpu.memory_space<vmem>>, vector<1x16xf32>,
        %get3A_931 = arith.index_cast %add3A_907 : i32 to index
        %get3A_932 = arith.constant 32 : index
        %get3A_933 = tpu.vector_load %arg10[%get3A_931, %get3A_932] {strides = array<i32>} : memref<128x128xf32, #tpu.memory_space<vmem>>, vector<1x16xf32>,
        %get3A_934 = vector.shape_cast %get3A_933 : vector<1x16xf32> to vector<16xf32>
        %mul3A_935 = arith.mulf %get3A_934, %broadcast_in_dim3A_910 : vector<16xf32>
        %swap3A_936 = arith.index_cast %add3A_907 : i32 to index
        %swap3A_937 = arith.constant 32 : index
        %swap3A_938 = tpu.vector_load %arg10[%swap3A_936, %swap3A_937] {strides = array<i32>} : memref<128x128xf32, #tpu.memory_space<vmem>>, vector<1x16xf32>,
        %swap3A_939 = vector.shape_cast %swap3A_938 : vector<1x16xf32> to vector<16xf32>
        %swap3A_940 = vector.shape_cast %mul3A_935 : vector<16xf32> to vector<1x16xf32>
        tpu.vector_store %arg10[%swap3A_936, %swap3A_937], %swap3A_940 {strides = array<i32>} : memref<128x128xf32, #tpu.memory_space<vmem>>, vector<1x16xf32>,
        %get3A_941 = arith.index_cast %add3A_907 : i32 to index
        %get3A_942 = arith.constant 48 : index
        %get3A_943 = tpu.vector_load %arg10[%get3A_941, %get3A_942] {strides = array<i32>} : memref<128x128xf32, #tpu.memory_space<vmem>>, vector<1x16xf32>,
        %get3A_944 = vector.shape_cast %get3A_943 : vector<1x16xf32> to vector<16xf32>
        %mul3A_945 = arith.mulf %get3A_944, %broadcast_in_dim3A_910 : vector<16xf32>
        %swap3A_946 = arith.index_cast %add3A_907 : i32 to index
        %swap3A_947 = arith.constant 48 : index
        %swap3A_948 = tpu.vector_load %arg10[%swap3A_946, %swap3A_947] {strides = array<i32>} : memref<128x128xf32, #tpu.memory_space<vmem>>, vector<1x16xf32>,
        %swap3A_949 = vector.shape_cast %swap3A_948 : vector<1x16xf32> to vector<16xf32>
        %swap3A_950 = vector.shape_cast %mul3A_945 : vector<16xf32> to vector<1x16xf32>
        tpu.vector_store %arg10[%swap3A_946, %swap3A_947], %swap3A_950 {strides = array<i32>} : memref<128x128xf32, #tpu.memory_space<vmem>>, vector<1x16xf32>,
        %get3A_951 = arith.index_cast %add3A_907 : i32 to index
        %get3A_952 = arith.constant 64 : index
        %get3A_953 = tpu.vector_load %arg10[%get3A_951, %get3A_952] {strides = array<i32>} : memref<128x128xf32, #tpu.memory_space<vmem>>, vector<1x16xf32>,
        %get3A_954 = vector.shape_cast %get3A_953 : vector<1x16xf32> to vector<16xf32>
        %mul3A_955 = arith.mulf %get3A_954, %broadcast_in_dim3A_910 : vector<16xf32>
        %swap3A_956 = arith.index_cast %add3A_907 : i32 to index
        %swap3A_957 = arith.constant 64 : index
        %swap3A_958 = tpu.vector_load %arg10[%swap3A_956, %swap3A_957] {strides = array<i32>} : memref<128x128xf32, #tpu.memory_space<vmem>>, vector<1x16xf32>,
        %swap3A_959 = vector.shape_cast %swap3A_958 : vector<1x16xf32> to vector<16xf32>
        %swap3A_960 = vector.shape_cast %mul3A_955 : vector<16xf32> to vector<1x16xf32>
        tpu.vector_store %arg10[%swap3A_956, %swap3A_957], %swap3A_960 {strides = array<i32>} : memref<128x128xf32, #tpu.memory_space<vmem>>, vector<1x16xf32>,
        %get3A_961 = arith.index_cast %add3A_907 : i32 to index
        %get3A_962 = arith.constant 80 : index
        %get3A_963 = tpu.vector_load %arg10[%get3A_961, %get3A_962] {strides = array<i32>} : memref<128x128xf32, #tpu.memory_space<vmem>>, vector<1x16xf32>,
        %get3A_964 = vector.shape_cast %get3A_963 : vector<1x16xf32> to vector<16xf32>
        %mul3A_965 = arith.mulf %get3A_964, %broadcast_in_dim3A_910 : vector<16xf32>
        %swap3A_966 = arith.index_cast %add3A_907 : i32 to index
        %swap3A_967 = arith.constant 80 : index
        %swap3A_968 = tpu.vector_load %arg10[%swap3A_966, %swap3A_967] {strides = array<i32>} : memref<128x128xf32, #tpu.memory_space<vmem>>, vector<1x16xf32>,
        %swap3A_969 = vector.shape_cast %swap3A_968 : vector<1x16xf32> to vector<16xf32>
        %swap3A_970 = vector.shape_cast %mul3A_965 : vector<16xf32> to vector<1x16xf32>
        tpu.vector_store %arg10[%swap3A_966, %swap3A_967], %swap3A_970 {strides = array<i32>} : memref<128x128xf32, #tpu.memory_space<vmem>>, vector<1x16xf32>,
        %get3A_971 = arith.index_cast %add3A_907 : i32 to index
        %get3A_972 = arith.constant 96 : index
        %get3A_973 = tpu.vector_load %arg10[%get3A_971, %get3A_972] {strides = array<i32>} : memref<128x128xf32, #tpu.memory_space<vmem>>, vector<1x16xf32>,
        %get3A_974 = vector.shape_cast %get3A_973 : vector<1x16xf32> to vector<16xf32>
        %mul3A_975 = arith.mulf %get3A_974, %broadcast_in_dim3A_910 : vector<16xf32>
        %swap3A_976 = arith.index_cast %add3A_907 : i32 to index
        %swap3A_977 = arith.constant 96 : index
        %swap3A_978 = tpu.vector_load %arg10[%swap3A_976, %swap3A_977] {strides = array<i32>} : memref<128x128xf32, #tpu.memory_space<vmem>>, vector<1x16xf32>,
        %swap3A_979 = vector.shape_cast %swap3A_978 : vector<1x16xf32> to vector<16xf32>
        %swap3A_980 = vector.shape_cast %mul3A_975 : vector<16xf32> to vector<1x16xf32>
        tpu.vector_store %arg10[%swap3A_976, %swap3A_977], %swap3A_980 {strides = array<i32>} : memref<128x128xf32, #tpu.memory_space<vmem>>, vector<1x16xf32>,
        %get3A_981 = arith.index_cast %add3A_907 : i32 to index
        %get3A_982 = arith.constant 112 : index
        %get3A_983 = tpu.vector_load %arg10[%get3A_981, %get3A_982] {strides = array<i32>} : memref<128x128xf32, #tpu.memory_space<vmem>>, vector<1x16xf32>,
        %get3A_984 = vector.shape_cast %get3A_983 : vector<1x16xf32> to vector<16xf32>
        %mul3A_985 = arith.mulf %get3A_984, %broadcast_in_dim3A_910 : vector<16xf32>
        %swap3A_986 = arith.index_cast %add3A_907 : i32 to index
        %swap3A_987 = arith.constant 112 : index
        %swap3A_988 = tpu.vector_load %arg10[%swap3A_986, %swap3A_987] {strides = array<i32>} : memref<128x128xf32, #tpu.memory_space<vmem>>, vector<1x16xf32>,
        %swap3A_989 = vector.shape_cast %swap3A_988 : vector<1x16xf32> to vector<16xf32>
        %swap3A_990 = vector.shape_cast %mul3A_985 : vector<16xf32> to vector<1x16xf32>
        tpu.vector_store %arg10[%swap3A_986, %swap3A_987], %swap3A_990 {strides = array<i32>} : memref<128x128xf32, #tpu.memory_space<vmem>>, vector<1x16xf32>,
        %mul3A_991 = arith.constant 16 : i32
        %mul3A_992 = arith.muli %scan3A_465, %mul3A_991 : i32
        %add3A_993 = arith.constant 6 : i32
        %add3A_994 = arith.addi %mul3A_992, %add3A_993 : i32
        %slice3A_995 = vector.extract_strided_slice %get3A_471 {offsets = [6], sizes = [1], strides = [1]} : vector<16xf32> to vector<1xf32>
        %squeeze3A_996 = vector.extract %slice3A_995[0] : f32 from vector<1xf32>
        %broadcast_in_dim3A_997 = vector.broadcast %squeeze3A_996 : f32 to vector<16xf32>
        %get3A_998 = arith.index_cast %add3A_994 : i32 to index
        %get3A_999 = arith.constant 0 : index
        %get3A_1000 = tpu.vector_load %arg10[%get3A_998, %get3A_999] {strides = array<i32>} : memref<128x128xf32, #tpu.memory_space<vmem>>, vector<1x16xf32>,
        %get3A_1001 = vector.shape_cast %get3A_1000 : vector<1x16xf32> to vector<16xf32>
        %mul3A_1002 = arith.mulf %get3A_1001, %broadcast_in_dim3A_997 : vector<16xf32>
        %swap3A_1003 = arith.index_cast %add3A_994 : i32 to index
        %swap3A_1004 = arith.constant 0 : index
        %swap3A_1005 = tpu.vector_load %arg10[%swap3A_1003, %swap3A_1004] {strides = array<i32>} : memref<128x128xf32, #tpu.memory_space<vmem>>, vector<1x16xf32>,
        %swap3A_1006 = vector.shape_cast %swap3A_1005 : vector<1x16xf32> to vector<16xf32>
        %swap3A_1007 = vector.shape_cast %mul3A_1002 : vector<16xf32> to vector<1x16xf32>
        tpu.vector_store %arg10[%swap3A_1003, %swap3A_1004], %swap3A_1007 {strides = array<i32>} : memref<128x128xf32, #tpu.memory_space<vmem>>, vector<1x16xf32>,
        %get3A_1008 = arith.index_cast %add3A_994 : i32 to index
        %get3A_1009 = arith.constant 16 : index
        %get3A_1010 = tpu.vector_load %arg10[%get3A_1008, %get3A_1009] {strides = array<i32>} : memref<128x128xf32, #tpu.memory_space<vmem>>, vector<1x16xf32>,
        %get3A_1011 = vector.shape_cast %get3A_1010 : vector<1x16xf32> to vector<16xf32>
        %mul3A_1012 = arith.mulf %get3A_1011, %broadcast_in_dim3A_997 : vector<16xf32>
        %swap3A_1013 = arith.index_cast %add3A_994 : i32 to index
        %swap3A_1014 = arith.constant 16 : index
        %swap3A_1015 = tpu.vector_load %arg10[%swap3A_1013, %swap3A_1014] {strides = array<i32>} : memref<128x128xf32, #tpu.memory_space<vmem>>, vector<1x16xf32>,
        %swap3A_1016 = vector.shape_cast %swap3A_1015 : vector<1x16xf32> to vector<16xf32>
        %swap3A_1017 = vector.shape_cast %mul3A_1012 : vector<16xf32> to vector<1x16xf32>
        tpu.vector_store %arg10[%swap3A_1013, %swap3A_1014], %swap3A_1017 {strides = array<i32>} : memref<128x128xf32, #tpu.memory_space<vmem>>, vector<1x16xf32>,
        %get3A_1018 = arith.index_cast %add3A_994 : i32 to index
        %get3A_1019 = arith.constant 32 : index
        %get3A_1020 = tpu.vector_load %arg10[%get3A_1018, %get3A_1019] {strides = array<i32>} : memref<128x128xf32, #tpu.memory_space<vmem>>, vector<1x16xf32>,
        %get3A_1021 = vector.shape_cast %get3A_1020 : vector<1x16xf32> to vector<16xf32>
        %mul3A_1022 = arith.mulf %get3A_1021, %broadcast_in_dim3A_997 : vector<16xf32>
        %swap3A_1023 = arith.index_cast %add3A_994 : i32 to index
        %swap3A_1024 = arith.constant 32 : index
        %swap3A_1025 = tpu.vector_load %arg10[%swap3A_1023, %swap3A_1024] {strides = array<i32>} : memref<128x128xf32, #tpu.memory_space<vmem>>, vector<1x16xf32>,
        %swap3A_1026 = vector.shape_cast %swap3A_1025 : vector<1x16xf32> to vector<16xf32>
        %swap3A_1027 = vector.shape_cast %mul3A_1022 : vector<16xf32> to vector<1x16xf32>
        tpu.vector_store %arg10[%swap3A_1023, %swap3A_1024], %swap3A_1027 {strides = array<i32>} : memref<128x128xf32, #tpu.memory_space<vmem>>, vector<1x16xf32>,
        %get3A_1028 = arith.index_cast %add3A_994 : i32 to index
        %get3A_1029 = arith.constant 48 : index
        %get3A_1030 = tpu.vector_load %arg10[%get3A_1028, %get3A_1029] {strides = array<i32>} : memref<128x128xf32, #tpu.memory_space<vmem>>, vector<1x16xf32>,
        %get3A_1031 = vector.shape_cast %get3A_1030 : vector<1x16xf32> to vector<16xf32>
        %mul3A_1032 = arith.mulf %get3A_1031, %broadcast_in_dim3A_997 : vector<16xf32>
        %swap3A_1033 = arith.index_cast %add3A_994 : i32 to index
        %swap3A_1034 = arith.constant 48 : index
        %swap3A_1035 = tpu.vector_load %arg10[%swap3A_1033, %swap3A_1034] {strides = array<i32>} : memref<128x128xf32, #tpu.memory_space<vmem>>, vector<1x16xf32>,
        %swap3A_1036 = vector.shape_cast %swap3A_1035 : vector<1x16xf32> to vector<16xf32>
        %swap3A_1037 = vector.shape_cast %mul3A_1032 : vector<16xf32> to vector<1x16xf32>
        tpu.vector_store %arg10[%swap3A_1033, %swap3A_1034], %swap3A_1037 {strides = array<i32>} : memref<128x128xf32, #tpu.memory_space<vmem>>, vector<1x16xf32>,
        %get3A_1038 = arith.index_cast %add3A_994 : i32 to index
        %get3A_1039 = arith.constant 64 : index
        %get3A_1040 = tpu.vector_load %arg10[%get3A_1038, %get3A_1039] {strides = array<i32>} : memref<128x128xf32, #tpu.memory_space<vmem>>, vector<1x16xf32>,
        %get3A_1041 = vector.shape_cast %get3A_1040 : vector<1x16xf32> to vector<16xf32>
        %mul3A_1042 = arith.mulf %get3A_1041, %broadcast_in_dim3A_997 : vector<16xf32>
        %swap3A_1043 = arith.index_cast %add3A_994 : i32 to index
        %swap3A_1044 = arith.constant 64 : index
        %swap3A_1045 = tpu.vector_load %arg10[%swap3A_1043, %swap3A_1044] {strides = array<i32>} : memref<128x128xf32, #tpu.memory_space<vmem>>, vector<1x16xf32>,
        %swap3A_1046 = vector.shape_cast %swap3A_1045 : vector<1x16xf32> to vector<16xf32>
        %swap3A_1047 = vector.shape_cast %mul3A_1042 : vector<16xf32> to vector<1x16xf32>
        tpu.vector_store %arg10[%swap3A_1043, %swap3A_1044], %swap3A_1047 {strides = array<i32>} : memref<128x128xf32, #tpu.memory_space<vmem>>, vector<1x16xf32>,
        %get3A_1048 = arith.index_cast %add3A_994 : i32 to index
        %get3A_1049 = arith.constant 80 : index
        %get3A_1050 = tpu.vector_load %arg10[%get3A_1048, %get3A_1049] {strides = array<i32>} : memref<128x128xf32, #tpu.memory_space<vmem>>, vector<1x16xf32>,
        %get3A_1051 = vector.shape_cast %get3A_1050 : vector<1x16xf32> to vector<16xf32>
        %mul3A_1052 = arith.mulf %get3A_1051, %broadcast_in_dim3A_997 : vector<16xf32>
        %swap3A_1053 = arith.index_cast %add3A_994 : i32 to index
        %swap3A_1054 = arith.constant 80 : index
        %swap3A_1055 = tpu.vector_load %arg10[%swap3A_1053, %swap3A_1054] {strides = array<i32>} : memref<128x128xf32, #tpu.memory_space<vmem>>, vector<1x16xf32>,
        %swap3A_1056 = vector.shape_cast %swap3A_1055 : vector<1x16xf32> to vector<16xf32>
        %swap3A_1057 = vector.shape_cast %mul3A_1052 : vector<16xf32> to vector<1x16xf32>
        tpu.vector_store %arg10[%swap3A_1053, %swap3A_1054], %swap3A_1057 {strides = array<i32>} : memref<128x128xf32, #tpu.memory_space<vmem>>, vector<1x16xf32>,
        %get3A_1058 = arith.index_cast %add3A_994 : i32 to index
        %get3A_1059 = arith.constant 96 : index
        %get3A_1060 = tpu.vector_load %arg10[%get3A_1058, %get3A_1059] {strides = array<i32>} : memref<128x128xf32, #tpu.memory_space<vmem>>, vector<1x16xf32>,
        %get3A_1061 = vector.shape_cast %get3A_1060 : vector<1x16xf32> to vector<16xf32>
        %mul3A_1062 = arith.mulf %get3A_1061, %broadcast_in_dim3A_997 : vector<16xf32>
        %swap3A_1063 = arith.index_cast %add3A_994 : i32 to index
        %swap3A_1064 = arith.constant 96 : index
        %swap3A_1065 = tpu.vector_load %arg10[%swap3A_1063, %swap3A_1064] {strides = array<i32>} : memref<128x128xf32, #tpu.memory_space<vmem>>, vector<1x16xf32>,
        %swap3A_1066 = vector.shape_cast %swap3A_1065 : vector<1x16xf32> to vector<16xf32>
        %swap3A_1067 = vector.shape_cast %mul3A_1062 : vector<16xf32> to vector<1x16xf32>
        tpu.vector_store %arg10[%swap3A_1063, %swap3A_1064], %swap3A_1067 {strides = array<i32>} : memref<128x128xf32, #tpu.memory_space<vmem>>, vector<1x16xf32>,
        %get3A_1068 = arith.index_cast %add3A_994 : i32 to index
        %get3A_1069 = arith.constant 112 : index
        %get3A_1070 = tpu.vector_load %arg10[%get3A_1068, %get3A_1069] {strides = array<i32>} : memref<128x128xf32, #tpu.memory_space<vmem>>, vector<1x16xf32>,
        %get3A_1071 = vector.shape_cast %get3A_1070 : vector<1x16xf32> to vector<16xf32>
        %mul3A_1072 = arith.mulf %get3A_1071, %broadcast_in_dim3A_997 : vector<16xf32>
        %swap3A_1073 = arith.index_cast %add3A_994 : i32 to index
        %swap3A_1074 = arith.constant 112 : index
        %swap3A_1075 = tpu.vector_load %arg10[%swap3A_1073, %swap3A_1074] {strides = array<i32>} : memref<128x128xf32, #tpu.memory_space<vmem>>, vector<1x16xf32>,
        %swap3A_1076 = vector.shape_cast %swap3A_1075 : vector<1x16xf32> to vector<16xf32>
        %swap3A_1077 = vector.shape_cast %mul3A_1072 : vector<16xf32> to vector<1x16xf32>
        tpu.vector_store %arg10[%swap3A_1073, %swap3A_1074], %swap3A_1077 {strides = array<i32>} : memref<128x128xf32, #tpu.memory_space<vmem>>, vector<1x16xf32>,
        %mul3A_1078 = arith.constant 16 : i32
        %mul3A_1079 = arith.muli %scan3A_465, %mul3A_1078 : i32
        %add3A_1080 = arith.constant 7 : i32
        %add3A_1081 = arith.addi %mul3A_1079, %add3A_1080 : i32
        %slice3A_1082 = vector.extract_strided_slice %get3A_471 {offsets = [7], sizes = [1], strides = [1]} : vector<16xf32> to vector<1xf32>
        %squeeze3A_1083 = vector.extract %slice3A_1082[0] : f32 from vector<1xf32>
        %broadcast_in_dim3A_1084 = vector.broadcast %squeeze3A_1083 : f32 to vector<16xf32>
        %get3A_1085 = arith.index_cast %add3A_1081 : i32 to index
        %get3A_1086 = arith.constant 0 : index
        %get3A_1087 = tpu.vector_load %arg10[%get3A_1085, %get3A_1086] {strides = array<i32>} : memref<128x128xf32, #tpu.memory_space<vmem>>, vector<1x16xf32>,
        %get3A_1088 = vector.shape_cast %get3A_1087 : vector<1x16xf32> to vector<16xf32>
        %mul3A_1089 = arith.mulf %get3A_1088, %broadcast_in_dim3A_1084 : vector<16xf32>
        %swap3A_1090 = arith.index_cast %add3A_1081 : i32 to index
        %swap3A_1091 = arith.constant 0 : index
        %swap3A_1092 = tpu.vector_load %arg10[%swap3A_1090, %swap3A_1091] {strides = array<i32>} : memref<128x128xf32, #tpu.memory_space<vmem>>, vector<1x16xf32>,
        %swap3A_1093 = vector.shape_cast %swap3A_1092 : vector<1x16xf32> to vector<16xf32>
        %swap3A_1094 = vector.shape_cast %mul3A_1089 : vector<16xf32> to vector<1x16xf32>
        tpu.vector_store %arg10[%swap3A_1090, %swap3A_1091], %swap3A_1094 {strides = array<i32>} : memref<128x128xf32, #tpu.memory_space<vmem>>, vector<1x16xf32>,
        %get3A_1095 = arith.index_cast %add3A_1081 : i32 to index
        %get3A_1096 = arith.constant 16 : index
        %get3A_1097 = tpu.vector_load %arg10[%get3A_1095, %get3A_1096] {strides = array<i32>} : memref<128x128xf32, #tpu.memory_space<vmem>>, vector<1x16xf32>,
        %get3A_1098 = vector.shape_cast %get3A_1097 : vector<1x16xf32> to vector<16xf32>
        %mul3A_1099 = arith.mulf %get3A_1098, %broadcast_in_dim3A_1084 : vector<16xf32>
        %swap3A_1100 = arith.index_cast %add3A_1081 : i32 to index
        %swap3A_1101 = arith.constant 16 : index
        %swap3A_1102 = tpu.vector_load %arg10[%swap3A_1100, %swap3A_1101] {strides = array<i32>} : memref<128x128xf32, #tpu.memory_space<vmem>>, vector<1x16xf32>,
        %swap3A_1103 = vector.shape_cast %swap3A_1102 : vector<1x16xf32> to vector<16xf32>
        %swap3A_1104 = vector.shape_cast %mul3A_1099 : vector<16xf32> to vector<1x16xf32>
        tpu.vector_store %arg10[%swap3A_1100, %swap3A_1101], %swap3A_1104 {strides = array<i32>} : memref<128x128xf32, #tpu.memory_space<vmem>>, vector<1x16xf32>,
        %get3A_1105 = arith.index_cast %add3A_1081 : i32 to index
        %get3A_1106 = arith.constant 32 : index
        %get3A_1107 = tpu.vector_load %arg10[%get3A_1105, %get3A_1106] {strides = array<i32>} : memref<128x128xf32, #tpu.memory_space<vmem>>, vector<1x16xf32>,
        %get3A_1108 = vector.shape_cast %get3A_1107 : vector<1x16xf32> to vector<16xf32>
        %mul3A_1109 = arith.mulf %get3A_1108, %broadcast_in_dim3A_1084 : vector<16xf32>
        %swap3A_1110 = arith.index_cast %add3A_1081 : i32 to index
        %swap3A_1111 = arith.constant 32 : index
        %swap3A_1112 = tpu.vector_load %arg10[%swap3A_1110, %swap3A_1111] {strides = array<i32>} : memref<128x128xf32, #tpu.memory_space<vmem>>, vector<1x16xf32>,
        %swap3A_1113 = vector.shape_cast %swap3A_1112 : vector<1x16xf32> to vector<16xf32>
        %swap3A_1114 = vector.shape_cast %mul3A_1109 : vector<16xf32> to vector<1x16xf32>
        tpu.vector_store %arg10[%swap3A_1110, %swap3A_1111], %swap3A_1114 {strides = array<i32>} : memref<128x128xf32, #tpu.memory_space<vmem>>, vector<1x16xf32>,
        %get3A_1115 = arith.index_cast %add3A_1081 : i32 to index
        %get3A_1116 = arith.constant 48 : index
        %get3A_1117 = tpu.vector_load %arg10[%get3A_1115, %get3A_1116] {strides = array<i32>} : memref<128x128xf32, #tpu.memory_space<vmem>>, vector<1x16xf32>,
        %get3A_1118 = vector.shape_cast %get3A_1117 : vector<1x16xf32> to vector<16xf32>
        %mul3A_1119 = arith.mulf %get3A_1118, %broadcast_in_dim3A_1084 : vector<16xf32>
        %swap3A_1120 = arith.index_cast %add3A_1081 : i32 to index
        %swap3A_1121 = arith.constant 48 : index
        %swap3A_1122 = tpu.vector_load %arg10[%swap3A_1120, %swap3A_1121] {strides = array<i32>} : memref<128x128xf32, #tpu.memory_space<vmem>>, vector<1x16xf32>,
        %swap3A_1123 = vector.shape_cast %swap3A_1122 : vector<1x16xf32> to vector<16xf32>
        %swap3A_1124 = vector.shape_cast %mul3A_1119 : vector<16xf32> to vector<1x16xf32>
        tpu.vector_store %arg10[%swap3A_1120, %swap3A_1121], %swap3A_1124 {strides = array<i32>} : memref<128x128xf32, #tpu.memory_space<vmem>>, vector<1x16xf32>,
        %get3A_1125 = arith.index_cast %add3A_1081 : i32 to index
        %get3A_1126 = arith.constant 64 : index
        %get3A_1127 = tpu.vector_load %arg10[%get3A_1125, %get3A_1126] {strides = array<i32>} : memref<128x128xf32, #tpu.memory_space<vmem>>, vector<1x16xf32>,
        %get3A_1128 = vector.shape_cast %get3A_1127 : vector<1x16xf32> to vector<16xf32>
        %mul3A_1129 = arith.mulf %get3A_1128, %broadcast_in_dim3A_1084 : vector<16xf32>
        %swap3A_1130 = arith.index_cast %add3A_1081 : i32 to index
        %swap3A_1131 = arith.constant 64 : index
        %swap3A_1132 = tpu.vector_load %arg10[%swap3A_1130, %swap3A_1131] {strides = array<i32>} : memref<128x128xf32, #tpu.memory_space<vmem>>, vector<1x16xf32>,
        %swap3A_1133 = vector.shape_cast %swap3A_1132 : vector<1x16xf32> to vector<16xf32>
        %swap3A_1134 = vector.shape_cast %mul3A_1129 : vector<16xf32> to vector<1x16xf32>
        tpu.vector_store %arg10[%swap3A_1130, %swap3A_1131], %swap3A_1134 {strides = array<i32>} : memref<128x128xf32, #tpu.memory_space<vmem>>, vector<1x16xf32>,
        %get3A_1135 = arith.index_cast %add3A_1081 : i32 to index
        %get3A_1136 = arith.constant 80 : index
        %get3A_1137 = tpu.vector_load %arg10[%get3A_1135, %get3A_1136] {strides = array<i32>} : memref<128x128xf32, #tpu.memory_space<vmem>>, vector<1x16xf32>,
        %get3A_1138 = vector.shape_cast %get3A_1137 : vector<1x16xf32> to vector<16xf32>
        %mul3A_1139 = arith.mulf %get3A_1138, %broadcast_in_dim3A_1084 : vector<16xf32>
        %swap3A_1140 = arith.index_cast %add3A_1081 : i32 to index
        %swap3A_1141 = arith.constant 80 : index
        %swap3A_1142 = tpu.vector_load %arg10[%swap3A_1140, %swap3A_1141] {strides = array<i32>} : memref<128x128xf32, #tpu.memory_space<vmem>>, vector<1x16xf32>,
        %swap3A_1143 = vector.shape_cast %swap3A_1142 : vector<1x16xf32> to vector<16xf32>
        %swap3A_1144 = vector.shape_cast %mul3A_1139 : vector<16xf32> to vector<1x16xf32>
        tpu.vector_store %arg10[%swap3A_1140, %swap3A_1141], %swap3A_1144 {strides = array<i32>} : memref<128x128xf32, #tpu.memory_space<vmem>>, vector<1x16xf32>,
        %get3A_1145 = arith.index_cast %add3A_1081 : i32 to index
        %get3A_1146 = arith.constant 96 : index
        %get3A_1147 = tpu.vector_load %arg10[%get3A_1145, %get3A_1146] {strides = array<i32>} : memref<128x128xf32, #tpu.memory_space<vmem>>, vector<1x16xf32>,
        %get3A_1148 = vector.shape_cast %get3A_1147 : vector<1x16xf32> to vector<16xf32>
        %mul3A_1149 = arith.mulf %get3A_1148, %broadcast_in_dim3A_1084 : vector<16xf32>
        %swap3A_1150 = arith.index_cast %add3A_1081 : i32 to index
        %swap3A_1151 = arith.constant 96 : index
        %swap3A_1152 = tpu.vector_load %arg10[%swap3A_1150, %swap3A_1151] {strides = array<i32>} : memref<128x128xf32, #tpu.memory_space<vmem>>, vector<1x16xf32>,
        %swap3A_1153 = vector.shape_cast %swap3A_1152 : vector<1x16xf32> to vector<16xf32>
        %swap3A_1154 = vector.shape_cast %mul3A_1149 : vector<16xf32> to vector<1x16xf32>
        tpu.vector_store %arg10[%swap3A_1150, %swap3A_1151], %swap3A_1154 {strides = array<i32>} : memref<128x128xf32, #tpu.memory_space<vmem>>, vector<1x16xf32>,
        %get3A_1155 = arith.index_cast %add3A_1081 : i32 to index
        %get3A_1156 = arith.constant 112 : index
        %get3A_1157 = tpu.vector_load %arg10[%get3A_1155, %get3A_1156] {strides = array<i32>} : memref<128x128xf32, #tpu.memory_space<vmem>>, vector<1x16xf32>,
        %get3A_1158 = vector.shape_cast %get3A_1157 : vector<1x16xf32> to vector<16xf32>
        %mul3A_1159 = arith.mulf %get3A_1158, %broadcast_in_dim3A_1084 : vector<16xf32>
        %swap3A_1160 = arith.index_cast %add3A_1081 : i32 to index
        %swap3A_1161 = arith.constant 112 : index
        %swap3A_1162 = tpu.vector_load %arg10[%swap3A_1160, %swap3A_1161] {strides = array<i32>} : memref<128x128xf32, #tpu.memory_space<vmem>>, vector<1x16xf32>,
        %swap3A_1163 = vector.shape_cast %swap3A_1162 : vector<1x16xf32> to vector<16xf32>
        %swap3A_1164 = vector.shape_cast %mul3A_1159 : vector<16xf32> to vector<1x16xf32>
        tpu.vector_store %arg10[%swap3A_1160, %swap3A_1161], %swap3A_1164 {strides = array<i32>} : memref<128x128xf32, #tpu.memory_space<vmem>>, vector<1x16xf32>,
        %mul3A_1165 = arith.constant 16 : i32
        %mul3A_1166 = arith.muli %scan3A_465, %mul3A_1165 : i32
        %add3A_1167 = arith.constant 8 : i32
        %add3A_1168 = arith.addi %mul3A_1166, %add3A_1167 : i32
        %slice3A_1169 = vector.extract_strided_slice %get3A_471 {offsets = [8], sizes = [1], strides = [1]} : vector<16xf32> to vector<1xf32>
        %squeeze3A_1170 = vector.extract %slice3A_1169[0] : f32 from vector<1xf32>
        %broadcast_in_dim3A_1171 = vector.broadcast %squeeze3A_1170 : f32 to vector<16xf32>
        %get3A_1172 = arith.index_cast %add3A_1168 : i32 to index
        %get3A_1173 = arith.constant 0 : index
        %get3A_1174 = tpu.vector_load %arg10[%get3A_1172, %get3A_1173] {strides = array<i32>} : memref<128x128xf32, #tpu.memory_space<vmem>>, vector<1x16xf32>,
        %get3A_1175 = vector.shape_cast %get3A_1174 : vector<1x16xf32> to vector<16xf32>
        %mul3A_1176 = arith.mulf %get3A_1175, %broadcast_in_dim3A_1171 : vector<16xf32>
        %swap3A_1177 = arith.index_cast %add3A_1168 : i32 to index
        %swap3A_1178 = arith.constant 0 : index
        %swap3A_1179 = tpu.vector_load %arg10[%swap3A_1177, %swap3A_1178] {strides = array<i32>} : memref<128x128xf32, #tpu.memory_space<vmem>>, vector<1x16xf32>,
        %swap3A_1180 = vector.shape_cast %swap3A_1179 : vector<1x16xf32> to vector<16xf32>
        %swap3A_1181 = vector.shape_cast %mul3A_1176 : vector<16xf32> to vector<1x16xf32>
        tpu.vector_store %arg10[%swap3A_1177, %swap3A_1178], %swap3A_1181 {strides = array<i32>} : memref<128x128xf32, #tpu.memory_space<vmem>>, vector<1x16xf32>,
        %get3A_1182 = arith.index_cast %add3A_1168 : i32 to index
        %get3A_1183 = arith.constant 16 : index
        %get3A_1184 = tpu.vector_load %arg10[%get3A_1182, %get3A_1183] {strides = array<i32>} : memref<128x128xf32, #tpu.memory_space<vmem>>, vector<1x16xf32>,
        %get3A_1185 = vector.shape_cast %get3A_1184 : vector<1x16xf32> to vector<16xf32>
        %mul3A_1186 = arith.mulf %get3A_1185, %broadcast_in_dim3A_1171 : vector<16xf32>
        %swap3A_1187 = arith.index_cast %add3A_1168 : i32 to index
        %swap3A_1188 = arith.constant 16 : index
        %swap3A_1189 = tpu.vector_load %arg10[%swap3A_1187, %swap3A_1188] {strides = array<i32>} : memref<128x128xf32, #tpu.memory_space<vmem>>, vector<1x16xf32>,
        %swap3A_1190 = vector.shape_cast %swap3A_1189 : vector<1x16xf32> to vector<16xf32>
        %swap3A_1191 = vector.shape_cast %mul3A_1186 : vector<16xf32> to vector<1x16xf32>
        tpu.vector_store %arg10[%swap3A_1187, %swap3A_1188], %swap3A_1191 {strides = array<i32>} : memref<128x128xf32, #tpu.memory_space<vmem>>, vector<1x16xf32>,
        %get3A_1192 = arith.index_cast %add3A_1168 : i32 to index
        %get3A_1193 = arith.constant 32 : index
        %get3A_1194 = tpu.vector_load %arg10[%get3A_1192, %get3A_1193] {strides = array<i32>} : memref<128x128xf32, #tpu.memory_space<vmem>>, vector<1x16xf32>,
        %get3A_1195 = vector.shape_cast %get3A_1194 : vector<1x16xf32> to vector<16xf32>
        %mul3A_1196 = arith.mulf %get3A_1195, %broadcast_in_dim3A_1171 : vector<16xf32>
        %swap3A_1197 = arith.index_cast %add3A_1168 : i32 to index
        %swap3A_1198 = arith.constant 32 : index
        %swap3A_1199 = tpu.vector_load %arg10[%swap3A_1197, %swap3A_1198] {strides = array<i32>} : memref<128x128xf32, #tpu.memory_space<vmem>>, vector<1x16xf32>,
        %swap3A_1200 = vector.shape_cast %swap3A_1199 : vector<1x16xf32> to vector<16xf32>
        %swap3A_1201 = vector.shape_cast %mul3A_1196 : vector<16xf32> to vector<1x16xf32>
        tpu.vector_store %arg10[%swap3A_1197, %swap3A_1198], %swap3A_1201 {strides = array<i32>} : memref<128x128xf32, #tpu.memory_space<vmem>>, vector<1x16xf32>,
        %get3A_1202 = arith.index_cast %add3A_1168 : i32 to index
        %get3A_1203 = arith.constant 48 : index
        %get3A_1204 = tpu.vector_load %arg10[%get3A_1202, %get3A_1203] {strides = array<i32>} : memref<128x128xf32, #tpu.memory_space<vmem>>, vector<1x16xf32>,
        %get3A_1205 = vector.shape_cast %get3A_1204 : vector<1x16xf32> to vector<16xf32>
        %mul3A_1206 = arith.mulf %get3A_1205, %broadcast_in_dim3A_1171 : vector<16xf32>
        %swap3A_1207 = arith.index_cast %add3A_1168 : i32 to index
        %swap3A_1208 = arith.constant 48 : index
        %swap3A_1209 = tpu.vector_load %arg10[%swap3A_1207, %swap3A_1208] {strides = array<i32>} : memref<128x128xf32, #tpu.memory_space<vmem>>, vector<1x16xf32>,
        %swap3A_1210 = vector.shape_cast %swap3A_1209 : vector<1x16xf32> to vector<16xf32>
        %swap3A_1211 = vector.shape_cast %mul3A_1206 : vector<16xf32> to vector<1x16xf32>
        tpu.vector_store %arg10[%swap3A_1207, %swap3A_1208], %swap3A_1211 {strides = array<i32>} : memref<128x128xf32, #tpu.memory_space<vmem>>, vector<1x16xf32>,
        %get3A_1212 = arith.index_cast %add3A_1168 : i32 to index
        %get3A_1213 = arith.constant 64 : index
        %get3A_1214 = tpu.vector_load %arg10[%get3A_1212, %get3A_1213] {strides = array<i32>} : memref<128x128xf32, #tpu.memory_space<vmem>>, vector<1x16xf32>,
        %get3A_1215 = vector.shape_cast %get3A_1214 : vector<1x16xf32> to vector<16xf32>
        %mul3A_1216 = arith.mulf %get3A_1215, %broadcast_in_dim3A_1171 : vector<16xf32>
        %swap3A_1217 = arith.index_cast %add3A_1168 : i32 to index
        %swap3A_1218 = arith.constant 64 : index
        %swap3A_1219 = tpu.vector_load %arg10[%swap3A_1217, %swap3A_1218] {strides = array<i32>} : memref<128x128xf32, #tpu.memory_space<vmem>>, vector<1x16xf32>,
        %swap3A_1220 = vector.shape_cast %swap3A_1219 : vector<1x16xf32> to vector<16xf32>
        %swap3A_1221 = vector.shape_cast %mul3A_1216 : vector<16xf32> to vector<1x16xf32>
        tpu.vector_store %arg10[%swap3A_1217, %swap3A_1218], %swap3A_1221 {strides = array<i32>} : memref<128x128xf32, #tpu.memory_space<vmem>>, vector<1x16xf32>,
        %get3A_1222 = arith.index_cast %add3A_1168 : i32 to index
        %get3A_1223 = arith.constant 80 : index
        %get3A_1224 = tpu.vector_load %arg10[%get3A_1222, %get3A_1223] {strides = array<i32>} : memref<128x128xf32, #tpu.memory_space<vmem>>, vector<1x16xf32>,
        %get3A_1225 = vector.shape_cast %get3A_1224 : vector<1x16xf32> to vector<16xf32>
        %mul3A_1226 = arith.mulf %get3A_1225, %broadcast_in_dim3A_1171 : vector<16xf32>
        %swap3A_1227 = arith.index_cast %add3A_1168 : i32 to index
        %swap3A_1228 = arith.constant 80 : index
        %swap3A_1229 = tpu.vector_load %arg10[%swap3A_1227, %swap3A_1228] {strides = array<i32>} : memref<128x128xf32, #tpu.memory_space<vmem>>, vector<1x16xf32>,
        %swap3A_1230 = vector.shape_cast %swap3A_1229 : vector<1x16xf32> to vector<16xf32>
        %swap3A_1231 = vector.shape_cast %mul3A_1226 : vector<16xf32> to vector<1x16xf32>
        tpu.vector_store %arg10[%swap3A_1227, %swap3A_1228], %swap3A_1231 {strides = array<i32>} : memref<128x128xf32, #tpu.memory_space<vmem>>, vector<1x16xf32>,
        %get3A_1232 = arith.index_cast %add3A_1168 : i32 to index
        %get3A_1233 = arith.constant 96 : index
        %get3A_1234 = tpu.vector_load %arg10[%get3A_1232, %get3A_1233] {strides = array<i32>} : memref<128x128xf32, #tpu.memory_space<vmem>>, vector<1x16xf32>,
        %get3A_1235 = vector.shape_cast %get3A_1234 : vector<1x16xf32> to vector<16xf32>
        %mul3A_1236 = arith.mulf %get3A_1235, %broadcast_in_dim3A_1171 : vector<16xf32>
        %swap3A_1237 = arith.index_cast %add3A_1168 : i32 to index
        %swap3A_1238 = arith.constant 96 : index
        %swap3A_1239 = tpu.vector_load %arg10[%swap3A_1237, %swap3A_1238] {strides = array<i32>} : memref<128x128xf32, #tpu.memory_space<vmem>>, vector<1x16xf32>,
        %swap3A_1240 = vector.shape_cast %swap3A_1239 : vector<1x16xf32> to vector<16xf32>
        %swap3A_1241 = vector.shape_cast %mul3A_1236 : vector<16xf32> to vector<1x16xf32>
        tpu.vector_store %arg10[%swap3A_1237, %swap3A_1238], %swap3A_1241 {strides = array<i32>} : memref<128x128xf32, #tpu.memory_space<vmem>>, vector<1x16xf32>,
        %get3A_1242 = arith.index_cast %add3A_1168 : i32 to index
        %get3A_1243 = arith.constant 112 : index
        %get3A_1244 = tpu.vector_load %arg10[%get3A_1242, %get3A_1243] {strides = array<i32>} : memref<128x128xf32, #tpu.memory_space<vmem>>, vector<1x16xf32>,
        %get3A_1245 = vector.shape_cast %get3A_1244 : vector<1x16xf32> to vector<16xf32>
        %mul3A_1246 = arith.mulf %get3A_1245, %broadcast_in_dim3A_1171 : vector<16xf32>
        %swap3A_1247 = arith.index_cast %add3A_1168 : i32 to index
        %swap3A_1248 = arith.constant 112 : index
        %swap3A_1249 = tpu.vector_load %arg10[%swap3A_1247, %swap3A_1248] {strides = array<i32>} : memref<128x128xf32, #tpu.memory_space<vmem>>, vector<1x16xf32>,
        %swap3A_1250 = vector.shape_cast %swap3A_1249 : vector<1x16xf32> to vector<16xf32>
        %swap3A_1251 = vector.shape_cast %mul3A_1246 : vector<16xf32> to vector<1x16xf32>
        tpu.vector_store %arg10[%swap3A_1247, %swap3A_1248], %swap3A_1251 {strides = array<i32>} : memref<128x128xf32, #tpu.memory_space<vmem>>, vector<1x16xf32>,
        %mul3A_1252 = arith.constant 16 : i32
        %mul3A_1253 = arith.muli %scan3A_465, %mul3A_1252 : i32
        %add3A_1254 = arith.constant 9 : i32
        %add3A_1255 = arith.addi %mul3A_1253, %add3A_1254 : i32
        %slice3A_1256 = vector.extract_strided_slice %get3A_471 {offsets = [9], sizes = [1], strides = [1]} : vector<16xf32> to vector<1xf32>
        %squeeze3A_1257 = vector.extract %slice3A_1256[0] : f32 from vector<1xf32>
        %broadcast_in_dim3A_1258 = vector.broadcast %squeeze3A_1257 : f32 to vector<16xf32>
        %get3A_1259 = arith.index_cast %add3A_1255 : i32 to index
        %get3A_1260 = arith.constant 0 : index
        %get3A_1261 = tpu.vector_load %arg10[%get3A_1259, %get3A_1260] {strides = array<i32>} : memref<128x128xf32, #tpu.memory_space<vmem>>, vector<1x16xf32>,
        %get3A_1262 = vector.shape_cast %get3A_1261 : vector<1x16xf32> to vector<16xf32>
        %mul3A_1263 = arith.mulf %get3A_1262, %broadcast_in_dim3A_1258 : vector<16xf32>
        %swap3A_1264 = arith.index_cast %add3A_1255 : i32 to index
        %swap3A_1265 = arith.constant 0 : index
        %swap3A_1266 = tpu.vector_load %arg10[%swap3A_1264, %swap3A_1265] {strides = array<i32>} : memref<128x128xf32, #tpu.memory_space<vmem>>, vector<1x16xf32>,
        %swap3A_1267 = vector.shape_cast %swap3A_1266 : vector<1x16xf32> to vector<16xf32>
        %swap3A_1268 = vector.shape_cast %mul3A_1263 : vector<16xf32> to vector<1x16xf32>
        tpu.vector_store %arg10[%swap3A_1264, %swap3A_1265], %swap3A_1268 {strides = array<i32>} : memref<128x128xf32, #tpu.memory_space<vmem>>, vector<1x16xf32>,
        %get3A_1269 = arith.index_cast %add3A_1255 : i32 to index
        %get3A_1270 = arith.constant 16 : index
        %get3A_1271 = tpu.vector_load %arg10[%get3A_1269, %get3A_1270] {strides = array<i32>} : memref<128x128xf32, #tpu.memory_space<vmem>>, vector<1x16xf32>,
        %get3A_1272 = vector.shape_cast %get3A_1271 : vector<1x16xf32> to vector<16xf32>
        %mul3A_1273 = arith.mulf %get3A_1272, %broadcast_in_dim3A_1258 : vector<16xf32>
        %swap3A_1274 = arith.index_cast %add3A_1255 : i32 to index
        %swap3A_1275 = arith.constant 16 : index
        %swap3A_1276 = tpu.vector_load %arg10[%swap3A_1274, %swap3A_1275] {strides = array<i32>} : memref<128x128xf32, #tpu.memory_space<vmem>>, vector<1x16xf32>,
        %swap3A_1277 = vector.shape_cast %swap3A_1276 : vector<1x16xf32> to vector<16xf32>
        %swap3A_1278 = vector.shape_cast %mul3A_1273 : vector<16xf32> to vector<1x16xf32>
        tpu.vector_store %arg10[%swap3A_1274, %swap3A_1275], %swap3A_1278 {strides = array<i32>} : memref<128x128xf32, #tpu.memory_space<vmem>>, vector<1x16xf32>,
        %get3A_1279 = arith.index_cast %add3A_1255 : i32 to index
        %get3A_1280 = arith.constant 32 : index
        %get3A_1281 = tpu.vector_load %arg10[%get3A_1279, %get3A_1280] {strides = array<i32>} : memref<128x128xf32, #tpu.memory_space<vmem>>, vector<1x16xf32>,
        %get3A_1282 = vector.shape_cast %get3A_1281 : vector<1x16xf32> to vector<16xf32>
        %mul3A_1283 = arith.mulf %get3A_1282, %broadcast_in_dim3A_1258 : vector<16xf32>
        %swap3A_1284 = arith.index_cast %add3A_1255 : i32 to index
        %swap3A_1285 = arith.constant 32 : index
        %swap3A_1286 = tpu.vector_load %arg10[%swap3A_1284, %swap3A_1285] {strides = array<i32>} : memref<128x128xf32, #tpu.memory_space<vmem>>, vector<1x16xf32>,
        %swap3A_1287 = vector.shape_cast %swap3A_1286 : vector<1x16xf32> to vector<16xf32>
        %swap3A_1288 = vector.shape_cast %mul3A_1283 : vector<16xf32> to vector<1x16xf32>
        tpu.vector_store %arg10[%swap3A_1284, %swap3A_1285], %swap3A_1288 {strides = array<i32>} : memref<128x128xf32, #tpu.memory_space<vmem>>, vector<1x16xf32>,
        %get3A_1289 = arith.index_cast %add3A_1255 : i32 to index
        %get3A_1290 = arith.constant 48 : index
        %get3A_1291 = tpu.vector_load %arg10[%get3A_1289, %get3A_1290] {strides = array<i32>} : memref<128x128xf32, #tpu.memory_space<vmem>>, vector<1x16xf32>,
        %get3A_1292 = vector.shape_cast %get3A_1291 : vector<1x16xf32> to vector<16xf32>
        %mul3A_1293 = arith.mulf %get3A_1292, %broadcast_in_dim3A_1258 : vector<16xf32>
        %swap3A_1294 = arith.index_cast %add3A_1255 : i32 to index
        %swap3A_1295 = arith.constant 48 : index
        %swap3A_1296 = tpu.vector_load %arg10[%swap3A_1294, %swap3A_1295] {strides = array<i32>} : memref<128x128xf32, #tpu.memory_space<vmem>>, vector<1x16xf32>,
        %swap3A_1297 = vector.shape_cast %swap3A_1296 : vector<1x16xf32> to vector<16xf32>
        %swap3A_1298 = vector.shape_cast %mul3A_1293 : vector<16xf32> to vector<1x16xf32>
        tpu.vector_store %arg10[%swap3A_1294, %swap3A_1295], %swap3A_1298 {strides = array<i32>} : memref<128x128xf32, #tpu.memory_space<vmem>>, vector<1x16xf32>,
        %get3A_1299 = arith.index_cast %add3A_1255 : i32 to index
        %get3A_1300 = arith.constant 64 : index
        %get3A_1301 = tpu.vector_load %arg10[%get3A_1299, %get3A_1300] {strides = array<i32>} : memref<128x128xf32, #tpu.memory_space<vmem>>, vector<1x16xf32>,
        %get3A_1302 = vector.shape_cast %get3A_1301 : vector<1x16xf32> to vector<16xf32>
        %mul3A_1303 = arith.mulf %get3A_1302, %broadcast_in_dim3A_1258 : vector<16xf32>
        %swap3A_1304 = arith.index_cast %add3A_1255 : i32 to index
        %swap3A_1305 = arith.constant 64 : index
        %swap3A_1306 = tpu.vector_load %arg10[%swap3A_1304, %swap3A_1305] {strides = array<i32>} : memref<128x128xf32, #tpu.memory_space<vmem>>, vector<1x16xf32>,
        %swap3A_1307 = vector.shape_cast %swap3A_1306 : vector<1x16xf32> to vector<16xf32>
        %swap3A_1308 = vector.shape_cast %mul3A_1303 : vector<16xf32> to vector<1x16xf32>
        tpu.vector_store %arg10[%swap3A_1304, %swap3A_1305], %swap3A_1308 {strides = array<i32>} : memref<128x128xf32, #tpu.memory_space<vmem>>, vector<1x16xf32>,
        %get3A_1309 = arith.index_cast %add3A_1255 : i32 to index
        %get3A_1310 = arith.constant 80 : index
        %get3A_1311 = tpu.vector_load %arg10[%get3A_1309, %get3A_1310] {strides = array<i32>} : memref<128x128xf32, #tpu.memory_space<vmem>>, vector<1x16xf32>,
        %get3A_1312 = vector.shape_cast %get3A_1311 : vector<1x16xf32> to vector<16xf32>
        %mul3A_1313 = arith.mulf %get3A_1312, %broadcast_in_dim3A_1258 : vector<16xf32>
        %swap3A_1314 = arith.index_cast %add3A_1255 : i32 to index
        %swap3A_1315 = arith.constant 80 : index
        %swap3A_1316 = tpu.vector_load %arg10[%swap3A_1314, %swap3A_1315] {strides = array<i32>} : memref<128x128xf32, #tpu.memory_space<vmem>>, vector<1x16xf32>,
        %swap3A_1317 = vector.shape_cast %swap3A_1316 : vector<1x16xf32> to vector<16xf32>
        %swap3A_1318 = vector.shape_cast %mul3A_1313 : vector<16xf32> to vector<1x16xf32>
        tpu.vector_store %arg10[%swap3A_1314, %swap3A_1315], %swap3A_1318 {strides = array<i32>} : memref<128x128xf32, #tpu.memory_space<vmem>>, vector<1x16xf32>,
        %get3A_1319 = arith.index_cast %add3A_1255 : i32 to index
        %get3A_1320 = arith.constant 96 : index
        %get3A_1321 = tpu.vector_load %arg10[%get3A_1319, %get3A_1320] {strides = array<i32>} : memref<128x128xf32, #tpu.memory_space<vmem>>, vector<1x16xf32>,
        %get3A_1322 = vector.shape_cast %get3A_1321 : vector<1x16xf32> to vector<16xf32>
        %mul3A_1323 = arith.mulf %get3A_1322, %broadcast_in_dim3A_1258 : vector<16xf32>
        %swap3A_1324 = arith.index_cast %add3A_1255 : i32 to index
        %swap3A_1325 = arith.constant 96 : index
        %swap3A_1326 = tpu.vector_load %arg10[%swap3A_1324, %swap3A_1325] {strides = array<i32>} : memref<128x128xf32, #tpu.memory_space<vmem>>, vector<1x16xf32>,
        %swap3A_1327 = vector.shape_cast %swap3A_1326 : vector<1x16xf32> to vector<16xf32>
        %swap3A_1328 = vector.shape_cast %mul3A_1323 : vector<16xf32> to vector<1x16xf32>
        tpu.vector_store %arg10[%swap3A_1324, %swap3A_1325], %swap3A_1328 {strides = array<i32>} : memref<128x128xf32, #tpu.memory_space<vmem>>, vector<1x16xf32>,
        %get3A_1329 = arith.index_cast %add3A_1255 : i32 to index
        %get3A_1330 = arith.constant 112 : index
        %get3A_1331 = tpu.vector_load %arg10[%get3A_1329, %get3A_1330] {strides = array<i32>} : memref<128x128xf32, #tpu.memory_space<vmem>>, vector<1x16xf32>,
        %get3A_1332 = vector.shape_cast %get3A_1331 : vector<1x16xf32> to vector<16xf32>
        %mul3A_1333 = arith.mulf %get3A_1332, %broadcast_in_dim3A_1258 : vector<16xf32>
        %swap3A_1334 = arith.index_cast %add3A_1255 : i32 to index
        %swap3A_1335 = arith.constant 112 : index
        %swap3A_1336 = tpu.vector_load %arg10[%swap3A_1334, %swap3A_1335] {strides = array<i32>} : memref<128x128xf32, #tpu.memory_space<vmem>>, vector<1x16xf32>,
        %swap3A_1337 = vector.shape_cast %swap3A_1336 : vector<1x16xf32> to vector<16xf32>
        %swap3A_1338 = vector.shape_cast %mul3A_1333 : vector<16xf32> to vector<1x16xf32>
        tpu.vector_store %arg10[%swap3A_1334, %swap3A_1335], %swap3A_1338 {strides = array<i32>} : memref<128x128xf32, #tpu.memory_space<vmem>>, vector<1x16xf32>,
        %mul3A_1339 = arith.constant 16 : i32
        %mul3A_1340 = arith.muli %scan3A_465, %mul3A_1339 : i32
        %add3A_1341 = arith.constant 10 : i32
        %add3A_1342 = arith.addi %mul3A_1340, %add3A_1341 : i32
        %slice3A_1343 = vector.extract_strided_slice %get3A_471 {offsets = [10], sizes = [1], strides = [1]} : vector<16xf32> to vector<1xf32>
        %squeeze3A_1344 = vector.extract %slice3A_1343[0] : f32 from vector<1xf32>
        %broadcast_in_dim3A_1345 = vector.broadcast %squeeze3A_1344 : f32 to vector<16xf32>
        %get3A_1346 = arith.index_cast %add3A_1342 : i32 to index
        %get3A_1347 = arith.constant 0 : index
        %get3A_1348 = tpu.vector_load %arg10[%get3A_1346, %get3A_1347] {strides = array<i32>} : memref<128x128xf32, #tpu.memory_space<vmem>>, vector<1x16xf32>,
        %get3A_1349 = vector.shape_cast %get3A_1348 : vector<1x16xf32> to vector<16xf32>
        %mul3A_1350 = arith.mulf %get3A_1349, %broadcast_in_dim3A_1345 : vector<16xf32>
        %swap3A_1351 = arith.index_cast %add3A_1342 : i32 to index
        %swap3A_1352 = arith.constant 0 : index
        %swap3A_1353 = tpu.vector_load %arg10[%swap3A_1351, %swap3A_1352] {strides = array<i32>} : memref<128x128xf32, #tpu.memory_space<vmem>>, vector<1x16xf32>,
        %swap3A_1354 = vector.shape_cast %swap3A_1353 : vector<1x16xf32> to vector<16xf32>
        %swap3A_1355 = vector.shape_cast %mul3A_1350 : vector<16xf32> to vector<1x16xf32>
        tpu.vector_store %arg10[%swap3A_1351, %swap3A_1352], %swap3A_1355 {strides = array<i32>} : memref<128x128xf32, #tpu.memory_space<vmem>>, vector<1x16xf32>,
        %get3A_1356 = arith.index_cast %add3A_1342 : i32 to index
        %get3A_1357 = arith.constant 16 : index
        %get3A_1358 = tpu.vector_load %arg10[%get3A_1356, %get3A_1357] {strides = array<i32>} : memref<128x128xf32, #tpu.memory_space<vmem>>, vector<1x16xf32>,
        %get3A_1359 = vector.shape_cast %get3A_1358 : vector<1x16xf32> to vector<16xf32>
        %mul3A_1360 = arith.mulf %get3A_1359, %broadcast_in_dim3A_1345 : vector<16xf32>
        %swap3A_1361 = arith.index_cast %add3A_1342 : i32 to index
        %swap3A_1362 = arith.constant 16 : index
        %swap3A_1363 = tpu.vector_load %arg10[%swap3A_1361, %swap3A_1362] {strides = array<i32>} : memref<128x128xf32, #tpu.memory_space<vmem>>, vector<1x16xf32>,
        %swap3A_1364 = vector.shape_cast %swap3A_1363 : vector<1x16xf32> to vector<16xf32>
        %swap3A_1365 = vector.shape_cast %mul3A_1360 : vector<16xf32> to vector<1x16xf32>
        tpu.vector_store %arg10[%swap3A_1361, %swap3A_1362], %swap3A_1365 {strides = array<i32>} : memref<128x128xf32, #tpu.memory_space<vmem>>, vector<1x16xf32>,
        %get3A_1366 = arith.index_cast %add3A_1342 : i32 to index
        %get3A_1367 = arith.constant 32 : index
        %get3A_1368 = tpu.vector_load %arg10[%get3A_1366, %get3A_1367] {strides = array<i32>} : memref<128x128xf32, #tpu.memory_space<vmem>>, vector<1x16xf32>,
        %get3A_1369 = vector.shape_cast %get3A_1368 : vector<1x16xf32> to vector<16xf32>
        %mul3A_1370 = arith.mulf %get3A_1369, %broadcast_in_dim3A_1345 : vector<16xf32>
        %swap3A_1371 = arith.index_cast %add3A_1342 : i32 to index
        %swap3A_1372 = arith.constant 32 : index
        %swap3A_1373 = tpu.vector_load %arg10[%swap3A_1371, %swap3A_1372] {strides = array<i32>} : memref<128x128xf32, #tpu.memory_space<vmem>>, vector<1x16xf32>,
        %swap3A_1374 = vector.shape_cast %swap3A_1373 : vector<1x16xf32> to vector<16xf32>
        %swap3A_1375 = vector.shape_cast %mul3A_1370 : vector<16xf32> to vector<1x16xf32>
        tpu.vector_store %arg10[%swap3A_1371, %swap3A_1372], %swap3A_1375 {strides = array<i32>} : memref<128x128xf32, #tpu.memory_space<vmem>>, vector<1x16xf32>,
        %get3A_1376 = arith.index_cast %add3A_1342 : i32 to index
        %get3A_1377 = arith.constant 48 : index
        %get3A_1378 = tpu.vector_load %arg10[%get3A_1376, %get3A_1377] {strides = array<i32>} : memref<128x128xf32, #tpu.memory_space<vmem>>, vector<1x16xf32>,
        %get3A_1379 = vector.shape_cast %get3A_1378 : vector<1x16xf32> to vector<16xf32>
        %mul3A_1380 = arith.mulf %get3A_1379, %broadcast_in_dim3A_1345 : vector<16xf32>
        %swap3A_1381 = arith.index_cast %add3A_1342 : i32 to index
        %swap3A_1382 = arith.constant 48 : index
        %swap3A_1383 = tpu.vector_load %arg10[%swap3A_1381, %swap3A_1382] {strides = array<i32>} : memref<128x128xf32, #tpu.memory_space<vmem>>, vector<1x16xf32>,
        %swap3A_1384 = vector.shape_cast %swap3A_1383 : vector<1x16xf32> to vector<16xf32>
        %swap3A_1385 = vector.shape_cast %mul3A_1380 : vector<16xf32> to vector<1x16xf32>
        tpu.vector_store %arg10[%swap3A_1381, %swap3A_1382], %swap3A_1385 {strides = array<i32>} : memref<128x128xf32, #tpu.memory_space<vmem>>, vector<1x16xf32>,
        %get3A_1386 = arith.index_cast %add3A_1342 : i32 to index
        %get3A_1387 = arith.constant 64 : index
        %get3A_1388 = tpu.vector_load %arg10[%get3A_1386, %get3A_1387] {strides = array<i32>} : memref<128x128xf32, #tpu.memory_space<vmem>>, vector<1x16xf32>,
        %get3A_1389 = vector.shape_cast %get3A_1388 : vector<1x16xf32> to vector<16xf32>
        %mul3A_1390 = arith.mulf %get3A_1389, %broadcast_in_dim3A_1345 : vector<16xf32>
        %swap3A_1391 = arith.index_cast %add3A_1342 : i32 to index
        %swap3A_1392 = arith.constant 64 : index
        %swap3A_1393 = tpu.vector_load %arg10[%swap3A_1391, %swap3A_1392] {strides = array<i32>} : memref<128x128xf32, #tpu.memory_space<vmem>>, vector<1x16xf32>,
        %swap3A_1394 = vector.shape_cast %swap3A_1393 : vector<1x16xf32> to vector<16xf32>
        %swap3A_1395 = vector.shape_cast %mul3A_1390 : vector<16xf32> to vector<1x16xf32>
        tpu.vector_store %arg10[%swap3A_1391, %swap3A_1392], %swap3A_1395 {strides = array<i32>} : memref<128x128xf32, #tpu.memory_space<vmem>>, vector<1x16xf32>,
        %get3A_1396 = arith.index_cast %add3A_1342 : i32 to index
        %get3A_1397 = arith.constant 80 : index
        %get3A_1398 = tpu.vector_load %arg10[%get3A_1396, %get3A_1397] {strides = array<i32>} : memref<128x128xf32, #tpu.memory_space<vmem>>, vector<1x16xf32>,
        %get3A_1399 = vector.shape_cast %get3A_1398 : vector<1x16xf32> to vector<16xf32>
        %mul3A_1400 = arith.mulf %get3A_1399, %broadcast_in_dim3A_1345 : vector<16xf32>
        %swap3A_1401 = arith.index_cast %add3A_1342 : i32 to index
        %swap3A_1402 = arith.constant 80 : index
        %swap3A_1403 = tpu.vector_load %arg10[%swap3A_1401, %swap3A_1402] {strides = array<i32>} : memref<128x128xf32, #tpu.memory_space<vmem>>, vector<1x16xf32>,
        %swap3A_1404 = vector.shape_cast %swap3A_1403 : vector<1x16xf32> to vector<16xf32>
        %swap3A_1405 = vector.shape_cast %mul3A_1400 : vector<16xf32> to vector<1x16xf32>
        tpu.vector_store %arg10[%swap3A_1401, %swap3A_1402], %swap3A_1405 {strides = array<i32>} : memref<128x128xf32, #tpu.memory_space<vmem>>, vector<1x16xf32>,
        %get3A_1406 = arith.index_cast %add3A_1342 : i32 to index
        %get3A_1407 = arith.constant 96 : index
        %get3A_1408 = tpu.vector_load %arg10[%get3A_1406, %get3A_1407] {strides = array<i32>} : memref<128x128xf32, #tpu.memory_space<vmem>>, vector<1x16xf32>,
        %get3A_1409 = vector.shape_cast %get3A_1408 : vector<1x16xf32> to vector<16xf32>
        %mul3A_1410 = arith.mulf %get3A_1409, %broadcast_in_dim3A_1345 : vector<16xf32>
        %swap3A_1411 = arith.index_cast %add3A_1342 : i32 to index
        %swap3A_1412 = arith.constant 96 : index
        %swap3A_1413 = tpu.vector_load %arg10[%swap3A_1411, %swap3A_1412] {strides = array<i32>} : memref<128x128xf32, #tpu.memory_space<vmem>>, vector<1x16xf32>,
        %swap3A_1414 = vector.shape_cast %swap3A_1413 : vector<1x16xf32> to vector<16xf32>
        %swap3A_1415 = vector.shape_cast %mul3A_1410 : vector<16xf32> to vector<1x16xf32>
        tpu.vector_store %arg10[%swap3A_1411, %swap3A_1412], %swap3A_1415 {strides = array<i32>} : memref<128x128xf32, #tpu.memory_space<vmem>>, vector<1x16xf32>,
        %get3A_1416 = arith.index_cast %add3A_1342 : i32 to index
        %get3A_1417 = arith.constant 112 : index
        %get3A_1418 = tpu.vector_load %arg10[%get3A_1416, %get3A_1417] {strides = array<i32>} : memref<128x128xf32, #tpu.memory_space<vmem>>, vector<1x16xf32>,
        %get3A_1419 = vector.shape_cast %get3A_1418 : vector<1x16xf32> to vector<16xf32>
        %mul3A_1420 = arith.mulf %get3A_1419, %broadcast_in_dim3A_1345 : vector<16xf32>
        %swap3A_1421 = arith.index_cast %add3A_1342 : i32 to index
        %swap3A_1422 = arith.constant 112 : index
        %swap3A_1423 = tpu.vector_load %arg10[%swap3A_1421, %swap3A_1422] {strides = array<i32>} : memref<128x128xf32, #tpu.memory_space<vmem>>, vector<1x16xf32>,
        %swap3A_1424 = vector.shape_cast %swap3A_1423 : vector<1x16xf32> to vector<16xf32>
        %swap3A_1425 = vector.shape_cast %mul3A_1420 : vector<16xf32> to vector<1x16xf32>
        tpu.vector_store %arg10[%swap3A_1421, %swap3A_1422], %swap3A_1425 {strides = array<i32>} : memref<128x128xf32, #tpu.memory_space<vmem>>, vector<1x16xf32>,
        %mul3A_1426 = arith.constant 16 : i32
        %mul3A_1427 = arith.muli %scan3A_465, %mul3A_1426 : i32
        %add3A_1428 = arith.constant 11 : i32
        %add3A_1429 = arith.addi %mul3A_1427, %add3A_1428 : i32
        %slice3A_1430 = vector.extract_strided_slice %get3A_471 {offsets = [11], sizes = [1], strides = [1]} : vector<16xf32> to vector<1xf32>
        %squeeze3A_1431 = vector.extract %slice3A_1430[0] : f32 from vector<1xf32>
        %broadcast_in_dim3A_1432 = vector.broadcast %squeeze3A_1431 : f32 to vector<16xf32>
        %get3A_1433 = arith.index_cast %add3A_1429 : i32 to index
        %get3A_1434 = arith.constant 0 : index
        %get3A_1435 = tpu.vector_load %arg10[%get3A_1433, %get3A_1434] {strides = array<i32>} : memref<128x128xf32, #tpu.memory_space<vmem>>, vector<1x16xf32>,
        %get3A_1436 = vector.shape_cast %get3A_1435 : vector<1x16xf32> to vector<16xf32>
        %mul3A_1437 = arith.mulf %get3A_1436, %broadcast_in_dim3A_1432 : vector<16xf32>
        %swap3A_1438 = arith.index_cast %add3A_1429 : i32 to index
        %swap3A_1439 = arith.constant 0 : index
        %swap3A_1440 = tpu.vector_load %arg10[%swap3A_1438, %swap3A_1439] {strides = array<i32>} : memref<128x128xf32, #tpu.memory_space<vmem>>, vector<1x16xf32>,
        %swap3A_1441 = vector.shape_cast %swap3A_1440 : vector<1x16xf32> to vector<16xf32>
        %swap3A_1442 = vector.shape_cast %mul3A_1437 : vector<16xf32> to vector<1x16xf32>
        tpu.vector_store %arg10[%swap3A_1438, %swap3A_1439], %swap3A_1442 {strides = array<i32>} : memref<128x128xf32, #tpu.memory_space<vmem>>, vector<1x16xf32>,
        %get3A_1443 = arith.index_cast %add3A_1429 : i32 to index
        %get3A_1444 = arith.constant 16 : index
        %get3A_1445 = tpu.vector_load %arg10[%get3A_1443, %get3A_1444] {strides = array<i32>} : memref<128x128xf32, #tpu.memory_space<vmem>>, vector<1x16xf32>,
        %get3A_1446 = vector.shape_cast %get3A_1445 : vector<1x16xf32> to vector<16xf32>
        %mul3A_1447 = arith.mulf %get3A_1446, %broadcast_in_dim3A_1432 : vector<16xf32>
        %swap3A_1448 = arith.index_cast %add3A_1429 : i32 to index
        %swap3A_1449 = arith.constant 16 : index
        %swap3A_1450 = tpu.vector_load %arg10[%swap3A_1448, %swap3A_1449] {strides = array<i32>} : memref<128x128xf32, #tpu.memory_space<vmem>>, vector<1x16xf32>,
        %swap3A_1451 = vector.shape_cast %swap3A_1450 : vector<1x16xf32> to vector<16xf32>
        %swap3A_1452 = vector.shape_cast %mul3A_1447 : vector<16xf32> to vector<1x16xf32>
        tpu.vector_store %arg10[%swap3A_1448, %swap3A_1449], %swap3A_1452 {strides = array<i32>} : memref<128x128xf32, #tpu.memory_space<vmem>>, vector<1x16xf32>,
        %get3A_1453 = arith.index_cast %add3A_1429 : i32 to index
        %get3A_1454 = arith.constant 32 : index
        %get3A_1455 = tpu.vector_load %arg10[%get3A_1453, %get3A_1454] {strides = array<i32>} : memref<128x128xf32, #tpu.memory_space<vmem>>, vector<1x16xf32>,
        %get3A_1456 = vector.shape_cast %get3A_1455 : vector<1x16xf32> to vector<16xf32>
        %mul3A_1457 = arith.mulf %get3A_1456, %broadcast_in_dim3A_1432 : vector<16xf32>
        %swap3A_1458 = arith.index_cast %add3A_1429 : i32 to index
        %swap3A_1459 = arith.constant 32 : index
        %swap3A_1460 = tpu.vector_load %arg10[%swap3A_1458, %swap3A_1459] {strides = array<i32>} : memref<128x128xf32, #tpu.memory_space<vmem>>, vector<1x16xf32>,
        %swap3A_1461 = vector.shape_cast %swap3A_1460 : vector<1x16xf32> to vector<16xf32>
        %swap3A_1462 = vector.shape_cast %mul3A_1457 : vector<16xf32> to vector<1x16xf32>
        tpu.vector_store %arg10[%swap3A_1458, %swap3A_1459], %swap3A_1462 {strides = array<i32>} : memref<128x128xf32, #tpu.memory_space<vmem>>, vector<1x16xf32>,
        %get3A_1463 = arith.index_cast %add3A_1429 : i32 to index
        %get3A_1464 = arith.constant 48 : index
        %get3A_1465 = tpu.vector_load %arg10[%get3A_1463, %get3A_1464] {strides = array<i32>} : memref<128x128xf32, #tpu.memory_space<vmem>>, vector<1x16xf32>,
        %get3A_1466 = vector.shape_cast %get3A_1465 : vector<1x16xf32> to vector<16xf32>
        %mul3A_1467 = arith.mulf %get3A_1466, %broadcast_in_dim3A_1432 : vector<16xf32>
        %swap3A_1468 = arith.index_cast %add3A_1429 : i32 to index
        %swap3A_1469 = arith.constant 48 : index
        %swap3A_1470 = tpu.vector_load %arg10[%swap3A_1468, %swap3A_1469] {strides = array<i32>} : memref<128x128xf32, #tpu.memory_space<vmem>>, vector<1x16xf32>,
        %swap3A_1471 = vector.shape_cast %swap3A_1470 : vector<1x16xf32> to vector<16xf32>
        %swap3A_1472 = vector.shape_cast %mul3A_1467 : vector<16xf32> to vector<1x16xf32>
        tpu.vector_store %arg10[%swap3A_1468, %swap3A_1469], %swap3A_1472 {strides = array<i32>} : memref<128x128xf32, #tpu.memory_space<vmem>>, vector<1x16xf32>,
        %get3A_1473 = arith.index_cast %add3A_1429 : i32 to index
        %get3A_1474 = arith.constant 64 : index
        %get3A_1475 = tpu.vector_load %arg10[%get3A_1473, %get3A_1474] {strides = array<i32>} : memref<128x128xf32, #tpu.memory_space<vmem>>, vector<1x16xf32>,
        %get3A_1476 = vector.shape_cast %get3A_1475 : vector<1x16xf32> to vector<16xf32>
        %mul3A_1477 = arith.mulf %get3A_1476, %broadcast_in_dim3A_1432 : vector<16xf32>
        %swap3A_1478 = arith.index_cast %add3A_1429 : i32 to index
        %swap3A_1479 = arith.constant 64 : index
        %swap3A_1480 = tpu.vector_load %arg10[%swap3A_1478, %swap3A_1479] {strides = array<i32>} : memref<128x128xf32, #tpu.memory_space<vmem>>, vector<1x16xf32>,
        %swap3A_1481 = vector.shape_cast %swap3A_1480 : vector<1x16xf32> to vector<16xf32>
        %swap3A_1482 = vector.shape_cast %mul3A_1477 : vector<16xf32> to vector<1x16xf32>
        tpu.vector_store %arg10[%swap3A_1478, %swap3A_1479], %swap3A_1482 {strides = array<i32>} : memref<128x128xf32, #tpu.memory_space<vmem>>, vector<1x16xf32>,
        %get3A_1483 = arith.index_cast %add3A_1429 : i32 to index
        %get3A_1484 = arith.constant 80 : index
        %get3A_1485 = tpu.vector_load %arg10[%get3A_1483, %get3A_1484] {strides = array<i32>} : memref<128x128xf32, #tpu.memory_space<vmem>>, vector<1x16xf32>,
        %get3A_1486 = vector.shape_cast %get3A_1485 : vector<1x16xf32> to vector<16xf32>
        %mul3A_1487 = arith.mulf %get3A_1486, %broadcast_in_dim3A_1432 : vector<16xf32>
        %swap3A_1488 = arith.index_cast %add3A_1429 : i32 to index
        %swap3A_1489 = arith.constant 80 : index
        %swap3A_1490 = tpu.vector_load %arg10[%swap3A_1488, %swap3A_1489] {strides = array<i32>} : memref<128x128xf32, #tpu.memory_space<vmem>>, vector<1x16xf32>,
        %swap3A_1491 = vector.shape_cast %swap3A_1490 : vector<1x16xf32> to vector<16xf32>
        %swap3A_1492 = vector.shape_cast %mul3A_1487 : vector<16xf32> to vector<1x16xf32>
        tpu.vector_store %arg10[%swap3A_1488, %swap3A_1489], %swap3A_1492 {strides = array<i32>} : memref<128x128xf32, #tpu.memory_space<vmem>>, vector<1x16xf32>,
        %get3A_1493 = arith.index_cast %add3A_1429 : i32 to index
        %get3A_1494 = arith.constant 96 : index
        %get3A_1495 = tpu.vector_load %arg10[%get3A_1493, %get3A_1494] {strides = array<i32>} : memref<128x128xf32, #tpu.memory_space<vmem>>, vector<1x16xf32>,
        %get3A_1496 = vector.shape_cast %get3A_1495 : vector<1x16xf32> to vector<16xf32>
        %mul3A_1497 = arith.mulf %get3A_1496, %broadcast_in_dim3A_1432 : vector<16xf32>
        %swap3A_1498 = arith.index_cast %add3A_1429 : i32 to index
        %swap3A_1499 = arith.constant 96 : index
        %swap3A_1500 = tpu.vector_load %arg10[%swap3A_1498, %swap3A_1499] {strides = array<i32>} : memref<128x128xf32, #tpu.memory_space<vmem>>, vector<1x16xf32>,
        %swap3A_1501 = vector.shape_cast %swap3A_1500 : vector<1x16xf32> to vector<16xf32>
        %swap3A_1502 = vector.shape_cast %mul3A_1497 : vector<16xf32> to vector<1x16xf32>
        tpu.vector_store %arg10[%swap3A_1498, %swap3A_1499], %swap3A_1502 {strides = array<i32>} : memref<128x128xf32, #tpu.memory_space<vmem>>, vector<1x16xf32>,
        %get3A_1503 = arith.index_cast %add3A_1429 : i32 to index
        %get3A_1504 = arith.constant 112 : index
        %get3A_1505 = tpu.vector_load %arg10[%get3A_1503, %get3A_1504] {strides = array<i32>} : memref<128x128xf32, #tpu.memory_space<vmem>>, vector<1x16xf32>,
        %get3A_1506 = vector.shape_cast %get3A_1505 : vector<1x16xf32> to vector<16xf32>
        %mul3A_1507 = arith.mulf %get3A_1506, %broadcast_in_dim3A_1432 : vector<16xf32>
        %swap3A_1508 = arith.index_cast %add3A_1429 : i32 to index
        %swap3A_1509 = arith.constant 112 : index
        %swap3A_1510 = tpu.vector_load %arg10[%swap3A_1508, %swap3A_1509] {strides = array<i32>} : memref<128x128xf32, #tpu.memory_space<vmem>>, vector<1x16xf32>,
        %swap3A_1511 = vector.shape_cast %swap3A_1510 : vector<1x16xf32> to vector<16xf32>
        %swap3A_1512 = vector.shape_cast %mul3A_1507 : vector<16xf32> to vector<1x16xf32>
        tpu.vector_store %arg10[%swap3A_1508, %swap3A_1509], %swap3A_1512 {strides = array<i32>} : memref<128x128xf32, #tpu.memory_space<vmem>>, vector<1x16xf32>,
        %mul3A_1513 = arith.constant 16 : i32
        %mul3A_1514 = arith.muli %scan3A_465, %mul3A_1513 : i32
        %add3A_1515 = arith.constant 12 : i32
        %add3A_1516 = arith.addi %mul3A_1514, %add3A_1515 : i32
        %slice3A_1517 = vector.extract_strided_slice %get3A_471 {offsets = [12], sizes = [1], strides = [1]} : vector<16xf32> to vector<1xf32>
        %squeeze3A_1518 = vector.extract %slice3A_1517[0] : f32 from vector<1xf32>
        %broadcast_in_dim3A_1519 = vector.broadcast %squeeze3A_1518 : f32 to vector<16xf32>
        %get3A_1520 = arith.index_cast %add3A_1516 : i32 to index
        %get3A_1521 = arith.constant 0 : index
        %get3A_1522 = tpu.vector_load %arg10[%get3A_1520, %get3A_1521] {strides = array<i32>} : memref<128x128xf32, #tpu.memory_space<vmem>>, vector<1x16xf32>,
        %get3A_1523 = vector.shape_cast %get3A_1522 : vector<1x16xf32> to vector<16xf32>
        %mul3A_1524 = arith.mulf %get3A_1523, %broadcast_in_dim3A_1519 : vector<16xf32>
        %swap3A_1525 = arith.index_cast %add3A_1516 : i32 to index
        %swap3A_1526 = arith.constant 0 : index
        %swap3A_1527 = tpu.vector_load %arg10[%swap3A_1525, %swap3A_1526] {strides = array<i32>} : memref<128x128xf32, #tpu.memory_space<vmem>>, vector<1x16xf32>,
        %swap3A_1528 = vector.shape_cast %swap3A_1527 : vector<1x16xf32> to vector<16xf32>
        %swap3A_1529 = vector.shape_cast %mul3A_1524 : vector<16xf32> to vector<1x16xf32>
        tpu.vector_store %arg10[%swap3A_1525, %swap3A_1526], %swap3A_1529 {strides = array<i32>} : memref<128x128xf32, #tpu.memory_space<vmem>>, vector<1x16xf32>,
        %get3A_1530 = arith.index_cast %add3A_1516 : i32 to index
        %get3A_1531 = arith.constant 16 : index
        %get3A_1532 = tpu.vector_load %arg10[%get3A_1530, %get3A_1531] {strides = array<i32>} : memref<128x128xf32, #tpu.memory_space<vmem>>, vector<1x16xf32>,
        %get3A_1533 = vector.shape_cast %get3A_1532 : vector<1x16xf32> to vector<16xf32>
        %mul3A_1534 = arith.mulf %get3A_1533, %broadcast_in_dim3A_1519 : vector<16xf32>
        %swap3A_1535 = arith.index_cast %add3A_1516 : i32 to index
        %swap3A_1536 = arith.constant 16 : index
        %swap3A_1537 = tpu.vector_load %arg10[%swap3A_1535, %swap3A_1536] {strides = array<i32>} : memref<128x128xf32, #tpu.memory_space<vmem>>, vector<1x16xf32>,
        %swap3A_1538 = vector.shape_cast %swap3A_1537 : vector<1x16xf32> to vector<16xf32>
        %swap3A_1539 = vector.shape_cast %mul3A_1534 : vector<16xf32> to vector<1x16xf32>
        tpu.vector_store %arg10[%swap3A_1535, %swap3A_1536], %swap3A_1539 {strides = array<i32>} : memref<128x128xf32, #tpu.memory_space<vmem>>, vector<1x16xf32>,
        %get3A_1540 = arith.index_cast %add3A_1516 : i32 to index
        %get3A_1541 = arith.constant 32 : index
        %get3A_1542 = tpu.vector_load %arg10[%get3A_1540, %get3A_1541] {strides = array<i32>} : memref<128x128xf32, #tpu.memory_space<vmem>>, vector<1x16xf32>,
        %get3A_1543 = vector.shape_cast %get3A_1542 : vector<1x16xf32> to vector<16xf32>
        %mul3A_1544 = arith.mulf %get3A_1543, %broadcast_in_dim3A_1519 : vector<16xf32>
        %swap3A_1545 = arith.index_cast %add3A_1516 : i32 to index
        %swap3A_1546 = arith.constant 32 : index
        %swap3A_1547 = tpu.vector_load %arg10[%swap3A_1545, %swap3A_1546] {strides = array<i32>} : memref<128x128xf32, #tpu.memory_space<vmem>>, vector<1x16xf32>,
        %swap3A_1548 = vector.shape_cast %swap3A_1547 : vector<1x16xf32> to vector<16xf32>
        %swap3A_1549 = vector.shape_cast %mul3A_1544 : vector<16xf32> to vector<1x16xf32>
        tpu.vector_store %arg10[%swap3A_1545, %swap3A_1546], %swap3A_1549 {strides = array<i32>} : memref<128x128xf32, #tpu.memory_space<vmem>>, vector<1x16xf32>,
        %get3A_1550 = arith.index_cast %add3A_1516 : i32 to index
        %get3A_1551 = arith.constant 48 : index
        %get3A_1552 = tpu.vector_load %arg10[%get3A_1550, %get3A_1551] {strides = array<i32>} : memref<128x128xf32, #tpu.memory_space<vmem>>, vector<1x16xf32>,
        %get3A_1553 = vector.shape_cast %get3A_1552 : vector<1x16xf32> to vector<16xf32>
        %mul3A_1554 = arith.mulf %get3A_1553, %broadcast_in_dim3A_1519 : vector<16xf32>
        %swap3A_1555 = arith.index_cast %add3A_1516 : i32 to index
        %swap3A_1556 = arith.constant 48 : index
        %swap3A_1557 = tpu.vector_load %arg10[%swap3A_1555, %swap3A_1556] {strides = array<i32>} : memref<128x128xf32, #tpu.memory_space<vmem>>, vector<1x16xf32>,
        %swap3A_1558 = vector.shape_cast %swap3A_1557 : vector<1x16xf32> to vector<16xf32>
        %swap3A_1559 = vector.shape_cast %mul3A_1554 : vector<16xf32> to vector<1x16xf32>
        tpu.vector_store %arg10[%swap3A_1555, %swap3A_1556], %swap3A_1559 {strides = array<i32>} : memref<128x128xf32, #tpu.memory_space<vmem>>, vector<1x16xf32>,
        %get3A_1560 = arith.index_cast %add3A_1516 : i32 to index
        %get3A_1561 = arith.constant 64 : index
        %get3A_1562 = tpu.vector_load %arg10[%get3A_1560, %get3A_1561] {strides = array<i32>} : memref<128x128xf32, #tpu.memory_space<vmem>>, vector<1x16xf32>,
        %get3A_1563 = vector.shape_cast %get3A_1562 : vector<1x16xf32> to vector<16xf32>
        %mul3A_1564 = arith.mulf %get3A_1563, %broadcast_in_dim3A_1519 : vector<16xf32>
        %swap3A_1565 = arith.index_cast %add3A_1516 : i32 to index
        %swap3A_1566 = arith.constant 64 : index
        %swap3A_1567 = tpu.vector_load %arg10[%swap3A_1565, %swap3A_1566] {strides = array<i32>} : memref<128x128xf32, #tpu.memory_space<vmem>>, vector<1x16xf32>,
        %swap3A_1568 = vector.shape_cast %swap3A_1567 : vector<1x16xf32> to vector<16xf32>
        %swap3A_1569 = vector.shape_cast %mul3A_1564 : vector<16xf32> to vector<1x16xf32>
        tpu.vector_store %arg10[%swap3A_1565, %swap3A_1566], %swap3A_1569 {strides = array<i32>} : memref<128x128xf32, #tpu.memory_space<vmem>>, vector<1x16xf32>,
        %get3A_1570 = arith.index_cast %add3A_1516 : i32 to index
        %get3A_1571 = arith.constant 80 : index
        %get3A_1572 = tpu.vector_load %arg10[%get3A_1570, %get3A_1571] {strides = array<i32>} : memref<128x128xf32, #tpu.memory_space<vmem>>, vector<1x16xf32>,
        %get3A_1573 = vector.shape_cast %get3A_1572 : vector<1x16xf32> to vector<16xf32>
        %mul3A_1574 = arith.mulf %get3A_1573, %broadcast_in_dim3A_1519 : vector<16xf32>
        %swap3A_1575 = arith.index_cast %add3A_1516 : i32 to index
        %swap3A_1576 = arith.constant 80 : index
        %swap3A_1577 = tpu.vector_load %arg10[%swap3A_1575, %swap3A_1576] {strides = array<i32>} : memref<128x128xf32, #tpu.memory_space<vmem>>, vector<1x16xf32>,
        %swap3A_1578 = vector.shape_cast %swap3A_1577 : vector<1x16xf32> to vector<16xf32>
        %swap3A_1579 = vector.shape_cast %mul3A_1574 : vector<16xf32> to vector<1x16xf32>
        tpu.vector_store %arg10[%swap3A_1575, %swap3A_1576], %swap3A_1579 {strides = array<i32>} : memref<128x128xf32, #tpu.memory_space<vmem>>, vector<1x16xf32>,
        %get3A_1580 = arith.index_cast %add3A_1516 : i32 to index
        %get3A_1581 = arith.constant 96 : index
        %get3A_1582 = tpu.vector_load %arg10[%get3A_1580, %get3A_1581] {strides = array<i32>} : memref<128x128xf32, #tpu.memory_space<vmem>>, vector<1x16xf32>,
        %get3A_1583 = vector.shape_cast %get3A_1582 : vector<1x16xf32> to vector<16xf32>
        %mul3A_1584 = arith.mulf %get3A_1583, %broadcast_in_dim3A_1519 : vector<16xf32>
        %swap3A_1585 = arith.index_cast %add3A_1516 : i32 to index
        %swap3A_1586 = arith.constant 96 : index
        %swap3A_1587 = tpu.vector_load %arg10[%swap3A_1585, %swap3A_1586] {strides = array<i32>} : memref<128x128xf32, #tpu.memory_space<vmem>>, vector<1x16xf32>,
        %swap3A_1588 = vector.shape_cast %swap3A_1587 : vector<1x16xf32> to vector<16xf32>
        %swap3A_1589 = vector.shape_cast %mul3A_1584 : vector<16xf32> to vector<1x16xf32>
        tpu.vector_store %arg10[%swap3A_1585, %swap3A_1586], %swap3A_1589 {strides = array<i32>} : memref<128x128xf32, #tpu.memory_space<vmem>>, vector<1x16xf32>,
        %get3A_1590 = arith.index_cast %add3A_1516 : i32 to index
        %get3A_1591 = arith.constant 112 : index
        %get3A_1592 = tpu.vector_load %arg10[%get3A_1590, %get3A_1591] {strides = array<i32>} : memref<128x128xf32, #tpu.memory_space<vmem>>, vector<1x16xf32>,
        %get3A_1593 = vector.shape_cast %get3A_1592 : vector<1x16xf32> to vector<16xf32>
        %mul3A_1594 = arith.mulf %get3A_1593, %broadcast_in_dim3A_1519 : vector<16xf32>
        %swap3A_1595 = arith.index_cast %add3A_1516 : i32 to index
        %swap3A_1596 = arith.constant 112 : index
        %swap3A_1597 = tpu.vector_load %arg10[%swap3A_1595, %swap3A_1596] {strides = array<i32>} : memref<128x128xf32, #tpu.memory_space<vmem>>, vector<1x16xf32>,
        %swap3A_1598 = vector.shape_cast %swap3A_1597 : vector<1x16xf32> to vector<16xf32>
        %swap3A_1599 = vector.shape_cast %mul3A_1594 : vector<16xf32> to vector<1x16xf32>
        tpu.vector_store %arg10[%swap3A_1595, %swap3A_1596], %swap3A_1599 {strides = array<i32>} : memref<128x128xf32, #tpu.memory_space<vmem>>, vector<1x16xf32>,
        %mul3A_1600 = arith.constant 16 : i32
        %mul3A_1601 = arith.muli %scan3A_465, %mul3A_1600 : i32
        %add3A_1602 = arith.constant 13 : i32
        %add3A_1603 = arith.addi %mul3A_1601, %add3A_1602 : i32
        %slice3A_1604 = vector.extract_strided_slice %get3A_471 {offsets = [13], sizes = [1], strides = [1]} : vector<16xf32> to vector<1xf32>
        %squeeze3A_1605 = vector.extract %slice3A_1604[0] : f32 from vector<1xf32>
        %broadcast_in_dim3A_1606 = vector.broadcast %squeeze3A_1605 : f32 to vector<16xf32>
        %get3A_1607 = arith.index_cast %add3A_1603 : i32 to index
        %get3A_1608 = arith.constant 0 : index
        %get3A_1609 = tpu.vector_load %arg10[%get3A_1607, %get3A_1608] {strides = array<i32>} : memref<128x128xf32, #tpu.memory_space<vmem>>, vector<1x16xf32>,
        %get3A_1610 = vector.shape_cast %get3A_1609 : vector<1x16xf32> to vector<16xf32>
        %mul3A_1611 = arith.mulf %get3A_1610, %broadcast_in_dim3A_1606 : vector<16xf32>
        %swap3A_1612 = arith.index_cast %add3A_1603 : i32 to index
        %swap3A_1613 = arith.constant 0 : index
        %swap3A_1614 = tpu.vector_load %arg10[%swap3A_1612, %swap3A_1613] {strides = array<i32>} : memref<128x128xf32, #tpu.memory_space<vmem>>, vector<1x16xf32>,
        %swap3A_1615 = vector.shape_cast %swap3A_1614 : vector<1x16xf32> to vector<16xf32>
        %swap3A_1616 = vector.shape_cast %mul3A_1611 : vector<16xf32> to vector<1x16xf32>
        tpu.vector_store %arg10[%swap3A_1612, %swap3A_1613], %swap3A_1616 {strides = array<i32>} : memref<128x128xf32, #tpu.memory_space<vmem>>, vector<1x16xf32>,
        %get3A_1617 = arith.index_cast %add3A_1603 : i32 to index
        %get3A_1618 = arith.constant 16 : index
        %get3A_1619 = tpu.vector_load %arg10[%get3A_1617, %get3A_1618] {strides = array<i32>} : memref<128x128xf32, #tpu.memory_space<vmem>>, vector<1x16xf32>,
        %get3A_1620 = vector.shape_cast %get3A_1619 : vector<1x16xf32> to vector<16xf32>
        %mul3A_1621 = arith.mulf %get3A_1620, %broadcast_in_dim3A_1606 : vector<16xf32>
        %swap3A_1622 = arith.index_cast %add3A_1603 : i32 to index
        %swap3A_1623 = arith.constant 16 : index
        %swap3A_1624 = tpu.vector_load %arg10[%swap3A_1622, %swap3A_1623] {strides = array<i32>} : memref<128x128xf32, #tpu.memory_space<vmem>>, vector<1x16xf32>,
        %swap3A_1625 = vector.shape_cast %swap3A_1624 : vector<1x16xf32> to vector<16xf32>
        %swap3A_1626 = vector.shape_cast %mul3A_1621 : vector<16xf32> to vector<1x16xf32>
        tpu.vector_store %arg10[%swap3A_1622, %swap3A_1623], %swap3A_1626 {strides = array<i32>} : memref<128x128xf32, #tpu.memory_space<vmem>>, vector<1x16xf32>,
        %get3A_1627 = arith.index_cast %add3A_1603 : i32 to index
        %get3A_1628 = arith.constant 32 : index
        %get3A_1629 = tpu.vector_load %arg10[%get3A_1627, %get3A_1628] {strides = array<i32>} : memref<128x128xf32, #tpu.memory_space<vmem>>, vector<1x16xf32>,
        %get3A_1630 = vector.shape_cast %get3A_1629 : vector<1x16xf32> to vector<16xf32>
        %mul3A_1631 = arith.mulf %get3A_1630, %broadcast_in_dim3A_1606 : vector<16xf32>
        %swap3A_1632 = arith.index_cast %add3A_1603 : i32 to index
        %swap3A_1633 = arith.constant 32 : index
        %swap3A_1634 = tpu.vector_load %arg10[%swap3A_1632, %swap3A_1633] {strides = array<i32>} : memref<128x128xf32, #tpu.memory_space<vmem>>, vector<1x16xf32>,
        %swap3A_1635 = vector.shape_cast %swap3A_1634 : vector<1x16xf32> to vector<16xf32>
        %swap3A_1636 = vector.shape_cast %mul3A_1631 : vector<16xf32> to vector<1x16xf32>
        tpu.vector_store %arg10[%swap3A_1632, %swap3A_1633], %swap3A_1636 {strides = array<i32>} : memref<128x128xf32, #tpu.memory_space<vmem>>, vector<1x16xf32>,
        %get3A_1637 = arith.index_cast %add3A_1603 : i32 to index
        %get3A_1638 = arith.constant 48 : index
        %get3A_1639 = tpu.vector_load %arg10[%get3A_1637, %get3A_1638] {strides = array<i32>} : memref<128x128xf32, #tpu.memory_space<vmem>>, vector<1x16xf32>,
        %get3A_1640 = vector.shape_cast %get3A_1639 : vector<1x16xf32> to vector<16xf32>
        %mul3A_1641 = arith.mulf %get3A_1640, %broadcast_in_dim3A_1606 : vector<16xf32>
        %swap3A_1642 = arith.index_cast %add3A_1603 : i32 to index
        %swap3A_1643 = arith.constant 48 : index
        %swap3A_1644 = tpu.vector_load %arg10[%swap3A_1642, %swap3A_1643] {strides = array<i32>} : memref<128x128xf32, #tpu.memory_space<vmem>>, vector<1x16xf32>,
        %swap3A_1645 = vector.shape_cast %swap3A_1644 : vector<1x16xf32> to vector<16xf32>
        %swap3A_1646 = vector.shape_cast %mul3A_1641 : vector<16xf32> to vector<1x16xf32>
        tpu.vector_store %arg10[%swap3A_1642, %swap3A_1643], %swap3A_1646 {strides = array<i32>} : memref<128x128xf32, #tpu.memory_space<vmem>>, vector<1x16xf32>,
        %get3A_1647 = arith.index_cast %add3A_1603 : i32 to index
        %get3A_1648 = arith.constant 64 : index
        %get3A_1649 = tpu.vector_load %arg10[%get3A_1647, %get3A_1648] {strides = array<i32>} : memref<128x128xf32, #tpu.memory_space<vmem>>, vector<1x16xf32>,
        %get3A_1650 = vector.shape_cast %get3A_1649 : vector<1x16xf32> to vector<16xf32>
        %mul3A_1651 = arith.mulf %get3A_1650, %broadcast_in_dim3A_1606 : vector<16xf32>
        %swap3A_1652 = arith.index_cast %add3A_1603 : i32 to index
        %swap3A_1653 = arith.constant 64 : index
        %swap3A_1654 = tpu.vector_load %arg10[%swap3A_1652, %swap3A_1653] {strides = array<i32>} : memref<128x128xf32, #tpu.memory_space<vmem>>, vector<1x16xf32>,
        %swap3A_1655 = vector.shape_cast %swap3A_1654 : vector<1x16xf32> to vector<16xf32>
        %swap3A_1656 = vector.shape_cast %mul3A_1651 : vector<16xf32> to vector<1x16xf32>
        tpu.vector_store %arg10[%swap3A_1652, %swap3A_1653], %swap3A_1656 {strides = array<i32>} : memref<128x128xf32, #tpu.memory_space<vmem>>, vector<1x16xf32>,
        %get3A_1657 = arith.index_cast %add3A_1603 : i32 to index
        %get3A_1658 = arith.constant 80 : index
        %get3A_1659 = tpu.vector_load %arg10[%get3A_1657, %get3A_1658] {strides = array<i32>} : memref<128x128xf32, #tpu.memory_space<vmem>>, vector<1x16xf32>,
        %get3A_1660 = vector.shape_cast %get3A_1659 : vector<1x16xf32> to vector<16xf32>
        %mul3A_1661 = arith.mulf %get3A_1660, %broadcast_in_dim3A_1606 : vector<16xf32>
        %swap3A_1662 = arith.index_cast %add3A_1603 : i32 to index
        %swap3A_1663 = arith.constant 80 : index
        %swap3A_1664 = tpu.vector_load %arg10[%swap3A_1662, %swap3A_1663] {strides = array<i32>} : memref<128x128xf32, #tpu.memory_space<vmem>>, vector<1x16xf32>,
        %swap3A_1665 = vector.shape_cast %swap3A_1664 : vector<1x16xf32> to vector<16xf32>
        %swap3A_1666 = vector.shape_cast %mul3A_1661 : vector<16xf32> to vector<1x16xf32>
        tpu.vector_store %arg10[%swap3A_1662, %swap3A_1663], %swap3A_1666 {strides = array<i32>} : memref<128x128xf32, #tpu.memory_space<vmem>>, vector<1x16xf32>,
        %get3A_1667 = arith.index_cast %add3A_1603 : i32 to index
        %get3A_1668 = arith.constant 96 : index
        %get3A_1669 = tpu.vector_load %arg10[%get3A_1667, %get3A_1668] {strides = array<i32>} : memref<128x128xf32, #tpu.memory_space<vmem>>, vector<1x16xf32>,
        %get3A_1670 = vector.shape_cast %get3A_1669 : vector<1x16xf32> to vector<16xf32>
        %mul3A_1671 = arith.mulf %get3A_1670, %broadcast_in_dim3A_1606 : vector<16xf32>
        %swap3A_1672 = arith.index_cast %add3A_1603 : i32 to index
        %swap3A_1673 = arith.constant 96 : index
        %swap3A_1674 = tpu.vector_load %arg10[%swap3A_1672, %swap3A_1673] {strides = array<i32>} : memref<128x128xf32, #tpu.memory_space<vmem>>, vector<1x16xf32>,
        %swap3A_1675 = vector.shape_cast %swap3A_1674 : vector<1x16xf32> to vector<16xf32>
        %swap3A_1676 = vector.shape_cast %mul3A_1671 : vector<16xf32> to vector<1x16xf32>
        tpu.vector_store %arg10[%swap3A_1672, %swap3A_1673], %swap3A_1676 {strides = array<i32>} : memref<128x128xf32, #tpu.memory_space<vmem>>, vector<1x16xf32>,
        %get3A_1677 = arith.index_cast %add3A_1603 : i32 to index
        %get3A_1678 = arith.constant 112 : index
        %get3A_1679 = tpu.vector_load %arg10[%get3A_1677, %get3A_1678] {strides = array<i32>} : memref<128x128xf32, #tpu.memory_space<vmem>>, vector<1x16xf32>,
        %get3A_1680 = vector.shape_cast %get3A_1679 : vector<1x16xf32> to vector<16xf32>
        %mul3A_1681 = arith.mulf %get3A_1680, %broadcast_in_dim3A_1606 : vector<16xf32>
        %swap3A_1682 = arith.index_cast %add3A_1603 : i32 to index
        %swap3A_1683 = arith.constant 112 : index
        %swap3A_1684 = tpu.vector_load %arg10[%swap3A_1682, %swap3A_1683] {strides = array<i32>} : memref<128x128xf32, #tpu.memory_space<vmem>>, vector<1x16xf32>,
        %swap3A_1685 = vector.shape_cast %swap3A_1684 : vector<1x16xf32> to vector<16xf32>
        %swap3A_1686 = vector.shape_cast %mul3A_1681 : vector<16xf32> to vector<1x16xf32>
        tpu.vector_store %arg10[%swap3A_1682, %swap3A_1683], %swap3A_1686 {strides = array<i32>} : memref<128x128xf32, #tpu.memory_space<vmem>>, vector<1x16xf32>,
        %mul3A_1687 = arith.constant 16 : i32
        %mul3A_1688 = arith.muli %scan3A_465, %mul3A_1687 : i32
        %add3A_1689 = arith.constant 14 : i32
        %add3A_1690 = arith.addi %mul3A_1688, %add3A_1689 : i32
        %slice3A_1691 = vector.extract_strided_slice %get3A_471 {offsets = [14], sizes = [1], strides = [1]} : vector<16xf32> to vector<1xf32>
        %squeeze3A_1692 = vector.extract %slice3A_1691[0] : f32 from vector<1xf32>
        %broadcast_in_dim3A_1693 = vector.broadcast %squeeze3A_1692 : f32 to vector<16xf32>
        %get3A_1694 = arith.index_cast %add3A_1690 : i32 to index
        %get3A_1695 = arith.constant 0 : index
        %get3A_1696 = tpu.vector_load %arg10[%get3A_1694, %get3A_1695] {strides = array<i32>} : memref<128x128xf32, #tpu.memory_space<vmem>>, vector<1x16xf32>,
        %get3A_1697 = vector.shape_cast %get3A_1696 : vector<1x16xf32> to vector<16xf32>
        %mul3A_1698 = arith.mulf %get3A_1697, %broadcast_in_dim3A_1693 : vector<16xf32>
        %swap3A_1699 = arith.index_cast %add3A_1690 : i32 to index
        %swap3A_1700 = arith.constant 0 : index
        %swap3A_1701 = tpu.vector_load %arg10[%swap3A_1699, %swap3A_1700] {strides = array<i32>} : memref<128x128xf32, #tpu.memory_space<vmem>>, vector<1x16xf32>,
        %swap3A_1702 = vector.shape_cast %swap3A_1701 : vector<1x16xf32> to vector<16xf32>
        %swap3A_1703 = vector.shape_cast %mul3A_1698 : vector<16xf32> to vector<1x16xf32>
        tpu.vector_store %arg10[%swap3A_1699, %swap3A_1700], %swap3A_1703 {strides = array<i32>} : memref<128x128xf32, #tpu.memory_space<vmem>>, vector<1x16xf32>,
        %get3A_1704 = arith.index_cast %add3A_1690 : i32 to index
        %get3A_1705 = arith.constant 16 : index
        %get3A_1706 = tpu.vector_load %arg10[%get3A_1704, %get3A_1705] {strides = array<i32>} : memref<128x128xf32, #tpu.memory_space<vmem>>, vector<1x16xf32>,
        %get3A_1707 = vector.shape_cast %get3A_1706 : vector<1x16xf32> to vector<16xf32>
        %mul3A_1708 = arith.mulf %get3A_1707, %broadcast_in_dim3A_1693 : vector<16xf32>
        %swap3A_1709 = arith.index_cast %add3A_1690 : i32 to index
        %swap3A_1710 = arith.constant 16 : index
        %swap3A_1711 = tpu.vector_load %arg10[%swap3A_1709, %swap3A_1710] {strides = array<i32>} : memref<128x128xf32, #tpu.memory_space<vmem>>, vector<1x16xf32>,
        %swap3A_1712 = vector.shape_cast %swap3A_1711 : vector<1x16xf32> to vector<16xf32>
        %swap3A_1713 = vector.shape_cast %mul3A_1708 : vector<16xf32> to vector<1x16xf32>
        tpu.vector_store %arg10[%swap3A_1709, %swap3A_1710], %swap3A_1713 {strides = array<i32>} : memref<128x128xf32, #tpu.memory_space<vmem>>, vector<1x16xf32>,
        %get3A_1714 = arith.index_cast %add3A_1690 : i32 to index
        %get3A_1715 = arith.constant 32 : index
        %get3A_1716 = tpu.vector_load %arg10[%get3A_1714, %get3A_1715] {strides = array<i32>} : memref<128x128xf32, #tpu.memory_space<vmem>>, vector<1x16xf32>,
        %get3A_1717 = vector.shape_cast %get3A_1716 : vector<1x16xf32> to vector<16xf32>
        %mul3A_1718 = arith.mulf %get3A_1717, %broadcast_in_dim3A_1693 : vector<16xf32>
        %swap3A_1719 = arith.index_cast %add3A_1690 : i32 to index
        %swap3A_1720 = arith.constant 32 : index
        %swap3A_1721 = tpu.vector_load %arg10[%swap3A_1719, %swap3A_1720] {strides = array<i32>} : memref<128x128xf32, #tpu.memory_space<vmem>>, vector<1x16xf32>,
        %swap3A_1722 = vector.shape_cast %swap3A_1721 : vector<1x16xf32> to vector<16xf32>
        %swap3A_1723 = vector.shape_cast %mul3A_1718 : vector<16xf32> to vector<1x16xf32>
        tpu.vector_store %arg10[%swap3A_1719, %swap3A_1720], %swap3A_1723 {strides = array<i32>} : memref<128x128xf32, #tpu.memory_space<vmem>>, vector<1x16xf32>,
        %get3A_1724 = arith.index_cast %add3A_1690 : i32 to index
        %get3A_1725 = arith.constant 48 : index
        %get3A_1726 = tpu.vector_load %arg10[%get3A_1724, %get3A_1725] {strides = array<i32>} : memref<128x128xf32, #tpu.memory_space<vmem>>, vector<1x16xf32>,
        %get3A_1727 = vector.shape_cast %get3A_1726 : vector<1x16xf32> to vector<16xf32>
        %mul3A_1728 = arith.mulf %get3A_1727, %broadcast_in_dim3A_1693 : vector<16xf32>
        %swap3A_1729 = arith.index_cast %add3A_1690 : i32 to index
        %swap3A_1730 = arith.constant 48 : index
        %swap3A_1731 = tpu.vector_load %arg10[%swap3A_1729, %swap3A_1730] {strides = array<i32>} : memref<128x128xf32, #tpu.memory_space<vmem>>, vector<1x16xf32>,
        %swap3A_1732 = vector.shape_cast %swap3A_1731 : vector<1x16xf32> to vector<16xf32>
        %swap3A_1733 = vector.shape_cast %mul3A_1728 : vector<16xf32> to vector<1x16xf32>
        tpu.vector_store %arg10[%swap3A_1729, %swap3A_1730], %swap3A_1733 {strides = array<i32>} : memref<128x128xf32, #tpu.memory_space<vmem>>, vector<1x16xf32>,
        %get3A_1734 = arith.index_cast %add3A_1690 : i32 to index
        %get3A_1735 = arith.constant 64 : index
        %get3A_1736 = tpu.vector_load %arg10[%get3A_1734, %get3A_1735] {strides = array<i32>} : memref<128x128xf32, #tpu.memory_space<vmem>>, vector<1x16xf32>,
        %get3A_1737 = vector.shape_cast %get3A_1736 : vector<1x16xf32> to vector<16xf32>
        %mul3A_1738 = arith.mulf %get3A_1737, %broadcast_in_dim3A_1693 : vector<16xf32>
        %swap3A_1739 = arith.index_cast %add3A_1690 : i32 to index
        %swap3A_1740 = arith.constant 64 : index
        %swap3A_1741 = tpu.vector_load %arg10[%swap3A_1739, %swap3A_1740] {strides = array<i32>} : memref<128x128xf32, #tpu.memory_space<vmem>>, vector<1x16xf32>,
        %swap3A_1742 = vector.shape_cast %swap3A_1741 : vector<1x16xf32> to vector<16xf32>
        %swap3A_1743 = vector.shape_cast %mul3A_1738 : vector<16xf32> to vector<1x16xf32>
        tpu.vector_store %arg10[%swap3A_1739, %swap3A_1740], %swap3A_1743 {strides = array<i32>} : memref<128x128xf32, #tpu.memory_space<vmem>>, vector<1x16xf32>,
        %get3A_1744 = arith.index_cast %add3A_1690 : i32 to index
        %get3A_1745 = arith.constant 80 : index
        %get3A_1746 = tpu.vector_load %arg10[%get3A_1744, %get3A_1745] {strides = array<i32>} : memref<128x128xf32, #tpu.memory_space<vmem>>, vector<1x16xf32>,
        %get3A_1747 = vector.shape_cast %get3A_1746 : vector<1x16xf32> to vector<16xf32>
        %mul3A_1748 = arith.mulf %get3A_1747, %broadcast_in_dim3A_1693 : vector<16xf32>
        %swap3A_1749 = arith.index_cast %add3A_1690 : i32 to index
        %swap3A_1750 = arith.constant 80 : index
        %swap3A_1751 = tpu.vector_load %arg10[%swap3A_1749, %swap3A_1750] {strides = array<i32>} : memref<128x128xf32, #tpu.memory_space<vmem>>, vector<1x16xf32>,
        %swap3A_1752 = vector.shape_cast %swap3A_1751 : vector<1x16xf32> to vector<16xf32>
        %swap3A_1753 = vector.shape_cast %mul3A_1748 : vector<16xf32> to vector<1x16xf32>
        tpu.vector_store %arg10[%swap3A_1749, %swap3A_1750], %swap3A_1753 {strides = array<i32>} : memref<128x128xf32, #tpu.memory_space<vmem>>, vector<1x16xf32>,
        %get3A_1754 = arith.index_cast %add3A_1690 : i32 to index
        %get3A_1755 = arith.constant 96 : index
        %get3A_1756 = tpu.vector_load %arg10[%get3A_1754, %get3A_1755] {strides = array<i32>} : memref<128x128xf32, #tpu.memory_space<vmem>>, vector<1x16xf32>,
        %get3A_1757 = vector.shape_cast %get3A_1756 : vector<1x16xf32> to vector<16xf32>
        %mul3A_1758 = arith.mulf %get3A_1757, %broadcast_in_dim3A_1693 : vector<16xf32>
        %swap3A_1759 = arith.index_cast %add3A_1690 : i32 to index
        %swap3A_1760 = arith.constant 96 : index
        %swap3A_1761 = tpu.vector_load %arg10[%swap3A_1759, %swap3A_1760] {strides = array<i32>} : memref<128x128xf32, #tpu.memory_space<vmem>>, vector<1x16xf32>,
        %swap3A_1762 = vector.shape_cast %swap3A_1761 : vector<1x16xf32> to vector<16xf32>
        %swap3A_1763 = vector.shape_cast %mul3A_1758 : vector<16xf32> to vector<1x16xf32>
        tpu.vector_store %arg10[%swap3A_1759, %swap3A_1760], %swap3A_1763 {strides = array<i32>} : memref<128x128xf32, #tpu.memory_space<vmem>>, vector<1x16xf32>,
        %get3A_1764 = arith.index_cast %add3A_1690 : i32 to index
        %get3A_1765 = arith.constant 112 : index
        %get3A_1766 = tpu.vector_load %arg10[%get3A_1764, %get3A_1765] {strides = array<i32>} : memref<128x128xf32, #tpu.memory_space<vmem>>, vector<1x16xf32>,
        %get3A_1767 = vector.shape_cast %get3A_1766 : vector<1x16xf32> to vector<16xf32>
        %mul3A_1768 = arith.mulf %get3A_1767, %broadcast_in_dim3A_1693 : vector<16xf32>
        %swap3A_1769 = arith.index_cast %add3A_1690 : i32 to index
        %swap3A_1770 = arith.constant 112 : index
        %swap3A_1771 = tpu.vector_load %arg10[%swap3A_1769, %swap3A_1770] {strides = array<i32>} : memref<128x128xf32, #tpu.memory_space<vmem>>, vector<1x16xf32>,
        %swap3A_1772 = vector.shape_cast %swap3A_1771 : vector<1x16xf32> to vector<16xf32>
        %swap3A_1773 = vector.shape_cast %mul3A_1768 : vector<16xf32> to vector<1x16xf32>
        tpu.vector_store %arg10[%swap3A_1769, %swap3A_1770], %swap3A_1773 {strides = array<i32>} : memref<128x128xf32, #tpu.memory_space<vmem>>, vector<1x16xf32>,
        %mul3A_1774 = arith.constant 16 : i32
        %mul3A_1775 = arith.muli %scan3A_465, %mul3A_1774 : i32
        %add3A_1776 = arith.constant 15 : i32
        %add3A_1777 = arith.addi %mul3A_1775, %add3A_1776 : i32
        %slice3A_1778 = vector.extract_strided_slice %get3A_471 {offsets = [15], sizes = [1], strides = [1]} : vector<16xf32> to vector<1xf32>
        %squeeze3A_1779 = vector.extract %slice3A_1778[0] : f32 from vector<1xf32>
        %broadcast_in_dim3A_1780 = vector.broadcast %squeeze3A_1779 : f32 to vector<16xf32>
        %get3A_1781 = arith.index_cast %add3A_1777 : i32 to index
        %get3A_1782 = arith.constant 0 : index
        %get3A_1783 = tpu.vector_load %arg10[%get3A_1781, %get3A_1782] {strides = array<i32>} : memref<128x128xf32, #tpu.memory_space<vmem>>, vector<1x16xf32>,
        %get3A_1784 = vector.shape_cast %get3A_1783 : vector<1x16xf32> to vector<16xf32>
        %mul3A_1785 = arith.mulf %get3A_1784, %broadcast_in_dim3A_1780 : vector<16xf32>
        %swap3A_1786 = arith.index_cast %add3A_1777 : i32 to index
        %swap3A_1787 = arith.constant 0 : index
        %swap3A_1788 = tpu.vector_load %arg10[%swap3A_1786, %swap3A_1787] {strides = array<i32>} : memref<128x128xf32, #tpu.memory_space<vmem>>, vector<1x16xf32>,
        %swap3A_1789 = vector.shape_cast %swap3A_1788 : vector<1x16xf32> to vector<16xf32>
        %swap3A_1790 = vector.shape_cast %mul3A_1785 : vector<16xf32> to vector<1x16xf32>
        tpu.vector_store %arg10[%swap3A_1786, %swap3A_1787], %swap3A_1790 {strides = array<i32>} : memref<128x128xf32, #tpu.memory_space<vmem>>, vector<1x16xf32>,
        %get3A_1791 = arith.index_cast %add3A_1777 : i32 to index
        %get3A_1792 = arith.constant 16 : index
        %get3A_1793 = tpu.vector_load %arg10[%get3A_1791, %get3A_1792] {strides = array<i32>} : memref<128x128xf32, #tpu.memory_space<vmem>>, vector<1x16xf32>,
        %get3A_1794 = vector.shape_cast %get3A_1793 : vector<1x16xf32> to vector<16xf32>
        %mul3A_1795 = arith.mulf %get3A_1794, %broadcast_in_dim3A_1780 : vector<16xf32>
        %swap3A_1796 = arith.index_cast %add3A_1777 : i32 to index
        %swap3A_1797 = arith.constant 16 : index
        %swap3A_1798 = tpu.vector_load %arg10[%swap3A_1796, %swap3A_1797] {strides = array<i32>} : memref<128x128xf32, #tpu.memory_space<vmem>>, vector<1x16xf32>,
        %swap3A_1799 = vector.shape_cast %swap3A_1798 : vector<1x16xf32> to vector<16xf32>
        %swap3A_1800 = vector.shape_cast %mul3A_1795 : vector<16xf32> to vector<1x16xf32>
        tpu.vector_store %arg10[%swap3A_1796, %swap3A_1797], %swap3A_1800 {strides = array<i32>} : memref<128x128xf32, #tpu.memory_space<vmem>>, vector<1x16xf32>,
        %get3A_1801 = arith.index_cast %add3A_1777 : i32 to index
        %get3A_1802 = arith.constant 32 : index
        %get3A_1803 = tpu.vector_load %arg10[%get3A_1801, %get3A_1802] {strides = array<i32>} : memref<128x128xf32, #tpu.memory_space<vmem>>, vector<1x16xf32>,
        %get3A_1804 = vector.shape_cast %get3A_1803 : vector<1x16xf32> to vector<16xf32>
        %mul3A_1805 = arith.mulf %get3A_1804, %broadcast_in_dim3A_1780 : vector<16xf32>
        %swap3A_1806 = arith.index_cast %add3A_1777 : i32 to index
        %swap3A_1807 = arith.constant 32 : index
        %swap3A_1808 = tpu.vector_load %arg10[%swap3A_1806, %swap3A_1807] {strides = array<i32>} : memref<128x128xf32, #tpu.memory_space<vmem>>, vector<1x16xf32>,
        %swap3A_1809 = vector.shape_cast %swap3A_1808 : vector<1x16xf32> to vector<16xf32>
        %swap3A_1810 = vector.shape_cast %mul3A_1805 : vector<16xf32> to vector<1x16xf32>
        tpu.vector_store %arg10[%swap3A_1806, %swap3A_1807], %swap3A_1810 {strides = array<i32>} : memref<128x128xf32, #tpu.memory_space<vmem>>, vector<1x16xf32>,
        %get3A_1811 = arith.index_cast %add3A_1777 : i32 to index
        %get3A_1812 = arith.constant 48 : index
        %get3A_1813 = tpu.vector_load %arg10[%get3A_1811, %get3A_1812] {strides = array<i32>} : memref<128x128xf32, #tpu.memory_space<vmem>>, vector<1x16xf32>,
        %get3A_1814 = vector.shape_cast %get3A_1813 : vector<1x16xf32> to vector<16xf32>
        %mul3A_1815 = arith.mulf %get3A_1814, %broadcast_in_dim3A_1780 : vector<16xf32>
        %swap3A_1816 = arith.index_cast %add3A_1777 : i32 to index
        %swap3A_1817 = arith.constant 48 : index
        %swap3A_1818 = tpu.vector_load %arg10[%swap3A_1816, %swap3A_1817] {strides = array<i32>} : memref<128x128xf32, #tpu.memory_space<vmem>>, vector<1x16xf32>,
        %swap3A_1819 = vector.shape_cast %swap3A_1818 : vector<1x16xf32> to vector<16xf32>
        %swap3A_1820 = vector.shape_cast %mul3A_1815 : vector<16xf32> to vector<1x16xf32>
        tpu.vector_store %arg10[%swap3A_1816, %swap3A_1817], %swap3A_1820 {strides = array<i32>} : memref<128x128xf32, #tpu.memory_space<vmem>>, vector<1x16xf32>,
        %get3A_1821 = arith.index_cast %add3A_1777 : i32 to index
        %get3A_1822 = arith.constant 64 : index
        %get3A_1823 = tpu.vector_load %arg10[%get3A_1821, %get3A_1822] {strides = array<i32>} : memref<128x128xf32, #tpu.memory_space<vmem>>, vector<1x16xf32>,
        %get3A_1824 = vector.shape_cast %get3A_1823 : vector<1x16xf32> to vector<16xf32>
        %mul3A_1825 = arith.mulf %get3A_1824, %broadcast_in_dim3A_1780 : vector<16xf32>
        %swap3A_1826 = arith.index_cast %add3A_1777 : i32 to index
        %swap3A_1827 = arith.constant 64 : index
        %swap3A_1828 = tpu.vector_load %arg10[%swap3A_1826, %swap3A_1827] {strides = array<i32>} : memref<128x128xf32, #tpu.memory_space<vmem>>, vector<1x16xf32>,
        %swap3A_1829 = vector.shape_cast %swap3A_1828 : vector<1x16xf32> to vector<16xf32>
        %swap3A_1830 = vector.shape_cast %mul3A_1825 : vector<16xf32> to vector<1x16xf32>
        tpu.vector_store %arg10[%swap3A_1826, %swap3A_1827], %swap3A_1830 {strides = array<i32>} : memref<128x128xf32, #tpu.memory_space<vmem>>, vector<1x16xf32>,
        %get3A_1831 = arith.index_cast %add3A_1777 : i32 to index
        %get3A_1832 = arith.constant 80 : index
        %get3A_1833 = tpu.vector_load %arg10[%get3A_1831, %get3A_1832] {strides = array<i32>} : memref<128x128xf32, #tpu.memory_space<vmem>>, vector<1x16xf32>,
        %get3A_1834 = vector.shape_cast %get3A_1833 : vector<1x16xf32> to vector<16xf32>
        %mul3A_1835 = arith.mulf %get3A_1834, %broadcast_in_dim3A_1780 : vector<16xf32>
        %swap3A_1836 = arith.index_cast %add3A_1777 : i32 to index
        %swap3A_1837 = arith.constant 80 : index
        %swap3A_1838 = tpu.vector_load %arg10[%swap3A_1836, %swap3A_1837] {strides = array<i32>} : memref<128x128xf32, #tpu.memory_space<vmem>>, vector<1x16xf32>,
        %swap3A_1839 = vector.shape_cast %swap3A_1838 : vector<1x16xf32> to vector<16xf32>
        %swap3A_1840 = vector.shape_cast %mul3A_1835 : vector<16xf32> to vector<1x16xf32>
        tpu.vector_store %arg10[%swap3A_1836, %swap3A_1837], %swap3A_1840 {strides = array<i32>} : memref<128x128xf32, #tpu.memory_space<vmem>>, vector<1x16xf32>,
        %get3A_1841 = arith.index_cast %add3A_1777 : i32 to index
        %get3A_1842 = arith.constant 96 : index
        %get3A_1843 = tpu.vector_load %arg10[%get3A_1841, %get3A_1842] {strides = array<i32>} : memref<128x128xf32, #tpu.memory_space<vmem>>, vector<1x16xf32>,
        %get3A_1844 = vector.shape_cast %get3A_1843 : vector<1x16xf32> to vector<16xf32>
        %mul3A_1845 = arith.mulf %get3A_1844, %broadcast_in_dim3A_1780 : vector<16xf32>
        %swap3A_1846 = arith.index_cast %add3A_1777 : i32 to index
        %swap3A_1847 = arith.constant 96 : index
        %swap3A_1848 = tpu.vector_load %arg10[%swap3A_1846, %swap3A_1847] {strides = array<i32>} : memref<128x128xf32, #tpu.memory_space<vmem>>, vector<1x16xf32>,
        %swap3A_1849 = vector.shape_cast %swap3A_1848 : vector<1x16xf32> to vector<16xf32>
        %swap3A_1850 = vector.shape_cast %mul3A_1845 : vector<16xf32> to vector<1x16xf32>
        tpu.vector_store %arg10[%swap3A_1846, %swap3A_1847], %swap3A_1850 {strides = array<i32>} : memref<128x128xf32, #tpu.memory_space<vmem>>, vector<1x16xf32>,
        %get3A_1851 = arith.index_cast %add3A_1777 : i32 to index
        %get3A_1852 = arith.constant 112 : index
        %get3A_1853 = tpu.vector_load %arg10[%get3A_1851, %get3A_1852] {strides = array<i32>} : memref<128x128xf32, #tpu.memory_space<vmem>>, vector<1x16xf32>,
        %get3A_1854 = vector.shape_cast %get3A_1853 : vector<1x16xf32> to vector<16xf32>
        %mul3A_1855 = arith.mulf %get3A_1854, %broadcast_in_dim3A_1780 : vector<16xf32>
        %swap3A_1856 = arith.index_cast %add3A_1777 : i32 to index
        %swap3A_1857 = arith.constant 112 : index
        %swap3A_1858 = tpu.vector_load %arg10[%swap3A_1856, %swap3A_1857] {strides = array<i32>} : memref<128x128xf32, #tpu.memory_space<vmem>>, vector<1x16xf32>,
        %swap3A_1859 = vector.shape_cast %swap3A_1858 : vector<1x16xf32> to vector<16xf32>
        %swap3A_1860 = vector.shape_cast %mul3A_1855 : vector<16xf32> to vector<1x16xf32>
        tpu.vector_store %arg10[%swap3A_1856, %swap3A_1857], %swap3A_1860 {strides = array<i32>} : memref<128x128xf32, #tpu.memory_space<vmem>>, vector<1x16xf32>,
      }
      %scan3A_361 = arith.constant 8 : i32
      %dma_start3A_362 = arith.constant 0 : i32
      %dma_start3A_363 = tpu.memref_slice %arg8[%select_n3A_288, %select_n3A_304, %dma_start3A_362] : memref<2x16x128xi32, #tpu.memory_space<vmem>> -> memref<1x1x128xi32, #tpu.memory_space<vmem>>
      %dma_start3A_364 = tpu.memref_squeeze %dma_start3A_363 : memref<1x1x128xi32, #tpu.memory_space<vmem>> -> memref<128xi32, #tpu.memory_space<vmem>>
      %dma_start3A_365 = arith.constant 0 : i32
      %dma_start3A_366 = arith.constant 0 : i32
      %dma_start3A_367 = tpu.memref_slice %arg12[%dma_start3A_365, %dma_start3A_366] : memref<10000x128xf32, #tpu.memory_space<vmem_shared>> -> memref<10000x128xf32, #tpu.memory_space<vmem_shared>>
      tpu.enqueue_indirect_dma source(%arg10 : memref<128x128xf32, #tpu.memory_space<vmem>>) target(%dma_start3A_367 : memref<10000x128xf32, #tpu.memory_space<vmem_shared>>) offsets(%dma_start3A_364 : memref<128xi32, #tpu.memory_space<vmem>>) semaphore(%arg15 : memref<!tpu.dma_semaphore, #tpu.memory_space<semaphore_mem>>) {add = true}
      %mul3A_368 = arith.constant 2 : i32
      %mul3A_369 = arith.muli %scan3A_251, %mul3A_368 : i32
      %add3A_370 = arith.constant 1 : i32
      %add3A_371 = arith.addi %mul3A_369, %add3A_370 : i32
      %jit3A_372 = arith.constant 16 : i32
      %div3A_373 = arith.divsi %add3A_371, %jit3A_372 : i32
      %sign3A_374 = arith.constant 0 : i32
      %sign3A_375 = arith.cmpi sgt, %add3A_371, %sign3A_374 : i32
      %sign3A_376 = arith.extui %sign3A_375 : i1 to i32
      %sign3A_377 = arith.constant 0 : i32
      %sign3A_378 = arith.cmpi slt, %add3A_371, %sign3A_377 : i32
      %sign3A_379 = arith.extui %sign3A_378 : i1 to i32
      %sign3A_380 = arith.subi %sign3A_376, %sign3A_379 : i32
      %sign3A_381 = arith.constant 0 : i32
      %sign3A_382 = arith.cmpi sgt, %jit3A_372, %sign3A_381 : i32
      %sign3A_383 = arith.extui %sign3A_382 : i1 to i32
      %sign3A_384 = arith.constant 0 : i32
      %sign3A_385 = arith.cmpi slt, %jit3A_372, %sign3A_384 : i32
      %sign3A_386 = arith.extui %sign3A_385 : i1 to i32
      %sign3A_387 = arith.subi %sign3A_383, %sign3A_386 : i32
      %ne3A_388 = arith.cmpi ne, %sign3A_380, %sign3A_387 : i32
      %rem3A_389 = arith.remsi %add3A_371, %jit3A_372 : i32
      %ne3A_390 = arith.constant 0 : i32
      %ne3A_391 = arith.cmpi ne, %rem3A_389, %ne3A_390 : i32
      %and3A_392 = arith.andi %ne3A_388, %ne3A_391 : i1
      %sub3A_393 = arith.constant 1 : i32
      %sub3A_394 = arith.subi %div3A_373, %sub3A_393 : i32
      %select_n3A_395 = arith.select %and3A_392, %sub3A_394, %div3A_373 : i32
      %jit3A_396 = arith.constant 2 : i32
      %eq3A_397 = arith.constant 0 : i32
      %eq3A_398 = arith.cmpi eq, %jit3A_396, %eq3A_397 : i32
      %jit3A_399 = arith.constant 1 : i32
      %select_n3A_400 = arith.select %eq3A_398, %jit3A_399, %jit3A_396 : i32
      %rem3A_401 = arith.remsi %select_n3A_395, %select_n3A_400 : i32
      %ne3A_402 = arith.constant 0 : i32
      %ne3A_403 = arith.cmpi ne, %rem3A_401, %ne3A_402 : i32
      %lt3A_404 = arith.constant 0 : i32
      %lt3A_405 = arith.cmpi slt, %rem3A_401, %lt3A_404 : i32
      %lt3A_406 = arith.constant 0 : i32
      %lt3A_407 = arith.cmpi slt, %select_n3A_400, %lt3A_406 : i32
      %ne3A_408 = arith.xori %lt3A_405, %lt3A_407 : i1
      %and3A_409 = arith.andi %ne3A_408, %ne3A_403 : i1
      %add3A_410 = arith.addi %rem3A_401, %select_n3A_400 : i32
      %select_n3A_411 = arith.select %and3A_409, %add3A_410, %rem3A_401 : i32
      %jit3A_412 = arith.constant 16 : i32
      %eq3A_413 = arith.constant 0 : i32
      %eq3A_414 = arith.cmpi eq, %jit3A_412, %eq3A_413 : i32
      %jit3A_415 = arith.constant 1 : i32
      %select_n3A_416 = arith.select %eq3A_414, %jit3A_415, %jit3A_412 : i32
      %rem3A_417 = arith.remsi %add3A_371, %select_n3A_416 : i32
      %ne3A_418 = arith.constant 0 : i32
      %ne3A_419 = arith.cmpi ne, %rem3A_417, %ne3A_418 : i32
      %lt3A_420 = arith.constant 0 : i32
      %lt3A_421 = arith.cmpi slt, %rem3A_417, %lt3A_420 : i32
      %lt3A_422 = arith.constant 0 : i32
      %lt3A_423 = arith.cmpi slt, %select_n3A_416, %lt3A_422 : i32
      %ne3A_424 = arith.xori %lt3A_421, %lt3A_423 : i1
      %and3A_425 = arith.andi %ne3A_424, %ne3A_419 : i1
      %add3A_426 = arith.addi %rem3A_417, %select_n3A_416 : i32
      %select_n3A_427 = arith.select %and3A_425, %add3A_426, %rem3A_417 : i32
      %dma_wait3A_428 = arith.constant 0 : i32
      %dma_wait3A_429 = tpu.memref_slice %arg7[%select_n3A_411, %select_n3A_427, %dma_wait3A_428] : memref<2x16x128xi32, #tpu.memory_space<vmem>> -> memref<1x1x128xi32, #tpu.memory_space<vmem>>
      %dma_wait3A_430 = tpu.memref_squeeze %dma_wait3A_429 : memref<1x1x128xi32, #tpu.memory_space<vmem>> -> memref<128xi32, #tpu.memory_space<vmem>>
      %dma_wait3A_431 = arith.constant 0 : i32
      %dma_wait3A_432 = arith.constant 0 : i32
      %dma_wait3A_433 = tpu.memref_slice %arg2[%dma_wait3A_431, %dma_wait3A_432] : memref<10000x128xf32, #tpu.memory_space<hbm>> -> memref<10000x128xf32, #tpu.memory_space<hbm>>
      tpu.wait_indirect_dma semaphore(%arg14 : memref<!tpu.dma_semaphore, #tpu.memory_space<semaphore_mem>>) src(%dma_wait3A_433 : memref<10000x128xf32, #tpu.memory_space<hbm>>) dst(%arg11 : memref<128x128xf32, #tpu.memory_space<vmem>>)
      %dma_wait3A_434 = arith.constant 0 : i32
      %dma_wait3A_435 = tpu.memref_slice %arg8[%select_n3A_411, %select_n3A_427, %dma_wait3A_434] : memref<2x16x128xi32, #tpu.memory_space<vmem>> -> memref<1x1x128xi32, #tpu.memory_space<vmem>>
      %dma_wait3A_436 = tpu.memref_squeeze %dma_wait3A_435 : memref<1x1x128xi32, #tpu.memory_space<vmem>> -> memref<128xi32, #tpu.memory_space<vmem>>
      %dma_wait3A_437 = arith.constant 0 : i32
      %dma_wait3A_438 = arith.constant 0 : i32
      %dma_wait3A_439 = tpu.memref_slice %arg12[%dma_wait3A_437, %dma_wait3A_438] : memref<10000x128xf32, #tpu.memory_space<vmem_shared>> -> memref<10000x128xf32, #tpu.memory_space<vmem_shared>>
      tpu.wait_indirect_dma semaphore(%arg15 : memref<!tpu.dma_semaphore, #tpu.memory_space<semaphore_mem>>) src(%arg10 : memref<128x128xf32, #tpu.memory_space<vmem>>) dst(%dma_wait3A_439 : memref<10000x128xf32, #tpu.memory_space<vmem_shared>>)
      %eq3A_440 = arith.constant 15 : i32
      %eq3A_441 = arith.cmpi eq, %select_n3A_427, %eq3A_440 : i32
      %lt3A_442 = arith.constant 79 : i32
      %lt3A_443 = arith.cmpi slt, %add3A_371, %lt3A_442 : i32
      %and3A_444 = arith.andi %eq3A_441, %lt3A_443 : i1
      %convert_element_type3A_445 = arith.extui %and3A_444 : i1 to i32
      %cond3A_446 = arith.constant 0 : i32
      %cond3A_447 = arith.cmpi ne, %convert_element_type3A_445, %cond3A_446 : i32
      scf.if %cond3A_447 {
        %add3A_465 = arith.constant 1 : i32
        %add3A_466 = arith.addi %add3A_371, %add3A_465 : i32
        %jit3A_467 = arith.constant 16 : i32
        %div3A_468 = arith.divsi %add3A_466, %jit3A_467 : i32
        %sign3A_469 = arith.constant 0 : i32
        %sign3A_470 = arith.cmpi sgt, %add3A_466, %sign3A_469 : i32
        %sign3A_471 = arith.extui %sign3A_470 : i1 to i32
        %sign3A_472 = arith.constant 0 : i32
        %sign3A_473 = arith.cmpi slt, %add3A_466, %sign3A_472 : i32
        %sign3A_474 = arith.extui %sign3A_473 : i1 to i32
        %sign3A_475 = arith.subi %sign3A_471, %sign3A_474 : i32
        %sign3A_476 = arith.constant 0 : i32
        %sign3A_477 = arith.cmpi sgt, %jit3A_467, %sign3A_476 : i32
        %sign3A_478 = arith.extui %sign3A_477 : i1 to i32
        %sign3A_479 = arith.constant 0 : i32
        %sign3A_480 = arith.cmpi slt, %jit3A_467, %sign3A_479 : i32
        %sign3A_481 = arith.extui %sign3A_480 : i1 to i32
        %sign3A_482 = arith.subi %sign3A_478, %sign3A_481 : i32
        %ne3A_483 = arith.cmpi ne, %sign3A_475, %sign3A_482 : i32
        %rem3A_484 = arith.remsi %add3A_466, %jit3A_467 : i32
        %ne3A_485 = arith.constant 0 : i32
        %ne3A_486 = arith.cmpi ne, %rem3A_484, %ne3A_485 : i32
        %and3A_487 = arith.andi %ne3A_483, %ne3A_486 : i1
        %sub3A_488 = arith.constant 1 : i32
        %sub3A_489 = arith.subi %div3A_468, %sub3A_488 : i32
        %select_n3A_490 = arith.select %and3A_487, %sub3A_489, %div3A_468 : i32
        %jit3A_491 = arith.constant 2 : i32
        %eq3A_492 = arith.constant 0 : i32
        %eq3A_493 = arith.cmpi eq, %jit3A_491, %eq3A_492 : i32
        %jit3A_494 = arith.constant 1 : i32
        %select_n3A_495 = arith.select %eq3A_493, %jit3A_494, %jit3A_491 : i32
        %rem3A_496 = arith.remsi %select_n3A_490, %select_n3A_495 : i32
        %ne3A_497 = arith.constant 0 : i32
        %ne3A_498 = arith.cmpi ne, %rem3A_496, %ne3A_497 : i32
        %lt3A_499 = arith.constant 0 : i32
        %lt3A_500 = arith.cmpi slt, %rem3A_496, %lt3A_499 : i32
        %lt3A_501 = arith.constant 0 : i32
        %lt3A_502 = arith.cmpi slt, %select_n3A_495, %lt3A_501 : i32
        %ne3A_503 = arith.xori %lt3A_500, %lt3A_502 : i1
        %and3A_504 = arith.andi %ne3A_503, %ne3A_498 : i1
        %add3A_505 = arith.addi %rem3A_496, %select_n3A_495 : i32
        %select_n3A_506 = arith.select %and3A_504, %add3A_505, %rem3A_496 : i32
        %dma_wait3A_507 = arith.constant 0 : i32
        %dma_wait3A_508 = arith.constant 0 : i32
        %dma_wait3A_509 = tpu.memref_slice %arg7[%select_n3A_506, %dma_wait3A_507, %dma_wait3A_508] : memref<2x16x128xi32, #tpu.memory_space<vmem>> -> memref<1x16x128xi32, #tpu.memory_space<vmem>>
        %dma_wait3A_510 = tpu.memref_squeeze %dma_wait3A_509 : memref<1x16x128xi32, #tpu.memory_space<vmem>> -> memref<16x128xi32, #tpu.memory_space<vmem>>
        %dma_wait3A_511 = arith.constant 0 : i32
        %dma_wait3A_512 = arith.constant 0 : i32
        %dma_wait3A_513 = tpu.memref_slice %arg3[%add3A, %select_n3A_490, %dma_wait3A_511, %dma_wait3A_512] : memref<32x5x16x128xi32, #tpu.memory_space<hbm>> -> memref<1x1x16x128xi32, #tpu.memory_space<hbm>>
        %dma_wait3A_514 = tpu.memref_squeeze %dma_wait3A_513 : memref<1x1x16x128xi32, #tpu.memory_space<hbm>> -> memref<16x128xi32, #tpu.memory_space<hbm>>
        %dma_wait3A_515 = arith.constant 0 : i32
        %dma_wait3A_516 = arith.constant 0 : i32
        %dma_wait3A_517 = tpu.memref_slice %arg7[%select_n3A_506, %dma_wait3A_515, %dma_wait3A_516] : memref<2x16x128xi32, #tpu.memory_space<vmem>> -> memref<1x16x128xi32, #tpu.memory_space<vmem>>
        %dma_wait3A_518 = tpu.memref_squeeze %dma_wait3A_517 : memref<1x16x128xi32, #tpu.memory_space<vmem>> -> memref<16x128xi32, #tpu.memory_space<vmem>>
        %dma_wait3A_519 = arith.constant 0 : i32
        %dma_wait3A_520 = arith.constant 0 : i32
        %dma_wait3A_521 = tpu.memref_slice %arg3[%add3A, %select_n3A_490, %dma_wait3A_519, %dma_wait3A_520] : memref<32x5x16x128xi32, #tpu.memory_space<hbm>> -> memref<1x1x16x128xi32, #tpu.memory_space<hbm>>
        %dma_wait3A_522 = tpu.memref_squeeze %dma_wait3A_521 : memref<1x1x16x128xi32, #tpu.memory_space<hbm>> -> memref<16x128xi32, #tpu.memory_space<hbm>>
        tpu.wait_dma2 semaphore(%arg17 : memref<!tpu.dma_semaphore, #tpu.memory_space<semaphore_mem>>) src(%dma_wait3A_522 : memref<16x128xi32, #tpu.memory_space<hbm>>) dst(%dma_wait3A_518 : memref<16x128xi32, #tpu.memory_space<vmem>>)
        %dma_wait3A_523 = arith.constant 0 : i32
        %dma_wait3A_524 = arith.constant 0 : i32
        %dma_wait3A_525 = tpu.memref_slice %arg8[%select_n3A_506, %dma_wait3A_523, %dma_wait3A_524] : memref<2x16x128xi32, #tpu.memory_space<vmem>> -> memref<1x16x128xi32, #tpu.memory_space<vmem>>
        %dma_wait3A_526 = tpu.memref_squeeze %dma_wait3A_525 : memref<1x16x128xi32, #tpu.memory_space<vmem>> -> memref<16x128xi32, #tpu.memory_space<vmem>>
        %dma_wait3A_527 = arith.constant 0 : i32
        %dma_wait3A_528 = arith.constant 0 : i32
        %dma_wait3A_529 = tpu.memref_slice %arg4[%add3A, %select_n3A_490, %dma_wait3A_527, %dma_wait3A_528] : memref<32x5x16x128xi32, #tpu.memory_space<hbm>> -> memref<1x1x16x128xi32, #tpu.memory_space<hbm>>
        %dma_wait3A_530 = tpu.memref_squeeze %dma_wait3A_529 : memref<1x1x16x128xi32, #tpu.memory_space<hbm>> -> memref<16x128xi32, #tpu.memory_space<hbm>>
        %dma_wait3A_531 = arith.constant 0 : i32
        %dma_wait3A_532 = arith.constant 0 : i32
        %dma_wait3A_533 = tpu.memref_slice %arg8[%select_n3A_506, %dma_wait3A_531, %dma_wait3A_532] : memref<2x16x128xi32, #tpu.memory_space<vmem>> -> memref<1x16x128xi32, #tpu.memory_space<vmem>>
        %dma_wait3A_534 = tpu.memref_squeeze %dma_wait3A_533 : memref<1x16x128xi32, #tpu.memory_space<vmem>> -> memref<16x128xi32, #tpu.memory_space<vmem>>
        %dma_wait3A_535 = arith.constant 0 : i32
        %dma_wait3A_536 = arith.constant 0 : i32
        %dma_wait3A_537 = tpu.memref_slice %arg4[%add3A, %select_n3A_490, %dma_wait3A_535, %dma_wait3A_536] : memref<32x5x16x128xi32, #tpu.memory_space<hbm>> -> memref<1x1x16x128xi32, #tpu.memory_space<hbm>>
        %dma_wait3A_538 = tpu.memref_squeeze %dma_wait3A_537 : memref<1x1x16x128xi32, #tpu.memory_space<hbm>> -> memref<16x128xi32, #tpu.memory_space<hbm>>
        tpu.wait_dma2 semaphore(%arg18 : memref<!tpu.dma_semaphore, #tpu.memory_space<semaphore_mem>>) src(%dma_wait3A_538 : memref<16x128xi32, #tpu.memory_space<hbm>>) dst(%dma_wait3A_534 : memref<16x128xi32, #tpu.memory_space<vmem>>)
        %dma_wait3A_539 = arith.constant 0 : i32
        %dma_wait3A_540 = arith.constant 0 : i32
        %dma_wait3A_541 = tpu.memref_slice %arg9[%select_n3A_506, %dma_wait3A_539, %dma_wait3A_540] : memref<2x16x128xf32, #tpu.memory_space<vmem>> -> memref<1x16x128xf32, #tpu.memory_space<vmem>>
        %dma_wait3A_542 = tpu.memref_squeeze %dma_wait3A_541 : memref<1x16x128xf32, #tpu.memory_space<vmem>> -> memref<16x128xf32, #tpu.memory_space<vmem>>
        %dma_wait3A_543 = arith.constant 0 : i32
        %dma_wait3A_544 = arith.constant 0 : i32
        %dma_wait3A_545 = tpu.memref_slice %arg5[%add3A, %select_n3A_490, %dma_wait3A_543, %dma_wait3A_544] : memref<32x5x16x128xf32, #tpu.memory_space<hbm>> -> memref<1x1x16x128xf32, #tpu.memory_space<hbm>>
        %dma_wait3A_546 = tpu.memref_squeeze %dma_wait3A_545 : memref<1x1x16x128xf32, #tpu.memory_space<hbm>> -> memref<16x128xf32, #tpu.memory_space<hbm>>
        %dma_wait3A_547 = arith.constant 0 : i32
        %dma_wait3A_548 = arith.constant 0 : i32
        %dma_wait3A_549 = tpu.memref_slice %arg9[%select_n3A_506, %dma_wait3A_547, %dma_wait3A_548] : memref<2x16x128xf32, #tpu.memory_space<vmem>> -> memref<1x16x128xf32, #tpu.memory_space<vmem>>
        %dma_wait3A_550 = tpu.memref_squeeze %dma_wait3A_549 : memref<1x16x128xf32, #tpu.memory_space<vmem>> -> memref<16x128xf32, #tpu.memory_space<vmem>>
        %dma_wait3A_551 = arith.constant 0 : i32
        %dma_wait3A_552 = arith.constant 0 : i32
        %dma_wait3A_553 = tpu.memref_slice %arg5[%add3A, %select_n3A_490, %dma_wait3A_551, %dma_wait3A_552] : memref<32x5x16x128xf32, #tpu.memory_space<hbm>> -> memref<1x1x16x128xf32, #tpu.memory_space<hbm>>
        %dma_wait3A_554 = tpu.memref_squeeze %dma_wait3A_553 : memref<1x1x16x128xf32, #tpu.memory_space<hbm>> -> memref<16x128xf32, #tpu.memory_space<hbm>>
        tpu.wait_dma2 semaphore(%arg19 : memref<!tpu.dma_semaphore, #tpu.memory_space<semaphore_mem>>) src(%dma_wait3A_554 : memref<16x128xf32, #tpu.memory_space<hbm>>) dst(%dma_wait3A_550 : memref<16x128xf32, #tpu.memory_space<vmem>>)
      } else {
      }
      %lt3A_448 = arith.constant 79 : i32
      %lt3A_449 = arith.cmpi slt, %add3A_371, %lt3A_448 : i32
      %convert_element_type3A_450 = arith.extui %lt3A_449 : i1 to i32
      %cond3A_451 = arith.constant 0 : i32
      %cond3A_452 = arith.cmpi ne, %convert_element_type3A_450, %cond3A_451 : i32
      scf.if %cond3A_452 {
        %add3A_465 = arith.constant 1 : i32
        %add3A_466 = arith.addi %add3A_371, %add3A_465 : i32
        %jit3A_467 = arith.constant 16 : i32
        %div3A_468 = arith.divsi %add3A_466, %jit3A_467 : i32
        %sign3A_469 = arith.constant 0 : i32
        %sign3A_470 = arith.cmpi sgt, %add3A_466, %sign3A_469 : i32
        %sign3A_471 = arith.extui %sign3A_470 : i1 to i32
        %sign3A_472 = arith.constant 0 : i32
        %sign3A_473 = arith.cmpi slt, %add3A_466, %sign3A_472 : i32
        %sign3A_474 = arith.extui %sign3A_473 : i1 to i32
        %sign3A_475 = arith.subi %sign3A_471, %sign3A_474 : i32
        %sign3A_476 = arith.constant 0 : i32
        %sign3A_477 = arith.cmpi sgt, %jit3A_467, %sign3A_476 : i32
        %sign3A_478 = arith.extui %sign3A_477 : i1 to i32
        %sign3A_479 = arith.constant 0 : i32
        %sign3A_480 = arith.cmpi slt, %jit3A_467, %sign3A_479 : i32
        %sign3A_481 = arith.extui %sign3A_480 : i1 to i32
        %sign3A_482 = arith.subi %sign3A_478, %sign3A_481 : i32
        %ne3A_483 = arith.cmpi ne, %sign3A_475, %sign3A_482 : i32
        %rem3A_484 = arith.remsi %add3A_466, %jit3A_467 : i32
        %ne3A_485 = arith.constant 0 : i32
        %ne3A_486 = arith.cmpi ne, %rem3A_484, %ne3A_485 : i32
        %and3A_487 = arith.andi %ne3A_483, %ne3A_486 : i1
        %sub3A_488 = arith.constant 1 : i32
        %sub3A_489 = arith.subi %div3A_468, %sub3A_488 : i32
        %select_n3A_490 = arith.select %and3A_487, %sub3A_489, %div3A_468 : i32
        %jit3A_491 = arith.constant 2 : i32
        %eq3A_492 = arith.constant 0 : i32
        %eq3A_493 = arith.cmpi eq, %jit3A_491, %eq3A_492 : i32
        %jit3A_494 = arith.constant 1 : i32
        %select_n3A_495 = arith.select %eq3A_493, %jit3A_494, %jit3A_491 : i32
        %rem3A_496 = arith.remsi %select_n3A_490, %select_n3A_495 : i32
        %ne3A_497 = arith.constant 0 : i32
        %ne3A_498 = arith.cmpi ne, %rem3A_496, %ne3A_497 : i32
        %lt3A_499 = arith.constant 0 : i32
        %lt3A_500 = arith.cmpi slt, %rem3A_496, %lt3A_499 : i32
        %lt3A_501 = arith.constant 0 : i32
        %lt3A_502 = arith.cmpi slt, %select_n3A_495, %lt3A_501 : i32
        %ne3A_503 = arith.xori %lt3A_500, %lt3A_502 : i1
        %and3A_504 = arith.andi %ne3A_503, %ne3A_498 : i1
        %add3A_505 = arith.addi %rem3A_496, %select_n3A_495 : i32
        %select_n3A_506 = arith.select %and3A_504, %add3A_505, %rem3A_496 : i32
        %jit3A_507 = arith.constant 16 : i32
        %eq3A_508 = arith.constant 0 : i32
        %eq3A_509 = arith.cmpi eq, %jit3A_507, %eq3A_508 : i32
        %jit3A_510 = arith.constant 1 : i32
        %select_n3A_511 = arith.select %eq3A_509, %jit3A_510, %jit3A_507 : i32
        %rem3A_512 = arith.remsi %add3A_466, %select_n3A_511 : i32
        %ne3A_513 = arith.constant 0 : i32
        %ne3A_514 = arith.cmpi ne, %rem3A_512, %ne3A_513 : i32
        %lt3A_515 = arith.constant 0 : i32
        %lt3A_516 = arith.cmpi slt, %rem3A_512, %lt3A_515 : i32
        %lt3A_517 = arith.constant 0 : i32
        %lt3A_518 = arith.cmpi slt, %select_n3A_511, %lt3A_517 : i32
        %ne3A_519 = arith.xori %lt3A_516, %lt3A_518 : i1
        %and3A_520 = arith.andi %ne3A_519, %ne3A_514 : i1
        %add3A_521 = arith.addi %rem3A_512, %select_n3A_511 : i32
        %select_n3A_522 = arith.select %and3A_520, %add3A_521, %rem3A_512 : i32
        %dma_start3A_523 = arith.constant 0 : i32
        %dma_start3A_524 = tpu.memref_slice %arg7[%select_n3A_506, %select_n3A_522, %dma_start3A_523] : memref<2x16x128xi32, #tpu.memory_space<vmem>> -> memref<1x1x128xi32, #tpu.memory_space<vmem>>
        %dma_start3A_525 = tpu.memref_squeeze %dma_start3A_524 : memref<1x1x128xi32, #tpu.memory_space<vmem>> -> memref<128xi32, #tpu.memory_space<vmem>>
        %dma_start3A_526 = arith.constant 0 : i32
        %dma_start3A_527 = arith.constant 0 : i32
        %dma_start3A_528 = tpu.memref_slice %arg2[%dma_start3A_526, %dma_start3A_527] : memref<10000x128xf32, #tpu.memory_space<hbm>> -> memref<10000x128xf32, #tpu.memory_space<hbm>>
        tpu.enqueue_indirect_dma source(%dma_start3A_528 : memref<10000x128xf32, #tpu.memory_space<hbm>>) target(%arg10 : memref<128x128xf32, #tpu.memory_space<vmem>>) offsets(%dma_start3A_525 : memref<128xi32, #tpu.memory_space<vmem>>) semaphore(%arg13 : memref<!tpu.dma_semaphore, #tpu.memory_space<semaphore_mem>>)
      } else {
      }
      %scan3A_453 = arith.constant 0 : i32
      %scan3A_454 = arith.constant 0 : i32
      %scan3A_455 = arith.constant 8 : i32
      %scan3A_456 = arith.addi %scan3A_454, %scan3A_455 : i32
      %scan3A_457 = arith.constant 1 : i32
      scf.for %scan3A_465 = %scan3A_454 to %scan3A_456 step %scan3A_457  : i32 {
        %mul3A_466 = arith.constant 16 : i32
        %mul3A_467 = arith.muli %scan3A_465, %mul3A_466 : i32
        %get3A = arith.index_cast %select_n3A_411 : i32 to index
        %get3A_468 = arith.index_cast %select_n3A_427 : i32 to index
        %get3A_469 = arith.index_cast %mul3A_467 : i32 to index
        %get3A_470 = tpu.vector_load %arg9[%get3A, %get3A_468, %get3A_469] {strides = array<i32>} : memref<2x16x128xf32, #tpu.memory_space<vmem>>, vector<1x1x16xf32>,
        %get3A_471 = vector.shape_cast %get3A_470 : vector<1x1x16xf32> to vector<16xf32>
        %mul3A_472 = arith.constant 16 : i32
        %mul3A_473 = arith.muli %scan3A_465, %mul3A_472 : i32
        %add3A_474 = arith.constant 0 : i32
        %add3A_475 = arith.addi %mul3A_473, %add3A_474 : i32
        %slice3A = vector.extract_strided_slice %get3A_471 {offsets = [0], sizes = [1], strides = [1]} : vector<16xf32> to vector<1xf32>
        %squeeze3A = vector.extract %slice3A[0] : f32 from vector<1xf32>
        %broadcast_in_dim3A_476 = vector.broadcast %squeeze3A : f32 to vector<16xf32>
        %get3A_477 = arith.index_cast %add3A_475 : i32 to index
        %get3A_478 = arith.constant 0 : index
        %get3A_479 = tpu.vector_load %arg11[%get3A_477, %get3A_478] {strides = array<i32>} : memref<128x128xf32, #tpu.memory_space<vmem>>, vector<1x16xf32>,
        %get3A_480 = vector.shape_cast %get3A_479 : vector<1x16xf32> to vector<16xf32>
        %mul3A_481 = arith.mulf %get3A_480, %broadcast_in_dim3A_476 : vector<16xf32>
        %swap3A = arith.index_cast %add3A_475 : i32 to index
        %swap3A_482 = arith.constant 0 : index
        %swap3A_483 = tpu.vector_load %arg11[%swap3A, %swap3A_482] {strides = array<i32>} : memref<128x128xf32, #tpu.memory_space<vmem>>, vector<1x16xf32>,
        %swap3A_484 = vector.shape_cast %swap3A_483 : vector<1x16xf32> to vector<16xf32>
        %swap3A_485 = vector.shape_cast %mul3A_481 : vector<16xf32> to vector<1x16xf32>
        tpu.vector_store %arg11[%swap3A, %swap3A_482], %swap3A_485 {strides = array<i32>} : memref<128x128xf32, #tpu.memory_space<vmem>>, vector<1x16xf32>,
        %get3A_486 = arith.index_cast %add3A_475 : i32 to index
        %get3A_487 = arith.constant 16 : index
        %get3A_488 = tpu.vector_load %arg11[%get3A_486, %get3A_487] {strides = array<i32>} : memref<128x128xf32, #tpu.memory_space<vmem>>, vector<1x16xf32>,
        %get3A_489 = vector.shape_cast %get3A_488 : vector<1x16xf32> to vector<16xf32>
        %mul3A_490 = arith.mulf %get3A_489, %broadcast_in_dim3A_476 : vector<16xf32>
        %swap3A_491 = arith.index_cast %add3A_475 : i32 to index
        %swap3A_492 = arith.constant 16 : index
        %swap3A_493 = tpu.vector_load %arg11[%swap3A_491, %swap3A_492] {strides = array<i32>} : memref<128x128xf32, #tpu.memory_space<vmem>>, vector<1x16xf32>,
        %swap3A_494 = vector.shape_cast %swap3A_493 : vector<1x16xf32> to vector<16xf32>
        %swap3A_495 = vector.shape_cast %mul3A_490 : vector<16xf32> to vector<1x16xf32>
        tpu.vector_store %arg11[%swap3A_491, %swap3A_492], %swap3A_495 {strides = array<i32>} : memref<128x128xf32, #tpu.memory_space<vmem>>, vector<1x16xf32>,
        %get3A_496 = arith.index_cast %add3A_475 : i32 to index
        %get3A_497 = arith.constant 32 : index
        %get3A_498 = tpu.vector_load %arg11[%get3A_496, %get3A_497] {strides = array<i32>} : memref<128x128xf32, #tpu.memory_space<vmem>>, vector<1x16xf32>,
        %get3A_499 = vector.shape_cast %get3A_498 : vector<1x16xf32> to vector<16xf32>
        %mul3A_500 = arith.mulf %get3A_499, %broadcast_in_dim3A_476 : vector<16xf32>
        %swap3A_501 = arith.index_cast %add3A_475 : i32 to index
        %swap3A_502 = arith.constant 32 : index
        %swap3A_503 = tpu.vector_load %arg11[%swap3A_501, %swap3A_502] {strides = array<i32>} : memref<128x128xf32, #tpu.memory_space<vmem>>, vector<1x16xf32>,
        %swap3A_504 = vector.shape_cast %swap3A_503 : vector<1x16xf32> to vector<16xf32>
        %swap3A_505 = vector.shape_cast %mul3A_500 : vector<16xf32> to vector<1x16xf32>
        tpu.vector_store %arg11[%swap3A_501, %swap3A_502], %swap3A_505 {strides = array<i32>} : memref<128x128xf32, #tpu.memory_space<vmem>>, vector<1x16xf32>,
        %get3A_506 = arith.index_cast %add3A_475 : i32 to index
        %get3A_507 = arith.constant 48 : index
        %get3A_508 = tpu.vector_load %arg11[%get3A_506, %get3A_507] {strides = array<i32>} : memref<128x128xf32, #tpu.memory_space<vmem>>, vector<1x16xf32>,
        %get3A_509 = vector.shape_cast %get3A_508 : vector<1x16xf32> to vector<16xf32>
        %mul3A_510 = arith.mulf %get3A_509, %broadcast_in_dim3A_476 : vector<16xf32>
        %swap3A_511 = arith.index_cast %add3A_475 : i32 to index
        %swap3A_512 = arith.constant 48 : index
        %swap3A_513 = tpu.vector_load %arg11[%swap3A_511, %swap3A_512] {strides = array<i32>} : memref<128x128xf32, #tpu.memory_space<vmem>>, vector<1x16xf32>,
        %swap3A_514 = vector.shape_cast %swap3A_513 : vector<1x16xf32> to vector<16xf32>
        %swap3A_515 = vector.shape_cast %mul3A_510 : vector<16xf32> to vector<1x16xf32>
        tpu.vector_store %arg11[%swap3A_511, %swap3A_512], %swap3A_515 {strides = array<i32>} : memref<128x128xf32, #tpu.memory_space<vmem>>, vector<1x16xf32>,
        %get3A_516 = arith.index_cast %add3A_475 : i32 to index
        %get3A_517 = arith.constant 64 : index
        %get3A_518 = tpu.vector_load %arg11[%get3A_516, %get3A_517] {strides = array<i32>} : memref<128x128xf32, #tpu.memory_space<vmem>>, vector<1x16xf32>,
        %get3A_519 = vector.shape_cast %get3A_518 : vector<1x16xf32> to vector<16xf32>
        %mul3A_520 = arith.mulf %get3A_519, %broadcast_in_dim3A_476 : vector<16xf32>
        %swap3A_521 = arith.index_cast %add3A_475 : i32 to index
        %swap3A_522 = arith.constant 64 : index
        %swap3A_523 = tpu.vector_load %arg11[%swap3A_521, %swap3A_522] {strides = array<i32>} : memref<128x128xf32, #tpu.memory_space<vmem>>, vector<1x16xf32>,
        %swap3A_524 = vector.shape_cast %swap3A_523 : vector<1x16xf32> to vector<16xf32>
        %swap3A_525 = vector.shape_cast %mul3A_520 : vector<16xf32> to vector<1x16xf32>
        tpu.vector_store %arg11[%swap3A_521, %swap3A_522], %swap3A_525 {strides = array<i32>} : memref<128x128xf32, #tpu.memory_space<vmem>>, vector<1x16xf32>,
        %get3A_526 = arith.index_cast %add3A_475 : i32 to index
        %get3A_527 = arith.constant 80 : index
        %get3A_528 = tpu.vector_load %arg11[%get3A_526, %get3A_527] {strides = array<i32>} : memref<128x128xf32, #tpu.memory_space<vmem>>, vector<1x16xf32>,
        %get3A_529 = vector.shape_cast %get3A_528 : vector<1x16xf32> to vector<16xf32>
        %mul3A_530 = arith.mulf %get3A_529, %broadcast_in_dim3A_476 : vector<16xf32>
        %swap3A_531 = arith.index_cast %add3A_475 : i32 to index
        %swap3A_532 = arith.constant 80 : index
        %swap3A_533 = tpu.vector_load %arg11[%swap3A_531, %swap3A_532] {strides = array<i32>} : memref<128x128xf32, #tpu.memory_space<vmem>>, vector<1x16xf32>,
        %swap3A_534 = vector.shape_cast %swap3A_533 : vector<1x16xf32> to vector<16xf32>
        %swap3A_535 = vector.shape_cast %mul3A_530 : vector<16xf32> to vector<1x16xf32>
        tpu.vector_store %arg11[%swap3A_531, %swap3A_532], %swap3A_535 {strides = array<i32>} : memref<128x128xf32, #tpu.memory_space<vmem>>, vector<1x16xf32>,
        %get3A_536 = arith.index_cast %add3A_475 : i32 to index
        %get3A_537 = arith.constant 96 : index
        %get3A_538 = tpu.vector_load %arg11[%get3A_536, %get3A_537] {strides = array<i32>} : memref<128x128xf32, #tpu.memory_space<vmem>>, vector<1x16xf32>,
        %get3A_539 = vector.shape_cast %get3A_538 : vector<1x16xf32> to vector<16xf32>
        %mul3A_540 = arith.mulf %get3A_539, %broadcast_in_dim3A_476 : vector<16xf32>
        %swap3A_541 = arith.index_cast %add3A_475 : i32 to index
        %swap3A_542 = arith.constant 96 : index
        %swap3A_543 = tpu.vector_load %arg11[%swap3A_541, %swap3A_542] {strides = array<i32>} : memref<128x128xf32, #tpu.memory_space<vmem>>, vector<1x16xf32>,
        %swap3A_544 = vector.shape_cast %swap3A_543 : vector<1x16xf32> to vector<16xf32>
        %swap3A_545 = vector.shape_cast %mul3A_540 : vector<16xf32> to vector<1x16xf32>
        tpu.vector_store %arg11[%swap3A_541, %swap3A_542], %swap3A_545 {strides = array<i32>} : memref<128x128xf32, #tpu.memory_space<vmem>>, vector<1x16xf32>,
        %get3A_546 = arith.index_cast %add3A_475 : i32 to index
        %get3A_547 = arith.constant 112 : index
        %get3A_548 = tpu.vector_load %arg11[%get3A_546, %get3A_547] {strides = array<i32>} : memref<128x128xf32, #tpu.memory_space<vmem>>, vector<1x16xf32>,
        %get3A_549 = vector.shape_cast %get3A_548 : vector<1x16xf32> to vector<16xf32>
        %mul3A_550 = arith.mulf %get3A_549, %broadcast_in_dim3A_476 : vector<16xf32>
        %swap3A_551 = arith.index_cast %add3A_475 : i32 to index
        %swap3A_552 = arith.constant 112 : index
        %swap3A_553 = tpu.vector_load %arg11[%swap3A_551, %swap3A_552] {strides = array<i32>} : memref<128x128xf32, #tpu.memory_space<vmem>>, vector<1x16xf32>,
        %swap3A_554 = vector.shape_cast %swap3A_553 : vector<1x16xf32> to vector<16xf32>
        %swap3A_555 = vector.shape_cast %mul3A_550 : vector<16xf32> to vector<1x16xf32>
        tpu.vector_store %arg11[%swap3A_551, %swap3A_552], %swap3A_555 {strides = array<i32>} : memref<128x128xf32, #tpu.memory_space<vmem>>, vector<1x16xf32>,
        %mul3A_556 = arith.constant 16 : i32
        %mul3A_557 = arith.muli %scan3A_465, %mul3A_556 : i32
        %add3A_558 = arith.constant 1 : i32
        %add3A_559 = arith.addi %mul3A_557, %add3A_558 : i32
        %slice3A_560 = vector.extract_strided_slice %get3A_471 {offsets = [1], sizes = [1], strides = [1]} : vector<16xf32> to vector<1xf32>
        %squeeze3A_561 = vector.extract %slice3A_560[0] : f32 from vector<1xf32>
        %broadcast_in_dim3A_562 = vector.broadcast %squeeze3A_561 : f32 to vector<16xf32>
        %get3A_563 = arith.index_cast %add3A_559 : i32 to index
        %get3A_564 = arith.constant 0 : index
        %get3A_565 = tpu.vector_load %arg11[%get3A_563, %get3A_564] {strides = array<i32>} : memref<128x128xf32, #tpu.memory_space<vmem>>, vector<1x16xf32>,
        %get3A_566 = vector.shape_cast %get3A_565 : vector<1x16xf32> to vector<16xf32>
        %mul3A_567 = arith.mulf %get3A_566, %broadcast_in_dim3A_562 : vector<16xf32>
        %swap3A_568 = arith.index_cast %add3A_559 : i32 to index
        %swap3A_569 = arith.constant 0 : index
        %swap3A_570 = tpu.vector_load %arg11[%swap3A_568, %swap3A_569] {strides = array<i32>} : memref<128x128xf32, #tpu.memory_space<vmem>>, vector<1x16xf32>,
        %swap3A_571 = vector.shape_cast %swap3A_570 : vector<1x16xf32> to vector<16xf32>
        %swap3A_572 = vector.shape_cast %mul3A_567 : vector<16xf32> to vector<1x16xf32>
        tpu.vector_store %arg11[%swap3A_568, %swap3A_569], %swap3A_572 {strides = array<i32>} : memref<128x128xf32, #tpu.memory_space<vmem>>, vector<1x16xf32>,
        %get3A_573 = arith.index_cast %add3A_559 : i32 to index
        %get3A_574 = arith.constant 16 : index
        %get3A_575 = tpu.vector_load %arg11[%get3A_573, %get3A_574] {strides = array<i32>} : memref<128x128xf32, #tpu.memory_space<vmem>>, vector<1x16xf32>,
        %get3A_576 = vector.shape_cast %get3A_575 : vector<1x16xf32> to vector<16xf32>
        %mul3A_577 = arith.mulf %get3A_576, %broadcast_in_dim3A_562 : vector<16xf32>
        %swap3A_578 = arith.index_cast %add3A_559 : i32 to index
        %swap3A_579 = arith.constant 16 : index
        %swap3A_580 = tpu.vector_load %arg11[%swap3A_578, %swap3A_579] {strides = array<i32>} : memref<128x128xf32, #tpu.memory_space<vmem>>, vector<1x16xf32>,
        %swap3A_581 = vector.shape_cast %swap3A_580 : vector<1x16xf32> to vector<16xf32>
        %swap3A_582 = vector.shape_cast %mul3A_577 : vector<16xf32> to vector<1x16xf32>
        tpu.vector_store %arg11[%swap3A_578, %swap3A_579], %swap3A_582 {strides = array<i32>} : memref<128x128xf32, #tpu.memory_space<vmem>>, vector<1x16xf32>,
        %get3A_583 = arith.index_cast %add3A_559 : i32 to index
        %get3A_584 = arith.constant 32 : index
        %get3A_585 = tpu.vector_load %arg11[%get3A_583, %get3A_584] {strides = array<i32>} : memref<128x128xf32, #tpu.memory_space<vmem>>, vector<1x16xf32>,
        %get3A_586 = vector.shape_cast %get3A_585 : vector<1x16xf32> to vector<16xf32>
        %mul3A_587 = arith.mulf %get3A_586, %broadcast_in_dim3A_562 : vector<16xf32>
        %swap3A_588 = arith.index_cast %add3A_559 : i32 to index
        %swap3A_589 = arith.constant 32 : index
        %swap3A_590 = tpu.vector_load %arg11[%swap3A_588, %swap3A_589] {strides = array<i32>} : memref<128x128xf32, #tpu.memory_space<vmem>>, vector<1x16xf32>,
        %swap3A_591 = vector.shape_cast %swap3A_590 : vector<1x16xf32> to vector<16xf32>
        %swap3A_592 = vector.shape_cast %mul3A_587 : vector<16xf32> to vector<1x16xf32>
        tpu.vector_store %arg11[%swap3A_588, %swap3A_589], %swap3A_592 {strides = array<i32>} : memref<128x128xf32, #tpu.memory_space<vmem>>, vector<1x16xf32>,
        %get3A_593 = arith.index_cast %add3A_559 : i32 to index
        %get3A_594 = arith.constant 48 : index
        %get3A_595 = tpu.vector_load %arg11[%get3A_593, %get3A_594] {strides = array<i32>} : memref<128x128xf32, #tpu.memory_space<vmem>>, vector<1x16xf32>,
        %get3A_596 = vector.shape_cast %get3A_595 : vector<1x16xf32> to vector<16xf32>
        %mul3A_597 = arith.mulf %get3A_596, %broadcast_in_dim3A_562 : vector<16xf32>
        %swap3A_598 = arith.index_cast %add3A_559 : i32 to index
        %swap3A_599 = arith.constant 48 : index
        %swap3A_600 = tpu.vector_load %arg11[%swap3A_598, %swap3A_599] {strides = array<i32>} : memref<128x128xf32, #tpu.memory_space<vmem>>, vector<1x16xf32>,
        %swap3A_601 = vector.shape_cast %swap3A_600 : vector<1x16xf32> to vector<16xf32>
        %swap3A_602 = vector.shape_cast %mul3A_597 : vector<16xf32> to vector<1x16xf32>
        tpu.vector_store %arg11[%swap3A_598, %swap3A_599], %swap3A_602 {strides = array<i32>} : memref<128x128xf32, #tpu.memory_space<vmem>>, vector<1x16xf32>,
        %get3A_603 = arith.index_cast %add3A_559 : i32 to index
        %get3A_604 = arith.constant 64 : index
        %get3A_605 = tpu.vector_load %arg11[%get3A_603, %get3A_604] {strides = array<i32>} : memref<128x128xf32, #tpu.memory_space<vmem>>, vector<1x16xf32>,
        %get3A_606 = vector.shape_cast %get3A_605 : vector<1x16xf32> to vector<16xf32>
        %mul3A_607 = arith.mulf %get3A_606, %broadcast_in_dim3A_562 : vector<16xf32>
        %swap3A_608 = arith.index_cast %add3A_559 : i32 to index
        %swap3A_609 = arith.constant 64 : index
        %swap3A_610 = tpu.vector_load %arg11[%swap3A_608, %swap3A_609] {strides = array<i32>} : memref<128x128xf32, #tpu.memory_space<vmem>>, vector<1x16xf32>,
        %swap3A_611 = vector.shape_cast %swap3A_610 : vector<1x16xf32> to vector<16xf32>
        %swap3A_612 = vector.shape_cast %mul3A_607 : vector<16xf32> to vector<1x16xf32>
        tpu.vector_store %arg11[%swap3A_608, %swap3A_609], %swap3A_612 {strides = array<i32>} : memref<128x128xf32, #tpu.memory_space<vmem>>, vector<1x16xf32>,
        %get3A_613 = arith.index_cast %add3A_559 : i32 to index
        %get3A_614 = arith.constant 80 : index
        %get3A_615 = tpu.vector_load %arg11[%get3A_613, %get3A_614] {strides = array<i32>} : memref<128x128xf32, #tpu.memory_space<vmem>>, vector<1x16xf32>,
        %get3A_616 = vector.shape_cast %get3A_615 : vector<1x16xf32> to vector<16xf32>
        %mul3A_617 = arith.mulf %get3A_616, %broadcast_in_dim3A_562 : vector<16xf32>
        %swap3A_618 = arith.index_cast %add3A_559 : i32 to index
        %swap3A_619 = arith.constant 80 : index
        %swap3A_620 = tpu.vector_load %arg11[%swap3A_618, %swap3A_619] {strides = array<i32>} : memref<128x128xf32, #tpu.memory_space<vmem>>, vector<1x16xf32>,
        %swap3A_621 = vector.shape_cast %swap3A_620 : vector<1x16xf32> to vector<16xf32>
        %swap3A_622 = vector.shape_cast %mul3A_617 : vector<16xf32> to vector<1x16xf32>
        tpu.vector_store %arg11[%swap3A_618, %swap3A_619], %swap3A_622 {strides = array<i32>} : memref<128x128xf32, #tpu.memory_space<vmem>>, vector<1x16xf32>,
        %get3A_623 = arith.index_cast %add3A_559 : i32 to index
        %get3A_624 = arith.constant 96 : index
        %get3A_625 = tpu.vector_load %arg11[%get3A_623, %get3A_624] {strides = array<i32>} : memref<128x128xf32, #tpu.memory_space<vmem>>, vector<1x16xf32>,
        %get3A_626 = vector.shape_cast %get3A_625 : vector<1x16xf32> to vector<16xf32>
        %mul3A_627 = arith.mulf %get3A_626, %broadcast_in_dim3A_562 : vector<16xf32>
        %swap3A_628 = arith.index_cast %add3A_559 : i32 to index
        %swap3A_629 = arith.constant 96 : index
        %swap3A_630 = tpu.vector_load %arg11[%swap3A_628, %swap3A_629] {strides = array<i32>} : memref<128x128xf32, #tpu.memory_space<vmem>>, vector<1x16xf32>,
        %swap3A_631 = vector.shape_cast %swap3A_630 : vector<1x16xf32> to vector<16xf32>
        %swap3A_632 = vector.shape_cast %mul3A_627 : vector<16xf32> to vector<1x16xf32>
        tpu.vector_store %arg11[%swap3A_628, %swap3A_629], %swap3A_632 {strides = array<i32>} : memref<128x128xf32, #tpu.memory_space<vmem>>, vector<1x16xf32>,
        %get3A_633 = arith.index_cast %add3A_559 : i32 to index
        %get3A_634 = arith.constant 112 : index
        %get3A_635 = tpu.vector_load %arg11[%get3A_633, %get3A_634] {strides = array<i32>} : memref<128x128xf32, #tpu.memory_space<vmem>>, vector<1x16xf32>,
        %get3A_636 = vector.shape_cast %get3A_635 : vector<1x16xf32> to vector<16xf32>
        %mul3A_637 = arith.mulf %get3A_636, %broadcast_in_dim3A_562 : vector<16xf32>
        %swap3A_638 = arith.index_cast %add3A_559 : i32 to index
        %swap3A_639 = arith.constant 112 : index
        %swap3A_640 = tpu.vector_load %arg11[%swap3A_638, %swap3A_639] {strides = array<i32>} : memref<128x128xf32, #tpu.memory_space<vmem>>, vector<1x16xf32>,
        %swap3A_641 = vector.shape_cast %swap3A_640 : vector<1x16xf32> to vector<16xf32>
        %swap3A_642 = vector.shape_cast %mul3A_637 : vector<16xf32> to vector<1x16xf32>
        tpu.vector_store %arg11[%swap3A_638, %swap3A_639], %swap3A_642 {strides = array<i32>} : memref<128x128xf32, #tpu.memory_space<vmem>>, vector<1x16xf32>,
        %mul3A_643 = arith.constant 16 : i32
        %mul3A_644 = arith.muli %scan3A_465, %mul3A_643 : i32
        %add3A_645 = arith.constant 2 : i32
        %add3A_646 = arith.addi %mul3A_644, %add3A_645 : i32
        %slice3A_647 = vector.extract_strided_slice %get3A_471 {offsets = [2], sizes = [1], strides = [1]} : vector<16xf32> to vector<1xf32>
        %squeeze3A_648 = vector.extract %slice3A_647[0] : f32 from vector<1xf32>
        %broadcast_in_dim3A_649 = vector.broadcast %squeeze3A_648 : f32 to vector<16xf32>
        %get3A_650 = arith.index_cast %add3A_646 : i32 to index
        %get3A_651 = arith.constant 0 : index
        %get3A_652 = tpu.vector_load %arg11[%get3A_650, %get3A_651] {strides = array<i32>} : memref<128x128xf32, #tpu.memory_space<vmem>>, vector<1x16xf32>,
        %get3A_653 = vector.shape_cast %get3A_652 : vector<1x16xf32> to vector<16xf32>
        %mul3A_654 = arith.mulf %get3A_653, %broadcast_in_dim3A_649 : vector<16xf32>
        %swap3A_655 = arith.index_cast %add3A_646 : i32 to index
        %swap3A_656 = arith.constant 0 : index
        %swap3A_657 = tpu.vector_load %arg11[%swap3A_655, %swap3A_656] {strides = array<i32>} : memref<128x128xf32, #tpu.memory_space<vmem>>, vector<1x16xf32>,
        %swap3A_658 = vector.shape_cast %swap3A_657 : vector<1x16xf32> to vector<16xf32>
        %swap3A_659 = vector.shape_cast %mul3A_654 : vector<16xf32> to vector<1x16xf32>
        tpu.vector_store %arg11[%swap3A_655, %swap3A_656], %swap3A_659 {strides = array<i32>} : memref<128x128xf32, #tpu.memory_space<vmem>>, vector<1x16xf32>,
        %get3A_660 = arith.index_cast %add3A_646 : i32 to index
        %get3A_661 = arith.constant 16 : index
        %get3A_662 = tpu.vector_load %arg11[%get3A_660, %get3A_661] {strides = array<i32>} : memref<128x128xf32, #tpu.memory_space<vmem>>, vector<1x16xf32>,
        %get3A_663 = vector.shape_cast %get3A_662 : vector<1x16xf32> to vector<16xf32>
        %mul3A_664 = arith.mulf %get3A_663, %broadcast_in_dim3A_649 : vector<16xf32>
        %swap3A_665 = arith.index_cast %add3A_646 : i32 to index
        %swap3A_666 = arith.constant 16 : index
        %swap3A_667 = tpu.vector_load %arg11[%swap3A_665, %swap3A_666] {strides = array<i32>} : memref<128x128xf32, #tpu.memory_space<vmem>>, vector<1x16xf32>,
        %swap3A_668 = vector.shape_cast %swap3A_667 : vector<1x16xf32> to vector<16xf32>
        %swap3A_669 = vector.shape_cast %mul3A_664 : vector<16xf32> to vector<1x16xf32>
        tpu.vector_store %arg11[%swap3A_665, %swap3A_666], %swap3A_669 {strides = array<i32>} : memref<128x128xf32, #tpu.memory_space<vmem>>, vector<1x16xf32>,
        %get3A_670 = arith.index_cast %add3A_646 : i32 to index
        %get3A_671 = arith.constant 32 : index
        %get3A_672 = tpu.vector_load %arg11[%get3A_670, %get3A_671] {strides = array<i32>} : memref<128x128xf32, #tpu.memory_space<vmem>>, vector<1x16xf32>,
        %get3A_673 = vector.shape_cast %get3A_672 : vector<1x16xf32> to vector<16xf32>
        %mul3A_674 = arith.mulf %get3A_673, %broadcast_in_dim3A_649 : vector<16xf32>
        %swap3A_675 = arith.index_cast %add3A_646 : i32 to index
        %swap3A_676 = arith.constant 32 : index
        %swap3A_677 = tpu.vector_load %arg11[%swap3A_675, %swap3A_676] {strides = array<i32>} : memref<128x128xf32, #tpu.memory_space<vmem>>, vector<1x16xf32>,
        %swap3A_678 = vector.shape_cast %swap3A_677 : vector<1x16xf32> to vector<16xf32>
        %swap3A_679 = vector.shape_cast %mul3A_674 : vector<16xf32> to vector<1x16xf32>
        tpu.vector_store %arg11[%swap3A_675, %swap3A_676], %swap3A_679 {strides = array<i32>} : memref<128x128xf32, #tpu.memory_space<vmem>>, vector<1x16xf32>,
        %get3A_680 = arith.index_cast %add3A_646 : i32 to index
        %get3A_681 = arith.constant 48 : index
        %get3A_682 = tpu.vector_load %arg11[%get3A_680, %get3A_681] {strides = array<i32>} : memref<128x128xf32, #tpu.memory_space<vmem>>, vector<1x16xf32>,
        %get3A_683 = vector.shape_cast %get3A_682 : vector<1x16xf32> to vector<16xf32>
        %mul3A_684 = arith.mulf %get3A_683, %broadcast_in_dim3A_649 : vector<16xf32>
        %swap3A_685 = arith.index_cast %add3A_646 : i32 to index
        %swap3A_686 = arith.constant 48 : index
        %swap3A_687 = tpu.vector_load %arg11[%swap3A_685, %swap3A_686] {strides = array<i32>} : memref<128x128xf32, #tpu.memory_space<vmem>>, vector<1x16xf32>,
        %swap3A_688 = vector.shape_cast %swap3A_687 : vector<1x16xf32> to vector<16xf32>
        %swap3A_689 = vector.shape_cast %mul3A_684 : vector<16xf32> to vector<1x16xf32>
        tpu.vector_store %arg11[%swap3A_685, %swap3A_686], %swap3A_689 {strides = array<i32>} : memref<128x128xf32, #tpu.memory_space<vmem>>, vector<1x16xf32>,
        %get3A_690 = arith.index_cast %add3A_646 : i32 to index
        %get3A_691 = arith.constant 64 : index
        %get3A_692 = tpu.vector_load %arg11[%get3A_690, %get3A_691] {strides = array<i32>} : memref<128x128xf32, #tpu.memory_space<vmem>>, vector<1x16xf32>,
        %get3A_693 = vector.shape_cast %get3A_692 : vector<1x16xf32> to vector<16xf32>
        %mul3A_694 = arith.mulf %get3A_693, %broadcast_in_dim3A_649 : vector<16xf32>
        %swap3A_695 = arith.index_cast %add3A_646 : i32 to index
        %swap3A_696 = arith.constant 64 : index
        %swap3A_697 = tpu.vector_load %arg11[%swap3A_695, %swap3A_696] {strides = array<i32>} : memref<128x128xf32, #tpu.memory_space<vmem>>, vector<1x16xf32>,
        %swap3A_698 = vector.shape_cast %swap3A_697 : vector<1x16xf32> to vector<16xf32>
        %swap3A_699 = vector.shape_cast %mul3A_694 : vector<16xf32> to vector<1x16xf32>
        tpu.vector_store %arg11[%swap3A_695, %swap3A_696], %swap3A_699 {strides = array<i32>} : memref<128x128xf32, #tpu.memory_space<vmem>>, vector<1x16xf32>,
        %get3A_700 = arith.index_cast %add3A_646 : i32 to index
        %get3A_701 = arith.constant 80 : index
        %get3A_702 = tpu.vector_load %arg11[%get3A_700, %get3A_701] {strides = array<i32>} : memref<128x128xf32, #tpu.memory_space<vmem>>, vector<1x16xf32>,
        %get3A_703 = vector.shape_cast %get3A_702 : vector<1x16xf32> to vector<16xf32>
        %mul3A_704 = arith.mulf %get3A_703, %broadcast_in_dim3A_649 : vector<16xf32>
        %swap3A_705 = arith.index_cast %add3A_646 : i32 to index
        %swap3A_706 = arith.constant 80 : index
        %swap3A_707 = tpu.vector_load %arg11[%swap3A_705, %swap3A_706] {strides = array<i32>} : memref<128x128xf32, #tpu.memory_space<vmem>>, vector<1x16xf32>,
        %swap3A_708 = vector.shape_cast %swap3A_707 : vector<1x16xf32> to vector<16xf32>
        %swap3A_709 = vector.shape_cast %mul3A_704 : vector<16xf32> to vector<1x16xf32>
        tpu.vector_store %arg11[%swap3A_705, %swap3A_706], %swap3A_709 {strides = array<i32>} : memref<128x128xf32, #tpu.memory_space<vmem>>, vector<1x16xf32>,
        %get3A_710 = arith.index_cast %add3A_646 : i32 to index
        %get3A_711 = arith.constant 96 : index
        %get3A_712 = tpu.vector_load %arg11[%get3A_710, %get3A_711] {strides = array<i32>} : memref<128x128xf32, #tpu.memory_space<vmem>>, vector<1x16xf32>,
        %get3A_713 = vector.shape_cast %get3A_712 : vector<1x16xf32> to vector<16xf32>
        %mul3A_714 = arith.mulf %get3A_713, %broadcast_in_dim3A_649 : vector<16xf32>
        %swap3A_715 = arith.index_cast %add3A_646 : i32 to index
        %swap3A_716 = arith.constant 96 : index
        %swap3A_717 = tpu.vector_load %arg11[%swap3A_715, %swap3A_716] {strides = array<i32>} : memref<128x128xf32, #tpu.memory_space<vmem>>, vector<1x16xf32>,
        %swap3A_718 = vector.shape_cast %swap3A_717 : vector<1x16xf32> to vector<16xf32>
        %swap3A_719 = vector.shape_cast %mul3A_714 : vector<16xf32> to vector<1x16xf32>
        tpu.vector_store %arg11[%swap3A_715, %swap3A_716], %swap3A_719 {strides = array<i32>} : memref<128x128xf32, #tpu.memory_space<vmem>>, vector<1x16xf32>,
        %get3A_720 = arith.index_cast %add3A_646 : i32 to index
        %get3A_721 = arith.constant 112 : index
        %get3A_722 = tpu.vector_load %arg11[%get3A_720, %get3A_721] {strides = array<i32>} : memref<128x128xf32, #tpu.memory_space<vmem>>, vector<1x16xf32>,
        %get3A_723 = vector.shape_cast %get3A_722 : vector<1x16xf32> to vector<16xf32>
        %mul3A_724 = arith.mulf %get3A_723, %broadcast_in_dim3A_649 : vector<16xf32>
        %swap3A_725 = arith.index_cast %add3A_646 : i32 to index
        %swap3A_726 = arith.constant 112 : index
        %swap3A_727 = tpu.vector_load %arg11[%swap3A_725, %swap3A_726] {strides = array<i32>} : memref<128x128xf32, #tpu.memory_space<vmem>>, vector<1x16xf32>,
        %swap3A_728 = vector.shape_cast %swap3A_727 : vector<1x16xf32> to vector<16xf32>
        %swap3A_729 = vector.shape_cast %mul3A_724 : vector<16xf32> to vector<1x16xf32>
        tpu.vector_store %arg11[%swap3A_725, %swap3A_726], %swap3A_729 {strides = array<i32>} : memref<128x128xf32, #tpu.memory_space<vmem>>, vector<1x16xf32>,
        %mul3A_730 = arith.constant 16 : i32
        %mul3A_731 = arith.muli %scan3A_465, %mul3A_730 : i32
        %add3A_732 = arith.constant 3 : i32
        %add3A_733 = arith.addi %mul3A_731, %add3A_732 : i32
        %slice3A_734 = vector.extract_strided_slice %get3A_471 {offsets = [3], sizes = [1], strides = [1]} : vector<16xf32> to vector<1xf32>
        %squeeze3A_735 = vector.extract %slice3A_734[0] : f32 from vector<1xf32>
        %broadcast_in_dim3A_736 = vector.broadcast %squeeze3A_735 : f32 to vector<16xf32>
        %get3A_737 = arith.index_cast %add3A_733 : i32 to index
        %get3A_738 = arith.constant 0 : index
        %get3A_739 = tpu.vector_load %arg11[%get3A_737, %get3A_738] {strides = array<i32>} : memref<128x128xf32, #tpu.memory_space<vmem>>, vector<1x16xf32>,
        %get3A_740 = vector.shape_cast %get3A_739 : vector<1x16xf32> to vector<16xf32>
        %mul3A_741 = arith.mulf %get3A_740, %broadcast_in_dim3A_736 : vector<16xf32>
        %swap3A_742 = arith.index_cast %add3A_733 : i32 to index
        %swap3A_743 = arith.constant 0 : index
        %swap3A_744 = tpu.vector_load %arg11[%swap3A_742, %swap3A_743] {strides = array<i32>} : memref<128x128xf32, #tpu.memory_space<vmem>>, vector<1x16xf32>,
        %swap3A_745 = vector.shape_cast %swap3A_744 : vector<1x16xf32> to vector<16xf32>
        %swap3A_746 = vector.shape_cast %mul3A_741 : vector<16xf32> to vector<1x16xf32>
        tpu.vector_store %arg11[%swap3A_742, %swap3A_743], %swap3A_746 {strides = array<i32>} : memref<128x128xf32, #tpu.memory_space<vmem>>, vector<1x16xf32>,
        %get3A_747 = arith.index_cast %add3A_733 : i32 to index
        %get3A_748 = arith.constant 16 : index
        %get3A_749 = tpu.vector_load %arg11[%get3A_747, %get3A_748] {strides = array<i32>} : memref<128x128xf32, #tpu.memory_space<vmem>>, vector<1x16xf32>,
        %get3A_750 = vector.shape_cast %get3A_749 : vector<1x16xf32> to vector<16xf32>
        %mul3A_751 = arith.mulf %get3A_750, %broadcast_in_dim3A_736 : vector<16xf32>
        %swap3A_752 = arith.index_cast %add3A_733 : i32 to index
        %swap3A_753 = arith.constant 16 : index
        %swap3A_754 = tpu.vector_load %arg11[%swap3A_752, %swap3A_753] {strides = array<i32>} : memref<128x128xf32, #tpu.memory_space<vmem>>, vector<1x16xf32>,
        %swap3A_755 = vector.shape_cast %swap3A_754 : vector<1x16xf32> to vector<16xf32>
        %swap3A_756 = vector.shape_cast %mul3A_751 : vector<16xf32> to vector<1x16xf32>
        tpu.vector_store %arg11[%swap3A_752, %swap3A_753], %swap3A_756 {strides = array<i32>} : memref<128x128xf32, #tpu.memory_space<vmem>>, vector<1x16xf32>,
        %get3A_757 = arith.index_cast %add3A_733 : i32 to index
        %get3A_758 = arith.constant 32 : index
        %get3A_759 = tpu.vector_load %arg11[%get3A_757, %get3A_758] {strides = array<i32>} : memref<128x128xf32, #tpu.memory_space<vmem>>, vector<1x16xf32>,
        %get3A_760 = vector.shape_cast %get3A_759 : vector<1x16xf32> to vector<16xf32>
        %mul3A_761 = arith.mulf %get3A_760, %broadcast_in_dim3A_736 : vector<16xf32>
        %swap3A_762 = arith.index_cast %add3A_733 : i32 to index
        %swap3A_763 = arith.constant 32 : index
        %swap3A_764 = tpu.vector_load %arg11[%swap3A_762, %swap3A_763] {strides = array<i32>} : memref<128x128xf32, #tpu.memory_space<vmem>>, vector<1x16xf32>,
        %swap3A_765 = vector.shape_cast %swap3A_764 : vector<1x16xf32> to vector<16xf32>
        %swap3A_766 = vector.shape_cast %mul3A_761 : vector<16xf32> to vector<1x16xf32>
        tpu.vector_store %arg11[%swap3A_762, %swap3A_763], %swap3A_766 {strides = array<i32>} : memref<128x128xf32, #tpu.memory_space<vmem>>, vector<1x16xf32>,
        %get3A_767 = arith.index_cast %add3A_733 : i32 to index
        %get3A_768 = arith.constant 48 : index
        %get3A_769 = tpu.vector_load %arg11[%get3A_767, %get3A_768] {strides = array<i32>} : memref<128x128xf32, #tpu.memory_space<vmem>>, vector<1x16xf32>,
        %get3A_770 = vector.shape_cast %get3A_769 : vector<1x16xf32> to vector<16xf32>
        %mul3A_771 = arith.mulf %get3A_770, %broadcast_in_dim3A_736 : vector<16xf32>
        %swap3A_772 = arith.index_cast %add3A_733 : i32 to index
        %swap3A_773 = arith.constant 48 : index
        %swap3A_774 = tpu.vector_load %arg11[%swap3A_772, %swap3A_773] {strides = array<i32>} : memref<128x128xf32, #tpu.memory_space<vmem>>, vector<1x16xf32>,
        %swap3A_775 = vector.shape_cast %swap3A_774 : vector<1x16xf32> to vector<16xf32>
        %swap3A_776 = vector.shape_cast %mul3A_771 : vector<16xf32> to vector<1x16xf32>
        tpu.vector_store %arg11[%swap3A_772, %swap3A_773], %swap3A_776 {strides = array<i32>} : memref<128x128xf32, #tpu.memory_space<vmem>>, vector<1x16xf32>,
        %get3A_777 = arith.index_cast %add3A_733 : i32 to index
        %get3A_778 = arith.constant 64 : index
        %get3A_779 = tpu.vector_load %arg11[%get3A_777, %get3A_778] {strides = array<i32>} : memref<128x128xf32, #tpu.memory_space<vmem>>, vector<1x16xf32>,
        %get3A_780 = vector.shape_cast %get3A_779 : vector<1x16xf32> to vector<16xf32>
        %mul3A_781 = arith.mulf %get3A_780, %broadcast_in_dim3A_736 : vector<16xf32>
        %swap3A_782 = arith.index_cast %add3A_733 : i32 to index
        %swap3A_783 = arith.constant 64 : index
        %swap3A_784 = tpu.vector_load %arg11[%swap3A_782, %swap3A_783] {strides = array<i32>} : memref<128x128xf32, #tpu.memory_space<vmem>>, vector<1x16xf32>,
        %swap3A_785 = vector.shape_cast %swap3A_784 : vector<1x16xf32> to vector<16xf32>
        %swap3A_786 = vector.shape_cast %mul3A_781 : vector<16xf32> to vector<1x16xf32>
        tpu.vector_store %arg11[%swap3A_782, %swap3A_783], %swap3A_786 {strides = array<i32>} : memref<128x128xf32, #tpu.memory_space<vmem>>, vector<1x16xf32>,
        %get3A_787 = arith.index_cast %add3A_733 : i32 to index
        %get3A_788 = arith.constant 80 : index
        %get3A_789 = tpu.vector_load %arg11[%get3A_787, %get3A_788] {strides = array<i32>} : memref<128x128xf32, #tpu.memory_space<vmem>>, vector<1x16xf32>,
        %get3A_790 = vector.shape_cast %get3A_789 : vector<1x16xf32> to vector<16xf32>
        %mul3A_791 = arith.mulf %get3A_790, %broadcast_in_dim3A_736 : vector<16xf32>
        %swap3A_792 = arith.index_cast %add3A_733 : i32 to index
        %swap3A_793 = arith.constant 80 : index
        %swap3A_794 = tpu.vector_load %arg11[%swap3A_792, %swap3A_793] {strides = array<i32>} : memref<128x128xf32, #tpu.memory_space<vmem>>, vector<1x16xf32>,
        %swap3A_795 = vector.shape_cast %swap3A_794 : vector<1x16xf32> to vector<16xf32>
        %swap3A_796 = vector.shape_cast %mul3A_791 : vector<16xf32> to vector<1x16xf32>
        tpu.vector_store %arg11[%swap3A_792, %swap3A_793], %swap3A_796 {strides = array<i32>} : memref<128x128xf32, #tpu.memory_space<vmem>>, vector<1x16xf32>,
        %get3A_797 = arith.index_cast %add3A_733 : i32 to index
        %get3A_798 = arith.constant 96 : index
        %get3A_799 = tpu.vector_load %arg11[%get3A_797, %get3A_798] {strides = array<i32>} : memref<128x128xf32, #tpu.memory_space<vmem>>, vector<1x16xf32>,
        %get3A_800 = vector.shape_cast %get3A_799 : vector<1x16xf32> to vector<16xf32>
        %mul3A_801 = arith.mulf %get3A_800, %broadcast_in_dim3A_736 : vector<16xf32>
        %swap3A_802 = arith.index_cast %add3A_733 : i32 to index
        %swap3A_803 = arith.constant 96 : index
        %swap3A_804 = tpu.vector_load %arg11[%swap3A_802, %swap3A_803] {strides = array<i32>} : memref<128x128xf32, #tpu.memory_space<vmem>>, vector<1x16xf32>,
        %swap3A_805 = vector.shape_cast %swap3A_804 : vector<1x16xf32> to vector<16xf32>
        %swap3A_806 = vector.shape_cast %mul3A_801 : vector<16xf32> to vector<1x16xf32>
        tpu.vector_store %arg11[%swap3A_802, %swap3A_803], %swap3A_806 {strides = array<i32>} : memref<128x128xf32, #tpu.memory_space<vmem>>, vector<1x16xf32>,
        %get3A_807 = arith.index_cast %add3A_733 : i32 to index
        %get3A_808 = arith.constant 112 : index
        %get3A_809 = tpu.vector_load %arg11[%get3A_807, %get3A_808] {strides = array<i32>} : memref<128x128xf32, #tpu.memory_space<vmem>>, vector<1x16xf32>,
        %get3A_810 = vector.shape_cast %get3A_809 : vector<1x16xf32> to vector<16xf32>
        %mul3A_811 = arith.mulf %get3A_810, %broadcast_in_dim3A_736 : vector<16xf32>
        %swap3A_812 = arith.index_cast %add3A_733 : i32 to index
        %swap3A_813 = arith.constant 112 : index
        %swap3A_814 = tpu.vector_load %arg11[%swap3A_812, %swap3A_813] {strides = array<i32>} : memref<128x128xf32, #tpu.memory_space<vmem>>, vector<1x16xf32>,
        %swap3A_815 = vector.shape_cast %swap3A_814 : vector<1x16xf32> to vector<16xf32>
        %swap3A_816 = vector.shape_cast %mul3A_811 : vector<16xf32> to vector<1x16xf32>
        tpu.vector_store %arg11[%swap3A_812, %swap3A_813], %swap3A_816 {strides = array<i32>} : memref<128x128xf32, #tpu.memory_space<vmem>>, vector<1x16xf32>,
        %mul3A_817 = arith.constant 16 : i32
        %mul3A_818 = arith.muli %scan3A_465, %mul3A_817 : i32
        %add3A_819 = arith.constant 4 : i32
        %add3A_820 = arith.addi %mul3A_818, %add3A_819 : i32
        %slice3A_821 = vector.extract_strided_slice %get3A_471 {offsets = [4], sizes = [1], strides = [1]} : vector<16xf32> to vector<1xf32>
        %squeeze3A_822 = vector.extract %slice3A_821[0] : f32 from vector<1xf32>
        %broadcast_in_dim3A_823 = vector.broadcast %squeeze3A_822 : f32 to vector<16xf32>
        %get3A_824 = arith.index_cast %add3A_820 : i32 to index
        %get3A_825 = arith.constant 0 : index
        %get3A_826 = tpu.vector_load %arg11[%get3A_824, %get3A_825] {strides = array<i32>} : memref<128x128xf32, #tpu.memory_space<vmem>>, vector<1x16xf32>,
        %get3A_827 = vector.shape_cast %get3A_826 : vector<1x16xf32> to vector<16xf32>
        %mul3A_828 = arith.mulf %get3A_827, %broadcast_in_dim3A_823 : vector<16xf32>
        %swap3A_829 = arith.index_cast %add3A_820 : i32 to index
        %swap3A_830 = arith.constant 0 : index
        %swap3A_831 = tpu.vector_load %arg11[%swap3A_829, %swap3A_830] {strides = array<i32>} : memref<128x128xf32, #tpu.memory_space<vmem>>, vector<1x16xf32>,
        %swap3A_832 = vector.shape_cast %swap3A_831 : vector<1x16xf32> to vector<16xf32>
        %swap3A_833 = vector.shape_cast %mul3A_828 : vector<16xf32> to vector<1x16xf32>
        tpu.vector_store %arg11[%swap3A_829, %swap3A_830], %swap3A_833 {strides = array<i32>} : memref<128x128xf32, #tpu.memory_space<vmem>>, vector<1x16xf32>,
        %get3A_834 = arith.index_cast %add3A_820 : i32 to index
        %get3A_835 = arith.constant 16 : index
        %get3A_836 = tpu.vector_load %arg11[%get3A_834, %get3A_835] {strides = array<i32>} : memref<128x128xf32, #tpu.memory_space<vmem>>, vector<1x16xf32>,
        %get3A_837 = vector.shape_cast %get3A_836 : vector<1x16xf32> to vector<16xf32>
        %mul3A_838 = arith.mulf %get3A_837, %broadcast_in_dim3A_823 : vector<16xf32>
        %swap3A_839 = arith.index_cast %add3A_820 : i32 to index
        %swap3A_840 = arith.constant 16 : index
        %swap3A_841 = tpu.vector_load %arg11[%swap3A_839, %swap3A_840] {strides = array<i32>} : memref<128x128xf32, #tpu.memory_space<vmem>>, vector<1x16xf32>,
        %swap3A_842 = vector.shape_cast %swap3A_841 : vector<1x16xf32> to vector<16xf32>
        %swap3A_843 = vector.shape_cast %mul3A_838 : vector<16xf32> to vector<1x16xf32>
        tpu.vector_store %arg11[%swap3A_839, %swap3A_840], %swap3A_843 {strides = array<i32>} : memref<128x128xf32, #tpu.memory_space<vmem>>, vector<1x16xf32>,
        %get3A_844 = arith.index_cast %add3A_820 : i32 to index
        %get3A_845 = arith.constant 32 : index
        %get3A_846 = tpu.vector_load %arg11[%get3A_844, %get3A_845] {strides = array<i32>} : memref<128x128xf32, #tpu.memory_space<vmem>>, vector<1x16xf32>,
        %get3A_847 = vector.shape_cast %get3A_846 : vector<1x16xf32> to vector<16xf32>
        %mul3A_848 = arith.mulf %get3A_847, %broadcast_in_dim3A_823 : vector<16xf32>
        %swap3A_849 = arith.index_cast %add3A_820 : i32 to index
        %swap3A_850 = arith.constant 32 : index
        %swap3A_851 = tpu.vector_load %arg11[%swap3A_849, %swap3A_850] {strides = array<i32>} : memref<128x128xf32, #tpu.memory_space<vmem>>, vector<1x16xf32>,
        %swap3A_852 = vector.shape_cast %swap3A_851 : vector<1x16xf32> to vector<16xf32>
        %swap3A_853 = vector.shape_cast %mul3A_848 : vector<16xf32> to vector<1x16xf32>
        tpu.vector_store %arg11[%swap3A_849, %swap3A_850], %swap3A_853 {strides = array<i32>} : memref<128x128xf32, #tpu.memory_space<vmem>>, vector<1x16xf32>,
        %get3A_854 = arith.index_cast %add3A_820 : i32 to index
        %get3A_855 = arith.constant 48 : index
        %get3A_856 = tpu.vector_load %arg11[%get3A_854, %get3A_855] {strides = array<i32>} : memref<128x128xf32, #tpu.memory_space<vmem>>, vector<1x16xf32>,
        %get3A_857 = vector.shape_cast %get3A_856 : vector<1x16xf32> to vector<16xf32>
        %mul3A_858 = arith.mulf %get3A_857, %broadcast_in_dim3A_823 : vector<16xf32>
        %swap3A_859 = arith.index_cast %add3A_820 : i32 to index
        %swap3A_860 = arith.constant 48 : index
        %swap3A_861 = tpu.vector_load %arg11[%swap3A_859, %swap3A_860] {strides = array<i32>} : memref<128x128xf32, #tpu.memory_space<vmem>>, vector<1x16xf32>,
        %swap3A_862 = vector.shape_cast %swap3A_861 : vector<1x16xf32> to vector<16xf32>
        %swap3A_863 = vector.shape_cast %mul3A_858 : vector<16xf32> to vector<1x16xf32>
        tpu.vector_store %arg11[%swap3A_859, %swap3A_860], %swap3A_863 {strides = array<i32>} : memref<128x128xf32, #tpu.memory_space<vmem>>, vector<1x16xf32>,
        %get3A_864 = arith.index_cast %add3A_820 : i32 to index
        %get3A_865 = arith.constant 64 : index
        %get3A_866 = tpu.vector_load %arg11[%get3A_864, %get3A_865] {strides = array<i32>} : memref<128x128xf32, #tpu.memory_space<vmem>>, vector<1x16xf32>,
        %get3A_867 = vector.shape_cast %get3A_866 : vector<1x16xf32> to vector<16xf32>
        %mul3A_868 = arith.mulf %get3A_867, %broadcast_in_dim3A_823 : vector<16xf32>
        %swap3A_869 = arith.index_cast %add3A_820 : i32 to index
        %swap3A_870 = arith.constant 64 : index
        %swap3A_871 = tpu.vector_load %arg11[%swap3A_869, %swap3A_870] {strides = array<i32>} : memref<128x128xf32, #tpu.memory_space<vmem>>, vector<1x16xf32>,
        %swap3A_872 = vector.shape_cast %swap3A_871 : vector<1x16xf32> to vector<16xf32>
        %swap3A_873 = vector.shape_cast %mul3A_868 : vector<16xf32> to vector<1x16xf32>
        tpu.vector_store %arg11[%swap3A_869, %swap3A_870], %swap3A_873 {strides = array<i32>} : memref<128x128xf32, #tpu.memory_space<vmem>>, vector<1x16xf32>,
        %get3A_874 = arith.index_cast %add3A_820 : i32 to index
        %get3A_875 = arith.constant 80 : index
        %get3A_876 = tpu.vector_load %arg11[%get3A_874, %get3A_875] {strides = array<i32>} : memref<128x128xf32, #tpu.memory_space<vmem>>, vector<1x16xf32>,
        %get3A_877 = vector.shape_cast %get3A_876 : vector<1x16xf32> to vector<16xf32>
        %mul3A_878 = arith.mulf %get3A_877, %broadcast_in_dim3A_823 : vector<16xf32>
        %swap3A_879 = arith.index_cast %add3A_820 : i32 to index
        %swap3A_880 = arith.constant 80 : index
        %swap3A_881 = tpu.vector_load %arg11[%swap3A_879, %swap3A_880] {strides = array<i32>} : memref<128x128xf32, #tpu.memory_space<vmem>>, vector<1x16xf32>,
        %swap3A_882 = vector.shape_cast %swap3A_881 : vector<1x16xf32> to vector<16xf32>
        %swap3A_883 = vector.shape_cast %mul3A_878 : vector<16xf32> to vector<1x16xf32>
        tpu.vector_store %arg11[%swap3A_879, %swap3A_880], %swap3A_883 {strides = array<i32>} : memref<128x128xf32, #tpu.memory_space<vmem>>, vector<1x16xf32>,
        %get3A_884 = arith.index_cast %add3A_820 : i32 to index
        %get3A_885 = arith.constant 96 : index
        %get3A_886 = tpu.vector_load %arg11[%get3A_884, %get3A_885] {strides = array<i32>} : memref<128x128xf32, #tpu.memory_space<vmem>>, vector<1x16xf32>,
        %get3A_887 = vector.shape_cast %get3A_886 : vector<1x16xf32> to vector<16xf32>
        %mul3A_888 = arith.mulf %get3A_887, %broadcast_in_dim3A_823 : vector<16xf32>
        %swap3A_889 = arith.index_cast %add3A_820 : i32 to index
        %swap3A_890 = arith.constant 96 : index
        %swap3A_891 = tpu.vector_load %arg11[%swap3A_889, %swap3A_890] {strides = array<i32>} : memref<128x128xf32, #tpu.memory_space<vmem>>, vector<1x16xf32>,
        %swap3A_892 = vector.shape_cast %swap3A_891 : vector<1x16xf32> to vector<16xf32>
        %swap3A_893 = vector.shape_cast %mul3A_888 : vector<16xf32> to vector<1x16xf32>
        tpu.vector_store %arg11[%swap3A_889, %swap3A_890], %swap3A_893 {strides = array<i32>} : memref<128x128xf32, #tpu.memory_space<vmem>>, vector<1x16xf32>,
        %get3A_894 = arith.index_cast %add3A_820 : i32 to index
        %get3A_895 = arith.constant 112 : index
        %get3A_896 = tpu.vector_load %arg11[%get3A_894, %get3A_895] {strides = array<i32>} : memref<128x128xf32, #tpu.memory_space<vmem>>, vector<1x16xf32>,
        %get3A_897 = vector.shape_cast %get3A_896 : vector<1x16xf32> to vector<16xf32>
        %mul3A_898 = arith.mulf %get3A_897, %broadcast_in_dim3A_823 : vector<16xf32>
        %swap3A_899 = arith.index_cast %add3A_820 : i32 to index
        %swap3A_900 = arith.constant 112 : index
        %swap3A_901 = tpu.vector_load %arg11[%swap3A_899, %swap3A_900] {strides = array<i32>} : memref<128x128xf32, #tpu.memory_space<vmem>>, vector<1x16xf32>,
        %swap3A_902 = vector.shape_cast %swap3A_901 : vector<1x16xf32> to vector<16xf32>
        %swap3A_903 = vector.shape_cast %mul3A_898 : vector<16xf32> to vector<1x16xf32>
        tpu.vector_store %arg11[%swap3A_899, %swap3A_900], %swap3A_903 {strides = array<i32>} : memref<128x128xf32, #tpu.memory_space<vmem>>, vector<1x16xf32>,
        %mul3A_904 = arith.constant 16 : i32
        %mul3A_905 = arith.muli %scan3A_465, %mul3A_904 : i32
        %add3A_906 = arith.constant 5 : i32
        %add3A_907 = arith.addi %mul3A_905, %add3A_906 : i32
        %slice3A_908 = vector.extract_strided_slice %get3A_471 {offsets = [5], sizes = [1], strides = [1]} : vector<16xf32> to vector<1xf32>
        %squeeze3A_909 = vector.extract %slice3A_908[0] : f32 from vector<1xf32>
        %broadcast_in_dim3A_910 = vector.broadcast %squeeze3A_909 : f32 to vector<16xf32>
        %get3A_911 = arith.index_cast %add3A_907 : i32 to index
        %get3A_912 = arith.constant 0 : index
        %get3A_913 = tpu.vector_load %arg11[%get3A_911, %get3A_912] {strides = array<i32>} : memref<128x128xf32, #tpu.memory_space<vmem>>, vector<1x16xf32>,
        %get3A_914 = vector.shape_cast %get3A_913 : vector<1x16xf32> to vector<16xf32>
        %mul3A_915 = arith.mulf %get3A_914, %broadcast_in_dim3A_910 : vector<16xf32>
        %swap3A_916 = arith.index_cast %add3A_907 : i32 to index
        %swap3A_917 = arith.constant 0 : index
        %swap3A_918 = tpu.vector_load %arg11[%swap3A_916, %swap3A_917] {strides = array<i32>} : memref<128x128xf32, #tpu.memory_space<vmem>>, vector<1x16xf32>,
        %swap3A_919 = vector.shape_cast %swap3A_918 : vector<1x16xf32> to vector<16xf32>
        %swap3A_920 = vector.shape_cast %mul3A_915 : vector<16xf32> to vector<1x16xf32>
        tpu.vector_store %arg11[%swap3A_916, %swap3A_917], %swap3A_920 {strides = array<i32>} : memref<128x128xf32, #tpu.memory_space<vmem>>, vector<1x16xf32>,
        %get3A_921 = arith.index_cast %add3A_907 : i32 to index
        %get3A_922 = arith.constant 16 : index
        %get3A_923 = tpu.vector_load %arg11[%get3A_921, %get3A_922] {strides = array<i32>} : memref<128x128xf32, #tpu.memory_space<vmem>>, vector<1x16xf32>,
        %get3A_924 = vector.shape_cast %get3A_923 : vector<1x16xf32> to vector<16xf32>
        %mul3A_925 = arith.mulf %get3A_924, %broadcast_in_dim3A_910 : vector<16xf32>
        %swap3A_926 = arith.index_cast %add3A_907 : i32 to index
        %swap3A_927 = arith.constant 16 : index
        %swap3A_928 = tpu.vector_load %arg11[%swap3A_926, %swap3A_927] {strides = array<i32>} : memref<128x128xf32, #tpu.memory_space<vmem>>, vector<1x16xf32>,
        %swap3A_929 = vector.shape_cast %swap3A_928 : vector<1x16xf32> to vector<16xf32>
        %swap3A_930 = vector.shape_cast %mul3A_925 : vector<16xf32> to vector<1x16xf32>
        tpu.vector_store %arg11[%swap3A_926, %swap3A_927], %swap3A_930 {strides = array<i32>} : memref<128x128xf32, #tpu.memory_space<vmem>>, vector<1x16xf32>,
        %get3A_931 = arith.index_cast %add3A_907 : i32 to index
        %get3A_932 = arith.constant 32 : index
        %get3A_933 = tpu.vector_load %arg11[%get3A_931, %get3A_932] {strides = array<i32>} : memref<128x128xf32, #tpu.memory_space<vmem>>, vector<1x16xf32>,
        %get3A_934 = vector.shape_cast %get3A_933 : vector<1x16xf32> to vector<16xf32>
        %mul3A_935 = arith.mulf %get3A_934, %broadcast_in_dim3A_910 : vector<16xf32>
        %swap3A_936 = arith.index_cast %add3A_907 : i32 to index
        %swap3A_937 = arith.constant 32 : index
        %swap3A_938 = tpu.vector_load %arg11[%swap3A_936, %swap3A_937] {strides = array<i32>} : memref<128x128xf32, #tpu.memory_space<vmem>>, vector<1x16xf32>,
        %swap3A_939 = vector.shape_cast %swap3A_938 : vector<1x16xf32> to vector<16xf32>
        %swap3A_940 = vector.shape_cast %mul3A_935 : vector<16xf32> to vector<1x16xf32>
        tpu.vector_store %arg11[%swap3A_936, %swap3A_937], %swap3A_940 {strides = array<i32>} : memref<128x128xf32, #tpu.memory_space<vmem>>, vector<1x16xf32>,
        %get3A_941 = arith.index_cast %add3A_907 : i32 to index
        %get3A_942 = arith.constant 48 : index
        %get3A_943 = tpu.vector_load %arg11[%get3A_941, %get3A_942] {strides = array<i32>} : memref<128x128xf32, #tpu.memory_space<vmem>>, vector<1x16xf32>,
        %get3A_944 = vector.shape_cast %get3A_943 : vector<1x16xf32> to vector<16xf32>
        %mul3A_945 = arith.mulf %get3A_944, %broadcast_in_dim3A_910 : vector<16xf32>
        %swap3A_946 = arith.index_cast %add3A_907 : i32 to index
        %swap3A_947 = arith.constant 48 : index
        %swap3A_948 = tpu.vector_load %arg11[%swap3A_946, %swap3A_947] {strides = array<i32>} : memref<128x128xf32, #tpu.memory_space<vmem>>, vector<1x16xf32>,
        %swap3A_949 = vector.shape_cast %swap3A_948 : vector<1x16xf32> to vector<16xf32>
        %swap3A_950 = vector.shape_cast %mul3A_945 : vector<16xf32> to vector<1x16xf32>
        tpu.vector_store %arg11[%swap3A_946, %swap3A_947], %swap3A_950 {strides = array<i32>} : memref<128x128xf32, #tpu.memory_space<vmem>>, vector<1x16xf32>,
        %get3A_951 = arith.index_cast %add3A_907 : i32 to index
        %get3A_952 = arith.constant 64 : index
        %get3A_953 = tpu.vector_load %arg11[%get3A_951, %get3A_952] {strides = array<i32>} : memref<128x128xf32, #tpu.memory_space<vmem>>, vector<1x16xf32>,
        %get3A_954 = vector.shape_cast %get3A_953 : vector<1x16xf32> to vector<16xf32>
        %mul3A_955 = arith.mulf %get3A_954, %broadcast_in_dim3A_910 : vector<16xf32>
        %swap3A_956 = arith.index_cast %add3A_907 : i32 to index
        %swap3A_957 = arith.constant 64 : index
        %swap3A_958 = tpu.vector_load %arg11[%swap3A_956, %swap3A_957] {strides = array<i32>} : memref<128x128xf32, #tpu.memory_space<vmem>>, vector<1x16xf32>,
        %swap3A_959 = vector.shape_cast %swap3A_958 : vector<1x16xf32> to vector<16xf32>
        %swap3A_960 = vector.shape_cast %mul3A_955 : vector<16xf32> to vector<1x16xf32>
        tpu.vector_store %arg11[%swap3A_956, %swap3A_957], %swap3A_960 {strides = array<i32>} : memref<128x128xf32, #tpu.memory_space<vmem>>, vector<1x16xf32>,
        %get3A_961 = arith.index_cast %add3A_907 : i32 to index
        %get3A_962 = arith.constant 80 : index
        %get3A_963 = tpu.vector_load %arg11[%get3A_961, %get3A_962] {strides = array<i32>} : memref<128x128xf32, #tpu.memory_space<vmem>>, vector<1x16xf32>,
        %get3A_964 = vector.shape_cast %get3A_963 : vector<1x16xf32> to vector<16xf32>
        %mul3A_965 = arith.mulf %get3A_964, %broadcast_in_dim3A_910 : vector<16xf32>
        %swap3A_966 = arith.index_cast %add3A_907 : i32 to index
        %swap3A_967 = arith.constant 80 : index
        %swap3A_968 = tpu.vector_load %arg11[%swap3A_966, %swap3A_967] {strides = array<i32>} : memref<128x128xf32, #tpu.memory_space<vmem>>, vector<1x16xf32>,
        %swap3A_969 = vector.shape_cast %swap3A_968 : vector<1x16xf32> to vector<16xf32>
        %swap3A_970 = vector.shape_cast %mul3A_965 : vector<16xf32> to vector<1x16xf32>
        tpu.vector_store %arg11[%swap3A_966, %swap3A_967], %swap3A_970 {strides = array<i32>} : memref<128x128xf32, #tpu.memory_space<vmem>>, vector<1x16xf32>,
        %get3A_971 = arith.index_cast %add3A_907 : i32 to index
        %get3A_972 = arith.constant 96 : index
        %get3A_973 = tpu.vector_load %arg11[%get3A_971, %get3A_972] {strides = array<i32>} : memref<128x128xf32, #tpu.memory_space<vmem>>, vector<1x16xf32>,
        %get3A_974 = vector.shape_cast %get3A_973 : vector<1x16xf32> to vector<16xf32>
        %mul3A_975 = arith.mulf %get3A_974, %broadcast_in_dim3A_910 : vector<16xf32>
        %swap3A_976 = arith.index_cast %add3A_907 : i32 to index
        %swap3A_977 = arith.constant 96 : index
        %swap3A_978 = tpu.vector_load %arg11[%swap3A_976, %swap3A_977] {strides = array<i32>} : memref<128x128xf32, #tpu.memory_space<vmem>>, vector<1x16xf32>,
        %swap3A_979 = vector.shape_cast %swap3A_978 : vector<1x16xf32> to vector<16xf32>
        %swap3A_980 = vector.shape_cast %mul3A_975 : vector<16xf32> to vector<1x16xf32>
        tpu.vector_store %arg11[%swap3A_976, %swap3A_977], %swap3A_980 {strides = array<i32>} : memref<128x128xf32, #tpu.memory_space<vmem>>, vector<1x16xf32>,
        %get3A_981 = arith.index_cast %add3A_907 : i32 to index
        %get3A_982 = arith.constant 112 : index
        %get3A_983 = tpu.vector_load %arg11[%get3A_981, %get3A_982] {strides = array<i32>} : memref<128x128xf32, #tpu.memory_space<vmem>>, vector<1x16xf32>,
        %get3A_984 = vector.shape_cast %get3A_983 : vector<1x16xf32> to vector<16xf32>
        %mul3A_985 = arith.mulf %get3A_984, %broadcast_in_dim3A_910 : vector<16xf32>
        %swap3A_986 = arith.index_cast %add3A_907 : i32 to index
        %swap3A_987 = arith.constant 112 : index
        %swap3A_988 = tpu.vector_load %arg11[%swap3A_986, %swap3A_987] {strides = array<i32>} : memref<128x128xf32, #tpu.memory_space<vmem>>, vector<1x16xf32>,
        %swap3A_989 = vector.shape_cast %swap3A_988 : vector<1x16xf32> to vector<16xf32>
        %swap3A_990 = vector.shape_cast %mul3A_985 : vector<16xf32> to vector<1x16xf32>
        tpu.vector_store %arg11[%swap3A_986, %swap3A_987], %swap3A_990 {strides = array<i32>} : memref<128x128xf32, #tpu.memory_space<vmem>>, vector<1x16xf32>,
        %mul3A_991 = arith.constant 16 : i32
        %mul3A_992 = arith.muli %scan3A_465, %mul3A_991 : i32
        %add3A_993 = arith.constant 6 : i32
        %add3A_994 = arith.addi %mul3A_992, %add3A_993 : i32
        %slice3A_995 = vector.extract_strided_slice %get3A_471 {offsets = [6], sizes = [1], strides = [1]} : vector<16xf32> to vector<1xf32>
        %squeeze3A_996 = vector.extract %slice3A_995[0] : f32 from vector<1xf32>
        %broadcast_in_dim3A_997 = vector.broadcast %squeeze3A_996 : f32 to vector<16xf32>
        %get3A_998 = arith.index_cast %add3A_994 : i32 to index
        %get3A_999 = arith.constant 0 : index
        %get3A_1000 = tpu.vector_load %arg11[%get3A_998, %get3A_999] {strides = array<i32>} : memref<128x128xf32, #tpu.memory_space<vmem>>, vector<1x16xf32>,
        %get3A_1001 = vector.shape_cast %get3A_1000 : vector<1x16xf32> to vector<16xf32>
        %mul3A_1002 = arith.mulf %get3A_1001, %broadcast_in_dim3A_997 : vector<16xf32>
        %swap3A_1003 = arith.index_cast %add3A_994 : i32 to index
        %swap3A_1004 = arith.constant 0 : index
        %swap3A_1005 = tpu.vector_load %arg11[%swap3A_1003, %swap3A_1004] {strides = array<i32>} : memref<128x128xf32, #tpu.memory_space<vmem>>, vector<1x16xf32>,
        %swap3A_1006 = vector.shape_cast %swap3A_1005 : vector<1x16xf32> to vector<16xf32>
        %swap3A_1007 = vector.shape_cast %mul3A_1002 : vector<16xf32> to vector<1x16xf32>
        tpu.vector_store %arg11[%swap3A_1003, %swap3A_1004], %swap3A_1007 {strides = array<i32>} : memref<128x128xf32, #tpu.memory_space<vmem>>, vector<1x16xf32>,
        %get3A_1008 = arith.index_cast %add3A_994 : i32 to index
        %get3A_1009 = arith.constant 16 : index
        %get3A_1010 = tpu.vector_load %arg11[%get3A_1008, %get3A_1009] {strides = array<i32>} : memref<128x128xf32, #tpu.memory_space<vmem>>, vector<1x16xf32>,
        %get3A_1011 = vector.shape_cast %get3A_1010 : vector<1x16xf32> to vector<16xf32>
        %mul3A_1012 = arith.mulf %get3A_1011, %broadcast_in_dim3A_997 : vector<16xf32>
        %swap3A_1013 = arith.index_cast %add3A_994 : i32 to index
        %swap3A_1014 = arith.constant 16 : index
        %swap3A_1015 = tpu.vector_load %arg11[%swap3A_1013, %swap3A_1014] {strides = array<i32>} : memref<128x128xf32, #tpu.memory_space<vmem>>, vector<1x16xf32>,
        %swap3A_1016 = vector.shape_cast %swap3A_1015 : vector<1x16xf32> to vector<16xf32>
        %swap3A_1017 = vector.shape_cast %mul3A_1012 : vector<16xf32> to vector<1x16xf32>
        tpu.vector_store %arg11[%swap3A_1013, %swap3A_1014], %swap3A_1017 {strides = array<i32>} : memref<128x128xf32, #tpu.memory_space<vmem>>, vector<1x16xf32>,
        %get3A_1018 = arith.index_cast %add3A_994 : i32 to index
        %get3A_1019 = arith.constant 32 : index
        %get3A_1020 = tpu.vector_load %arg11[%get3A_1018, %get3A_1019] {strides = array<i32>} : memref<128x128xf32, #tpu.memory_space<vmem>>, vector<1x16xf32>,
        %get3A_1021 = vector.shape_cast %get3A_1020 : vector<1x16xf32> to vector<16xf32>
        %mul3A_1022 = arith.mulf %get3A_1021, %broadcast_in_dim3A_997 : vector<16xf32>
        %swap3A_1023 = arith.index_cast %add3A_994 : i32 to index
        %swap3A_1024 = arith.constant 32 : index
        %swap3A_1025 = tpu.vector_load %arg11[%swap3A_1023, %swap3A_1024] {strides = array<i32>} : memref<128x128xf32, #tpu.memory_space<vmem>>, vector<1x16xf32>,
        %swap3A_1026 = vector.shape_cast %swap3A_1025 : vector<1x16xf32> to vector<16xf32>
        %swap3A_1027 = vector.shape_cast %mul3A_1022 : vector<16xf32> to vector<1x16xf32>
        tpu.vector_store %arg11[%swap3A_1023, %swap3A_1024], %swap3A_1027 {strides = array<i32>} : memref<128x128xf32, #tpu.memory_space<vmem>>, vector<1x16xf32>,
        %get3A_1028 = arith.index_cast %add3A_994 : i32 to index
        %get3A_1029 = arith.constant 48 : index
        %get3A_1030 = tpu.vector_load %arg11[%get3A_1028, %get3A_1029] {strides = array<i32>} : memref<128x128xf32, #tpu.memory_space<vmem>>, vector<1x16xf32>,
        %get3A_1031 = vector.shape_cast %get3A_1030 : vector<1x16xf32> to vector<16xf32>
        %mul3A_1032 = arith.mulf %get3A_1031, %broadcast_in_dim3A_997 : vector<16xf32>
        %swap3A_1033 = arith.index_cast %add3A_994 : i32 to index
        %swap3A_1034 = arith.constant 48 : index
        %swap3A_1035 = tpu.vector_load %arg11[%swap3A_1033, %swap3A_1034] {strides = array<i32>} : memref<128x128xf32, #tpu.memory_space<vmem>>, vector<1x16xf32>,
        %swap3A_1036 = vector.shape_cast %swap3A_1035 : vector<1x16xf32> to vector<16xf32>
        %swap3A_1037 = vector.shape_cast %mul3A_1032 : vector<16xf32> to vector<1x16xf32>
        tpu.vector_store %arg11[%swap3A_1033, %swap3A_1034], %swap3A_1037 {strides = array<i32>} : memref<128x128xf32, #tpu.memory_space<vmem>>, vector<1x16xf32>,
        %get3A_1038 = arith.index_cast %add3A_994 : i32 to index
        %get3A_1039 = arith.constant 64 : index
        %get3A_1040 = tpu.vector_load %arg11[%get3A_1038, %get3A_1039] {strides = array<i32>} : memref<128x128xf32, #tpu.memory_space<vmem>>, vector<1x16xf32>,
        %get3A_1041 = vector.shape_cast %get3A_1040 : vector<1x16xf32> to vector<16xf32>
        %mul3A_1042 = arith.mulf %get3A_1041, %broadcast_in_dim3A_997 : vector<16xf32>
        %swap3A_1043 = arith.index_cast %add3A_994 : i32 to index
        %swap3A_1044 = arith.constant 64 : index
        %swap3A_1045 = tpu.vector_load %arg11[%swap3A_1043, %swap3A_1044] {strides = array<i32>} : memref<128x128xf32, #tpu.memory_space<vmem>>, vector<1x16xf32>,
        %swap3A_1046 = vector.shape_cast %swap3A_1045 : vector<1x16xf32> to vector<16xf32>
        %swap3A_1047 = vector.shape_cast %mul3A_1042 : vector<16xf32> to vector<1x16xf32>
        tpu.vector_store %arg11[%swap3A_1043, %swap3A_1044], %swap3A_1047 {strides = array<i32>} : memref<128x128xf32, #tpu.memory_space<vmem>>, vector<1x16xf32>,
        %get3A_1048 = arith.index_cast %add3A_994 : i32 to index
        %get3A_1049 = arith.constant 80 : index
        %get3A_1050 = tpu.vector_load %arg11[%get3A_1048, %get3A_1049] {strides = array<i32>} : memref<128x128xf32, #tpu.memory_space<vmem>>, vector<1x16xf32>,
        %get3A_1051 = vector.shape_cast %get3A_1050 : vector<1x16xf32> to vector<16xf32>
        %mul3A_1052 = arith.mulf %get3A_1051, %broadcast_in_dim3A_997 : vector<16xf32>
        %swap3A_1053 = arith.index_cast %add3A_994 : i32 to index
        %swap3A_1054 = arith.constant 80 : index
        %swap3A_1055 = tpu.vector_load %arg11[%swap3A_1053, %swap3A_1054] {strides = array<i32>} : memref<128x128xf32, #tpu.memory_space<vmem>>, vector<1x16xf32>,
        %swap3A_1056 = vector.shape_cast %swap3A_1055 : vector<1x16xf32> to vector<16xf32>
        %swap3A_1057 = vector.shape_cast %mul3A_1052 : vector<16xf32> to vector<1x16xf32>
        tpu.vector_store %arg11[%swap3A_1053, %swap3A_1054], %swap3A_1057 {strides = array<i32>} : memref<128x128xf32, #tpu.memory_space<vmem>>, vector<1x16xf32>,
        %get3A_1058 = arith.index_cast %add3A_994 : i32 to index
        %get3A_1059 = arith.constant 96 : index
        %get3A_1060 = tpu.vector_load %arg11[%get3A_1058, %get3A_1059] {strides = array<i32>} : memref<128x128xf32, #tpu.memory_space<vmem>>, vector<1x16xf32>,
        %get3A_1061 = vector.shape_cast %get3A_1060 : vector<1x16xf32> to vector<16xf32>
        %mul3A_1062 = arith.mulf %get3A_1061, %broadcast_in_dim3A_997 : vector<16xf32>
        %swap3A_1063 = arith.index_cast %add3A_994 : i32 to index
        %swap3A_1064 = arith.constant 96 : index
        %swap3A_1065 = tpu.vector_load %arg11[%swap3A_1063, %swap3A_1064] {strides = array<i32>} : memref<128x128xf32, #tpu.memory_space<vmem>>, vector<1x16xf32>,
        %swap3A_1066 = vector.shape_cast %swap3A_1065 : vector<1x16xf32> to vector<16xf32>
        %swap3A_1067 = vector.shape_cast %mul3A_1062 : vector<16xf32> to vector<1x16xf32>
        tpu.vector_store %arg11[%swap3A_1063, %swap3A_1064], %swap3A_1067 {strides = array<i32>} : memref<128x128xf32, #tpu.memory_space<vmem>>, vector<1x16xf32>,
        %get3A_1068 = arith.index_cast %add3A_994 : i32 to index
        %get3A_1069 = arith.constant 112 : index
        %get3A_1070 = tpu.vector_load %arg11[%get3A_1068, %get3A_1069] {strides = array<i32>} : memref<128x128xf32, #tpu.memory_space<vmem>>, vector<1x16xf32>,
        %get3A_1071 = vector.shape_cast %get3A_1070 : vector<1x16xf32> to vector<16xf32>
        %mul3A_1072 = arith.mulf %get3A_1071, %broadcast_in_dim3A_997 : vector<16xf32>
        %swap3A_1073 = arith.index_cast %add3A_994 : i32 to index
        %swap3A_1074 = arith.constant 112 : index
        %swap3A_1075 = tpu.vector_load %arg11[%swap3A_1073, %swap3A_1074] {strides = array<i32>} : memref<128x128xf32, #tpu.memory_space<vmem>>, vector<1x16xf32>,
        %swap3A_1076 = vector.shape_cast %swap3A_1075 : vector<1x16xf32> to vector<16xf32>
        %swap3A_1077 = vector.shape_cast %mul3A_1072 : vector<16xf32> to vector<1x16xf32>
        tpu.vector_store %arg11[%swap3A_1073, %swap3A_1074], %swap3A_1077 {strides = array<i32>} : memref<128x128xf32, #tpu.memory_space<vmem>>, vector<1x16xf32>,
        %mul3A_1078 = arith.constant 16 : i32
        %mul3A_1079 = arith.muli %scan3A_465, %mul3A_1078 : i32
        %add3A_1080 = arith.constant 7 : i32
        %add3A_1081 = arith.addi %mul3A_1079, %add3A_1080 : i32
        %slice3A_1082 = vector.extract_strided_slice %get3A_471 {offsets = [7], sizes = [1], strides = [1]} : vector<16xf32> to vector<1xf32>
        %squeeze3A_1083 = vector.extract %slice3A_1082[0] : f32 from vector<1xf32>
        %broadcast_in_dim3A_1084 = vector.broadcast %squeeze3A_1083 : f32 to vector<16xf32>
        %get3A_1085 = arith.index_cast %add3A_1081 : i32 to index
        %get3A_1086 = arith.constant 0 : index
        %get3A_1087 = tpu.vector_load %arg11[%get3A_1085, %get3A_1086] {strides = array<i32>} : memref<128x128xf32, #tpu.memory_space<vmem>>, vector<1x16xf32>,
        %get3A_1088 = vector.shape_cast %get3A_1087 : vector<1x16xf32> to vector<16xf32>
        %mul3A_1089 = arith.mulf %get3A_1088, %broadcast_in_dim3A_1084 : vector<16xf32>
        %swap3A_1090 = arith.index_cast %add3A_1081 : i32 to index
        %swap3A_1091 = arith.constant 0 : index
        %swap3A_1092 = tpu.vector_load %arg11[%swap3A_1090, %swap3A_1091] {strides = array<i32>} : memref<128x128xf32, #tpu.memory_space<vmem>>, vector<1x16xf32>,
        %swap3A_1093 = vector.shape_cast %swap3A_1092 : vector<1x16xf32> to vector<16xf32>
        %swap3A_1094 = vector.shape_cast %mul3A_1089 : vector<16xf32> to vector<1x16xf32>
        tpu.vector_store %arg11[%swap3A_1090, %swap3A_1091], %swap3A_1094 {strides = array<i32>} : memref<128x128xf32, #tpu.memory_space<vmem>>, vector<1x16xf32>,
        %get3A_1095 = arith.index_cast %add3A_1081 : i32 to index
        %get3A_1096 = arith.constant 16 : index
        %get3A_1097 = tpu.vector_load %arg11[%get3A_1095, %get3A_1096] {strides = array<i32>} : memref<128x128xf32, #tpu.memory_space<vmem>>, vector<1x16xf32>,
        %get3A_1098 = vector.shape_cast %get3A_1097 : vector<1x16xf32> to vector<16xf32>
        %mul3A_1099 = arith.mulf %get3A_1098, %broadcast_in_dim3A_1084 : vector<16xf32>
        %swap3A_1100 = arith.index_cast %add3A_1081 : i32 to index
        %swap3A_1101 = arith.constant 16 : index
        %swap3A_1102 = tpu.vector_load %arg11[%swap3A_1100, %swap3A_1101] {strides = array<i32>} : memref<128x128xf32, #tpu.memory_space<vmem>>, vector<1x16xf32>,
        %swap3A_1103 = vector.shape_cast %swap3A_1102 : vector<1x16xf32> to vector<16xf32>
        %swap3A_1104 = vector.shape_cast %mul3A_1099 : vector<16xf32> to vector<1x16xf32>
        tpu.vector_store %arg11[%swap3A_1100, %swap3A_1101], %swap3A_1104 {strides = array<i32>} : memref<128x128xf32, #tpu.memory_space<vmem>>, vector<1x16xf32>,
        %get3A_1105 = arith.index_cast %add3A_1081 : i32 to index
        %get3A_1106 = arith.constant 32 : index
        %get3A_1107 = tpu.vector_load %arg11[%get3A_1105, %get3A_1106] {strides = array<i32>} : memref<128x128xf32, #tpu.memory_space<vmem>>, vector<1x16xf32>,
        %get3A_1108 = vector.shape_cast %get3A_1107 : vector<1x16xf32> to vector<16xf32>
        %mul3A_1109 = arith.mulf %get3A_1108, %broadcast_in_dim3A_1084 : vector<16xf32>
        %swap3A_1110 = arith.index_cast %add3A_1081 : i32 to index
        %swap3A_1111 = arith.constant 32 : index
        %swap3A_1112 = tpu.vector_load %arg11[%swap3A_1110, %swap3A_1111] {strides = array<i32>} : memref<128x128xf32, #tpu.memory_space<vmem>>, vector<1x16xf32>,
        %swap3A_1113 = vector.shape_cast %swap3A_1112 : vector<1x16xf32> to vector<16xf32>
        %swap3A_1114 = vector.shape_cast %mul3A_1109 : vector<16xf32> to vector<1x16xf32>
        tpu.vector_store %arg11[%swap3A_1110, %swap3A_1111], %swap3A_1114 {strides = array<i32>} : memref<128x128xf32, #tpu.memory_space<vmem>>, vector<1x16xf32>,
        %get3A_1115 = arith.index_cast %add3A_1081 : i32 to index
        %get3A_1116 = arith.constant 48 : index
        %get3A_1117 = tpu.vector_load %arg11[%get3A_1115, %get3A_1116] {strides = array<i32>} : memref<128x128xf32, #tpu.memory_space<vmem>>, vector<1x16xf32>,
        %get3A_1118 = vector.shape_cast %get3A_1117 : vector<1x16xf32> to vector<16xf32>
        %mul3A_1119 = arith.mulf %get3A_1118, %broadcast_in_dim3A_1084 : vector<16xf32>
        %swap3A_1120 = arith.index_cast %add3A_1081 : i32 to index
        %swap3A_1121 = arith.constant 48 : index
        %swap3A_1122 = tpu.vector_load %arg11[%swap3A_1120, %swap3A_1121] {strides = array<i32>} : memref<128x128xf32, #tpu.memory_space<vmem>>, vector<1x16xf32>,
        %swap3A_1123 = vector.shape_cast %swap3A_1122 : vector<1x16xf32> to vector<16xf32>
        %swap3A_1124 = vector.shape_cast %mul3A_1119 : vector<16xf32> to vector<1x16xf32>
        tpu.vector_store %arg11[%swap3A_1120, %swap3A_1121], %swap3A_1124 {strides = array<i32>} : memref<128x128xf32, #tpu.memory_space<vmem>>, vector<1x16xf32>,
        %get3A_1125 = arith.index_cast %add3A_1081 : i32 to index
        %get3A_1126 = arith.constant 64 : index
        %get3A_1127 = tpu.vector_load %arg11[%get3A_1125, %get3A_1126] {strides = array<i32>} : memref<128x128xf32, #tpu.memory_space<vmem>>, vector<1x16xf32>,
        %get3A_1128 = vector.shape_cast %get3A_1127 : vector<1x16xf32> to vector<16xf32>
        %mul3A_1129 = arith.mulf %get3A_1128, %broadcast_in_dim3A_1084 : vector<16xf32>
        %swap3A_1130 = arith.index_cast %add3A_1081 : i32 to index
        %swap3A_1131 = arith.constant 64 : index
        %swap3A_1132 = tpu.vector_load %arg11[%swap3A_1130, %swap3A_1131] {strides = array<i32>} : memref<128x128xf32, #tpu.memory_space<vmem>>, vector<1x16xf32>,
        %swap3A_1133 = vector.shape_cast %swap3A_1132 : vector<1x16xf32> to vector<16xf32>
        %swap3A_1134 = vector.shape_cast %mul3A_1129 : vector<16xf32> to vector<1x16xf32>
        tpu.vector_store %arg11[%swap3A_1130, %swap3A_1131], %swap3A_1134 {strides = array<i32>} : memref<128x128xf32, #tpu.memory_space<vmem>>, vector<1x16xf32>,
        %get3A_1135 = arith.index_cast %add3A_1081 : i32 to index
        %get3A_1136 = arith.constant 80 : index
        %get3A_1137 = tpu.vector_load %arg11[%get3A_1135, %get3A_1136] {strides = array<i32>} : memref<128x128xf32, #tpu.memory_space<vmem>>, vector<1x16xf32>,
        %get3A_1138 = vector.shape_cast %get3A_1137 : vector<1x16xf32> to vector<16xf32>
        %mul3A_1139 = arith.mulf %get3A_1138, %broadcast_in_dim3A_1084 : vector<16xf32>
        %swap3A_1140 = arith.index_cast %add3A_1081 : i32 to index
        %swap3A_1141 = arith.constant 80 : index
        %swap3A_1142 = tpu.vector_load %arg11[%swap3A_1140, %swap3A_1141] {strides = array<i32>} : memref<128x128xf32, #tpu.memory_space<vmem>>, vector<1x16xf32>,
        %swap3A_1143 = vector.shape_cast %swap3A_1142 : vector<1x16xf32> to vector<16xf32>
        %swap3A_1144 = vector.shape_cast %mul3A_1139 : vector<16xf32> to vector<1x16xf32>
        tpu.vector_store %arg11[%swap3A_1140, %swap3A_1141], %swap3A_1144 {strides = array<i32>} : memref<128x128xf32, #tpu.memory_space<vmem>>, vector<1x16xf32>,
        %get3A_1145 = arith.index_cast %add3A_1081 : i32 to index
        %get3A_1146 = arith.constant 96 : index
        %get3A_1147 = tpu.vector_load %arg11[%get3A_1145, %get3A_1146] {strides = array<i32>} : memref<128x128xf32, #tpu.memory_space<vmem>>, vector<1x16xf32>,
        %get3A_1148 = vector.shape_cast %get3A_1147 : vector<1x16xf32> to vector<16xf32>
        %mul3A_1149 = arith.mulf %get3A_1148, %broadcast_in_dim3A_1084 : vector<16xf32>
        %swap3A_1150 = arith.index_cast %add3A_1081 : i32 to index
        %swap3A_1151 = arith.constant 96 : index
        %swap3A_1152 = tpu.vector_load %arg11[%swap3A_1150, %swap3A_1151] {strides = array<i32>} : memref<128x128xf32, #tpu.memory_space<vmem>>, vector<1x16xf32>,
        %swap3A_1153 = vector.shape_cast %swap3A_1152 : vector<1x16xf32> to vector<16xf32>
        %swap3A_1154 = vector.shape_cast %mul3A_1149 : vector<16xf32> to vector<1x16xf32>
        tpu.vector_store %arg11[%swap3A_1150, %swap3A_1151], %swap3A_1154 {strides = array<i32>} : memref<128x128xf32, #tpu.memory_space<vmem>>, vector<1x16xf32>,
        %get3A_1155 = arith.index_cast %add3A_1081 : i32 to index
        %get3A_1156 = arith.constant 112 : index
        %get3A_1157 = tpu.vector_load %arg11[%get3A_1155, %get3A_1156] {strides = array<i32>} : memref<128x128xf32, #tpu.memory_space<vmem>>, vector<1x16xf32>,
        %get3A_1158 = vector.shape_cast %get3A_1157 : vector<1x16xf32> to vector<16xf32>
        %mul3A_1159 = arith.mulf %get3A_1158, %broadcast_in_dim3A_1084 : vector<16xf32>
        %swap3A_1160 = arith.index_cast %add3A_1081 : i32 to index
        %swap3A_1161 = arith.constant 112 : index
        %swap3A_1162 = tpu.vector_load %arg11[%swap3A_1160, %swap3A_1161] {strides = array<i32>} : memref<128x128xf32, #tpu.memory_space<vmem>>, vector<1x16xf32>,
        %swap3A_1163 = vector.shape_cast %swap3A_1162 : vector<1x16xf32> to vector<16xf32>
        %swap3A_1164 = vector.shape_cast %mul3A_1159 : vector<16xf32> to vector<1x16xf32>
        tpu.vector_store %arg11[%swap3A_1160, %swap3A_1161], %swap3A_1164 {strides = array<i32>} : memref<128x128xf32, #tpu.memory_space<vmem>>, vector<1x16xf32>,
        %mul3A_1165 = arith.constant 16 : i32
        %mul3A_1166 = arith.muli %scan3A_465, %mul3A_1165 : i32
        %add3A_1167 = arith.constant 8 : i32
        %add3A_1168 = arith.addi %mul3A_1166, %add3A_1167 : i32
        %slice3A_1169 = vector.extract_strided_slice %get3A_471 {offsets = [8], sizes = [1], strides = [1]} : vector<16xf32> to vector<1xf32>
        %squeeze3A_1170 = vector.extract %slice3A_1169[0] : f32 from vector<1xf32>
        %broadcast_in_dim3A_1171 = vector.broadcast %squeeze3A_1170 : f32 to vector<16xf32>
        %get3A_1172 = arith.index_cast %add3A_1168 : i32 to index
        %get3A_1173 = arith.constant 0 : index
        %get3A_1174 = tpu.vector_load %arg11[%get3A_1172, %get3A_1173] {strides = array<i32>} : memref<128x128xf32, #tpu.memory_space<vmem>>, vector<1x16xf32>,
        %get3A_1175 = vector.shape_cast %get3A_1174 : vector<1x16xf32> to vector<16xf32>
        %mul3A_1176 = arith.mulf %get3A_1175, %broadcast_in_dim3A_1171 : vector<16xf32>
        %swap3A_1177 = arith.index_cast %add3A_1168 : i32 to index
        %swap3A_1178 = arith.constant 0 : index
        %swap3A_1179 = tpu.vector_load %arg11[%swap3A_1177, %swap3A_1178] {strides = array<i32>} : memref<128x128xf32, #tpu.memory_space<vmem>>, vector<1x16xf32>,
        %swap3A_1180 = vector.shape_cast %swap3A_1179 : vector<1x16xf32> to vector<16xf32>
        %swap3A_1181 = vector.shape_cast %mul3A_1176 : vector<16xf32> to vector<1x16xf32>
        tpu.vector_store %arg11[%swap3A_1177, %swap3A_1178], %swap3A_1181 {strides = array<i32>} : memref<128x128xf32, #tpu.memory_space<vmem>>, vector<1x16xf32>,
        %get3A_1182 = arith.index_cast %add3A_1168 : i32 to index
        %get3A_1183 = arith.constant 16 : index
        %get3A_1184 = tpu.vector_load %arg11[%get3A_1182, %get3A_1183] {strides = array<i32>} : memref<128x128xf32, #tpu.memory_space<vmem>>, vector<1x16xf32>,
        %get3A_1185 = vector.shape_cast %get3A_1184 : vector<1x16xf32> to vector<16xf32>
        %mul3A_1186 = arith.mulf %get3A_1185, %broadcast_in_dim3A_1171 : vector<16xf32>
        %swap3A_1187 = arith.index_cast %add3A_1168 : i32 to index
        %swap3A_1188 = arith.constant 16 : index
        %swap3A_1189 = tpu.vector_load %arg11[%swap3A_1187, %swap3A_1188] {strides = array<i32>} : memref<128x128xf32, #tpu.memory_space<vmem>>, vector<1x16xf32>,
        %swap3A_1190 = vector.shape_cast %swap3A_1189 : vector<1x16xf32> to vector<16xf32>
        %swap3A_1191 = vector.shape_cast %mul3A_1186 : vector<16xf32> to vector<1x16xf32>
        tpu.vector_store %arg11[%swap3A_1187, %swap3A_1188], %swap3A_1191 {strides = array<i32>} : memref<128x128xf32, #tpu.memory_space<vmem>>, vector<1x16xf32>,
        %get3A_1192 = arith.index_cast %add3A_1168 : i32 to index
        %get3A_1193 = arith.constant 32 : index
        %get3A_1194 = tpu.vector_load %arg11[%get3A_1192, %get3A_1193] {strides = array<i32>} : memref<128x128xf32, #tpu.memory_space<vmem>>, vector<1x16xf32>,
        %get3A_1195 = vector.shape_cast %get3A_1194 : vector<1x16xf32> to vector<16xf32>
        %mul3A_1196 = arith.mulf %get3A_1195, %broadcast_in_dim3A_1171 : vector<16xf32>
        %swap3A_1197 = arith.index_cast %add3A_1168 : i32 to index
        %swap3A_1198 = arith.constant 32 : index
        %swap3A_1199 = tpu.vector_load %arg11[%swap3A_1197, %swap3A_1198] {strides = array<i32>} : memref<128x128xf32, #tpu.memory_space<vmem>>, vector<1x16xf32>,
        %swap3A_1200 = vector.shape_cast %swap3A_1199 : vector<1x16xf32> to vector<16xf32>
        %swap3A_1201 = vector.shape_cast %mul3A_1196 : vector<16xf32> to vector<1x16xf32>
        tpu.vector_store %arg11[%swap3A_1197, %swap3A_1198], %swap3A_1201 {strides = array<i32>} : memref<128x128xf32, #tpu.memory_space<vmem>>, vector<1x16xf32>,
        %get3A_1202 = arith.index_cast %add3A_1168 : i32 to index
        %get3A_1203 = arith.constant 48 : index
        %get3A_1204 = tpu.vector_load %arg11[%get3A_1202, %get3A_1203] {strides = array<i32>} : memref<128x128xf32, #tpu.memory_space<vmem>>, vector<1x16xf32>,
        %get3A_1205 = vector.shape_cast %get3A_1204 : vector<1x16xf32> to vector<16xf32>
        %mul3A_1206 = arith.mulf %get3A_1205, %broadcast_in_dim3A_1171 : vector<16xf32>
        %swap3A_1207 = arith.index_cast %add3A_1168 : i32 to index
        %swap3A_1208 = arith.constant 48 : index
        %swap3A_1209 = tpu.vector_load %arg11[%swap3A_1207, %swap3A_1208] {strides = array<i32>} : memref<128x128xf32, #tpu.memory_space<vmem>>, vector<1x16xf32>,
        %swap3A_1210 = vector.shape_cast %swap3A_1209 : vector<1x16xf32> to vector<16xf32>
        %swap3A_1211 = vector.shape_cast %mul3A_1206 : vector<16xf32> to vector<1x16xf32>
        tpu.vector_store %arg11[%swap3A_1207, %swap3A_1208], %swap3A_1211 {strides = array<i32>} : memref<128x128xf32, #tpu.memory_space<vmem>>, vector<1x16xf32>,
        %get3A_1212 = arith.index_cast %add3A_1168 : i32 to index
        %get3A_1213 = arith.constant 64 : index
        %get3A_1214 = tpu.vector_load %arg11[%get3A_1212, %get3A_1213] {strides = array<i32>} : memref<128x128xf32, #tpu.memory_space<vmem>>, vector<1x16xf32>,
        %get3A_1215 = vector.shape_cast %get3A_1214 : vector<1x16xf32> to vector<16xf32>
        %mul3A_1216 = arith.mulf %get3A_1215, %broadcast_in_dim3A_1171 : vector<16xf32>
        %swap3A_1217 = arith.index_cast %add3A_1168 : i32 to index
        %swap3A_1218 = arith.constant 64 : index
        %swap3A_1219 = tpu.vector_load %arg11[%swap3A_1217, %swap3A_1218] {strides = array<i32>} : memref<128x128xf32, #tpu.memory_space<vmem>>, vector<1x16xf32>,
        %swap3A_1220 = vector.shape_cast %swap3A_1219 : vector<1x16xf32> to vector<16xf32>
        %swap3A_1221 = vector.shape_cast %mul3A_1216 : vector<16xf32> to vector<1x16xf32>
        tpu.vector_store %arg11[%swap3A_1217, %swap3A_1218], %swap3A_1221 {strides = array<i32>} : memref<128x128xf32, #tpu.memory_space<vmem>>, vector<1x16xf32>,
        %get3A_1222 = arith.index_cast %add3A_1168 : i32 to index
        %get3A_1223 = arith.constant 80 : index
        %get3A_1224 = tpu.vector_load %arg11[%get3A_1222, %get3A_1223] {strides = array<i32>} : memref<128x128xf32, #tpu.memory_space<vmem>>, vector<1x16xf32>,
        %get3A_1225 = vector.shape_cast %get3A_1224 : vector<1x16xf32> to vector<16xf32>
        %mul3A_1226 = arith.mulf %get3A_1225, %broadcast_in_dim3A_1171 : vector<16xf32>
        %swap3A_1227 = arith.index_cast %add3A_1168 : i32 to index
        %swap3A_1228 = arith.constant 80 : index
        %swap3A_1229 = tpu.vector_load %arg11[%swap3A_1227, %swap3A_1228] {strides = array<i32>} : memref<128x128xf32, #tpu.memory_space<vmem>>, vector<1x16xf32>,
        %swap3A_1230 = vector.shape_cast %swap3A_1229 : vector<1x16xf32> to vector<16xf32>
        %swap3A_1231 = vector.shape_cast %mul3A_1226 : vector<16xf32> to vector<1x16xf32>
        tpu.vector_store %arg11[%swap3A_1227, %swap3A_1228], %swap3A_1231 {strides = array<i32>} : memref<128x128xf32, #tpu.memory_space<vmem>>, vector<1x16xf32>,
        %get3A_1232 = arith.index_cast %add3A_1168 : i32 to index
        %get3A_1233 = arith.constant 96 : index
        %get3A_1234 = tpu.vector_load %arg11[%get3A_1232, %get3A_1233] {strides = array<i32>} : memref<128x128xf32, #tpu.memory_space<vmem>>, vector<1x16xf32>,
        %get3A_1235 = vector.shape_cast %get3A_1234 : vector<1x16xf32> to vector<16xf32>
        %mul3A_1236 = arith.mulf %get3A_1235, %broadcast_in_dim3A_1171 : vector<16xf32>
        %swap3A_1237 = arith.index_cast %add3A_1168 : i32 to index
        %swap3A_1238 = arith.constant 96 : index
        %swap3A_1239 = tpu.vector_load %arg11[%swap3A_1237, %swap3A_1238] {strides = array<i32>} : memref<128x128xf32, #tpu.memory_space<vmem>>, vector<1x16xf32>,
        %swap3A_1240 = vector.shape_cast %swap3A_1239 : vector<1x16xf32> to vector<16xf32>
        %swap3A_1241 = vector.shape_cast %mul3A_1236 : vector<16xf32> to vector<1x16xf32>
        tpu.vector_store %arg11[%swap3A_1237, %swap3A_1238], %swap3A_1241 {strides = array<i32>} : memref<128x128xf32, #tpu.memory_space<vmem>>, vector<1x16xf32>,
        %get3A_1242 = arith.index_cast %add3A_1168 : i32 to index
        %get3A_1243 = arith.constant 112 : index
        %get3A_1244 = tpu.vector_load %arg11[%get3A_1242, %get3A_1243] {strides = array<i32>} : memref<128x128xf32, #tpu.memory_space<vmem>>, vector<1x16xf32>,
        %get3A_1245 = vector.shape_cast %get3A_1244 : vector<1x16xf32> to vector<16xf32>
        %mul3A_1246 = arith.mulf %get3A_1245, %broadcast_in_dim3A_1171 : vector<16xf32>
        %swap3A_1247 = arith.index_cast %add3A_1168 : i32 to index
        %swap3A_1248 = arith.constant 112 : index
        %swap3A_1249 = tpu.vector_load %arg11[%swap3A_1247, %swap3A_1248] {strides = array<i32>} : memref<128x128xf32, #tpu.memory_space<vmem>>, vector<1x16xf32>,
        %swap3A_1250 = vector.shape_cast %swap3A_1249 : vector<1x16xf32> to vector<16xf32>
        %swap3A_1251 = vector.shape_cast %mul3A_1246 : vector<16xf32> to vector<1x16xf32>
        tpu.vector_store %arg11[%swap3A_1247, %swap3A_1248], %swap3A_1251 {strides = array<i32>} : memref<128x128xf32, #tpu.memory_space<vmem>>, vector<1x16xf32>,
        %mul3A_1252 = arith.constant 16 : i32
        %mul3A_1253 = arith.muli %scan3A_465, %mul3A_1252 : i32
        %add3A_1254 = arith.constant 9 : i32
        %add3A_1255 = arith.addi %mul3A_1253, %add3A_1254 : i32
        %slice3A_1256 = vector.extract_strided_slice %get3A_471 {offsets = [9], sizes = [1], strides = [1]} : vector<16xf32> to vector<1xf32>
        %squeeze3A_1257 = vector.extract %slice3A_1256[0] : f32 from vector<1xf32>
        %broadcast_in_dim3A_1258 = vector.broadcast %squeeze3A_1257 : f32 to vector<16xf32>
        %get3A_1259 = arith.index_cast %add3A_1255 : i32 to index
        %get3A_1260 = arith.constant 0 : index
        %get3A_1261 = tpu.vector_load %arg11[%get3A_1259, %get3A_1260] {strides = array<i32>} : memref<128x128xf32, #tpu.memory_space<vmem>>, vector<1x16xf32>,
        %get3A_1262 = vector.shape_cast %get3A_1261 : vector<1x16xf32> to vector<16xf32>
        %mul3A_1263 = arith.mulf %get3A_1262, %broadcast_in_dim3A_1258 : vector<16xf32>
        %swap3A_1264 = arith.index_cast %add3A_1255 : i32 to index
        %swap3A_1265 = arith.constant 0 : index
        %swap3A_1266 = tpu.vector_load %arg11[%swap3A_1264, %swap3A_1265] {strides = array<i32>} : memref<128x128xf32, #tpu.memory_space<vmem>>, vector<1x16xf32>,
        %swap3A_1267 = vector.shape_cast %swap3A_1266 : vector<1x16xf32> to vector<16xf32>
        %swap3A_1268 = vector.shape_cast %mul3A_1263 : vector<16xf32> to vector<1x16xf32>
        tpu.vector_store %arg11[%swap3A_1264, %swap3A_1265], %swap3A_1268 {strides = array<i32>} : memref<128x128xf32, #tpu.memory_space<vmem>>, vector<1x16xf32>,
        %get3A_1269 = arith.index_cast %add3A_1255 : i32 to index
        %get3A_1270 = arith.constant 16 : index
        %get3A_1271 = tpu.vector_load %arg11[%get3A_1269, %get3A_1270] {strides = array<i32>} : memref<128x128xf32, #tpu.memory_space<vmem>>, vector<1x16xf32>,
        %get3A_1272 = vector.shape_cast %get3A_1271 : vector<1x16xf32> to vector<16xf32>
        %mul3A_1273 = arith.mulf %get3A_1272, %broadcast_in_dim3A_1258 : vector<16xf32>
        %swap3A_1274 = arith.index_cast %add3A_1255 : i32 to index
        %swap3A_1275 = arith.constant 16 : index
        %swap3A_1276 = tpu.vector_load %arg11[%swap3A_1274, %swap3A_1275] {strides = array<i32>} : memref<128x128xf32, #tpu.memory_space<vmem>>, vector<1x16xf32>,
        %swap3A_1277 = vector.shape_cast %swap3A_1276 : vector<1x16xf32> to vector<16xf32>
        %swap3A_1278 = vector.shape_cast %mul3A_1273 : vector<16xf32> to vector<1x16xf32>
        tpu.vector_store %arg11[%swap3A_1274, %swap3A_1275], %swap3A_1278 {strides = array<i32>} : memref<128x128xf32, #tpu.memory_space<vmem>>, vector<1x16xf32>,
        %get3A_1279 = arith.index_cast %add3A_1255 : i32 to index
        %get3A_1280 = arith.constant 32 : index
        %get3A_1281 = tpu.vector_load %arg11[%get3A_1279, %get3A_1280] {strides = array<i32>} : memref<128x128xf32, #tpu.memory_space<vmem>>, vector<1x16xf32>,
        %get3A_1282 = vector.shape_cast %get3A_1281 : vector<1x16xf32> to vector<16xf32>
        %mul3A_1283 = arith.mulf %get3A_1282, %broadcast_in_dim3A_1258 : vector<16xf32>
        %swap3A_1284 = arith.index_cast %add3A_1255 : i32 to index
        %swap3A_1285 = arith.constant 32 : index
        %swap3A_1286 = tpu.vector_load %arg11[%swap3A_1284, %swap3A_1285] {strides = array<i32>} : memref<128x128xf32, #tpu.memory_space<vmem>>, vector<1x16xf32>,
        %swap3A_1287 = vector.shape_cast %swap3A_1286 : vector<1x16xf32> to vector<16xf32>
        %swap3A_1288 = vector.shape_cast %mul3A_1283 : vector<16xf32> to vector<1x16xf32>
        tpu.vector_store %arg11[%swap3A_1284, %swap3A_1285], %swap3A_1288 {strides = array<i32>} : memref<128x128xf32, #tpu.memory_space<vmem>>, vector<1x16xf32>,
        %get3A_1289 = arith.index_cast %add3A_1255 : i32 to index
        %get3A_1290 = arith.constant 48 : index
        %get3A_1291 = tpu.vector_load %arg11[%get3A_1289, %get3A_1290] {strides = array<i32>} : memref<128x128xf32, #tpu.memory_space<vmem>>, vector<1x16xf32>,
        %get3A_1292 = vector.shape_cast %get3A_1291 : vector<1x16xf32> to vector<16xf32>
        %mul3A_1293 = arith.mulf %get3A_1292, %broadcast_in_dim3A_1258 : vector<16xf32>
        %swap3A_1294 = arith.index_cast %add3A_1255 : i32 to index
        %swap3A_1295 = arith.constant 48 : index
        %swap3A_1296 = tpu.vector_load %arg11[%swap3A_1294, %swap3A_1295] {strides = array<i32>} : memref<128x128xf32, #tpu.memory_space<vmem>>, vector<1x16xf32>,
        %swap3A_1297 = vector.shape_cast %swap3A_1296 : vector<1x16xf32> to vector<16xf32>
        %swap3A_1298 = vector.shape_cast %mul3A_1293 : vector<16xf32> to vector<1x16xf32>
        tpu.vector_store %arg11[%swap3A_1294, %swap3A_1295], %swap3A_1298 {strides = array<i32>} : memref<128x128xf32, #tpu.memory_space<vmem>>, vector<1x16xf32>,
        %get3A_1299 = arith.index_cast %add3A_1255 : i32 to index
        %get3A_1300 = arith.constant 64 : index
        %get3A_1301 = tpu.vector_load %arg11[%get3A_1299, %get3A_1300] {strides = array<i32>} : memref<128x128xf32, #tpu.memory_space<vmem>>, vector<1x16xf32>,
        %get3A_1302 = vector.shape_cast %get3A_1301 : vector<1x16xf32> to vector<16xf32>
        %mul3A_1303 = arith.mulf %get3A_1302, %broadcast_in_dim3A_1258 : vector<16xf32>
        %swap3A_1304 = arith.index_cast %add3A_1255 : i32 to index
        %swap3A_1305 = arith.constant 64 : index
        %swap3A_1306 = tpu.vector_load %arg11[%swap3A_1304, %swap3A_1305] {strides = array<i32>} : memref<128x128xf32, #tpu.memory_space<vmem>>, vector<1x16xf32>,
        %swap3A_1307 = vector.shape_cast %swap3A_1306 : vector<1x16xf32> to vector<16xf32>
        %swap3A_1308 = vector.shape_cast %mul3A_1303 : vector<16xf32> to vector<1x16xf32>
        tpu.vector_store %arg11[%swap3A_1304, %swap3A_1305], %swap3A_1308 {strides = array<i32>} : memref<128x128xf32, #tpu.memory_space<vmem>>, vector<1x16xf32>,
        %get3A_1309 = arith.index_cast %add3A_1255 : i32 to index
        %get3A_1310 = arith.constant 80 : index
        %get3A_1311 = tpu.vector_load %arg11[%get3A_1309, %get3A_1310] {strides = array<i32>} : memref<128x128xf32, #tpu.memory_space<vmem>>, vector<1x16xf32>,
        %get3A_1312 = vector.shape_cast %get3A_1311 : vector<1x16xf32> to vector<16xf32>
        %mul3A_1313 = arith.mulf %get3A_1312, %broadcast_in_dim3A_1258 : vector<16xf32>
        %swap3A_1314 = arith.index_cast %add3A_1255 : i32 to index
        %swap3A_1315 = arith.constant 80 : index
        %swap3A_1316 = tpu.vector_load %arg11[%swap3A_1314, %swap3A_1315] {strides = array<i32>} : memref<128x128xf32, #tpu.memory_space<vmem>>, vector<1x16xf32>,
        %swap3A_1317 = vector.shape_cast %swap3A_1316 : vector<1x16xf32> to vector<16xf32>
        %swap3A_1318 = vector.shape_cast %mul3A_1313 : vector<16xf32> to vector<1x16xf32>
        tpu.vector_store %arg11[%swap3A_1314, %swap3A_1315], %swap3A_1318 {strides = array<i32>} : memref<128x128xf32, #tpu.memory_space<vmem>>, vector<1x16xf32>,
        %get3A_1319 = arith.index_cast %add3A_1255 : i32 to index
        %get3A_1320 = arith.constant 96 : index
        %get3A_1321 = tpu.vector_load %arg11[%get3A_1319, %get3A_1320] {strides = array<i32>} : memref<128x128xf32, #tpu.memory_space<vmem>>, vector<1x16xf32>,
        %get3A_1322 = vector.shape_cast %get3A_1321 : vector<1x16xf32> to vector<16xf32>
        %mul3A_1323 = arith.mulf %get3A_1322, %broadcast_in_dim3A_1258 : vector<16xf32>
        %swap3A_1324 = arith.index_cast %add3A_1255 : i32 to index
        %swap3A_1325 = arith.constant 96 : index
        %swap3A_1326 = tpu.vector_load %arg11[%swap3A_1324, %swap3A_1325] {strides = array<i32>} : memref<128x128xf32, #tpu.memory_space<vmem>>, vector<1x16xf32>,
        %swap3A_1327 = vector.shape_cast %swap3A_1326 : vector<1x16xf32> to vector<16xf32>
        %swap3A_1328 = vector.shape_cast %mul3A_1323 : vector<16xf32> to vector<1x16xf32>
        tpu.vector_store %arg11[%swap3A_1324, %swap3A_1325], %swap3A_1328 {strides = array<i32>} : memref<128x128xf32, #tpu.memory_space<vmem>>, vector<1x16xf32>,
        %get3A_1329 = arith.index_cast %add3A_1255 : i32 to index
        %get3A_1330 = arith.constant 112 : index
        %get3A_1331 = tpu.vector_load %arg11[%get3A_1329, %get3A_1330] {strides = array<i32>} : memref<128x128xf32, #tpu.memory_space<vmem>>, vector<1x16xf32>,
        %get3A_1332 = vector.shape_cast %get3A_1331 : vector<1x16xf32> to vector<16xf32>
        %mul3A_1333 = arith.mulf %get3A_1332, %broadcast_in_dim3A_1258 : vector<16xf32>
        %swap3A_1334 = arith.index_cast %add3A_1255 : i32 to index
        %swap3A_1335 = arith.constant 112 : index
        %swap3A_1336 = tpu.vector_load %arg11[%swap3A_1334, %swap3A_1335] {strides = array<i32>} : memref<128x128xf32, #tpu.memory_space<vmem>>, vector<1x16xf32>,
        %swap3A_1337 = vector.shape_cast %swap3A_1336 : vector<1x16xf32> to vector<16xf32>
        %swap3A_1338 = vector.shape_cast %mul3A_1333 : vector<16xf32> to vector<1x16xf32>
        tpu.vector_store %arg11[%swap3A_1334, %swap3A_1335], %swap3A_1338 {strides = array<i32>} : memref<128x128xf32, #tpu.memory_space<vmem>>, vector<1x16xf32>,
        %mul3A_1339 = arith.constant 16 : i32
        %mul3A_1340 = arith.muli %scan3A_465, %mul3A_1339 : i32
        %add3A_1341 = arith.constant 10 : i32
        %add3A_1342 = arith.addi %mul3A_1340, %add3A_1341 : i32
        %slice3A_1343 = vector.extract_strided_slice %get3A_471 {offsets = [10], sizes = [1], strides = [1]} : vector<16xf32> to vector<1xf32>
        %squeeze3A_1344 = vector.extract %slice3A_1343[0] : f32 from vector<1xf32>
        %broadcast_in_dim3A_1345 = vector.broadcast %squeeze3A_1344 : f32 to vector<16xf32>
        %get3A_1346 = arith.index_cast %add3A_1342 : i32 to index
        %get3A_1347 = arith.constant 0 : index
        %get3A_1348 = tpu.vector_load %arg11[%get3A_1346, %get3A_1347] {strides = array<i32>} : memref<128x128xf32, #tpu.memory_space<vmem>>, vector<1x16xf32>,
        %get3A_1349 = vector.shape_cast %get3A_1348 : vector<1x16xf32> to vector<16xf32>
        %mul3A_1350 = arith.mulf %get3A_1349, %broadcast_in_dim3A_1345 : vector<16xf32>
        %swap3A_1351 = arith.index_cast %add3A_1342 : i32 to index
        %swap3A_1352 = arith.constant 0 : index
        %swap3A_1353 = tpu.vector_load %arg11[%swap3A_1351, %swap3A_1352] {strides = array<i32>} : memref<128x128xf32, #tpu.memory_space<vmem>>, vector<1x16xf32>,
        %swap3A_1354 = vector.shape_cast %swap3A_1353 : vector<1x16xf32> to vector<16xf32>
        %swap3A_1355 = vector.shape_cast %mul3A_1350 : vector<16xf32> to vector<1x16xf32>
        tpu.vector_store %arg11[%swap3A_1351, %swap3A_1352], %swap3A_1355 {strides = array<i32>} : memref<128x128xf32, #tpu.memory_space<vmem>>, vector<1x16xf32>,
        %get3A_1356 = arith.index_cast %add3A_1342 : i32 to index
        %get3A_1357 = arith.constant 16 : index
        %get3A_1358 = tpu.vector_load %arg11[%get3A_1356, %get3A_1357] {strides = array<i32>} : memref<128x128xf32, #tpu.memory_space<vmem>>, vector<1x16xf32>,
        %get3A_1359 = vector.shape_cast %get3A_1358 : vector<1x16xf32> to vector<16xf32>
        %mul3A_1360 = arith.mulf %get3A_1359, %broadcast_in_dim3A_1345 : vector<16xf32>
        %swap3A_1361 = arith.index_cast %add3A_1342 : i32 to index
        %swap3A_1362 = arith.constant 16 : index
        %swap3A_1363 = tpu.vector_load %arg11[%swap3A_1361, %swap3A_1362] {strides = array<i32>} : memref<128x128xf32, #tpu.memory_space<vmem>>, vector<1x16xf32>,
        %swap3A_1364 = vector.shape_cast %swap3A_1363 : vector<1x16xf32> to vector<16xf32>
        %swap3A_1365 = vector.shape_cast %mul3A_1360 : vector<16xf32> to vector<1x16xf32>
        tpu.vector_store %arg11[%swap3A_1361, %swap3A_1362], %swap3A_1365 {strides = array<i32>} : memref<128x128xf32, #tpu.memory_space<vmem>>, vector<1x16xf32>,
        %get3A_1366 = arith.index_cast %add3A_1342 : i32 to index
        %get3A_1367 = arith.constant 32 : index
        %get3A_1368 = tpu.vector_load %arg11[%get3A_1366, %get3A_1367] {strides = array<i32>} : memref<128x128xf32, #tpu.memory_space<vmem>>, vector<1x16xf32>,
        %get3A_1369 = vector.shape_cast %get3A_1368 : vector<1x16xf32> to vector<16xf32>
        %mul3A_1370 = arith.mulf %get3A_1369, %broadcast_in_dim3A_1345 : vector<16xf32>
        %swap3A_1371 = arith.index_cast %add3A_1342 : i32 to index
        %swap3A_1372 = arith.constant 32 : index
        %swap3A_1373 = tpu.vector_load %arg11[%swap3A_1371, %swap3A_1372] {strides = array<i32>} : memref<128x128xf32, #tpu.memory_space<vmem>>, vector<1x16xf32>,
        %swap3A_1374 = vector.shape_cast %swap3A_1373 : vector<1x16xf32> to vector<16xf32>
        %swap3A_1375 = vector.shape_cast %mul3A_1370 : vector<16xf32> to vector<1x16xf32>
        tpu.vector_store %arg11[%swap3A_1371, %swap3A_1372], %swap3A_1375 {strides = array<i32>} : memref<128x128xf32, #tpu.memory_space<vmem>>, vector<1x16xf32>,
        %get3A_1376 = arith.index_cast %add3A_1342 : i32 to index
        %get3A_1377 = arith.constant 48 : index
        %get3A_1378 = tpu.vector_load %arg11[%get3A_1376, %get3A_1377] {strides = array<i32>} : memref<128x128xf32, #tpu.memory_space<vmem>>, vector<1x16xf32>,
        %get3A_1379 = vector.shape_cast %get3A_1378 : vector<1x16xf32> to vector<16xf32>
        %mul3A_1380 = arith.mulf %get3A_1379, %broadcast_in_dim3A_1345 : vector<16xf32>
        %swap3A_1381 = arith.index_cast %add3A_1342 : i32 to index
        %swap3A_1382 = arith.constant 48 : index
        %swap3A_1383 = tpu.vector_load %arg11[%swap3A_1381, %swap3A_1382] {strides = array<i32>} : memref<128x128xf32, #tpu.memory_space<vmem>>, vector<1x16xf32>,
        %swap3A_1384 = vector.shape_cast %swap3A_1383 : vector<1x16xf32> to vector<16xf32>
        %swap3A_1385 = vector.shape_cast %mul3A_1380 : vector<16xf32> to vector<1x16xf32>
        tpu.vector_store %arg11[%swap3A_1381, %swap3A_1382], %swap3A_1385 {strides = array<i32>} : memref<128x128xf32, #tpu.memory_space<vmem>>, vector<1x16xf32>,
        %get3A_1386 = arith.index_cast %add3A_1342 : i32 to index
        %get3A_1387 = arith.constant 64 : index
        %get3A_1388 = tpu.vector_load %arg11[%get3A_1386, %get3A_1387] {strides = array<i32>} : memref<128x128xf32, #tpu.memory_space<vmem>>, vector<1x16xf32>,
        %get3A_1389 = vector.shape_cast %get3A_1388 : vector<1x16xf32> to vector<16xf32>
        %mul3A_1390 = arith.mulf %get3A_1389, %broadcast_in_dim3A_1345 : vector<16xf32>
        %swap3A_1391 = arith.index_cast %add3A_1342 : i32 to index
        %swap3A_1392 = arith.constant 64 : index
        %swap3A_1393 = tpu.vector_load %arg11[%swap3A_1391, %swap3A_1392] {strides = array<i32>} : memref<128x128xf32, #tpu.memory_space<vmem>>, vector<1x16xf32>,
        %swap3A_1394 = vector.shape_cast %swap3A_1393 : vector<1x16xf32> to vector<16xf32>
        %swap3A_1395 = vector.shape_cast %mul3A_1390 : vector<16xf32> to vector<1x16xf32>
        tpu.vector_store %arg11[%swap3A_1391, %swap3A_1392], %swap3A_1395 {strides = array<i32>} : memref<128x128xf32, #tpu.memory_space<vmem>>, vector<1x16xf32>,
        %get3A_1396 = arith.index_cast %add3A_1342 : i32 to index
        %get3A_1397 = arith.constant 80 : index
        %get3A_1398 = tpu.vector_load %arg11[%get3A_1396, %get3A_1397] {strides = array<i32>} : memref<128x128xf32, #tpu.memory_space<vmem>>, vector<1x16xf32>,
        %get3A_1399 = vector.shape_cast %get3A_1398 : vector<1x16xf32> to vector<16xf32>
        %mul3A_1400 = arith.mulf %get3A_1399, %broadcast_in_dim3A_1345 : vector<16xf32>
        %swap3A_1401 = arith.index_cast %add3A_1342 : i32 to index
        %swap3A_1402 = arith.constant 80 : index
        %swap3A_1403 = tpu.vector_load %arg11[%swap3A_1401, %swap3A_1402] {strides = array<i32>} : memref<128x128xf32, #tpu.memory_space<vmem>>, vector<1x16xf32>,
        %swap3A_1404 = vector.shape_cast %swap3A_1403 : vector<1x16xf32> to vector<16xf32>
        %swap3A_1405 = vector.shape_cast %mul3A_1400 : vector<16xf32> to vector<1x16xf32>
        tpu.vector_store %arg11[%swap3A_1401, %swap3A_1402], %swap3A_1405 {strides = array<i32>} : memref<128x128xf32, #tpu.memory_space<vmem>>, vector<1x16xf32>,
        %get3A_1406 = arith.index_cast %add3A_1342 : i32 to index
        %get3A_1407 = arith.constant 96 : index
        %get3A_1408 = tpu.vector_load %arg11[%get3A_1406, %get3A_1407] {strides = array<i32>} : memref<128x128xf32, #tpu.memory_space<vmem>>, vector<1x16xf32>,
        %get3A_1409 = vector.shape_cast %get3A_1408 : vector<1x16xf32> to vector<16xf32>
        %mul3A_1410 = arith.mulf %get3A_1409, %broadcast_in_dim3A_1345 : vector<16xf32>
        %swap3A_1411 = arith.index_cast %add3A_1342 : i32 to index
        %swap3A_1412 = arith.constant 96 : index
        %swap3A_1413 = tpu.vector_load %arg11[%swap3A_1411, %swap3A_1412] {strides = array<i32>} : memref<128x128xf32, #tpu.memory_space<vmem>>, vector<1x16xf32>,
        %swap3A_1414 = vector.shape_cast %swap3A_1413 : vector<1x16xf32> to vector<16xf32>
        %swap3A_1415 = vector.shape_cast %mul3A_1410 : vector<16xf32> to vector<1x16xf32>
        tpu.vector_store %arg11[%swap3A_1411, %swap3A_1412], %swap3A_1415 {strides = array<i32>} : memref<128x128xf32, #tpu.memory_space<vmem>>, vector<1x16xf32>,
        %get3A_1416 = arith.index_cast %add3A_1342 : i32 to index
        %get3A_1417 = arith.constant 112 : index
        %get3A_1418 = tpu.vector_load %arg11[%get3A_1416, %get3A_1417] {strides = array<i32>} : memref<128x128xf32, #tpu.memory_space<vmem>>, vector<1x16xf32>,
        %get3A_1419 = vector.shape_cast %get3A_1418 : vector<1x16xf32> to vector<16xf32>
        %mul3A_1420 = arith.mulf %get3A_1419, %broadcast_in_dim3A_1345 : vector<16xf32>
        %swap3A_1421 = arith.index_cast %add3A_1342 : i32 to index
        %swap3A_1422 = arith.constant 112 : index
        %swap3A_1423 = tpu.vector_load %arg11[%swap3A_1421, %swap3A_1422] {strides = array<i32>} : memref<128x128xf32, #tpu.memory_space<vmem>>, vector<1x16xf32>,
        %swap3A_1424 = vector.shape_cast %swap3A_1423 : vector<1x16xf32> to vector<16xf32>
        %swap3A_1425 = vector.shape_cast %mul3A_1420 : vector<16xf32> to vector<1x16xf32>
        tpu.vector_store %arg11[%swap3A_1421, %swap3A_1422], %swap3A_1425 {strides = array<i32>} : memref<128x128xf32, #tpu.memory_space<vmem>>, vector<1x16xf32>,
        %mul3A_1426 = arith.constant 16 : i32
        %mul3A_1427 = arith.muli %scan3A_465, %mul3A_1426 : i32
        %add3A_1428 = arith.constant 11 : i32
        %add3A_1429 = arith.addi %mul3A_1427, %add3A_1428 : i32
        %slice3A_1430 = vector.extract_strided_slice %get3A_471 {offsets = [11], sizes = [1], strides = [1]} : vector<16xf32> to vector<1xf32>
        %squeeze3A_1431 = vector.extract %slice3A_1430[0] : f32 from vector<1xf32>
        %broadcast_in_dim3A_1432 = vector.broadcast %squeeze3A_1431 : f32 to vector<16xf32>
        %get3A_1433 = arith.index_cast %add3A_1429 : i32 to index
        %get3A_1434 = arith.constant 0 : index
        %get3A_1435 = tpu.vector_load %arg11[%get3A_1433, %get3A_1434] {strides = array<i32>} : memref<128x128xf32, #tpu.memory_space<vmem>>, vector<1x16xf32>,
        %get3A_1436 = vector.shape_cast %get3A_1435 : vector<1x16xf32> to vector<16xf32>
        %mul3A_1437 = arith.mulf %get3A_1436, %broadcast_in_dim3A_1432 : vector<16xf32>
        %swap3A_1438 = arith.index_cast %add3A_1429 : i32 to index
        %swap3A_1439 = arith.constant 0 : index
        %swap3A_1440 = tpu.vector_load %arg11[%swap3A_1438, %swap3A_1439] {strides = array<i32>} : memref<128x128xf32, #tpu.memory_space<vmem>>, vector<1x16xf32>,
        %swap3A_1441 = vector.shape_cast %swap3A_1440 : vector<1x16xf32> to vector<16xf32>
        %swap3A_1442 = vector.shape_cast %mul3A_1437 : vector<16xf32> to vector<1x16xf32>
        tpu.vector_store %arg11[%swap3A_1438, %swap3A_1439], %swap3A_1442 {strides = array<i32>} : memref<128x128xf32, #tpu.memory_space<vmem>>, vector<1x16xf32>,
        %get3A_1443 = arith.index_cast %add3A_1429 : i32 to index
        %get3A_1444 = arith.constant 16 : index
        %get3A_1445 = tpu.vector_load %arg11[%get3A_1443, %get3A_1444] {strides = array<i32>} : memref<128x128xf32, #tpu.memory_space<vmem>>, vector<1x16xf32>,
        %get3A_1446 = vector.shape_cast %get3A_1445 : vector<1x16xf32> to vector<16xf32>
        %mul3A_1447 = arith.mulf %get3A_1446, %broadcast_in_dim3A_1432 : vector<16xf32>
        %swap3A_1448 = arith.index_cast %add3A_1429 : i32 to index
        %swap3A_1449 = arith.constant 16 : index
        %swap3A_1450 = tpu.vector_load %arg11[%swap3A_1448, %swap3A_1449] {strides = array<i32>} : memref<128x128xf32, #tpu.memory_space<vmem>>, vector<1x16xf32>,
        %swap3A_1451 = vector.shape_cast %swap3A_1450 : vector<1x16xf32> to vector<16xf32>
        %swap3A_1452 = vector.shape_cast %mul3A_1447 : vector<16xf32> to vector<1x16xf32>
        tpu.vector_store %arg11[%swap3A_1448, %swap3A_1449], %swap3A_1452 {strides = array<i32>} : memref<128x128xf32, #tpu.memory_space<vmem>>, vector<1x16xf32>,
        %get3A_1453 = arith.index_cast %add3A_1429 : i32 to index
        %get3A_1454 = arith.constant 32 : index
        %get3A_1455 = tpu.vector_load %arg11[%get3A_1453, %get3A_1454] {strides = array<i32>} : memref<128x128xf32, #tpu.memory_space<vmem>>, vector<1x16xf32>,
        %get3A_1456 = vector.shape_cast %get3A_1455 : vector<1x16xf32> to vector<16xf32>
        %mul3A_1457 = arith.mulf %get3A_1456, %broadcast_in_dim3A_1432 : vector<16xf32>
        %swap3A_1458 = arith.index_cast %add3A_1429 : i32 to index
        %swap3A_1459 = arith.constant 32 : index
        %swap3A_1460 = tpu.vector_load %arg11[%swap3A_1458, %swap3A_1459] {strides = array<i32>} : memref<128x128xf32, #tpu.memory_space<vmem>>, vector<1x16xf32>,
        %swap3A_1461 = vector.shape_cast %swap3A_1460 : vector<1x16xf32> to vector<16xf32>
        %swap3A_1462 = vector.shape_cast %mul3A_1457 : vector<16xf32> to vector<1x16xf32>
        tpu.vector_store %arg11[%swap3A_1458, %swap3A_1459], %swap3A_1462 {strides = array<i32>} : memref<128x128xf32, #tpu.memory_space<vmem>>, vector<1x16xf32>,
        %get3A_1463 = arith.index_cast %add3A_1429 : i32 to index
        %get3A_1464 = arith.constant 48 : index
        %get3A_1465 = tpu.vector_load %arg11[%get3A_1463, %get3A_1464] {strides = array<i32>} : memref<128x128xf32, #tpu.memory_space<vmem>>, vector<1x16xf32>,
        %get3A_1466 = vector.shape_cast %get3A_1465 : vector<1x16xf32> to vector<16xf32>
        %mul3A_1467 = arith.mulf %get3A_1466, %broadcast_in_dim3A_1432 : vector<16xf32>
        %swap3A_1468 = arith.index_cast %add3A_1429 : i32 to index
        %swap3A_1469 = arith.constant 48 : index
        %swap3A_1470 = tpu.vector_load %arg11[%swap3A_1468, %swap3A_1469] {strides = array<i32>} : memref<128x128xf32, #tpu.memory_space<vmem>>, vector<1x16xf32>,
        %swap3A_1471 = vector.shape_cast %swap3A_1470 : vector<1x16xf32> to vector<16xf32>
        %swap3A_1472 = vector.shape_cast %mul3A_1467 : vector<16xf32> to vector<1x16xf32>
        tpu.vector_store %arg11[%swap3A_1468, %swap3A_1469], %swap3A_1472 {strides = array<i32>} : memref<128x128xf32, #tpu.memory_space<vmem>>, vector<1x16xf32>,
        %get3A_1473 = arith.index_cast %add3A_1429 : i32 to index
        %get3A_1474 = arith.constant 64 : index
        %get3A_1475 = tpu.vector_load %arg11[%get3A_1473, %get3A_1474] {strides = array<i32>} : memref<128x128xf32, #tpu.memory_space<vmem>>, vector<1x16xf32>,
        %get3A_1476 = vector.shape_cast %get3A_1475 : vector<1x16xf32> to vector<16xf32>
        %mul3A_1477 = arith.mulf %get3A_1476, %broadcast_in_dim3A_1432 : vector<16xf32>
        %swap3A_1478 = arith.index_cast %add3A_1429 : i32 to index
        %swap3A_1479 = arith.constant 64 : index
        %swap3A_1480 = tpu.vector_load %arg11[%swap3A_1478, %swap3A_1479] {strides = array<i32>} : memref<128x128xf32, #tpu.memory_space<vmem>>, vector<1x16xf32>,
        %swap3A_1481 = vector.shape_cast %swap3A_1480 : vector<1x16xf32> to vector<16xf32>
        %swap3A_1482 = vector.shape_cast %mul3A_1477 : vector<16xf32> to vector<1x16xf32>
        tpu.vector_store %arg11[%swap3A_1478, %swap3A_1479], %swap3A_1482 {strides = array<i32>} : memref<128x128xf32, #tpu.memory_space<vmem>>, vector<1x16xf32>,
        %get3A_1483 = arith.index_cast %add3A_1429 : i32 to index
        %get3A_1484 = arith.constant 80 : index
        %get3A_1485 = tpu.vector_load %arg11[%get3A_1483, %get3A_1484] {strides = array<i32>} : memref<128x128xf32, #tpu.memory_space<vmem>>, vector<1x16xf32>,
        %get3A_1486 = vector.shape_cast %get3A_1485 : vector<1x16xf32> to vector<16xf32>
        %mul3A_1487 = arith.mulf %get3A_1486, %broadcast_in_dim3A_1432 : vector<16xf32>
        %swap3A_1488 = arith.index_cast %add3A_1429 : i32 to index
        %swap3A_1489 = arith.constant 80 : index
        %swap3A_1490 = tpu.vector_load %arg11[%swap3A_1488, %swap3A_1489] {strides = array<i32>} : memref<128x128xf32, #tpu.memory_space<vmem>>, vector<1x16xf32>,
        %swap3A_1491 = vector.shape_cast %swap3A_1490 : vector<1x16xf32> to vector<16xf32>
        %swap3A_1492 = vector.shape_cast %mul3A_1487 : vector<16xf32> to vector<1x16xf32>
        tpu.vector_store %arg11[%swap3A_1488, %swap3A_1489], %swap3A_1492 {strides = array<i32>} : memref<128x128xf32, #tpu.memory_space<vmem>>, vector<1x16xf32>,
        %get3A_1493 = arith.index_cast %add3A_1429 : i32 to index
        %get3A_1494 = arith.constant 96 : index
        %get3A_1495 = tpu.vector_load %arg11[%get3A_1493, %get3A_1494] {strides = array<i32>} : memref<128x128xf32, #tpu.memory_space<vmem>>, vector<1x16xf32>,
        %get3A_1496 = vector.shape_cast %get3A_1495 : vector<1x16xf32> to vector<16xf32>
        %mul3A_1497 = arith.mulf %get3A_1496, %broadcast_in_dim3A_1432 : vector<16xf32>
        %swap3A_1498 = arith.index_cast %add3A_1429 : i32 to index
        %swap3A_1499 = arith.constant 96 : index
        %swap3A_1500 = tpu.vector_load %arg11[%swap3A_1498, %swap3A_1499] {strides = array<i32>} : memref<128x128xf32, #tpu.memory_space<vmem>>, vector<1x16xf32>,
        %swap3A_1501 = vector.shape_cast %swap3A_1500 : vector<1x16xf32> to vector<16xf32>
        %swap3A_1502 = vector.shape_cast %mul3A_1497 : vector<16xf32> to vector<1x16xf32>
        tpu.vector_store %arg11[%swap3A_1498, %swap3A_1499], %swap3A_1502 {strides = array<i32>} : memref<128x128xf32, #tpu.memory_space<vmem>>, vector<1x16xf32>,
        %get3A_1503 = arith.index_cast %add3A_1429 : i32 to index
        %get3A_1504 = arith.constant 112 : index
        %get3A_1505 = tpu.vector_load %arg11[%get3A_1503, %get3A_1504] {strides = array<i32>} : memref<128x128xf32, #tpu.memory_space<vmem>>, vector<1x16xf32>,
        %get3A_1506 = vector.shape_cast %get3A_1505 : vector<1x16xf32> to vector<16xf32>
        %mul3A_1507 = arith.mulf %get3A_1506, %broadcast_in_dim3A_1432 : vector<16xf32>
        %swap3A_1508 = arith.index_cast %add3A_1429 : i32 to index
        %swap3A_1509 = arith.constant 112 : index
        %swap3A_1510 = tpu.vector_load %arg11[%swap3A_1508, %swap3A_1509] {strides = array<i32>} : memref<128x128xf32, #tpu.memory_space<vmem>>, vector<1x16xf32>,
        %swap3A_1511 = vector.shape_cast %swap3A_1510 : vector<1x16xf32> to vector<16xf32>
        %swap3A_1512 = vector.shape_cast %mul3A_1507 : vector<16xf32> to vector<1x16xf32>
        tpu.vector_store %arg11[%swap3A_1508, %swap3A_1509], %swap3A_1512 {strides = array<i32>} : memref<128x128xf32, #tpu.memory_space<vmem>>, vector<1x16xf32>,
        %mul3A_1513 = arith.constant 16 : i32
        %mul3A_1514 = arith.muli %scan3A_465, %mul3A_1513 : i32
        %add3A_1515 = arith.constant 12 : i32
        %add3A_1516 = arith.addi %mul3A_1514, %add3A_1515 : i32
        %slice3A_1517 = vector.extract_strided_slice %get3A_471 {offsets = [12], sizes = [1], strides = [1]} : vector<16xf32> to vector<1xf32>
        %squeeze3A_1518 = vector.extract %slice3A_1517[0] : f32 from vector<1xf32>
        %broadcast_in_dim3A_1519 = vector.broadcast %squeeze3A_1518 : f32 to vector<16xf32>
        %get3A_1520 = arith.index_cast %add3A_1516 : i32 to index
        %get3A_1521 = arith.constant 0 : index
        %get3A_1522 = tpu.vector_load %arg11[%get3A_1520, %get3A_1521] {strides = array<i32>} : memref<128x128xf32, #tpu.memory_space<vmem>>, vector<1x16xf32>,
        %get3A_1523 = vector.shape_cast %get3A_1522 : vector<1x16xf32> to vector<16xf32>
        %mul3A_1524 = arith.mulf %get3A_1523, %broadcast_in_dim3A_1519 : vector<16xf32>
        %swap3A_1525 = arith.index_cast %add3A_1516 : i32 to index
        %swap3A_1526 = arith.constant 0 : index
        %swap3A_1527 = tpu.vector_load %arg11[%swap3A_1525, %swap3A_1526] {strides = array<i32>} : memref<128x128xf32, #tpu.memory_space<vmem>>, vector<1x16xf32>,
        %swap3A_1528 = vector.shape_cast %swap3A_1527 : vector<1x16xf32> to vector<16xf32>
        %swap3A_1529 = vector.shape_cast %mul3A_1524 : vector<16xf32> to vector<1x16xf32>
        tpu.vector_store %arg11[%swap3A_1525, %swap3A_1526], %swap3A_1529 {strides = array<i32>} : memref<128x128xf32, #tpu.memory_space<vmem>>, vector<1x16xf32>,
        %get3A_1530 = arith.index_cast %add3A_1516 : i32 to index
        %get3A_1531 = arith.constant 16 : index
        %get3A_1532 = tpu.vector_load %arg11[%get3A_1530, %get3A_1531] {strides = array<i32>} : memref<128x128xf32, #tpu.memory_space<vmem>>, vector<1x16xf32>,
        %get3A_1533 = vector.shape_cast %get3A_1532 : vector<1x16xf32> to vector<16xf32>
        %mul3A_1534 = arith.mulf %get3A_1533, %broadcast_in_dim3A_1519 : vector<16xf32>
        %swap3A_1535 = arith.index_cast %add3A_1516 : i32 to index
        %swap3A_1536 = arith.constant 16 : index
        %swap3A_1537 = tpu.vector_load %arg11[%swap3A_1535, %swap3A_1536] {strides = array<i32>} : memref<128x128xf32, #tpu.memory_space<vmem>>, vector<1x16xf32>,
        %swap3A_1538 = vector.shape_cast %swap3A_1537 : vector<1x16xf32> to vector<16xf32>
        %swap3A_1539 = vector.shape_cast %mul3A_1534 : vector<16xf32> to vector<1x16xf32>
        tpu.vector_store %arg11[%swap3A_1535, %swap3A_1536], %swap3A_1539 {strides = array<i32>} : memref<128x128xf32, #tpu.memory_space<vmem>>, vector<1x16xf32>,
        %get3A_1540 = arith.index_cast %add3A_1516 : i32 to index
        %get3A_1541 = arith.constant 32 : index
        %get3A_1542 = tpu.vector_load %arg11[%get3A_1540, %get3A_1541] {strides = array<i32>} : memref<128x128xf32, #tpu.memory_space<vmem>>, vector<1x16xf32>,
        %get3A_1543 = vector.shape_cast %get3A_1542 : vector<1x16xf32> to vector<16xf32>
        %mul3A_1544 = arith.mulf %get3A_1543, %broadcast_in_dim3A_1519 : vector<16xf32>
        %swap3A_1545 = arith.index_cast %add3A_1516 : i32 to index
        %swap3A_1546 = arith.constant 32 : index
        %swap3A_1547 = tpu.vector_load %arg11[%swap3A_1545, %swap3A_1546] {strides = array<i32>} : memref<128x128xf32, #tpu.memory_space<vmem>>, vector<1x16xf32>,
        %swap3A_1548 = vector.shape_cast %swap3A_1547 : vector<1x16xf32> to vector<16xf32>
        %swap3A_1549 = vector.shape_cast %mul3A_1544 : vector<16xf32> to vector<1x16xf32>
        tpu.vector_store %arg11[%swap3A_1545, %swap3A_1546], %swap3A_1549 {strides = array<i32>} : memref<128x128xf32, #tpu.memory_space<vmem>>, vector<1x16xf32>,
        %get3A_1550 = arith.index_cast %add3A_1516 : i32 to index
        %get3A_1551 = arith.constant 48 : index
        %get3A_1552 = tpu.vector_load %arg11[%get3A_1550, %get3A_1551] {strides = array<i32>} : memref<128x128xf32, #tpu.memory_space<vmem>>, vector<1x16xf32>,
        %get3A_1553 = vector.shape_cast %get3A_1552 : vector<1x16xf32> to vector<16xf32>
        %mul3A_1554 = arith.mulf %get3A_1553, %broadcast_in_dim3A_1519 : vector<16xf32>
        %swap3A_1555 = arith.index_cast %add3A_1516 : i32 to index
        %swap3A_1556 = arith.constant 48 : index
        %swap3A_1557 = tpu.vector_load %arg11[%swap3A_1555, %swap3A_1556] {strides = array<i32>} : memref<128x128xf32, #tpu.memory_space<vmem>>, vector<1x16xf32>,
        %swap3A_1558 = vector.shape_cast %swap3A_1557 : vector<1x16xf32> to vector<16xf32>
        %swap3A_1559 = vector.shape_cast %mul3A_1554 : vector<16xf32> to vector<1x16xf32>
        tpu.vector_store %arg11[%swap3A_1555, %swap3A_1556], %swap3A_1559 {strides = array<i32>} : memref<128x128xf32, #tpu.memory_space<vmem>>, vector<1x16xf32>,
        %get3A_1560 = arith.index_cast %add3A_1516 : i32 to index
        %get3A_1561 = arith.constant 64 : index
        %get3A_1562 = tpu.vector_load %arg11[%get3A_1560, %get3A_1561] {strides = array<i32>} : memref<128x128xf32, #tpu.memory_space<vmem>>, vector<1x16xf32>,
        %get3A_1563 = vector.shape_cast %get3A_1562 : vector<1x16xf32> to vector<16xf32>
        %mul3A_1564 = arith.mulf %get3A_1563, %broadcast_in_dim3A_1519 : vector<16xf32>
        %swap3A_1565 = arith.index_cast %add3A_1516 : i32 to index
        %swap3A_1566 = arith.constant 64 : index
        %swap3A_1567 = tpu.vector_load %arg11[%swap3A_1565, %swap3A_1566] {strides = array<i32>} : memref<128x128xf32, #tpu.memory_space<vmem>>, vector<1x16xf32>,
        %swap3A_1568 = vector.shape_cast %swap3A_1567 : vector<1x16xf32> to vector<16xf32>
        %swap3A_1569 = vector.shape_cast %mul3A_1564 : vector<16xf32> to vector<1x16xf32>
        tpu.vector_store %arg11[%swap3A_1565, %swap3A_1566], %swap3A_1569 {strides = array<i32>} : memref<128x128xf32, #tpu.memory_space<vmem>>, vector<1x16xf32>,
        %get3A_1570 = arith.index_cast %add3A_1516 : i32 to index
        %get3A_1571 = arith.constant 80 : index
        %get3A_1572 = tpu.vector_load %arg11[%get3A_1570, %get3A_1571] {strides = array<i32>} : memref<128x128xf32, #tpu.memory_space<vmem>>, vector<1x16xf32>,
        %get3A_1573 = vector.shape_cast %get3A_1572 : vector<1x16xf32> to vector<16xf32>
        %mul3A_1574 = arith.mulf %get3A_1573, %broadcast_in_dim3A_1519 : vector<16xf32>
        %swap3A_1575 = arith.index_cast %add3A_1516 : i32 to index
        %swap3A_1576 = arith.constant 80 : index
        %swap3A_1577 = tpu.vector_load %arg11[%swap3A_1575, %swap3A_1576] {strides = array<i32>} : memref<128x128xf32, #tpu.memory_space<vmem>>, vector<1x16xf32>,
        %swap3A_1578 = vector.shape_cast %swap3A_1577 : vector<1x16xf32> to vector<16xf32>
        %swap3A_1579 = vector.shape_cast %mul3A_1574 : vector<16xf32> to vector<1x16xf32>
        tpu.vector_store %arg11[%swap3A_1575, %swap3A_1576], %swap3A_1579 {strides = array<i32>} : memref<128x128xf32, #tpu.memory_space<vmem>>, vector<1x16xf32>,
        %get3A_1580 = arith.index_cast %add3A_1516 : i32 to index
        %get3A_1581 = arith.constant 96 : index
        %get3A_1582 = tpu.vector_load %arg11[%get3A_1580, %get3A_1581] {strides = array<i32>} : memref<128x128xf32, #tpu.memory_space<vmem>>, vector<1x16xf32>,
        %get3A_1583 = vector.shape_cast %get3A_1582 : vector<1x16xf32> to vector<16xf32>
        %mul3A_1584 = arith.mulf %get3A_1583, %broadcast_in_dim3A_1519 : vector<16xf32>
        %swap3A_1585 = arith.index_cast %add3A_1516 : i32 to index
        %swap3A_1586 = arith.constant 96 : index
        %swap3A_1587 = tpu.vector_load %arg11[%swap3A_1585, %swap3A_1586] {strides = array<i32>} : memref<128x128xf32, #tpu.memory_space<vmem>>, vector<1x16xf32>,
        %swap3A_1588 = vector.shape_cast %swap3A_1587 : vector<1x16xf32> to vector<16xf32>
        %swap3A_1589 = vector.shape_cast %mul3A_1584 : vector<16xf32> to vector<1x16xf32>
        tpu.vector_store %arg11[%swap3A_1585, %swap3A_1586], %swap3A_1589 {strides = array<i32>} : memref<128x128xf32, #tpu.memory_space<vmem>>, vector<1x16xf32>,
        %get3A_1590 = arith.index_cast %add3A_1516 : i32 to index
        %get3A_1591 = arith.constant 112 : index
        %get3A_1592 = tpu.vector_load %arg11[%get3A_1590, %get3A_1591] {strides = array<i32>} : memref<128x128xf32, #tpu.memory_space<vmem>>, vector<1x16xf32>,
        %get3A_1593 = vector.shape_cast %get3A_1592 : vector<1x16xf32> to vector<16xf32>
        %mul3A_1594 = arith.mulf %get3A_1593, %broadcast_in_dim3A_1519 : vector<16xf32>
        %swap3A_1595 = arith.index_cast %add3A_1516 : i32 to index
        %swap3A_1596 = arith.constant 112 : index
        %swap3A_1597 = tpu.vector_load %arg11[%swap3A_1595, %swap3A_1596] {strides = array<i32>} : memref<128x128xf32, #tpu.memory_space<vmem>>, vector<1x16xf32>,
        %swap3A_1598 = vector.shape_cast %swap3A_1597 : vector<1x16xf32> to vector<16xf32>
        %swap3A_1599 = vector.shape_cast %mul3A_1594 : vector<16xf32> to vector<1x16xf32>
        tpu.vector_store %arg11[%swap3A_1595, %swap3A_1596], %swap3A_1599 {strides = array<i32>} : memref<128x128xf32, #tpu.memory_space<vmem>>, vector<1x16xf32>,
        %mul3A_1600 = arith.constant 16 : i32
        %mul3A_1601 = arith.muli %scan3A_465, %mul3A_1600 : i32
        %add3A_1602 = arith.constant 13 : i32
        %add3A_1603 = arith.addi %mul3A_1601, %add3A_1602 : i32
        %slice3A_1604 = vector.extract_strided_slice %get3A_471 {offsets = [13], sizes = [1], strides = [1]} : vector<16xf32> to vector<1xf32>
        %squeeze3A_1605 = vector.extract %slice3A_1604[0] : f32 from vector<1xf32>
        %broadcast_in_dim3A_1606 = vector.broadcast %squeeze3A_1605 : f32 to vector<16xf32>
        %get3A_1607 = arith.index_cast %add3A_1603 : i32 to index
        %get3A_1608 = arith.constant 0 : index
        %get3A_1609 = tpu.vector_load %arg11[%get3A_1607, %get3A_1608] {strides = array<i32>} : memref<128x128xf32, #tpu.memory_space<vmem>>, vector<1x16xf32>,
        %get3A_1610 = vector.shape_cast %get3A_1609 : vector<1x16xf32> to vector<16xf32>
        %mul3A_1611 = arith.mulf %get3A_1610, %broadcast_in_dim3A_1606 : vector<16xf32>
        %swap3A_1612 = arith.index_cast %add3A_1603 : i32 to index
        %swap3A_1613 = arith.constant 0 : index
        %swap3A_1614 = tpu.vector_load %arg11[%swap3A_1612, %swap3A_1613] {strides = array<i32>} : memref<128x128xf32, #tpu.memory_space<vmem>>, vector<1x16xf32>,
        %swap3A_1615 = vector.shape_cast %swap3A_1614 : vector<1x16xf32> to vector<16xf32>
        %swap3A_1616 = vector.shape_cast %mul3A_1611 : vector<16xf32> to vector<1x16xf32>
        tpu.vector_store %arg11[%swap3A_1612, %swap3A_1613], %swap3A_1616 {strides = array<i32>} : memref<128x128xf32, #tpu.memory_space<vmem>>, vector<1x16xf32>,
        %get3A_1617 = arith.index_cast %add3A_1603 : i32 to index
        %get3A_1618 = arith.constant 16 : index
        %get3A_1619 = tpu.vector_load %arg11[%get3A_1617, %get3A_1618] {strides = array<i32>} : memref<128x128xf32, #tpu.memory_space<vmem>>, vector<1x16xf32>,
        %get3A_1620 = vector.shape_cast %get3A_1619 : vector<1x16xf32> to vector<16xf32>
        %mul3A_1621 = arith.mulf %get3A_1620, %broadcast_in_dim3A_1606 : vector<16xf32>
        %swap3A_1622 = arith.index_cast %add3A_1603 : i32 to index
        %swap3A_1623 = arith.constant 16 : index
        %swap3A_1624 = tpu.vector_load %arg11[%swap3A_1622, %swap3A_1623] {strides = array<i32>} : memref<128x128xf32, #tpu.memory_space<vmem>>, vector<1x16xf32>,
        %swap3A_1625 = vector.shape_cast %swap3A_1624 : vector<1x16xf32> to vector<16xf32>
        %swap3A_1626 = vector.shape_cast %mul3A_1621 : vector<16xf32> to vector<1x16xf32>
        tpu.vector_store %arg11[%swap3A_1622, %swap3A_1623], %swap3A_1626 {strides = array<i32>} : memref<128x128xf32, #tpu.memory_space<vmem>>, vector<1x16xf32>,
        %get3A_1627 = arith.index_cast %add3A_1603 : i32 to index
        %get3A_1628 = arith.constant 32 : index
        %get3A_1629 = tpu.vector_load %arg11[%get3A_1627, %get3A_1628] {strides = array<i32>} : memref<128x128xf32, #tpu.memory_space<vmem>>, vector<1x16xf32>,
        %get3A_1630 = vector.shape_cast %get3A_1629 : vector<1x16xf32> to vector<16xf32>
        %mul3A_1631 = arith.mulf %get3A_1630, %broadcast_in_dim3A_1606 : vector<16xf32>
        %swap3A_1632 = arith.index_cast %add3A_1603 : i32 to index
        %swap3A_1633 = arith.constant 32 : index
        %swap3A_1634 = tpu.vector_load %arg11[%swap3A_1632, %swap3A_1633] {strides = array<i32>} : memref<128x128xf32, #tpu.memory_space<vmem>>, vector<1x16xf32>,
        %swap3A_1635 = vector.shape_cast %swap3A_1634 : vector<1x16xf32> to vector<16xf32>
        %swap3A_1636 = vector.shape_cast %mul3A_1631 : vector<16xf32> to vector<1x16xf32>
        tpu.vector_store %arg11[%swap3A_1632, %swap3A_1633], %swap3A_1636 {strides = array<i32>} : memref<128x128xf32, #tpu.memory_space<vmem>>, vector<1x16xf32>,
        %get3A_1637 = arith.index_cast %add3A_1603 : i32 to index
        %get3A_1638 = arith.constant 48 : index
        %get3A_1639 = tpu.vector_load %arg11[%get3A_1637, %get3A_1638] {strides = array<i32>} : memref<128x128xf32, #tpu.memory_space<vmem>>, vector<1x16xf32>,
        %get3A_1640 = vector.shape_cast %get3A_1639 : vector<1x16xf32> to vector<16xf32>
        %mul3A_1641 = arith.mulf %get3A_1640, %broadcast_in_dim3A_1606 : vector<16xf32>
        %swap3A_1642 = arith.index_cast %add3A_1603 : i32 to index
        %swap3A_1643 = arith.constant 48 : index
        %swap3A_1644 = tpu.vector_load %arg11[%swap3A_1642, %swap3A_1643] {strides = array<i32>} : memref<128x128xf32, #tpu.memory_space<vmem>>, vector<1x16xf32>,
        %swap3A_1645 = vector.shape_cast %swap3A_1644 : vector<1x16xf32> to vector<16xf32>
        %swap3A_1646 = vector.shape_cast %mul3A_1641 : vector<16xf32> to vector<1x16xf32>
        tpu.vector_store %arg11[%swap3A_1642, %swap3A_1643], %swap3A_1646 {strides = array<i32>} : memref<128x128xf32, #tpu.memory_space<vmem>>, vector<1x16xf32>,
        %get3A_1647 = arith.index_cast %add3A_1603 : i32 to index
        %get3A_1648 = arith.constant 64 : index
        %get3A_1649 = tpu.vector_load %arg11[%get3A_1647, %get3A_1648] {strides = array<i32>} : memref<128x128xf32, #tpu.memory_space<vmem>>, vector<1x16xf32>,
        %get3A_1650 = vector.shape_cast %get3A_1649 : vector<1x16xf32> to vector<16xf32>
        %mul3A_1651 = arith.mulf %get3A_1650, %broadcast_in_dim3A_1606 : vector<16xf32>
        %swap3A_1652 = arith.index_cast %add3A_1603 : i32 to index
        %swap3A_1653 = arith.constant 64 : index
        %swap3A_1654 = tpu.vector_load %arg11[%swap3A_1652, %swap3A_1653] {strides = array<i32>} : memref<128x128xf32, #tpu.memory_space<vmem>>, vector<1x16xf32>,
        %swap3A_1655 = vector.shape_cast %swap3A_1654 : vector<1x16xf32> to vector<16xf32>
        %swap3A_1656 = vector.shape_cast %mul3A_1651 : vector<16xf32> to vector<1x16xf32>
        tpu.vector_store %arg11[%swap3A_1652, %swap3A_1653], %swap3A_1656 {strides = array<i32>} : memref<128x128xf32, #tpu.memory_space<vmem>>, vector<1x16xf32>,
        %get3A_1657 = arith.index_cast %add3A_1603 : i32 to index
        %get3A_1658 = arith.constant 80 : index
        %get3A_1659 = tpu.vector_load %arg11[%get3A_1657, %get3A_1658] {strides = array<i32>} : memref<128x128xf32, #tpu.memory_space<vmem>>, vector<1x16xf32>,
        %get3A_1660 = vector.shape_cast %get3A_1659 : vector<1x16xf32> to vector<16xf32>
        %mul3A_1661 = arith.mulf %get3A_1660, %broadcast_in_dim3A_1606 : vector<16xf32>
        %swap3A_1662 = arith.index_cast %add3A_1603 : i32 to index
        %swap3A_1663 = arith.constant 80 : index
        %swap3A_1664 = tpu.vector_load %arg11[%swap3A_1662, %swap3A_1663] {strides = array<i32>} : memref<128x128xf32, #tpu.memory_space<vmem>>, vector<1x16xf32>,
        %swap3A_1665 = vector.shape_cast %swap3A_1664 : vector<1x16xf32> to vector<16xf32>
        %swap3A_1666 = vector.shape_cast %mul3A_1661 : vector<16xf32> to vector<1x16xf32>
        tpu.vector_store %arg11[%swap3A_1662, %swap3A_1663], %swap3A_1666 {strides = array<i32>} : memref<128x128xf32, #tpu.memory_space<vmem>>, vector<1x16xf32>,
        %get3A_1667 = arith.index_cast %add3A_1603 : i32 to index
        %get3A_1668 = arith.constant 96 : index
        %get3A_1669 = tpu.vector_load %arg11[%get3A_1667, %get3A_1668] {strides = array<i32>} : memref<128x128xf32, #tpu.memory_space<vmem>>, vector<1x16xf32>,
        %get3A_1670 = vector.shape_cast %get3A_1669 : vector<1x16xf32> to vector<16xf32>
        %mul3A_1671 = arith.mulf %get3A_1670, %broadcast_in_dim3A_1606 : vector<16xf32>
        %swap3A_1672 = arith.index_cast %add3A_1603 : i32 to index
        %swap3A_1673 = arith.constant 96 : index
        %swap3A_1674 = tpu.vector_load %arg11[%swap3A_1672, %swap3A_1673] {strides = array<i32>} : memref<128x128xf32, #tpu.memory_space<vmem>>, vector<1x16xf32>,
        %swap3A_1675 = vector.shape_cast %swap3A_1674 : vector<1x16xf32> to vector<16xf32>
        %swap3A_1676 = vector.shape_cast %mul3A_1671 : vector<16xf32> to vector<1x16xf32>
        tpu.vector_store %arg11[%swap3A_1672, %swap3A_1673], %swap3A_1676 {strides = array<i32>} : memref<128x128xf32, #tpu.memory_space<vmem>>, vector<1x16xf32>,
        %get3A_1677 = arith.index_cast %add3A_1603 : i32 to index
        %get3A_1678 = arith.constant 112 : index
        %get3A_1679 = tpu.vector_load %arg11[%get3A_1677, %get3A_1678] {strides = array<i32>} : memref<128x128xf32, #tpu.memory_space<vmem>>, vector<1x16xf32>,
        %get3A_1680 = vector.shape_cast %get3A_1679 : vector<1x16xf32> to vector<16xf32>
        %mul3A_1681 = arith.mulf %get3A_1680, %broadcast_in_dim3A_1606 : vector<16xf32>
        %swap3A_1682 = arith.index_cast %add3A_1603 : i32 to index
        %swap3A_1683 = arith.constant 112 : index
        %swap3A_1684 = tpu.vector_load %arg11[%swap3A_1682, %swap3A_1683] {strides = array<i32>} : memref<128x128xf32, #tpu.memory_space<vmem>>, vector<1x16xf32>,
        %swap3A_1685 = vector.shape_cast %swap3A_1684 : vector<1x16xf32> to vector<16xf32>
        %swap3A_1686 = vector.shape_cast %mul3A_1681 : vector<16xf32> to vector<1x16xf32>
        tpu.vector_store %arg11[%swap3A_1682, %swap3A_1683], %swap3A_1686 {strides = array<i32>} : memref<128x128xf32, #tpu.memory_space<vmem>>, vector<1x16xf32>,
        %mul3A_1687 = arith.constant 16 : i32
        %mul3A_1688 = arith.muli %scan3A_465, %mul3A_1687 : i32
        %add3A_1689 = arith.constant 14 : i32
        %add3A_1690 = arith.addi %mul3A_1688, %add3A_1689 : i32
        %slice3A_1691 = vector.extract_strided_slice %get3A_471 {offsets = [14], sizes = [1], strides = [1]} : vector<16xf32> to vector<1xf32>
        %squeeze3A_1692 = vector.extract %slice3A_1691[0] : f32 from vector<1xf32>
        %broadcast_in_dim3A_1693 = vector.broadcast %squeeze3A_1692 : f32 to vector<16xf32>
        %get3A_1694 = arith.index_cast %add3A_1690 : i32 to index
        %get3A_1695 = arith.constant 0 : index
        %get3A_1696 = tpu.vector_load %arg11[%get3A_1694, %get3A_1695] {strides = array<i32>} : memref<128x128xf32, #tpu.memory_space<vmem>>, vector<1x16xf32>,
        %get3A_1697 = vector.shape_cast %get3A_1696 : vector<1x16xf32> to vector<16xf32>
        %mul3A_1698 = arith.mulf %get3A_1697, %broadcast_in_dim3A_1693 : vector<16xf32>
        %swap3A_1699 = arith.index_cast %add3A_1690 : i32 to index
        %swap3A_1700 = arith.constant 0 : index
        %swap3A_1701 = tpu.vector_load %arg11[%swap3A_1699, %swap3A_1700] {strides = array<i32>} : memref<128x128xf32, #tpu.memory_space<vmem>>, vector<1x16xf32>,
        %swap3A_1702 = vector.shape_cast %swap3A_1701 : vector<1x16xf32> to vector<16xf32>
        %swap3A_1703 = vector.shape_cast %mul3A_1698 : vector<16xf32> to vector<1x16xf32>
        tpu.vector_store %arg11[%swap3A_1699, %swap3A_1700], %swap3A_1703 {strides = array<i32>} : memref<128x128xf32, #tpu.memory_space<vmem>>, vector<1x16xf32>,
        %get3A_1704 = arith.index_cast %add3A_1690 : i32 to index
        %get3A_1705 = arith.constant 16 : index
        %get3A_1706 = tpu.vector_load %arg11[%get3A_1704, %get3A_1705] {strides = array<i32>} : memref<128x128xf32, #tpu.memory_space<vmem>>, vector<1x16xf32>,
        %get3A_1707 = vector.shape_cast %get3A_1706 : vector<1x16xf32> to vector<16xf32>
        %mul3A_1708 = arith.mulf %get3A_1707, %broadcast_in_dim3A_1693 : vector<16xf32>
        %swap3A_1709 = arith.index_cast %add3A_1690 : i32 to index
        %swap3A_1710 = arith.constant 16 : index
        %swap3A_1711 = tpu.vector_load %arg11[%swap3A_1709, %swap3A_1710] {strides = array<i32>} : memref<128x128xf32, #tpu.memory_space<vmem>>, vector<1x16xf32>,
        %swap3A_1712 = vector.shape_cast %swap3A_1711 : vector<1x16xf32> to vector<16xf32>
        %swap3A_1713 = vector.shape_cast %mul3A_1708 : vector<16xf32> to vector<1x16xf32>
        tpu.vector_store %arg11[%swap3A_1709, %swap3A_1710], %swap3A_1713 {strides = array<i32>} : memref<128x128xf32, #tpu.memory_space<vmem>>, vector<1x16xf32>,
        %get3A_1714 = arith.index_cast %add3A_1690 : i32 to index
        %get3A_1715 = arith.constant 32 : index
        %get3A_1716 = tpu.vector_load %arg11[%get3A_1714, %get3A_1715] {strides = array<i32>} : memref<128x128xf32, #tpu.memory_space<vmem>>, vector<1x16xf32>,
        %get3A_1717 = vector.shape_cast %get3A_1716 : vector<1x16xf32> to vector<16xf32>
        %mul3A_1718 = arith.mulf %get3A_1717, %broadcast_in_dim3A_1693 : vector<16xf32>
        %swap3A_1719 = arith.index_cast %add3A_1690 : i32 to index
        %swap3A_1720 = arith.constant 32 : index
        %swap3A_1721 = tpu.vector_load %arg11[%swap3A_1719, %swap3A_1720] {strides = array<i32>} : memref<128x128xf32, #tpu.memory_space<vmem>>, vector<1x16xf32>,
        %swap3A_1722 = vector.shape_cast %swap3A_1721 : vector<1x16xf32> to vector<16xf32>
        %swap3A_1723 = vector.shape_cast %mul3A_1718 : vector<16xf32> to vector<1x16xf32>
        tpu.vector_store %arg11[%swap3A_1719, %swap3A_1720], %swap3A_1723 {strides = array<i32>} : memref<128x128xf32, #tpu.memory_space<vmem>>, vector<1x16xf32>,
        %get3A_1724 = arith.index_cast %add3A_1690 : i32 to index
        %get3A_1725 = arith.constant 48 : index
        %get3A_1726 = tpu.vector_load %arg11[%get3A_1724, %get3A_1725] {strides = array<i32>} : memref<128x128xf32, #tpu.memory_space<vmem>>, vector<1x16xf32>,
        %get3A_1727 = vector.shape_cast %get3A_1726 : vector<1x16xf32> to vector<16xf32>
        %mul3A_1728 = arith.mulf %get3A_1727, %broadcast_in_dim3A_1693 : vector<16xf32>
        %swap3A_1729 = arith.index_cast %add3A_1690 : i32 to index
        %swap3A_1730 = arith.constant 48 : index
        %swap3A_1731 = tpu.vector_load %arg11[%swap3A_1729, %swap3A_1730] {strides = array<i32>} : memref<128x128xf32, #tpu.memory_space<vmem>>, vector<1x16xf32>,
        %swap3A_1732 = vector.shape_cast %swap3A_1731 : vector<1x16xf32> to vector<16xf32>
        %swap3A_1733 = vector.shape_cast %mul3A_1728 : vector<16xf32> to vector<1x16xf32>
        tpu.vector_store %arg11[%swap3A_1729, %swap3A_1730], %swap3A_1733 {strides = array<i32>} : memref<128x128xf32, #tpu.memory_space<vmem>>, vector<1x16xf32>,
        %get3A_1734 = arith.index_cast %add3A_1690 : i32 to index
        %get3A_1735 = arith.constant 64 : index
        %get3A_1736 = tpu.vector_load %arg11[%get3A_1734, %get3A_1735] {strides = array<i32>} : memref<128x128xf32, #tpu.memory_space<vmem>>, vector<1x16xf32>,
        %get3A_1737 = vector.shape_cast %get3A_1736 : vector<1x16xf32> to vector<16xf32>
        %mul3A_1738 = arith.mulf %get3A_1737, %broadcast_in_dim3A_1693 : vector<16xf32>
        %swap3A_1739 = arith.index_cast %add3A_1690 : i32 to index
        %swap3A_1740 = arith.constant 64 : index
        %swap3A_1741 = tpu.vector_load %arg11[%swap3A_1739, %swap3A_1740] {strides = array<i32>} : memref<128x128xf32, #tpu.memory_space<vmem>>, vector<1x16xf32>,
        %swap3A_1742 = vector.shape_cast %swap3A_1741 : vector<1x16xf32> to vector<16xf32>
        %swap3A_1743 = vector.shape_cast %mul3A_1738 : vector<16xf32> to vector<1x16xf32>
        tpu.vector_store %arg11[%swap3A_1739, %swap3A_1740], %swap3A_1743 {strides = array<i32>} : memref<128x128xf32, #tpu.memory_space<vmem>>, vector<1x16xf32>,
        %get3A_1744 = arith.index_cast %add3A_1690 : i32 to index
        %get3A_1745 = arith.constant 80 : index
        %get3A_1746 = tpu.vector_load %arg11[%get3A_1744, %get3A_1745] {strides = array<i32>} : memref<128x128xf32, #tpu.memory_space<vmem>>, vector<1x16xf32>,
        %get3A_1747 = vector.shape_cast %get3A_1746 : vector<1x16xf32> to vector<16xf32>
        %mul3A_1748 = arith.mulf %get3A_1747, %broadcast_in_dim3A_1693 : vector<16xf32>
        %swap3A_1749 = arith.index_cast %add3A_1690 : i32 to index
        %swap3A_1750 = arith.constant 80 : index
        %swap3A_1751 = tpu.vector_load %arg11[%swap3A_1749, %swap3A_1750] {strides = array<i32>} : memref<128x128xf32, #tpu.memory_space<vmem>>, vector<1x16xf32>,
        %swap3A_1752 = vector.shape_cast %swap3A_1751 : vector<1x16xf32> to vector<16xf32>
        %swap3A_1753 = vector.shape_cast %mul3A_1748 : vector<16xf32> to vector<1x16xf32>
        tpu.vector_store %arg11[%swap3A_1749, %swap3A_1750], %swap3A_1753 {strides = array<i32>} : memref<128x128xf32, #tpu.memory_space<vmem>>, vector<1x16xf32>,
        %get3A_1754 = arith.index_cast %add3A_1690 : i32 to index
        %get3A_1755 = arith.constant 96 : index
        %get3A_1756 = tpu.vector_load %arg11[%get3A_1754, %get3A_1755] {strides = array<i32>} : memref<128x128xf32, #tpu.memory_space<vmem>>, vector<1x16xf32>,
        %get3A_1757 = vector.shape_cast %get3A_1756 : vector<1x16xf32> to vector<16xf32>
        %mul3A_1758 = arith.mulf %get3A_1757, %broadcast_in_dim3A_1693 : vector<16xf32>
        %swap3A_1759 = arith.index_cast %add3A_1690 : i32 to index
        %swap3A_1760 = arith.constant 96 : index
        %swap3A_1761 = tpu.vector_load %arg11[%swap3A_1759, %swap3A_1760] {strides = array<i32>} : memref<128x128xf32, #tpu.memory_space<vmem>>, vector<1x16xf32>,
        %swap3A_1762 = vector.shape_cast %swap3A_1761 : vector<1x16xf32> to vector<16xf32>
        %swap3A_1763 = vector.shape_cast %mul3A_1758 : vector<16xf32> to vector<1x16xf32>
        tpu.vector_store %arg11[%swap3A_1759, %swap3A_1760], %swap3A_1763 {strides = array<i32>} : memref<128x128xf32, #tpu.memory_space<vmem>>, vector<1x16xf32>,
        %get3A_1764 = arith.index_cast %add3A_1690 : i32 to index
        %get3A_1765 = arith.constant 112 : index
        %get3A_1766 = tpu.vector_load %arg11[%get3A_1764, %get3A_1765] {strides = array<i32>} : memref<128x128xf32, #tpu.memory_space<vmem>>, vector<1x16xf32>,
        %get3A_1767 = vector.shape_cast %get3A_1766 : vector<1x16xf32> to vector<16xf32>
        %mul3A_1768 = arith.mulf %get3A_1767, %broadcast_in_dim3A_1693 : vector<16xf32>
        %swap3A_1769 = arith.index_cast %add3A_1690 : i32 to index
        %swap3A_1770 = arith.constant 112 : index
        %swap3A_1771 = tpu.vector_load %arg11[%swap3A_1769, %swap3A_1770] {strides = array<i32>} : memref<128x128xf32, #tpu.memory_space<vmem>>, vector<1x16xf32>,
        %swap3A_1772 = vector.shape_cast %swap3A_1771 : vector<1x16xf32> to vector<16xf32>
        %swap3A_1773 = vector.shape_cast %mul3A_1768 : vector<16xf32> to vector<1x16xf32>
        tpu.vector_store %arg11[%swap3A_1769, %swap3A_1770], %swap3A_1773 {strides = array<i32>} : memref<128x128xf32, #tpu.memory_space<vmem>>, vector<1x16xf32>,
        %mul3A_1774 = arith.constant 16 : i32
        %mul3A_1775 = arith.muli %scan3A_465, %mul3A_1774 : i32
        %add3A_1776 = arith.constant 15 : i32
        %add3A_1777 = arith.addi %mul3A_1775, %add3A_1776 : i32
        %slice3A_1778 = vector.extract_strided_slice %get3A_471 {offsets = [15], sizes = [1], strides = [1]} : vector<16xf32> to vector<1xf32>
        %squeeze3A_1779 = vector.extract %slice3A_1778[0] : f32 from vector<1xf32>
        %broadcast_in_dim3A_1780 = vector.broadcast %squeeze3A_1779 : f32 to vector<16xf32>
        %get3A_1781 = arith.index_cast %add3A_1777 : i32 to index
        %get3A_1782 = arith.constant 0 : index
        %get3A_1783 = tpu.vector_load %arg11[%get3A_1781, %get3A_1782] {strides = array<i32>} : memref<128x128xf32, #tpu.memory_space<vmem>>, vector<1x16xf32>,
        %get3A_1784 = vector.shape_cast %get3A_1783 : vector<1x16xf32> to vector<16xf32>
        %mul3A_1785 = arith.mulf %get3A_1784, %broadcast_in_dim3A_1780 : vector<16xf32>
        %swap3A_1786 = arith.index_cast %add3A_1777 : i32 to index
        %swap3A_1787 = arith.constant 0 : index
        %swap3A_1788 = tpu.vector_load %arg11[%swap3A_1786, %swap3A_1787] {strides = array<i32>} : memref<128x128xf32, #tpu.memory_space<vmem>>, vector<1x16xf32>,
        %swap3A_1789 = vector.shape_cast %swap3A_1788 : vector<1x16xf32> to vector<16xf32>
        %swap3A_1790 = vector.shape_cast %mul3A_1785 : vector<16xf32> to vector<1x16xf32>
        tpu.vector_store %arg11[%swap3A_1786, %swap3A_1787], %swap3A_1790 {strides = array<i32>} : memref<128x128xf32, #tpu.memory_space<vmem>>, vector<1x16xf32>,
        %get3A_1791 = arith.index_cast %add3A_1777 : i32 to index
        %get3A_1792 = arith.constant 16 : index
        %get3A_1793 = tpu.vector_load %arg11[%get3A_1791, %get3A_1792] {strides = array<i32>} : memref<128x128xf32, #tpu.memory_space<vmem>>, vector<1x16xf32>,
        %get3A_1794 = vector.shape_cast %get3A_1793 : vector<1x16xf32> to vector<16xf32>
        %mul3A_1795 = arith.mulf %get3A_1794, %broadcast_in_dim3A_1780 : vector<16xf32>
        %swap3A_1796 = arith.index_cast %add3A_1777 : i32 to index
        %swap3A_1797 = arith.constant 16 : index
        %swap3A_1798 = tpu.vector_load %arg11[%swap3A_1796, %swap3A_1797] {strides = array<i32>} : memref<128x128xf32, #tpu.memory_space<vmem>>, vector<1x16xf32>,
        %swap3A_1799 = vector.shape_cast %swap3A_1798 : vector<1x16xf32> to vector<16xf32>
        %swap3A_1800 = vector.shape_cast %mul3A_1795 : vector<16xf32> to vector<1x16xf32>
        tpu.vector_store %arg11[%swap3A_1796, %swap3A_1797], %swap3A_1800 {strides = array<i32>} : memref<128x128xf32, #tpu.memory_space<vmem>>, vector<1x16xf32>,
        %get3A_1801 = arith.index_cast %add3A_1777 : i32 to index
        %get3A_1802 = arith.constant 32 : index
        %get3A_1803 = tpu.vector_load %arg11[%get3A_1801, %get3A_1802] {strides = array<i32>} : memref<128x128xf32, #tpu.memory_space<vmem>>, vector<1x16xf32>,
        %get3A_1804 = vector.shape_cast %get3A_1803 : vector<1x16xf32> to vector<16xf32>
        %mul3A_1805 = arith.mulf %get3A_1804, %broadcast_in_dim3A_1780 : vector<16xf32>
        %swap3A_1806 = arith.index_cast %add3A_1777 : i32 to index
        %swap3A_1807 = arith.constant 32 : index
        %swap3A_1808 = tpu.vector_load %arg11[%swap3A_1806, %swap3A_1807] {strides = array<i32>} : memref<128x128xf32, #tpu.memory_space<vmem>>, vector<1x16xf32>,
        %swap3A_1809 = vector.shape_cast %swap3A_1808 : vector<1x16xf32> to vector<16xf32>
        %swap3A_1810 = vector.shape_cast %mul3A_1805 : vector<16xf32> to vector<1x16xf32>
        tpu.vector_store %arg11[%swap3A_1806, %swap3A_1807], %swap3A_1810 {strides = array<i32>} : memref<128x128xf32, #tpu.memory_space<vmem>>, vector<1x16xf32>,
        %get3A_1811 = arith.index_cast %add3A_1777 : i32 to index
        %get3A_1812 = arith.constant 48 : index
        %get3A_1813 = tpu.vector_load %arg11[%get3A_1811, %get3A_1812] {strides = array<i32>} : memref<128x128xf32, #tpu.memory_space<vmem>>, vector<1x16xf32>,
        %get3A_1814 = vector.shape_cast %get3A_1813 : vector<1x16xf32> to vector<16xf32>
        %mul3A_1815 = arith.mulf %get3A_1814, %broadcast_in_dim3A_1780 : vector<16xf32>
        %swap3A_1816 = arith.index_cast %add3A_1777 : i32 to index
        %swap3A_1817 = arith.constant 48 : index
        %swap3A_1818 = tpu.vector_load %arg11[%swap3A_1816, %swap3A_1817] {strides = array<i32>} : memref<128x128xf32, #tpu.memory_space<vmem>>, vector<1x16xf32>,
        %swap3A_1819 = vector.shape_cast %swap3A_1818 : vector<1x16xf32> to vector<16xf32>
        %swap3A_1820 = vector.shape_cast %mul3A_1815 : vector<16xf32> to vector<1x16xf32>
        tpu.vector_store %arg11[%swap3A_1816, %swap3A_1817], %swap3A_1820 {strides = array<i32>} : memref<128x128xf32, #tpu.memory_space<vmem>>, vector<1x16xf32>,
        %get3A_1821 = arith.index_cast %add3A_1777 : i32 to index
        %get3A_1822 = arith.constant 64 : index
        %get3A_1823 = tpu.vector_load %arg11[%get3A_1821, %get3A_1822] {strides = array<i32>} : memref<128x128xf32, #tpu.memory_space<vmem>>, vector<1x16xf32>,
        %get3A_1824 = vector.shape_cast %get3A_1823 : vector<1x16xf32> to vector<16xf32>
        %mul3A_1825 = arith.mulf %get3A_1824, %broadcast_in_dim3A_1780 : vector<16xf32>
        %swap3A_1826 = arith.index_cast %add3A_1777 : i32 to index
        %swap3A_1827 = arith.constant 64 : index
        %swap3A_1828 = tpu.vector_load %arg11[%swap3A_1826, %swap3A_1827] {strides = array<i32>} : memref<128x128xf32, #tpu.memory_space<vmem>>, vector<1x16xf32>,
        %swap3A_1829 = vector.shape_cast %swap3A_1828 : vector<1x16xf32> to vector<16xf32>
        %swap3A_1830 = vector.shape_cast %mul3A_1825 : vector<16xf32> to vector<1x16xf32>
        tpu.vector_store %arg11[%swap3A_1826, %swap3A_1827], %swap3A_1830 {strides = array<i32>} : memref<128x128xf32, #tpu.memory_space<vmem>>, vector<1x16xf32>,
        %get3A_1831 = arith.index_cast %add3A_1777 : i32 to index
        %get3A_1832 = arith.constant 80 : index
        %get3A_1833 = tpu.vector_load %arg11[%get3A_1831, %get3A_1832] {strides = array<i32>} : memref<128x128xf32, #tpu.memory_space<vmem>>, vector<1x16xf32>,
        %get3A_1834 = vector.shape_cast %get3A_1833 : vector<1x16xf32> to vector<16xf32>
        %mul3A_1835 = arith.mulf %get3A_1834, %broadcast_in_dim3A_1780 : vector<16xf32>
        %swap3A_1836 = arith.index_cast %add3A_1777 : i32 to index
        %swap3A_1837 = arith.constant 80 : index
        %swap3A_1838 = tpu.vector_load %arg11[%swap3A_1836, %swap3A_1837] {strides = array<i32>} : memref<128x128xf32, #tpu.memory_space<vmem>>, vector<1x16xf32>,
        %swap3A_1839 = vector.shape_cast %swap3A_1838 : vector<1x16xf32> to vector<16xf32>
        %swap3A_1840 = vector.shape_cast %mul3A_1835 : vector<16xf32> to vector<1x16xf32>
        tpu.vector_store %arg11[%swap3A_1836, %swap3A_1837], %swap3A_1840 {strides = array<i32>} : memref<128x128xf32, #tpu.memory_space<vmem>>, vector<1x16xf32>,
        %get3A_1841 = arith.index_cast %add3A_1777 : i32 to index
        %get3A_1842 = arith.constant 96 : index
        %get3A_1843 = tpu.vector_load %arg11[%get3A_1841, %get3A_1842] {strides = array<i32>} : memref<128x128xf32, #tpu.memory_space<vmem>>, vector<1x16xf32>,
        %get3A_1844 = vector.shape_cast %get3A_1843 : vector<1x16xf32> to vector<16xf32>
        %mul3A_1845 = arith.mulf %get3A_1844, %broadcast_in_dim3A_1780 : vector<16xf32>
        %swap3A_1846 = arith.index_cast %add3A_1777 : i32 to index
        %swap3A_1847 = arith.constant 96 : index
        %swap3A_1848 = tpu.vector_load %arg11[%swap3A_1846, %swap3A_1847] {strides = array<i32>} : memref<128x128xf32, #tpu.memory_space<vmem>>, vector<1x16xf32>,
        %swap3A_1849 = vector.shape_cast %swap3A_1848 : vector<1x16xf32> to vector<16xf32>
        %swap3A_1850 = vector.shape_cast %mul3A_1845 : vector<16xf32> to vector<1x16xf32>
        tpu.vector_store %arg11[%swap3A_1846, %swap3A_1847], %swap3A_1850 {strides = array<i32>} : memref<128x128xf32, #tpu.memory_space<vmem>>, vector<1x16xf32>,
        %get3A_1851 = arith.index_cast %add3A_1777 : i32 to index
        %get3A_1852 = arith.constant 112 : index
        %get3A_1853 = tpu.vector_load %arg11[%get3A_1851, %get3A_1852] {strides = array<i32>} : memref<128x128xf32, #tpu.memory_space<vmem>>, vector<1x16xf32>,
        %get3A_1854 = vector.shape_cast %get3A_1853 : vector<1x16xf32> to vector<16xf32>
        %mul3A_1855 = arith.mulf %get3A_1854, %broadcast_in_dim3A_1780 : vector<16xf32>
        %swap3A_1856 = arith.index_cast %add3A_1777 : i32 to index
        %swap3A_1857 = arith.constant 112 : index
        %swap3A_1858 = tpu.vector_load %arg11[%swap3A_1856, %swap3A_1857] {strides = array<i32>} : memref<128x128xf32, #tpu.memory_space<vmem>>, vector<1x16xf32>,
        %swap3A_1859 = vector.shape_cast %swap3A_1858 : vector<1x16xf32> to vector<16xf32>
        %swap3A_1860 = vector.shape_cast %mul3A_1855 : vector<16xf32> to vector<1x16xf32>
        tpu.vector_store %arg11[%swap3A_1856, %swap3A_1857], %swap3A_1860 {strides = array<i32>} : memref<128x128xf32, #tpu.memory_space<vmem>>, vector<1x16xf32>,
      }
      %scan3A_458 = arith.constant 8 : i32
      %dma_start3A_459 = arith.constant 0 : i32
      %dma_start3A_460 = tpu.memref_slice %arg8[%select_n3A_411, %select_n3A_427, %dma_start3A_459] : memref<2x16x128xi32, #tpu.memory_space<vmem>> -> memref<1x1x128xi32, #tpu.memory_space<vmem>>
      %dma_start3A_461 = tpu.memref_squeeze %dma_start3A_460 : memref<1x1x128xi32, #tpu.memory_space<vmem>> -> memref<128xi32, #tpu.memory_space<vmem>>
      %dma_start3A_462 = arith.constant 0 : i32
      %dma_start3A_463 = arith.constant 0 : i32
      %dma_start3A_464 = tpu.memref_slice %arg12[%dma_start3A_462, %dma_start3A_463] : memref<10000x128xf32, #tpu.memory_space<vmem_shared>> -> memref<10000x128xf32, #tpu.memory_space<vmem_shared>>
      tpu.enqueue_indirect_dma source(%arg11 : memref<128x128xf32, #tpu.memory_space<vmem>>) target(%dma_start3A_464 : memref<10000x128xf32, #tpu.memory_space<vmem_shared>>) offsets(%dma_start3A_461 : memref<128xi32, #tpu.memory_space<vmem>>) semaphore(%arg16 : memref<!tpu.dma_semaphore, #tpu.memory_space<semaphore_mem>>) {add = true}
    }
    %scan3A_211 = arith.constant 40 : i32
    %dma_wait3A_212 = arith.constant 1 : i32
    %dma_wait3A_213 = arith.constant 15 : i32
    %dma_wait3A_214 = arith.constant 0 : i32
    %dma_wait3A_215 = tpu.memref_slice %arg8[%dma_wait3A_212, %dma_wait3A_213, %dma_wait3A_214] : memref<2x16x128xi32, #tpu.memory_space<vmem>> -> memref<1x1x128xi32, #tpu.memory_space<vmem>>
    %dma_wait3A_216 = tpu.memref_squeeze %dma_wait3A_215 : memref<1x1x128xi32, #tpu.memory_space<vmem>> -> memref<128xi32, #tpu.memory_space<vmem>>
    %dma_wait3A_217 = arith.constant 0 : i32
    %dma_wait3A_218 = arith.constant 0 : i32
    %dma_wait3A_219 = tpu.memref_slice %arg12[%dma_wait3A_217, %dma_wait3A_218] : memref<10000x128xf32, #tpu.memory_space<vmem_shared>> -> memref<10000x128xf32, #tpu.memory_space<vmem_shared>>
    tpu.wait_indirect_dma semaphore(%arg16 : memref<!tpu.dma_semaphore, #tpu.memory_space<semaphore_mem>>) src(%arg11 : memref<128x128xf32, #tpu.memory_space<vmem>>) dst(%dma_wait3A_219 : memref<10000x128xf32, #tpu.memory_space<vmem_shared>>)
    %barrier3A_220 = arith.constant 0 : index
    tpu.barrier barrier_id(%barrier3A_220)
    %while3A_221 = arith.constant 0 : i32
    %while3A_222 = arith.constant 0 : i32
    %while3A_223 = arith.subi %select_n3A, %while3A_222 : i32
    %while3A_224 = arith.addi %while3A_222, %while3A_223 : i32
    %while3A_225 = arith.constant 1 : i32
    %while3A_226 = arith.divsi %while3A_223, %while3A_225 : i32
    %while3A_227 = arith.muli %while3A_226, %while3A_225 : i32
    %while3A_228 = arith.addi %while3A_222, %while3A_227 : i32
    %while3A_229 = arith.constant 1 : i32
    scf.for %while3A_251 = %while3A_222 to %while3A_228 step %while3A_229  : i32 {
      %mul3A_252 = arith.constant 104 : i32
      %mul3A_253 = arith.muli %while3A_251, %mul3A_252 : i32
      %add3A_254 = arith.addi %mul3A_61, %mul3A_253 : i32
      %dma_start3A_255 = arith.constant 0 : i32
      %dma_start3A_256 = arith.constant 0 : i32
      %dma_start3A_257 = tpu.memref_slice %arg6[%arg0, %dma_start3A_255, %dma_start3A_256] : memref<2x10000x128xf32, #tpu.memory_space<hbm>> -> memref<1x10000x128xf32, #tpu.memory_space<hbm>>
      %dma_start3A_258 = tpu.memref_squeeze %dma_start3A_257 : memref<1x10000x128xf32, #tpu.memory_space<hbm>> -> memref<10000x128xf32, #tpu.memory_space<hbm>>
      %dma_start3A_259 = arith.constant 0 : i32
      %dma_start3A_260 = tpu.memref_slice %dma_start3A_258[%add3A_254, %dma_start3A_259] : memref<10000x128xf32, #tpu.memory_space<hbm>> -> memref<104x128xf32, #tpu.memory_space<hbm>>
      %dma_start3A_261 = arith.constant 0 : i32
      %dma_start3A_262 = tpu.memref_slice %arg12[%add3A_254, %dma_start3A_261] : memref<10000x128xf32, #tpu.memory_space<vmem_shared>> -> memref<104x128xf32, #tpu.memory_space<vmem_shared>>
      tpu.enqueue_dma source(%dma_start3A_262 : memref<104x128xf32, #tpu.memory_space<vmem_shared>>) target(%dma_start3A_260 : memref<104x128xf32, #tpu.memory_space<hbm>>) target_semaphore(%arg13 : memref<!tpu.dma_semaphore, #tpu.memory_space<semaphore_mem>>)
    }
    %while3A_230 = arith.constant 1 : i32
    scf.for %while3A_251 = %while3A_228 to %while3A_224 step %while3A_230  : i32 {
      %mul3A_252 = arith.constant 104 : i32
      %mul3A_253 = arith.muli %while3A_251, %mul3A_252 : i32
      %add3A_254 = arith.addi %mul3A_61, %mul3A_253 : i32
      %dma_start3A_255 = arith.constant 0 : i32
      %dma_start3A_256 = arith.constant 0 : i32
      %dma_start3A_257 = tpu.memref_slice %arg6[%arg0, %dma_start3A_255, %dma_start3A_256] : memref<2x10000x128xf32, #tpu.memory_space<hbm>> -> memref<1x10000x128xf32, #tpu.memory_space<hbm>>
      %dma_start3A_258 = tpu.memref_squeeze %dma_start3A_257 : memref<1x10000x128xf32, #tpu.memory_space<hbm>> -> memref<10000x128xf32, #tpu.memory_space<hbm>>
      %dma_start3A_259 = arith.constant 0 : i32
      %dma_start3A_260 = tpu.memref_slice %dma_start3A_258[%add3A_254, %dma_start3A_259] : memref<10000x128xf32, #tpu.memory_space<hbm>> -> memref<104x128xf32, #tpu.memory_space<hbm>>
      %dma_start3A_261 = arith.constant 0 : i32
      %dma_start3A_262 = tpu.memref_slice %arg12[%add3A_254, %dma_start3A_261] : memref<10000x128xf32, #tpu.memory_space<vmem_shared>> -> memref<104x128xf32, #tpu.memory_space<vmem_shared>>
      tpu.enqueue_dma source(%dma_start3A_262 : memref<104x128xf32, #tpu.memory_space<vmem_shared>>) target(%dma_start3A_260 : memref<104x128xf32, #tpu.memory_space<hbm>>) target_semaphore(%arg13 : memref<!tpu.dma_semaphore, #tpu.memory_space<semaphore_mem>>)
    }
    %eq3A_231 = arith.constant 15 : i32
    %eq3A_232 = arith.cmpi eq, %arg1, %eq3A_231 : i32
    %convert_element_type3A_233 = arith.extui %eq3A_232 : i1 to i32
    %cond3A_234 = arith.constant 0 : i32
    %cond3A_235 = arith.cmpi ne, %convert_element_type3A_233, %cond3A_234 : i32
    scf.if %cond3A_235 {
      %add3A_251 = arith.constant 624 : i32
      %add3A_252 = arith.addi %mul3A_61, %add3A_251 : i32
      %dma_start3A_253 = arith.constant 0 : i32
      %dma_start3A_254 = arith.constant 0 : i32
      %dma_start3A_255 = tpu.memref_slice %arg6[%arg0, %dma_start3A_253, %dma_start3A_254] : memref<2x10000x128xf32, #tpu.memory_space<hbm>> -> memref<1x10000x128xf32, #tpu.memory_space<hbm>>
      %dma_start3A_256 = tpu.memref_squeeze %dma_start3A_255 : memref<1x10000x128xf32, #tpu.memory_space<hbm>> -> memref<10000x128xf32, #tpu.memory_space<hbm>>
      %dma_start3A_257 = arith.constant 0 : i32
      %dma_start3A_258 = tpu.memref_slice %dma_start3A_256[%add3A_252, %dma_start3A_257] : memref<10000x128xf32, #tpu.memory_space<hbm>> -> memref<16x128xf32, #tpu.memory_space<hbm>>
      %dma_start3A_259 = arith.constant 0 : i32
      %dma_start3A_260 = tpu.memref_slice %arg12[%add3A_252, %dma_start3A_259] : memref<10000x128xf32, #tpu.memory_space<vmem_shared>> -> memref<16x128xf32, #tpu.memory_space<vmem_shared>>
      tpu.enqueue_dma source(%dma_start3A_260 : memref<16x128xf32, #tpu.memory_space<vmem_shared>>) target(%dma_start3A_258 : memref<16x128xf32, #tpu.memory_space<hbm>>) target_semaphore(%arg13 : memref<!tpu.dma_semaphore, #tpu.memory_space<semaphore_mem>>)
    } else {
    }
    %while3A_236 = arith.constant 0 : i32
    %while3A_237 = arith.constant 0 : i32
    %while3A_238 = arith.subi %select_n3A, %while3A_237 : i32
    %while3A_239 = arith.addi %while3A_237, %while3A_238 : i32
    %while3A_240 = arith.constant 1 : i32
    %while3A_241 = arith.divsi %while3A_238, %while3A_240 : i32
    %while3A_242 = arith.muli %while3A_241, %while3A_240 : i32
    %while3A_243 = arith.addi %while3A_237, %while3A_242 : i32
    %while3A_244 = arith.constant 1 : i32
    scf.for %while3A_251 = %while3A_237 to %while3A_243 step %while3A_244  : i32 {
      %dma_wait3A_252 = arith.constant 0 : i32
      %dma_wait3A_253 = arith.constant 0 : i32
      %dma_wait3A_254 = tpu.memref_slice %arg6[%arg0, %dma_wait3A_252, %dma_wait3A_253] : memref<2x10000x128xf32, #tpu.memory_space<hbm>> -> memref<1x10000x128xf32, #tpu.memory_space<hbm>>
      %dma_wait3A_255 = tpu.memref_squeeze %dma_wait3A_254 : memref<1x10000x128xf32, #tpu.memory_space<hbm>> -> memref<10000x128xf32, #tpu.memory_space<hbm>>
      %dma_wait3A_256 = arith.constant 0 : i32
      %dma_wait3A_257 = tpu.memref_slice %dma_wait3A_255[%mul3A_61, %dma_wait3A_256] : memref<10000x128xf32, #tpu.memory_space<hbm>> -> memref<104x128xf32, #tpu.memory_space<hbm>>
      %dma_wait3A_258 = arith.constant 0 : i32
      %dma_wait3A_259 = tpu.memref_slice %arg12[%mul3A_61, %dma_wait3A_258] : memref<10000x128xf32, #tpu.memory_space<vmem_shared>> -> memref<104x128xf32, #tpu.memory_space<vmem_shared>>
      tpu.wait_dma2 semaphore(%arg13 : memref<!tpu.dma_semaphore, #tpu.memory_space<semaphore_mem>>) src(%dma_wait3A_259 : memref<104x128xf32, #tpu.memory_space<vmem_shared>>) dst(%dma_wait3A_257 : memref<104x128xf32, #tpu.memory_space<hbm>>)
    }
    %while3A_245 = arith.constant 1 : i32
    scf.for %while3A_251 = %while3A_243 to %while3A_239 step %while3A_245  : i32 {
      %dma_wait3A_252 = arith.constant 0 : i32
      %dma_wait3A_253 = arith.constant 0 : i32
      %dma_wait3A_254 = tpu.memref_slice %arg6[%arg0, %dma_wait3A_252, %dma_wait3A_253] : memref<2x10000x128xf32, #tpu.memory_space<hbm>> -> memref<1x10000x128xf32, #tpu.memory_space<hbm>>
      %dma_wait3A_255 = tpu.memref_squeeze %dma_wait3A_254 : memref<1x10000x128xf32, #tpu.memory_space<hbm>> -> memref<10000x128xf32, #tpu.memory_space<hbm>>
      %dma_wait3A_256 = arith.constant 0 : i32
      %dma_wait3A_257 = tpu.memref_slice %dma_wait3A_255[%mul3A_61, %dma_wait3A_256] : memref<10000x128xf32, #tpu.memory_space<hbm>> -> memref<104x128xf32, #tpu.memory_space<hbm>>
      %dma_wait3A_258 = arith.constant 0 : i32
      %dma_wait3A_259 = tpu.memref_slice %arg12[%mul3A_61, %dma_wait3A_258] : memref<10000x128xf32, #tpu.memory_space<vmem_shared>> -> memref<104x128xf32, #tpu.memory_space<vmem_shared>>
      tpu.wait_dma2 semaphore(%arg13 : memref<!tpu.dma_semaphore, #tpu.memory_space<semaphore_mem>>) src(%dma_wait3A_259 : memref<104x128xf32, #tpu.memory_space<vmem_shared>>) dst(%dma_wait3A_257 : memref<104x128xf32, #tpu.memory_space<hbm>>)
    }
    %eq3A_246 = arith.constant 15 : i32
    %eq3A_247 = arith.cmpi eq, %arg1, %eq3A_246 : i32
    %convert_element_type3A_248 = arith.extui %eq3A_247 : i1 to i32
    %cond3A_249 = arith.constant 0 : i32
    %cond3A_250 = arith.cmpi ne, %convert_element_type3A_248, %cond3A_249 : i32
    scf.if %cond3A_250 {
      %dma_wait3A_251 = arith.constant 0 : i32
      %dma_wait3A_252 = arith.constant 0 : i32
      %dma_wait3A_253 = tpu.memref_slice %arg6[%arg0, %dma_wait3A_251, %dma_wait3A_252] : memref<2x10000x128xf32, #tpu.memory_space<hbm>> -> memref<1x10000x128xf32, #tpu.memory_space<hbm>>
      %dma_wait3A_254 = tpu.memref_squeeze %dma_wait3A_253 : memref<1x10000x128xf32, #tpu.memory_space<hbm>> -> memref<10000x128xf32, #tpu.memory_space<hbm>>
      %dma_wait3A_255 = arith.constant 0 : i32
      %dma_wait3A_256 = tpu.memref_slice %dma_wait3A_254[%mul3A_61, %dma_wait3A_255] : memref<10000x128xf32, #tpu.memory_space<hbm>> -> memref<16x128xf32, #tpu.memory_space<hbm>>
      %dma_wait3A_257 = arith.constant 0 : i32
      %dma_wait3A_258 = tpu.memref_slice %arg12[%mul3A_61, %dma_wait3A_257] : memref<10000x128xf32, #tpu.memory_space<vmem_shared>> -> memref<16x128xf32, #tpu.memory_space<vmem_shared>>
      tpu.wait_dma2 semaphore(%arg13 : memref<!tpu.dma_semaphore, #tpu.memory_space<semaphore_mem>>) src(%dma_wait3A_258 : memref<16x128xf32, #tpu.memory_space<vmem_shared>>) dst(%dma_wait3A_256 : memref<16x128xf32, #tpu.memory_space<hbm>>)
    } else {
    }
    return
  }
}

module attributes {stable_mosaic.version = 14 : i64} {
  func.func @_logmap0_body(%arg0: i32, %arg1: memref<2000x128xf32, #tpu.memory_space<vmem>>, %arg2: memref<2000x128xf32, #tpu.memory_space<vmem>>) attributes {dimension_semantics = [#tpu.dimension_semantics<arbitrary>], iteration_bounds = array<i64: 5>, scalar_prefetch = 0 : i64, scratch_operands = 0 : i64, tpu.core_type = #tpu.core_type<tc>, window_params = [{transform_indices = @transform_0, window_bounds = array<i64: 2000, 128>}, {transform_indices = @transform_1, window_bounds = array<i64: 2000, 128>}]} {
    %get3A = arith.constant 0 : index
    %get3A_0 = arith.constant 0 : index
    %get3A_1 = vector.load %arg1[%get3A, %get3A_0] : memref<2000x128xf32, #tpu.memory_space<vmem>>, vector<2000x128xf32>
    %mul3A = arith.mulf %get3A_1, %get3A_1 : vector<2000x128xf32>
    %reduce_sum3A = arith.constant dense<0.000000e+00> : vector<2000xf32>
    %reduce_sum3A_2 = vector.multi_reduction <add>, %mul3A, %reduce_sum3A [1] : vector<2000x128xf32> to vector<2000xf32>
    %broadcast_in_dim3A = vector.shape_cast %reduce_sum3A_2 : vector<2000xf32> to vector<2000x1xf32>
    %sqrt3A = math.sqrt %broadcast_in_dim3A : vector<2000x1xf32>
    %max3A = arith.constant 1.000000e-15 : f32
    %max3A_3 = vector.broadcast %max3A : f32 to vector<2000x1xf32>
    %max3A_4 = arith.maximumf %sqrt3A, %max3A_3 : vector<2000x1xf32>
    %jit3A = arith.constant -0.99999988 : f32
    %jit3A_5 = arith.constant 0.99999988 : f32
    %max3A_6 = vector.broadcast %jit3A : f32 to vector<2000x1xf32>
    %max3A_7 = arith.maximumf %max3A_6, %max3A_4 : vector<2000x1xf32>
    %min3A = vector.broadcast %jit3A_5 : f32 to vector<2000x1xf32>
    %min3A_8 = arith.minimumf %min3A, %max3A_7 : vector<2000x1xf32>
    %add3A = arith.constant 1.000000e+00 : f32
    %add3A_9 = vector.broadcast %add3A : f32 to vector<2000x1xf32>
    %add3A_10 = arith.addf %add3A_9, %min3A_8 : vector<2000x1xf32>
    %sub3A = arith.constant 1.000000e+00 : f32
    %sub3A_11 = vector.broadcast %sub3A : f32 to vector<2000x1xf32>
    %sub3A_12 = arith.subf %sub3A_11, %min3A_8 : vector<2000x1xf32>
    %div3A = arith.divf %add3A_10, %sub3A_12 : vector<2000x1xf32>
    %log3A = math.log %div3A : vector<2000x1xf32>
    %mul3A_13 = arith.constant 5.000000e-01 : f32
    %mul3A_14 = vector.broadcast %mul3A_13 : f32 to vector<2000x1xf32>
    %mul3A_15 = arith.mulf %mul3A_14, %log3A : vector<2000x1xf32>
    %div3A_16 = vector.broadcast %max3A_4 : vector<2000x1xf32> to vector<2000x128xf32>
    %div3A_17 = arith.divf %get3A_1, %div3A_16 : vector<2000x128xf32>
    %mul3A_18 = vector.broadcast %mul3A_15 : vector<2000x1xf32> to vector<2000x128xf32>
    %mul3A_19 = arith.mulf %div3A_17, %mul3A_18 : vector<2000x128xf32>
    %swap3A = arith.constant 0 : index
    %swap3A_20 = arith.constant 0 : index
    %swap3A_21 = vector.load %arg2[%swap3A, %swap3A_20] : memref<2000x128xf32, #tpu.memory_space<vmem>>, vector<2000x128xf32>
    tpu.vector_store %arg2[%swap3A, %swap3A_20], %mul3A_19 {strides = array<i32>} : memref<2000x128xf32, #tpu.memory_space<vmem>>, vector<2000x128xf32>,
    return
  }
  func.func @transform_0(%arg0: i32) -> (i32, i32) {
    %c0_i32 = arith.constant 0 : i32
    %c0_i32_0 = arith.constant 0 : i32
    return %arg0, %c0_i32 : i32, i32
  }
  func.func @transform_1(%arg0: i32) -> (i32, i32) {
    %c0_i32 = arith.constant 0 : i32
    %c0_i32_0 = arith.constant 0 : i32
    return %arg0, %c0_i32 : i32, i32
  }
}

module attributes {stable_mosaic.version = 14 : i64} {
  func.func @_combine_body(%arg0: i32, %arg1: memref<1x2000x128xf32, #tpu.memory_space<vmem>>, %arg2: memref<1x2000x128xf32, #tpu.memory_space<vmem>>, %arg3: memref<2000x128xf32, #tpu.memory_space<vmem>>, %arg4: memref<1x1xf32, #tpu.memory_space<vmem>>, %arg5: memref<1x1xf32, #tpu.memory_space<vmem>>, %arg6: memref<128x128xf32, #tpu.memory_space<vmem>>, %arg7: memref<2000x128xf32, #tpu.memory_space<vmem>>) attributes {dimension_semantics = [#tpu.dimension_semantics<arbitrary>], iteration_bounds = array<i64: 5>, scalar_prefetch = 0 : i64, scratch_operands = 0 : i64, tpu.core_type = #tpu.core_type<tc>, window_params = [{transform_indices = @transform_0, window_bounds = array<i64: 1, 2000, 128>}, {transform_indices = @transform_1, window_bounds = array<i64: 1, 2000, 128>}, {transform_indices = @transform_2, window_bounds = array<i64: 2000, 128>}, {pipeline_mode = #tpu.pipeline_mode<synchronous>, transform_indices = @transform_3, window_bounds = array<i64: 1, 1>}, {pipeline_mode = #tpu.pipeline_mode<synchronous>, transform_indices = @transform_4, window_bounds = array<i64: 1, 1>}, {pipeline_mode = #tpu.pipeline_mode<synchronous>, transform_indices = @transform_5, window_bounds = array<i64: 128, 128>}, {transform_indices = @transform_6, window_bounds = array<i64: 2000, 128>}]} {
    %get3A = arith.constant 0 : index
    %get3A_0 = arith.constant 0 : index
    %get3A_1 = vector.load %arg4[%get3A, %get3A_0] : memref<1x1xf32, #tpu.memory_space<vmem>>, vector<1x1xf32>
    %get3A_2 = vector.extract %get3A_1[0, 0] : f32 from vector<1x1xf32>
    %get3A_3 = arith.constant 0 : index
    %get3A_4 = arith.constant 0 : index
    %get3A_5 = vector.load %arg5[%get3A_3, %get3A_4] : memref<1x1xf32, #tpu.memory_space<vmem>>, vector<1x1xf32>
    %get3A_6 = vector.extract %get3A_5[0, 0] : f32 from vector<1x1xf32>
    %get3A_7 = arith.constant 0 : index
    %get3A_8 = arith.constant 0 : index
    %get3A_9 = arith.constant 0 : index
    %get3A_10 = vector.load %arg1[%get3A_7, %get3A_8, %get3A_9] : memref<1x2000x128xf32, #tpu.memory_space<vmem>>, vector<1x2000x128xf32>
    %get3A_11 = vector.shape_cast %get3A_10 : vector<1x2000x128xf32> to vector<2000x128xf32>
    %get3A_12 = arith.constant 0 : index
    %get3A_13 = arith.constant 0 : index
    %get3A_14 = arith.constant 0 : index
    %get3A_15 = vector.load %arg2[%get3A_12, %get3A_13, %get3A_14] : memref<1x2000x128xf32, #tpu.memory_space<vmem>>, vector<1x2000x128xf32>
    %get3A_16 = vector.shape_cast %get3A_15 : vector<1x2000x128xf32> to vector<2000x128xf32>
    %add3A = arith.addf %get3A_11, %get3A_16 : vector<2000x128xf32>
    %sub3A = arith.constant 1.000000e+00 : f32
    %sub3A_17 = arith.subf %sub3A, %get3A_2 : f32
    %mul3A = vector.broadcast %sub3A_17 : f32 to vector<2000x128xf32>
    %mul3A_18 = arith.mulf %mul3A, %add3A : vector<2000x128xf32>
    %get3A_19 = arith.constant 0 : index
    %get3A_20 = arith.constant 0 : index
    %get3A_21 = vector.load %arg3[%get3A_19, %get3A_20] : memref<2000x128xf32, #tpu.memory_space<vmem>>, vector<2000x128xf32>
    %mul3A_22 = vector.broadcast %get3A_2 : f32 to vector<2000x128xf32>
    %mul3A_23 = arith.mulf %mul3A_22, %get3A_21 : vector<2000x128xf32>
    %add3A_24 = arith.addf %mul3A_18, %mul3A_23 : vector<2000x128xf32>
    %get3A_25 = arith.constant 0 : index
    %get3A_26 = arith.constant 0 : index
    %get3A_27 = vector.load %arg6[%get3A_25, %get3A_26] : memref<128x128xf32, #tpu.memory_space<vmem>>, vector<128x128xf32>
    %dot_general3A = arith.constant dense<0.000000e+00> : vector<2000x128xf32>
    %dot_general3A_28 = tpu.matmul %add3A_24, %get3A_27, %dot_general3A {dimension_numbers = #tpu.dot_dimension_numbers<[1], [0], [0], [1], [0, 0, 1, 1], [], []>, transpose_lhs_hint = false} : vector<2000x128xf32>, vector<128x128xf32>, vector<2000x128xf32> -> vector<2000x128xf32>
    %mul3A_29 = vector.broadcast %get3A_6 : f32 to vector<2000x128xf32>
    %mul3A_30 = arith.mulf %mul3A_29, %dot_general3A_28 : vector<2000x128xf32>
    %sub3A_31 = arith.constant 1.000000e+00 : f32
    %sub3A_32 = arith.subf %sub3A_31, %get3A_6 : f32
    %mul3A_33 = vector.broadcast %sub3A_32 : f32 to vector<2000x128xf32>
    %mul3A_34 = arith.mulf %mul3A_33, %add3A_24 : vector<2000x128xf32>
    %add3A_35 = arith.addf %mul3A_30, %mul3A_34 : vector<2000x128xf32>
    %mul3A_36 = arith.mulf %add3A_35, %add3A_35 : vector<2000x128xf32>
    %reduce_sum3A = arith.constant dense<0.000000e+00> : vector<2000xf32>
    %reduce_sum3A_37 = vector.multi_reduction <add>, %mul3A_36, %reduce_sum3A [1] : vector<2000x128xf32> to vector<2000xf32>
    %broadcast_in_dim3A = vector.shape_cast %reduce_sum3A_37 : vector<2000xf32> to vector<2000x1xf32>
    %sqrt3A = math.sqrt %broadcast_in_dim3A : vector<2000x1xf32>
    %max3A = arith.constant 1.000000e-15 : f32
    %max3A_38 = vector.broadcast %max3A : f32 to vector<2000x1xf32>
    %max3A_39 = arith.maximumf %sqrt3A, %max3A_38 : vector<2000x1xf32>
    %tanh3A = math.tanh %max3A_39 : vector<2000x1xf32>
    %mul3A_40 = vector.broadcast %tanh3A : vector<2000x1xf32> to vector<2000x128xf32>
    %mul3A_41 = arith.mulf %mul3A_40, %add3A_35 : vector<2000x128xf32>
    %div3A = vector.broadcast %max3A_39 : vector<2000x1xf32> to vector<2000x128xf32>
    %div3A_42 = arith.divf %mul3A_41, %div3A : vector<2000x128xf32>
    %mul3A_43 = arith.mulf %div3A_42, %div3A_42 : vector<2000x128xf32>
    %reduce_sum3A_44 = arith.constant dense<0.000000e+00> : vector<2000xf32>
    %reduce_sum3A_45 = vector.multi_reduction <add>, %mul3A_43, %reduce_sum3A_44 [1] : vector<2000x128xf32> to vector<2000xf32>
    %broadcast_in_dim3A_46 = vector.shape_cast %reduce_sum3A_45 : vector<2000xf32> to vector<2000x1xf32>
    %sqrt3A_47 = math.sqrt %broadcast_in_dim3A_46 : vector<2000x1xf32>
    %max3A_48 = arith.constant 1.000000e-15 : f32
    %max3A_49 = vector.broadcast %max3A_48 : f32 to vector<2000x1xf32>
    %max3A_50 = arith.maximumf %sqrt3A_47, %max3A_49 : vector<2000x1xf32>
    %gt3A = arith.constant 0.999989986 : f32
    %gt3A_51 = vector.broadcast %gt3A : f32 to vector<2000x1xf32>
    %gt3A_52 = arith.cmpf ogt, %max3A_50, %gt3A_51 : vector<2000x1xf32>
    %div3A_53 = vector.broadcast %max3A_50 : vector<2000x1xf32> to vector<2000x128xf32>
    %div3A_54 = arith.divf %div3A_42, %div3A_53 : vector<2000x128xf32>
    %mul3A_55 = arith.constant 0.999989986 : f32
    %mul3A_56 = vector.broadcast %mul3A_55 : f32 to vector<2000x128xf32>
    %mul3A_57 = arith.mulf %div3A_54, %mul3A_56 : vector<2000x128xf32>
    %broadcast_in_dim3A_58 = vector.shape_cast %gt3A_52 : vector<2000x1xi1> to vector<2000x1xi1>
    %broadcast_in_dim3A_59 = vector.broadcast %broadcast_in_dim3A_58 : vector<2000x1xi1> to vector<2000x128xi1>
    %select_n3A = arith.select %broadcast_in_dim3A_59, %mul3A_57, %div3A_42 : vector<2000x128xi1>, vector<2000x128xf32>
    %swap3A = arith.constant 0 : index
    %swap3A_60 = arith.constant 0 : index
    %swap3A_61 = vector.load %arg7[%swap3A, %swap3A_60] : memref<2000x128xf32, #tpu.memory_space<vmem>>, vector<2000x128xf32>
    tpu.vector_store %arg7[%swap3A, %swap3A_60], %select_n3A {strides = array<i32>} : memref<2000x128xf32, #tpu.memory_space<vmem>>, vector<2000x128xf32>,
    return
  }
  func.func @transform_0(%arg0: i32) -> (i32, i32, i32) {
    %c0_i32 = arith.constant 0 : i32
    %c0_i32_0 = arith.constant 0 : i32
    %c0_i32_1 = arith.constant 0 : i32
    return %c0_i32, %arg0, %c0_i32_0 : i32, i32, i32
  }
  func.func @transform_1(%arg0: i32) -> (i32, i32, i32) {
    %c1_i32 = arith.constant 1 : i32
    %c0_i32 = arith.constant 0 : i32
    %c0_i32_0 = arith.constant 0 : i32
    return %c1_i32, %arg0, %c0_i32 : i32, i32, i32
  }
  func.func @transform_2(%arg0: i32) -> (i32, i32) {
    %c0_i32 = arith.constant 0 : i32
    %c0_i32_0 = arith.constant 0 : i32
    return %arg0, %c0_i32 : i32, i32
  }
  func.func @transform_3(%arg0: i32) -> (i32, i32) {
    %c0_i32 = arith.constant 0 : i32
    %c0_i32_0 = arith.constant 0 : i32
    %c0_i32_1 = arith.constant 0 : i32
    return %c0_i32, %c0_i32_0 : i32, i32
  }
  func.func @transform_4(%arg0: i32) -> (i32, i32) {
    %c0_i32 = arith.constant 0 : i32
    %c0_i32_0 = arith.constant 0 : i32
    %c0_i32_1 = arith.constant 0 : i32
    return %c0_i32, %c0_i32_0 : i32, i32
  }
  func.func @transform_5(%arg0: i32) -> (i32, i32) {
    %c0_i32 = arith.constant 0 : i32
    %c0_i32_0 = arith.constant 0 : i32
    %c0_i32_1 = arith.constant 0 : i32
    return %c0_i32, %c0_i32_0 : i32, i32
  }
  func.func @transform_6(%arg0: i32) -> (i32, i32) {
    %c0_i32 = arith.constant 0 : i32
    %c0_i32_0 = arith.constant 0 : i32
    return %arg0, %c0_i32 : i32, i32
  }
}

</mosaic_0001>

<sc_bundles>
// kernel: kernel.5.cloned.1.call-start
scs
__scs_entry_jumppad:
0x0: {  	(pc) =	sbr.rel $0x88, $3  }
0x1: {  	(tag) =	ssettag $0x0;
	lr =	simm.s32 $0x1  }
0x2: {  	[smem:$0x3F9A] =	sst lr;
	_ =	strace $0xD0000000  }
0x3: {  	_ = 	snop  }
0x4: {  	_ = 	snop  }
0x5: {  	_ = 	snop  }
0x6: {  	_ = 	snop  }
0x7: {  	_ = 	snop  }
__scs_overlays_trampoline_lowered:
0x8: {  	[smem:$0x3FA9] =	sst s0  }
0x9: {  	[smem:$0x3FAA] =	sst s1  }
0xa: {  	[smem:$0x3FAB] =	sst s2  }
0xb: {  	[smem:$0x3FAC] =	sst s3  }
0xc: {  	[smem:$0x3FAD] =	sst s4  }
0xd: {  	[smem:$0x3FAE] =	sst s5  }
0xe: {  	[smem:$0x3FAF] =	sst s6  }
0xf: {  	[smem:$0x3FB0] =	sst s7  }
0x10: {  	[smem:$0x3FB1] =	sst s8  }
0x11: {  	[smem:$0x3FB2] =	sst s9;
	s0 =	simm.s32 @!p0 $0x0  }
0x12: {  	s1 =	sld [smem:$0x3F98];
	s0 =	simm.s32 @p0 $0x1  }
0x13: {  	[smem:$0x3FB3] =	sst s0;
	s0 =	simm.s32 @!p1 $0x0  }
0x14: {  	s2 =	sld [smem:$0x3F97];
	s0 =	simm.s32 @p1 $0x1  }
0x15: {  	[smem:$0x3FB4] =	sst s0;
	s0 =	simm.s32 @!p2 $0x0  }
0x16: {  	s3 =	sld [smem:$0x3FDB];
	s0 =	simm.s32 @p2 $0x1  }
0x17: {  	s4 =	simm.s32 $0x1BF5;
	[smem:$0x3FB6] =	sst s0  }
0x18: {  	s0 =	sld [smem:$0x3F99];
	_ =	swait.ge [sflag:s4], $0x0  }
0x19: {  	s7 =	sld [smem:$0x3F9A]  }
0x1a: {  	s8 =	sadd.s32 $0xFFFFE003, lr  }
0x1b: {  	s9 =	sadd.s32 $0xFFFFFEF7, lr;
	s5 =	simm.s32 $0xFFFFFFFF;
	p2 =	slt.u32 s8, $0xFFFFF086  }
0x1c: {  	p1 =	slt.u32 s9, $0xF7A;
	s5 =	simm.s32 @!p2 $0x0  }
0x1d: {  	s5 =	simm.s32 @p1 $0x1;
	p0 =	seq.s32 s7, s2  }
0x1e: {  	s7 =	smul.u32 @!p0 $0xF7A, s2;
	p2 =	seq.s32 @!p0 s5, $0x0  }
0x1f: {  	s9 =	smul.u32 $0xF7A, s1;
	s8 =	simm.s32 @!p0 $0x1BF5;
	p2 =	por !p2, p0  }
0x20: {  	[sflag:s8] =	ssyncset.s32 @!p0 $0xFFFFF086;
	s6 =	sadd.s32 @!p0 s3, s7;
	s7 =	simm.s32 @!p0 $0x108  }
0x21: {  	s3 =	sadd.s32 s3, s9;
	s6 =	sadd.s32 @!p0 $0x88, s6;
	s7 =	simm.s32 @p2 $0x1082  }
0x22: {  	[simem:s7], [sflag:s8] =	dma.local @!p0 [hbm:s6], $0xF7A  }
0x23: {  	s9 =	sor.u32 $0xD0000000, s2;
	s6 =	simm.s32 $0x108;
	_ =	swait.ge @!p0 [sflag:s8], $0x0  }
0x24: {  	s3 =	sadd.s32 $0x88, s3;
	s6 =	simm.s32 @!p1 $0x1082;
	[sflag:s4] =	ssyncset.s32 $0xFFFFF086  }
0x25: {  	[simem:s6], [sflag:s4] =	dma.local [hbm:s3], $0xF7A  }
0x26: {  	[smem:$0x3F9A] =	sst s1;
	(tag) =	ssettag s2;
	_ =	strace s9  }
0x27: {  	s1 =	sld [smem:$0x3FAA]  }
0x28: {  	s2 =	sld [smem:$0x3FAB]  }
0x29: {  	s4 =	sld [smem:$0x3FAD]  }
0x2a: {  	p0 =	seq.s32 s5, $0x0;
	s5 =	sld [smem:$0x3FAE]  }
0x2b: {  	s6 =	sld [smem:$0x3FAF]  }
0x2c: {  	s7 =	sld [smem:$0x3FB0]  }
0x2d: {  	s3 =	simm.s32 $0x108;
	s8 =	sld [smem:$0x3FB1]  }
0x2e: {  	s3 =	simm.s32 @!p0 $0x1082;
	s9 =	sld [smem:$0x3FB2]  }
0x2f: {  	lr =	sadd.s32 s0, s3;
	s0 =	sld [smem:$0x3FA9]  }
0x30: {  	s3 =	sld [smem:$0x3FAC]  }
0x31: {  	[smem:$0x3FB5] =	sst s10  }
0x32: {  	s10 =	sld [smem:$0x3FB3];
	_ =	sdelay $0x3  }
0x33: {  	p0 =	seq.s32 s10, $0x1;
	s10 =	sld [smem:$0x3FB5];
	_ =	sdelay $0x3  }
0x34: {  	[smem:$0x3FB5] =	sst s10  }
0x35: {  	s10 =	sld [smem:$0x3FB4];
	_ =	sdelay $0x3  }
0x36: {  	p1 =	seq.s32 s10, $0x1;
	s10 =	sld [smem:$0x3FB5];
	_ =	sdelay $0x3  }
0x37: {  	[smem:$0x3FB5] =	sst s10  }
0x38: {  	s10 =	sld [smem:$0x3FB6]  }
0x39: {  	_ = 	snop;
	(pc) =	sbr.ind lr, $3  }
0x3a: {  	_ = 	snop  }
0x3b: {  	_ = 	snop  }
0x3c: {  	p2 =	seq.s32 s10, $0x1;
	s10 =	sld [smem:$0x3FB5]  }
0x3d: {  	_ =	shalt  }
0x3e: {  	_ =	shalt  }
0x3f: {  	_ =	shalt  }
0x40: {  	_ =	shalt  }
0x41: {  	_ =	shalt  }
0x42: {  	_ =	shalt  }
0x43: {  	_ =	shalt  }
0x44: {  	_ =	shalt  }
0x45: {  	_ =	shalt  }
0x46: {  	_ =	shalt  }
0x47: {  	_ =	shalt  }
0x48: {  	_ =	shalt  }
0x49: {  	_ =	shalt  }
0x4a: {  	_ =	shalt  }
0x4b: {  	_ =	shalt  }
0x4c: {  	_ =	shalt  }
0x4d: {  	_ =	shalt  }
0x4e: {  	_ =	shalt  }
0x4f: {  	_ =	shalt  }
0x50: {  	_ =	shalt  }
0x51: {  	_ =	shalt  }
0x52: {  	_ =	shalt  }
0x53: {  	_ =	shalt  }
0x54: {  	_ =	shalt  }
0x55: {  	_ =	shalt  }
0x56: {  	_ =	shalt  }
0x57: {  	_ =	shalt  }
0x58: {  	_ =	shalt  }
0x59: {  	_ =	shalt  }
0x5a: {  	_ =	shalt  }
0x5b: {  	_ =	shalt  }
0x5c: {  	_ =	shalt  }
0x5d: {  	_ =	shalt  }
0x5e: {  	_ =	shalt  }
0x5f: {  	_ =	shalt  }
0x60: {  	_ =	shalt  }
0x61: {  	_ =	shalt  }
0x62: {  	_ =	shalt  }
0x63: {  	_ =	shalt  }
0x64: {  	_ =	shalt  }
0x65: {  	_ =	shalt  }
0x66: {  	_ =	shalt  }
0x67: {  	_ =	shalt  }
0x68: {  	_ =	shalt  }
0x69: {  	_ =	shalt  }
0x6a: {  	_ =	shalt  }
0x6b: {  	_ =	shalt  }
0x6c: {  	_ =	shalt  }
0x6d: {  	_ =	shalt  }
0x6e: {  	_ =	shalt  }
0x6f: {  	_ =	shalt  }
0x70: {  	_ =	shalt  }
0x71: {  	_ =	shalt  }
0x72: {  	_ =	shalt  }
0x73: {  	_ =	shalt  }
0x74: {  	_ =	shalt  }
0x75: {  	_ =	shalt  }
0x76: {  	_ =	shalt  }
0x77: {  	_ =	shalt  }
0x78: {  	_ =	shalt  }
0x79: {  	_ =	shalt  }
0x7a: {  	_ =	shalt  }
0x7b: {  	_ =	shalt  }
0x7c: {  	_ =	shalt  }
0x7d: {  	_ =	shalt  }
0x7e: {  	_ =	shalt  }
0x7f: {  	_ =	shalt  }
0x80: {  	_ =	shalt  }
0x81: {  	_ =	shalt  }
0x82: {  	_ =	shalt  }
0x83: {  	_ =	shalt  }
0x84: {  	_ =	shalt  }
0x85: {  	_ =	shalt  }
0x86: {  	_ =	shalt  }
0x87: {  	_ =	shalt  }
.Lfunc_end0:
.L_simem_size_0:
called_computation_lowered:
.L_overlay_start_0:
0x88: {  	s2 =	sld [smem:$0x3FD9]  }
0x89: {  	s3 =	sld [smem:$0x3FFE];
	_ =	sdelay $0x1  }
0x8a: {  	s1 =	srdreg.scid  }
0x8b: {  	s0 =	sand.u32 $0x1, s1  }
0x8c: {  	s17 =	sshll.u32 s0, $0xA;
	s2 =	sadd.s32 s3, s2  }
0x8d: {  	s2 =	sadd.s32 s2, s17  }
0x8e: {  	[smem:$0x3FC1] =	sst s2  }
0x8f: {  	_ = 	snop  }
0x90: {  	s2 =	sld [smem:$0x3FD0];
	(tm) =	ssettm $0x1  }
0x91: {  	s18 =	sld [smem:$0x3FFB];
	_ =	sdelay $0x3  }
0x92: {  	_ =	strace s18  }
0x93: {  	s3 =	sld [smem:$0x3FFC];
	_ =	sdelay $0x3  }
0x94: {  	_ =	strace s3  }
0x95: {  	s3 =	sld [smem:$0x3FFD];
	_ =	sdelay $0x3  }
0x96: {  	_ =	strace s3  }
0x97: {  	_ =	strace $0x8FFFFFFF  }
0x98: {  	s19 =	sld [smem:$0x3FDB];
	_ =	sdelay $0x1  }
0x99: {  	s4 =	simm.s32 $_scs_section_size  }
0x9a: {  	s5 =	simm.s32 $_size__tile_overlayer_lowered;
	s6 =	simm.s32 $_tile_overlayer_lowered  }
0x9b: {  	s22 =	simm.s32 $0x1BFF;
	s21 =	sshll.u32 s6, $0x1;
	s3 =	sadd.s32 s4, s19  }
0x9c: {  	s7 =	simm.s32 $0x0;
	s20 =	sshll.u32 s5, $0x1;
	s5 =	sadd.s32 s21, s3  }
0x9d: {  	[timem:s7], [sflag:s22] =	dma.local [hbm:s5], s20  }
0x9e: {  	_ =	swait.ge [sflag:s22], s20  }
0x9f: {  	s4 =	ssub.s32 $0x0, s20;
	[sflag:s22] =	ssyncset.done $0x0  }
0xa0: {  	[sflag:s22] =	ssyncadd.s32 s4;
	_ =	sdelay $0x1  }
0xa1: {  	s23 =	simm.s32 $0x1B8B  }
0xa2: {  	_ =	swait.ge [sflag:s23], $0x1  }
0xa3: {  	[sflag:s23] =	ssyncset.done $0x0  }
0xa4: {  	s25 =	simm.s32 $0x1B8E;
	s24 =	sld [smem:$0x3FFE];
	[sflag:s23] =	ssyncadd.s32 $0xFFFFFFFF  }
0xa5: {  	s26 =	simm.s32 $execute0_lowered;
	[smem:$0x3FD2] =	sst s25  }
0xa6: {  	s5 =	sshll.u32 s26, $0x1;
	_ =	strace $0x80000046;
	[dreg:$0x1] =	wrdreg $0xFFFFFFFF  }
0xa7: {  	s28 =	simm.s32 $_size_execute0_lowered;
	s3 =	sadd.s32 s3, s5;
	[dreg:$0x0] =	wrdreg $0x0  }
0xa8: {  	s5 =	sshll.u32 s28, $0x1;
	[dreg:$0x2] =	wrdreg s3  }
0xa9: {  	[dreg:$0x3] =	wrdreg s5  }
0xaa: {  	[dreg:$0x4] =	wrdreg $0xC0  }
0xab: {  	_ =	task [dreg:s7], $0x5FFFF  }
0xac: {  	[dreg:$0x1] =	wrdreg $0xFFFFFFFF  }
0xad: {  	[dreg:$0x0] =	wrdreg $0x60  }
0xae: {  	[dreg:$0x2] =	wrdreg s2  }
0xaf: {  	[dreg:$0x3] =	wrdreg s24  }
0xb0: {  	[dreg:$0x4] =	wrdreg $0xB0000  }
0xb1: {  	[dreg:$0x5] =	wrdreg $0x9  }
0xb2: {  	_ =	task.clear_ibuf [dreg:s7], $0x6FFFF;
	_ =	strace $0x90000046  }
0xb3: {  	s29 =	simm.s32 $0x9;
	_ =	strace $0x80000048  }
0xb4: {  	_ =	swait.ge [sflag:s29], $0x1  }
0xb5: {  	[sflag:s29] =	ssyncadd.s32 $0xFFFFFFFF  }
0xb6: {  	_ =	strace $0x90000048  }
0xb7: {  	_ =	sfence  }
0xb8: {  	s30 =	sld [smem:$0x0];
	_ =	sdelay $0x2  }
0xb9: {  	s31 =	sshll.u32 s1, $0xD;
	s1 =	sshrl.u32 s1, $0x2  }
0xba: {  	s3 =	sand.u32 $0x4000, s31;
	s1 =	sadd.s32 s1, s30  }
0xbb: {  	s0 =	sor.u32 s3, s0;
	s1 =	sshll.u32 s1, $0x11  }
0xbc: {  	s0 =	sor.u32 s1, s0  }
0xbd: {  	s0 =	sadd.s32 $0x8F2B, s0  }
0xbe: {  	[sflag:s0] =	ssyncadd.remote.s32 $0x1  }
0xbf: {  	_ =	sfence.sel $0xFFFF  }
0xc0: {  	[dreg:$0x0] =	wrdreg $0xFFFFFFFF;
	(pc) =	sbr.abs _section_cstart, $3  }
0xc1: {  	[dreg:$0x1] =	wrdreg $0xFFFFFFFF  }
0xc2: {  	_ =	task.clear_ibuf [dreg:s7], $0x2FFFF;
	_ =	strace $0x9FFFFFFF  }
0xc3: {  	(tm) =	ssettm $0x7FFFFFFF  }
tec
execute0_lowered:
.L_overlay_start_1:
0x0: {  	(tag) =	ssettag $0x1  }
0x1: {  	s1 =	rddreg [dreg:$0x0]  }
0x2: {  	s0 =	rddreg [dreg:$0x1]  }
0x3: {  	s2 =	rddreg [dreg:$0x2];
	s3 =	srdreg.scid;
	s5 =	simm.s32 $0x0  }
0x4: {  	s14 =	stileid.u32;
	s31 =	simm.s32 $0x3000;
	s3 =	sand.u32 $0x1, s3  }
0x5: {  	[smem:$0x7FF] =	sst s5;
	s5 =	sadd.s32 $0x15000, s0;
	s20 =	smul.u32 $0x270, s14  }
0x6: {  	s7 =	sadd.s32 $0xB000, s0;
	s8 =	sadd.s32 $0x1000, s0;
	s22 =	smul.u32 $0x4E000, s14  }
0x7: {  	p0 =	sne.s32 s14, $0xF;
	s30 =	sadd.s32 $0x138000, s2;
	s4 =	sshll.u32 s3, $0x4  }
0x8: {  	_ =	strace $0x80000047;
	s15 =	smul.u32 $0x27100, s3;
	s3 =	ssub.s32 $0x2, s3  }
0x9: {  	s4 =	sor.u32 s14, s4;
	s9 =	sshrl.u32 s3, $0x1;
	s23 =	sadd.s32 $0x68, s20  }
0xa: {  	s29 =	sadd.s32 $0xD0, s20;
	s6 =	smul.u32 $0x2800, s4;
	s0 =	sadd.s32 s15, s0  }
0xb: {  	s3 =	ssub.s32 s3, s9;
	s13 =	sshll.u32 s23, $0x7;
	s11 =	sshll.u32 s29, $0x7  }
0xc: {  	s9 =	sadd.s32 $0x208, s20;
	s15 =	sadd.s32 $0x1F000, s0;
	s3 =	smax.u32 s3, $0x1  }
0xd: {  	s0 =	sshrl.u32 s22, $0x2;
	s24 =	sadd.s32 s13, s2;
	s25 =	sadd.s32 s11, s2  }
0xe: {  	s13 =	sshll.u32 s9, $0x7;
	s10 =	sshrl.u32 s6, $0x3;
	[dreg:$0xb] =	wrdreg s3  }
0xf: {  	s9 =	sshll.u32 s9, $0x4;
	[dreg:$0xa] =	wrdreg s15;
	s16 =	sadd.s32 s5, s10  }
0x10: {  	s3 =	sshll.u32 s23, $0x4;
	s17 =	sadd.s32 s7, s10;
	[dreg:$0x4] =	wrdreg s16  }
0x11: {  	s18 =	sadd.s32 s8, s10;
	s19 =	sadd.s32 $0x100, s10;
	[dreg:$0x5] =	wrdreg s17  }
0x12: {  	s3 =	sadd.s32 s3, s15;
	[dreg:$0x6] =	wrdreg s18;
	s10 =	sadd.s32 s5, s19  }
0x13: {  	s21 =	sadd.s32 s7, s19;
	s4 =	sadd.s32 s8, s19;
	[dreg:$0xe] =	wrdreg s3  }
0x14: {  	s17 =	sadd.s32 s0, s2;
	s16 =	sadd.s32 $0x138, s20;
	[dreg:$0x7] =	wrdreg s10  }
0x15: {  	s18 =	sadd.s32 $0x1A0, s20;
	s20 =	sadd.s32 s13, s2;
	[dreg:$0x8] =	wrdreg s21  }
0x16: {  	s3 =	simm.s32 $0x5;
	s13 =	simm.s32 $0x7000;
	[dreg:$0x9] =	wrdreg s4  }
0x17: {  	s19 =	sshll.u32 s16, $0x7;
	s12 =	sshll.u32 s18, $0x7;
	[dreg:$0xc] =	wrdreg s20  }
0x18: {  	s4 =	sshll.u32 s29, $0x4;
	s21 =	smul.u32 $0x2700, s14;
	s0 =	sshll.u32 s16, $0x4  }
0x19: {  	s10 =	sshll.u32 s18, $0x4;
	s29 =	sadd.s32 s9, s15;
	s9 =	simm.s32 $0x6  }
0x1a: {  	s14 =	simm.s32 $0x3;
	s26 =	sadd.s32 s19, s2;
	s28 =	sadd.s32 s12, s2  }
.Ltmp0:
0x1b: {  	s22 =	sadd.s32 s4, s15;
	[dreg:$0x12] =	wrdreg s29;
	(pc) =	sbr.rel .LBB2_1-.Ltmp0, $4  }
0x1c: {  	s0 =	sadd.s32 s0, s15;
	s23 =	sadd.s32 s10, s15;
	[dreg:$0xf] =	wrdreg s22  }
0x1d: {  	s10 =	simm.s32 $0x7;
	s12 =	simm.s32 $0x1;
	[dreg:$0x10] =	wrdreg s0  }
0x1e: {  	s11 =	sadd.s32 s21, s15;
	[dreg:$0x11] =	wrdreg s23;
	s0 =	simm.s32 $0x2  }
0x1f: {  	v0 =	vimm.f32 $0.0e+00;
	s23 =	simm.s32 $0x0;
	[dreg:$0xd] =	wrdreg s11;
	s11 =	simm.s32 $0x80  }
.LBB2_13:
0x20: {  	s4 =	simm.s32 $0x4  }
0x21: {  	_ =	swait.ge [sflag:s4], $0x4000  }
0x22: {  	[sflag:s4] =	ssyncset.done $0x0  }
0x23: {  	s17 =	stileid.u32;
	[sflag:s4] =	ssyncadd.s32 $0xFFFFC000  }
0x24: {  	s4 =	sshll.u32 s17, $0x6;
	[bflag:$0x0] =	sbarrier.arrive $0xFFFF  }
0x25: {  	s15 =	sshrl.u32 s18, $0x3;
	s4 =	sor.u32 $0x1C01, s4;
	s16 =	rddreg [dreg:$0xd]  }
0x26: {  	[hbm:s16], [sflag:s4] =	dma.local [spmem:s15], $0x680  }
0x27: {  	s24 =	smov.u32 s19;
	s19 =	sshrl.u32 s19, $0x3;
	s16 =	rddreg [dreg:$0xe]  }
0x28: {  	[hbm:s16], [sflag:s4] =	dma.local [spmem:s19], $0x680  }
0x29: {  	s25 =	smov.u32 s20;
	s20 =	sshrl.u32 s20, $0x3;
	s16 =	rddreg [dreg:$0xf]  }
0x2a: {  	[hbm:s16], [sflag:s4] =	dma.local [spmem:s20], $0x680  }
0x2b: {  	s26 =	smov.u32 s21;
	s21 =	sshrl.u32 s21, $0x3;
	s16 =	rddreg [dreg:$0x10]  }
0x2c: {  	[hbm:s16], [sflag:s4] =	dma.local [spmem:s21], $0x680  }
0x2d: {  	s28 =	smov.u32 s22;
	s22 =	sshrl.u32 s22, $0x3;
	s16 =	rddreg [dreg:$0x11]  }
0x2e: {  	[hbm:s16], [sflag:s4] =	dma.local [spmem:s22], $0x680  }
0x2f: {  	s15 =	rddreg [dreg:$0xc]  }
0x30: {  	s16 =	rddreg [dreg:$0x12];
	s15 =	sshrl.u32 s15, $0x3  }
0x31: {  	[hbm:s16], [sflag:s4] =	dma.local [spmem:s15], $0x680  }
0x32: {  	s4 =	rddreg [dreg:$0xa]  }
0x33: {  	s15 =	sshrl.u32 @!p0 s30, $0x3;
	s16 =	simm.s32 @!p0 $0x1FC1;
	s4 =	sadd.s32 @!p0 $0x27000, s4  }
0x34: {  	[hbm:s4], [sflag:s16] =	dma.local @!p0 [spmem:s15], $0x100  }
0x35: {  	_ =	swait.ge [sflag:s12], $0x680  }
0x36: {  	[sflag:s12] =	ssyncset.done $0x0  }
0x37: {  	[sflag:s12] =	ssyncadd.s32 $0xFFFFF980  }
0x38: {  	_ =	swait.ge [sflag:s12], $0x680  }
0x39: {  	[sflag:s12] =	ssyncset.done $0x0  }
0x3a: {  	[sflag:s12] =	ssyncadd.s32 $0xFFFFF980  }
0x3b: {  	_ =	swait.ge [sflag:s12], $0x680  }
0x3c: {  	[sflag:s12] =	ssyncset.done $0x0  }
0x3d: {  	[sflag:s12] =	ssyncadd.s32 $0xFFFFF980  }
0x3e: {  	_ =	swait.ge [sflag:s12], $0x680  }
0x3f: {  	[sflag:s12] =	ssyncset.done $0x0  }
0x40: {  	[sflag:s12] =	ssyncadd.s32 $0xFFFFF980  }
0x41: {  	_ =	swait.ge [sflag:s12], $0x680  }
0x42: {  	[sflag:s12] =	ssyncset.done $0x0  }
0x43: {  	[sflag:s12] =	ssyncadd.s32 $0xFFFFF980  }
0x44: {  	_ =	swait.ge [sflag:s12], $0x680  }
0x45: {  	[sflag:s12] =	ssyncset.done $0x0  }
0x46: {  	s4 =	simm.s32 @!p0 $0x1;
	[sflag:s12] =	ssyncadd.s32 $0xFFFFF980  }
0x47: {  	_ =	swait.ge @!p0 [sflag:s4], $0x100  }
0x48: {  	s23 =	sadd.s32 $0x1, s23;
	s29 =	rddreg [dreg:$0xb]  }
0x49: {  	p1 =	sne.s32 s23, s29  }
.Ltmp1:
0x4a: {  	_ = 	snop;
	(pc) =	sbr.rel @!p1 .LBB2_14-.Ltmp1, $3  }
0x4b: {  	_ =	sdelay $0x1  }
0x4c: {  	[sflag:s4] =	ssyncset.done @!p0 $0x0  }
0x4d: {  	s17 =	smov.u32 s18;
	[sflag:s4] =	ssyncadd.s32 @!p0 $0xFFFFFF00  }
.LBB2_1:
0x4e: {  	s4 =	simm.s32 $0x0;
	s15 =	rddreg [dreg:$0x4]  }
0x4f: {  	[tilespmem:s4], [sflag:$0x5] =	stream.linear.gather [hbm4b:s15+s4], $0x800, $0x38;
	[tilespmem:$0x1E880] =	vst v63  }
0x50: {  	s21 =	rddreg [dreg:$0x5];
	s16 =	simm.s32 $0x1000  }
0x51: {  	[tilespmem:s16], [sflag:$0x6] =	stream.linear.gather [hbm4b:s21+s4], $0x800, $0x38;
	[tilespmem:$0x1E880] =	vst v63  }
0x52: {  	s22 =	rddreg [dreg:$0x6];
	s29 =	simm.s32 $0x2000  }
0x53: {  	[tilespmem:s29], [sflag:$0x7] =	stream.linear.gather [hbm4b:s22+s4], $0x800, $0x38;
	[tilespmem:$0x1E880] =	vst v63  }
0x54: {  	s15 =	simm.s32 $0x200;
	s4 =	simm.s32 $0x0  }
.LBB2_2:
0x55: {  	p1 =	sne.s32 s15, $0xFE00;
	[tilespmem:s4+$0x3070] =	vst v0  }
0x56: {  	[tilespmem:s4+$0x3000] =	vst v0  }
0x57: {  	[tilespmem:s4+$0x3010] =	vst v0  }
.Ltmp2:
0x58: {  	[tilespmem:s4+$0x3020] =	vst v0;
	(pc) =	sbr.rel @p1 .LBB2_2-.Ltmp2, $4  }
0x59: {  	[tilespmem:s4+$0x3030] =	vst v0  }
0x5a: {  	[tilespmem:s4+$0x3040] =	vst v0  }
0x5b: {  	[tilespmem:s4+$0x3050] =	vst v0  }
0x5c: {  	[tilespmem:s4+$0x3060] =	vst v0;
	s4 =	sshra.s32 s15, $0x2;
	s15 =	sadd.s32 $0x200, s15  }
0x5d: {  	[tilespmem:s4+$0x3070] =	vst v0  }
0x5e: {  	[tilespmem:s4+$0x3000] =	vst v0  }
0x5f: {  	[tilespmem:s4+$0x3010] =	vst v0  }
0x60: {  	[tilespmem:s4+$0x3020] =	vst v0  }
0x61: {  	[tilespmem:s4+$0x3030] =	vst v0  }
0x62: {  	[tilespmem:s4+$0x3040] =	vst v0  }
0x63: {  	[tilespmem:s4+$0x3050] =	vst v0  }
0x64: {  	[tilespmem:s4+$0x3060] =	vst v0  }
0x65: {  	[spmem:s17] =	stream.linear.scatter [tilespmem:s31], [sflag:$0x2], $0x3400, $0x38;
	[tilespmem:$0x1E880] =	vst v63  }
0x66: {  	_ = 	snop  }
0x67: {  	[spmem:s24] =	stream.linear.scatter [tilespmem:s31], [sflag:$0x2], $0x3400, $0x38;
	[tilespmem:$0x1E880] =	vst v63  }
0x68: {  	_ = 	snop  }
0x69: {  	[spmem:s25] =	stream.linear.scatter [tilespmem:s31], [sflag:$0x2], $0x3400, $0x38;
	[tilespmem:$0x1E880] =	vst v63  }
0x6a: {  	_ = 	snop  }
0x6b: {  	[spmem:s26] =	stream.linear.scatter [tilespmem:s31], [sflag:$0x2], $0x3400, $0x38;
	[tilespmem:$0x1E880] =	vst v63  }
0x6c: {  	_ = 	snop  }
0x6d: {  	[spmem:s28] =	stream.linear.scatter [tilespmem:s31], [sflag:$0x2], $0x3400, $0x38;
	[tilespmem:$0x1E880] =	vst v63  }
0x6e: {  	s16 =	rddreg [dreg:$0xc]  }
0x6f: {  	[spmem:s16] =	stream.linear.scatter [tilespmem:s31], [sflag:$0x2], $0x3400, $0x38;
	[tilespmem:$0x1E880] =	vst v63  }
0x70: {  	s4 =	simm.s32 @!p0 $0x3000  }
0x71: {  	[spmem:s30] =	stream.linear.scatter @!p0 [tilespmem:s4], [sflag:$0x2], $0x800, $0x38;
	[tilespmem:$0x1E880] =	vst v63  }
0x72: {  	_ =	swait.ge [sflag:s0], $0x3400  }
0x73: {  	[sflag:s0] =	ssyncset.done $0x0  }
0x74: {  	[sflag:s0] =	ssyncadd.s32 $0xFFFFCC00  }
0x75: {  	_ =	swait.ge [sflag:s0], $0x3400  }
0x76: {  	[sflag:s0] =	ssyncset.done $0x0  }
0x77: {  	[sflag:s0] =	ssyncadd.s32 $0xFFFFCC00  }
0x78: {  	_ =	swait.ge [sflag:s0], $0x3400  }
0x79: {  	[sflag:s0] =	ssyncset.done $0x0  }
0x7a: {  	[sflag:s0] =	ssyncadd.s32 $0xFFFFCC00  }
0x7b: {  	_ =	swait.ge [sflag:s0], $0x3400  }
0x7c: {  	[sflag:s0] =	ssyncset.done $0x0  }
0x7d: {  	[sflag:s0] =	ssyncadd.s32 $0xFFFFCC00  }
0x7e: {  	_ =	swait.ge [sflag:s0], $0x3400  }
0x7f: {  	[sflag:s0] =	ssyncset.done $0x0  }
0x80: {  	[sflag:s0] =	ssyncadd.s32 $0xFFFFCC00  }
0x81: {  	_ =	swait.ge [sflag:s0], $0x3400  }
0x82: {  	[sflag:s0] =	ssyncset.done $0x0  }
0x83: {  	s4 =	simm.s32 @!p0 $0x2;
	[sflag:s0] =	ssyncadd.s32 $0xFFFFCC00  }
0x84: {  	_ =	swait.ge @!p0 [sflag:s4], $0x800  }
0x85: {  	[sflag:s4] =	ssyncset.done @!p0 $0x0  }
0x86: {  	[sflag:s4] =	ssyncadd.s32 @!p0 $0xFFFFF800  }
0x87: {  	[bflag:$0x0] =	sbarrier.arrive $0xFFFF  }
0x88: {  	_ =	swait.ge [sflag:s3], $0x800  }
0x89: {  	[sflag:s3] =	ssyncset.done $0x0  }
0x8a: {  	[sflag:s3] =	ssyncadd.s32 $0xFFFFF800  }
0x8b: {  	_ =	swait.ge [sflag:s9], $0x800  }
0x8c: {  	[sflag:s9] =	ssyncset.done $0x0  }
0x8d: {  	[sflag:s9] =	ssyncadd.s32 $0xFFFFF800  }
0x8e: {  	s18 =	smov.u32 s17;
	s19 =	smov.u32 s24;
	_ =	swait.ge [sflag:s10], $0x800  }
0x8f: {  	s20 =	smov.u32 s25;
	s15 =	simm.s32 $0x800;
	[sflag:s10] =	ssyncset.done $0x0  }
0x90: {  	s24 =	simm.s32 $0x0;
	s17 =	rddreg [dreg:$0x7];
	[sflag:s10] =	ssyncadd.s32 $0xFFFFF800  }
0x91: {  	[tilespmem:s15], [sflag:$0x5] =	stream.linear.gather [hbm4b:s17+s24], $0x800, $0x38;
	[tilespmem:$0x1E880] =	vst v63  }
0x92: {  	s21 =	smov.u32 s26;
	s26 =	simm.s32 $0x1800;
	s25 =	rddreg [dreg:$0x8]  }
0x93: {  	[tilespmem:s26], [sflag:$0x6] =	stream.linear.gather [hbm4b:s25+s24], $0x800, $0x38;
	[tilespmem:$0x1E880] =	vst v63  }
0x94: {  	s22 =	smov.u32 s28;
	s29 =	simm.s32 $0x2800;
	s28 =	rddreg [dreg:$0x9]  }
0x95: {  	[tilespmem:s29], [sflag:$0x7] =	stream.linear.gather [hbm4b:s28+s24], $0x800, $0x38;
	[tilespmem:$0x1E880] =	vst v63  }
0x96: {  	_ = 	snop  }
0x97: {  	[tilespmem:s31], [sflag:$0x1] =	stream.indirect.gather [hbm4b:s1+s11], $0x80, s24, s11, $0xb8;
	[tilespmem:$0x1E880] =	vst v63  }
.LBB2_4:
0x98: {  	p1 =	seq.s32 s24, $0x0  }
0x99: {  	s4 =	sadd.s32 @!p1 $0xFFFFFFF8, s24  }
0x9a: {  	s25 =	sshll.u32 s24, $0x1;
	p2 =	sgt.u32 @!p1 s4, $0x17  }
0x9b: {  	s4 =	sand.u32 $0xE, s25;
	p3 =	por p2, p1  }
0x9c: {  	p3 =	sne.s32 @!p3 s4, $0x0  }
0x9d: {  	_ =	swait.ge [sflag:s12], $0x4000;
	p2 =	por @!p1 p3, p2  }
0x9e: {  	s15 =	sshrl.u32 s24, $0x3;
	[sflag:s12] =	ssyncset.done $0x0;
	p2 =	por p2, p1  }
0x9f: {  	s26 =	simm.s32 @!p1 $0x4;
	[sflag:s12] =	ssyncadd.s32 $0xFFFFC000;
	s28 =	sshll.u32 @!p2 s15, $0xB  }
0xa0: {  	_ =	swait.ge @!p1 [sflag:s26], $0x4000;
	s28 =	sadd.s32 @!p2 $0x800, s28  }
0xa1: {  	[sflag:s26] =	ssyncset.done @!p1 $0x0;
	s29 =	sadd.s32 @!p2 s6, s28  }
0xa2: {  	[sflag:s26] =	ssyncadd.s32 @!p1 $0xFFFFC000;
	s26 =	sshrl.u32 @!p2 s29, $0x3  }
0xa3: {  	s16 =	simm.s32 @!p2 $0x0;
	s28 =	sand.u32 @!p2 $0x800, s28;
	s29 =	sadd.s32 @!p2 s5, s26  }
0xa4: {  	[tilespmem:s28], [sflag:$0x5] =	stream.linear.gather @!p2 [hbm4b:s29+s16], $0x800, $0x38;
	[tilespmem:$0x1E880] =	vst v63  }
0xa5: {  	s15 =	sshll.u32 s15, $0xD;
	s17 =	sadd.s32 @!p2 s7, s26;
	s29 =	sor.u32 @!p2 $0x1000, s28  }
0xa6: {  	[tilespmem:s29], [sflag:$0x6] =	stream.linear.gather @!p2 [hbm4b:s17+s16], $0x800, $0x38;
	[tilespmem:$0x1E880] =	vst v63  }
0xa7: {  	s17 =	sor.u32 @!p2 $0x2000, s28;
	s28 =	sand.u32 $0x2000, s15;
	s29 =	sshll.u32 s4, $0x9  }
0xa8: {  	s26 =	sadd.s32 @!p2 s8, s26;
	s4 =	sor.u32 s29, s28  }
0xa9: {  	[tilespmem:s17], [sflag:$0x7] =	stream.linear.gather @!p2 [hbm4b:s26+s16], $0x800, $0x38;
	[tilespmem:$0x1E880] =	vst v63  }
0xaa: {  	s4 =	sshrl.u32 s4, $0x2  }
0xab: {  	s26 =	sshll.u32 s24, $0x8;
	s4 =	sor.u32 $0x2000, s4  }
0xac: {  	s17 =	sand.u32 $0xF00, s26;
	v1 =	vmov s4  }
0xad: {  	s15 =	simm.s32 $0x0;
	s16 =	sor.u32 $0x80, s17  }
0xae: {  	[tilespmem:s13], [sflag:$0x2] =	stream.indirect.gather [hbm4b:s1+s11], $0x80, s16, s11, $0xb8;
	[tilespmem:$0x1E880] =	vst v63  }
.LBB2_5:
0xaf: {  	s4 =	sshll.u32 s15, $0x4  }
0xb0: {  	s4 =	sand.u32 $0x3FFFFFF0, s4  }
0xb1: {  	s17 =	sshll.u32 s15, $0xB;
	v2 =	vld.idx.msk [tilespmem:v1+s4+$0x0 ss:$0x1], $0xffff  }
0xb2: {  	s4 =	sand.u32 $0x3FFFF800, s17  }
0xb3: {  	v3 =	vld [tilespmem:s4+$0x3000]  }
0xb4: {  	v4 =	vld [tilespmem:s4+$0x3010]  }
0xb5: {  	v5 =	vld [tilespmem:s4+$0x3020]  }
0xb6: {  	v7 =	vld [tilespmem:s4+$0x3030];
	v6 =	vbroadcast v2, $0x0  }
0xb7: {  	v8 =	vld [tilespmem:s4+$0x3040]  }
0xb8: {  	v9 =	vld [tilespmem:s4+$0x3050];
	v3 =	vmul.f32 v6, v3  }
0xb9: {  	v10 =	vld [tilespmem:s4+$0x3060];
	v4 =	vmul.f32 v4, v6  }
0xba: {  	v24 =	vld [tilespmem:s4+$0x3070];
	[tilespmem:s4+$0x3000] =	vst v3;
	v3 =	vmul.f32 v5, v6  }
0xbb: {  	v26 =	vld [tilespmem:s4+$0x3080];
	v25 =	vmul.f32 v7, v6;
	[tilespmem:s4+$0x3010] =	vst v4  }
0xbc: {  	v27 =	vld [tilespmem:s4+$0x3090];
	[tilespmem:s4+$0x3020] =	vst v3;
	v3 =	vmul.f32 v8, v6  }
0xbd: {  	v29 =	vld [tilespmem:s4+$0x30A0];
	v28 =	vmul.f32 v9, v6;
	[tilespmem:s4+$0x3030] =	vst v25  }
0xbe: {  	v11 =	vld [tilespmem:s4+$0x30B0];
	v30 =	vbroadcast v2, $0x1;
	[tilespmem:s4+$0x3040] =	vst v3;
	v3 =	vmul.f32 v10, v6  }
0xbf: {  	v32 =	vld [tilespmem:s4+$0x30C0];
	v31 =	vmul.f32 v24, v6;
	[tilespmem:s4+$0x3050] =	vst v28  }
0xc0: {  	v33 =	vld [tilespmem:s4+$0x30D0];
	[tilespmem:s4+$0x3060] =	vst v3;
	v3 =	vmul.f32 v26, v30  }
0xc1: {  	v35 =	vld [tilespmem:s4+$0x30E0];
	v34 =	vmul.f32 v27, v30;
	[tilespmem:s4+$0x3070] =	vst v31  }
0xc2: {  	v36 =	vld [tilespmem:s4+$0x30F0];
	[tilespmem:s4+$0x3080] =	vst v3;
	v3 =	vmul.f32 v29, v30  }
0xc3: {  	v38 =	vld [tilespmem:s4+$0x3100];
	v37 =	vmul.f32 v11, v30;
	[tilespmem:s4+$0x3090] =	vst v34  }
0xc4: {  	v39 =	vld [tilespmem:s4+$0x3110];
	[tilespmem:s4+$0x30A0] =	vst v3;
	v3 =	vmul.f32 v32, v30  }
0xc5: {  	v41 =	vld [tilespmem:s4+$0x3120];
	v40 =	vmul.f32 v33, v30;
	[tilespmem:s4+$0x30B0] =	vst v37  }
0xc6: {  	v43 =	vld [tilespmem:s4+$0x3130];
	v42 =	vbroadcast v2, $0x2;
	[tilespmem:s4+$0x30C0] =	vst v3;
	v3 =	vmul.f32 v35, v30  }
0xc7: {  	v45 =	vld [tilespmem:s4+$0x3140];
	v44 =	vmul.f32 v36, v30;
	[tilespmem:s4+$0x30D0] =	vst v40  }
0xc8: {  	v46 =	vld [tilespmem:s4+$0x3150];
	[tilespmem:s4+$0x30E0] =	vst v3;
	v3 =	vmul.f32 v38, v42  }
0xc9: {  	v48 =	vld [tilespmem:s4+$0x3160];
	v47 =	vmul.f32 v39, v42;
	[tilespmem:s4+$0x30F0] =	vst v44  }
0xca: {  	v49 =	vld [tilespmem:s4+$0x3170];
	[tilespmem:s4+$0x3100] =	vst v3;
	v3 =	vmul.f32 v41, v42  }
0xcb: {  	v51 =	vld [tilespmem:s4+$0x3180];
	v50 =	vmul.f32 v43, v42;
	[tilespmem:s4+$0x3110] =	vst v47  }
0xcc: {  	v52 =	vld [tilespmem:s4+$0x3190];
	[tilespmem:s4+$0x3120] =	vst v3;
	v3 =	vmul.f32 v45, v42  }
0xcd: {  	v54 =	vld [tilespmem:s4+$0x31A0];
	v53 =	vmul.f32 v46, v42;
	[tilespmem:s4+$0x3130] =	vst v50  }
0xce: {  	v56 =	vld [tilespmem:s4+$0x31B0];
	v55 =	vbroadcast v2, $0x3;
	[tilespmem:s4+$0x3140] =	vst v3;
	v3 =	vmul.f32 v48, v42  }
0xcf: {  	v58 =	vld [tilespmem:s4+$0x31C0];
	v57 =	vmul.f32 v49, v42;
	[tilespmem:s4+$0x3150] =	vst v53  }
0xd0: {  	v59 =	vld [tilespmem:s4+$0x31D0];
	[tilespmem:s4+$0x3160] =	vst v3;
	v3 =	vmul.f32 v51, v55  }
0xd1: {  	v61 =	vld [tilespmem:s4+$0x31E0];
	v60 =	vmul.f32 v52, v55;
	[tilespmem:s4+$0x3170] =	vst v57  }
0xd2: {  	v62 =	vld [tilespmem:s4+$0x31F0];
	[tilespmem:s4+$0x3180] =	vst v3;
	v3 =	vmul.f32 v54, v55  }
0xd3: {  	v12 =	vld [tilespmem:s4+$0x3200];
	v63 =	vmul.f32 v56, v55;
	[tilespmem:s4+$0x3190] =	vst v60  }
0xd4: {  	v13 =	vld [tilespmem:s4+$0x3210];
	[tilespmem:s4+$0x31A0] =	vst v3;
	v3 =	vmul.f32 v58, v55  }
0xd5: {  	v15 =	vld [tilespmem:s4+$0x3220];
	v14 =	vmul.f32 v59, v55;
	[tilespmem:s4+$0x31B0] =	vst v63  }
0xd6: {  	v17 =	vld [tilespmem:s4+$0x3230];
	v16 =	vbroadcast v2, $0x4;
	[tilespmem:s4+$0x31C0] =	vst v3;
	v3 =	vmul.f32 v61, v55  }
0xd7: {  	v19 =	vld [tilespmem:s4+$0x3240];
	v18 =	vmul.f32 v62, v55;
	[tilespmem:s4+$0x31D0] =	vst v14  }
0xd8: {  	v20 =	vld [tilespmem:s4+$0x3250];
	[tilespmem:s4+$0x31E0] =	vst v3;
	v3 =	vmul.f32 v12, v16  }
0xd9: {  	v22 =	vld [tilespmem:s4+$0x3260];
	v21 =	vmul.f32 v13, v16;
	[tilespmem:s4+$0x31F0] =	vst v18  }
0xda: {  	v23 =	vld [tilespmem:s4+$0x3270];
	[tilespmem:s4+$0x3200] =	vst v3;
	v3 =	vmul.f32 v15, v16  }
0xdb: {  	v24 =	vmul.f32 v17, v16;
	[tilespmem:s4+$0x3210] =	vst v21;
	v25 =	vld [tilespmem:s4+$0x3280]  }
0xdc: {  	v33 =	vld [tilespmem:s4+$0x32D0];
	[tilespmem:s4+$0x3220] =	vst v3;
	v3 =	vmul.f32 v19, v16  }
0xdd: {  	v27 =	vmul.f32 v20, v16;
	[tilespmem:s4+$0x3230] =	vst v24;
	v28 =	vld [tilespmem:s4+$0x32A0]  }
0xde: {  	v36 =	vld [tilespmem:s4+$0x32F0];
	v29 =	vbroadcast v2, $0x5;
	[tilespmem:s4+$0x3240] =	vst v3;
	v3 =	vmul.f32 v22, v16  }
0xdf: {  	[tilespmem:s4+$0x3250] =	vst v27;
	v31 =	vmul.f32 v23, v16;
	v32 =	vld [tilespmem:s4+$0x32C0]  }
0xe0: {  	v26 =	vld [tilespmem:s4+$0x3290];
	[tilespmem:s4+$0x3260] =	vst v3;
	v3 =	vmul.f32 v25, v29  }
0xe1: {  	[tilespmem:s4+$0x3270] =	vst v31;
	v40 =	vmul.f32 v33, v29;
	v35 =	vld [tilespmem:s4+$0x32E0]  }
0xe2: {  	v30 =	vld [tilespmem:s4+$0x32B0];
	[tilespmem:s4+$0x3280] =	vst v3;
	v3 =	vmul.f32 v28, v29  }
0xe3: {  	v44 =	vmul.f32 v36, v29;
	[tilespmem:s4+$0x32D0] =	vst v40;
	v38 =	vld [tilespmem:s4+$0x3300]  }
0xe4: {  	v39 =	vld [tilespmem:s4+$0x3310];
	[tilespmem:s4+$0x32A0] =	vst v3;
	v3 =	vmul.f32 v32, v29  }
0xe5: {  	v34 =	vmul.f32 v26, v29;
	[tilespmem:s4+$0x32F0] =	vst v44;
	v41 =	vld [tilespmem:s4+$0x3320]  }
0xe6: {  	v43 =	vld [tilespmem:s4+$0x3330];
	v42 =	vbroadcast v2, $0x6;
	[tilespmem:s4+$0x32C0] =	vst v3;
	v3 =	vmul.f32 v35, v29  }
0xe7: {  	[tilespmem:s4+$0x3290] =	vst v34;
	v37 =	vmul.f32 v30, v29;
	v45 =	vld [tilespmem:s4+$0x3340]  }
0xe8: {  	v46 =	vld [tilespmem:s4+$0x3350];
	[tilespmem:s4+$0x32E0] =	vst v3;
	v3 =	vmul.f32 v38, v42  }
0xe9: {  	[tilespmem:s4+$0x32B0] =	vst v37;
	v48 =	vld [tilespmem:s4+$0x3360];
	v47 =	vmul.f32 v39, v42  }
0xea: {  	v49 =	vld [tilespmem:s4+$0x3370];
	[tilespmem:s4+$0x3300] =	vst v3;
	v3 =	vmul.f32 v41, v42  }
0xeb: {  	v50 =	vmul.f32 v43, v42;
	v51 =	vld [tilespmem:s4+$0x3380];
	[tilespmem:s4+$0x3310] =	vst v47  }
0xec: {  	v52 =	vld [tilespmem:s4+$0x3390];
	[tilespmem:s4+$0x3320] =	vst v3;
	v3 =	vmul.f32 v45, v42  }
0xed: {  	v53 =	vmul.f32 v46, v42;
	[tilespmem:s4+$0x3330] =	vst v50;
	v54 =	vld [tilespmem:s4+$0x33A0]  }
0xee: {  	v56 =	vld [tilespmem:s4+$0x33B0];
	v55 =	vbroadcast v2, $0x7;
	[tilespmem:s4+$0x3340] =	vst v3;
	v3 =	vmul.f32 v48, v42  }
0xef: {  	v57 =	vmul.f32 v49, v42;
	[tilespmem:s4+$0x3350] =	vst v53;
	v58 =	vld [tilespmem:s4+$0x33C0]  }
0xf0: {  	v59 =	vld [tilespmem:s4+$0x33D0];
	[tilespmem:s4+$0x3360] =	vst v3;
	v3 =	vmul.f32 v51, v55  }
0xf1: {  	[tilespmem:s4+$0x3370] =	vst v57;
	v61 =	vld [tilespmem:s4+$0x33E0];
	v60 =	vmul.f32 v52, v55  }
0xf2: {  	v62 =	vld [tilespmem:s4+$0x33F0];
	[tilespmem:s4+$0x3380] =	vst v3;
	v3 =	vmul.f32 v54, v55  }
0xf3: {  	v63 =	vmul.f32 v56, v55;
	v12 =	vld [tilespmem:s4+$0x3400];
	[tilespmem:s4+$0x3390] =	vst v60  }
0xf4: {  	v13 =	vld [tilespmem:s4+$0x3410];
	[tilespmem:s4+$0x33A0] =	vst v3;
	v3 =	vmul.f32 v58, v55  }
0xf5: {  	v14 =	vmul.f32 v59, v55;
	[tilespmem:s4+$0x33B0] =	vst v63;
	v15 =	vld [tilespmem:s4+$0x3420]  }
0xf6: {  	v17 =	vld [tilespmem:s4+$0x3430];
	v16 =	vbroadcast v2, $0x8;
	[tilespmem:s4+$0x33C0] =	vst v3;
	v3 =	vmul.f32 v61, v55  }
0xf7: {  	v18 =	vmul.f32 v62, v55;
	[tilespmem:s4+$0x33D0] =	vst v14;
	v19 =	vld [tilespmem:s4+$0x3440]  }
0xf8: {  	v20 =	vld [tilespmem:s4+$0x3450];
	[tilespmem:s4+$0x33E0] =	vst v3;
	v3 =	vmul.f32 v12, v16  }
0xf9: {  	[tilespmem:s4+$0x33F0] =	vst v18;
	v22 =	vld [tilespmem:s4+$0x3460];
	v21 =	vmul.f32 v13, v16  }
0xfa: {  	v23 =	vld [tilespmem:s4+$0x3470];
	[tilespmem:s4+$0x3400] =	vst v3;
	v3 =	vmul.f32 v15, v16  }
0xfb: {  	v24 =	vmul.f32 v17, v16;
	v25 =	vld [tilespmem:s4+$0x3480];
	[tilespmem:s4+$0x3410] =	vst v21  }
0xfc: {  	v26 =	vld [tilespmem:s4+$0x3490];
	[tilespmem:s4+$0x3420] =	vst v3;
	v3 =	vmul.f32 v19, v16  }
0xfd: {  	v27 =	vmul.f32 v20, v16;
	[tilespmem:s4+$0x3430] =	vst v24;
	v28 =	vld [tilespmem:s4+$0x34A0]  }
0xfe: {  	v30 =	vld [tilespmem:s4+$0x34B0];
	v29 =	vbroadcast v2, $0x9;
	[tilespmem:s4+$0x3440] =	vst v3;
	v3 =	vmul.f32 v22, v16  }
0xff: {  	v31 =	vmul.f32 v23, v16;
	[tilespmem:s4+$0x3450] =	vst v27;
	v32 =	vld [tilespmem:s4+$0x34C0]  }
0x100: {  	v33 =	vld [tilespmem:s4+$0x34D0];
	[tilespmem:s4+$0x3460] =	vst v3;
	v3 =	vmul.f32 v25, v29  }
0x101: {  	[tilespmem:s4+$0x3470] =	vst v31;
	v35 =	vld [tilespmem:s4+$0x34E0];
	v34 =	vmul.f32 v26, v29  }
0x102: {  	v36 =	vld [tilespmem:s4+$0x34F0];
	[tilespmem:s4+$0x3480] =	vst v3;
	v3 =	vmul.f32 v28, v29  }
0x103: {  	v37 =	vmul.f32 v30, v29;
	v38 =	vld [tilespmem:s4+$0x3500];
	[tilespmem:s4+$0x3490] =	vst v34  }
0x104: {  	v39 =	vld [tilespmem:s4+$0x3510];
	[tilespmem:s4+$0x34A0] =	vst v3;
	v3 =	vmul.f32 v32, v29  }
0x105: {  	v40 =	vmul.f32 v33, v29;
	[tilespmem:s4+$0x34B0] =	vst v37;
	v41 =	vld [tilespmem:s4+$0x3520]  }
0x106: {  	v43 =	vld [tilespmem:s4+$0x3530];
	v42 =	vbroadcast v2, $0xA;
	[tilespmem:s4+$0x34C0] =	vst v3;
	v3 =	vmul.f32 v35, v29  }
0x107: {  	v44 =	vmul.f32 v36, v29;
	[tilespmem:s4+$0x34D0] =	vst v40;
	v45 =	vld [tilespmem:s4+$0x3540]  }
0x108: {  	v46 =	vld [tilespmem:s4+$0x3550];
	[tilespmem:s4+$0x34E0] =	vst v3;
	v3 =	vmul.f32 v38, v42  }
0x109: {  	[tilespmem:s4+$0x34F0] =	vst v44;
	v48 =	vld [tilespmem:s4+$0x3560];
	v47 =	vmul.f32 v39, v42  }
0x10a: {  	v49 =	vld [tilespmem:s4+$0x3570];
	[tilespmem:s4+$0x3500] =	vst v3;
	v3 =	vmul.f32 v41, v42  }
0x10b: {  	v50 =	vmul.f32 v43, v42;
	v51 =	vld [tilespmem:s4+$0x3580];
	[tilespmem:s4+$0x3510] =	vst v47  }
0x10c: {  	v52 =	vld [tilespmem:s4+$0x3590];
	[tilespmem:s4+$0x3520] =	vst v3;
	v3 =	vmul.f32 v45, v42  }
0x10d: {  	v53 =	vmul.f32 v46, v42;
	[tilespmem:s4+$0x3530] =	vst v50;
	v54 =	vld [tilespmem:s4+$0x35A0]  }
0x10e: {  	v56 =	vld [tilespmem:s4+$0x35B0];
	v55 =	vbroadcast v2, $0xB;
	[tilespmem:s4+$0x3540] =	vst v3;
	v3 =	vmul.f32 v48, v42  }
0x10f: {  	v57 =	vmul.f32 v49, v42;
	[tilespmem:s4+$0x3550] =	vst v53;
	v58 =	vld [tilespmem:s4+$0x35C0]  }
0x110: {  	v59 =	vld [tilespmem:s4+$0x35D0];
	[tilespmem:s4+$0x3560] =	vst v3;
	v3 =	vmul.f32 v51, v55  }
0x111: {  	[tilespmem:s4+$0x3570] =	vst v57;
	v61 =	vld [tilespmem:s4+$0x35E0];
	v60 =	vmul.f32 v52, v55  }
0x112: {  	v62 =	vld [tilespmem:s4+$0x35F0];
	[tilespmem:s4+$0x3580] =	vst v3;
	v3 =	vmul.f32 v54, v55  }
0x113: {  	v63 =	vmul.f32 v56, v55;
	v12 =	vld [tilespmem:s4+$0x3600];
	[tilespmem:s4+$0x3590] =	vst v60  }
0x114: {  	v13 =	vld [tilespmem:s4+$0x3610];
	[tilespmem:s4+$0x35A0] =	vst v3;
	v3 =	vmul.f32 v58, v55  }
0x115: {  	v14 =	vmul.f32 v59, v55;
	[tilespmem:s4+$0x35B0] =	vst v63;
	v15 =	vld [tilespmem:s4+$0x3620]  }
0x116: {  	v17 =	vld [tilespmem:s4+$0x3630];
	v16 =	vbroadcast v2, $0xC;
	[tilespmem:s4+$0x35C0] =	vst v3;
	v3 =	vmul.f32 v61, v55  }
0x117: {  	v18 =	vmul.f32 v62, v55;
	[tilespmem:s4+$0x35D0] =	vst v14;
	v19 =	vld [tilespmem:s4+$0x3640]  }
0x118: {  	v20 =	vld [tilespmem:s4+$0x3650];
	[tilespmem:s4+$0x35E0] =	vst v3;
	v3 =	vmul.f32 v12, v16  }
0x119: {  	[tilespmem:s4+$0x35F0] =	vst v18;
	v22 =	vld [tilespmem:s4+$0x3660];
	v21 =	vmul.f32 v13, v16  }
0x11a: {  	v23 =	vld [tilespmem:s4+$0x3670];
	[tilespmem:s4+$0x3600] =	vst v3;
	v3 =	vmul.f32 v15, v16  }
0x11b: {  	v24 =	vmul.f32 v17, v16;
	v25 =	vld [tilespmem:s4+$0x3680];
	[tilespmem:s4+$0x3610] =	vst v21  }
0x11c: {  	v26 =	vld [tilespmem:s4+$0x3690];
	[tilespmem:s4+$0x3620] =	vst v3;
	v3 =	vmul.f32 v19, v16  }
0x11d: {  	v27 =	vmul.f32 v20, v16;
	[tilespmem:s4+$0x3630] =	vst v24;
	v28 =	vld [tilespmem:s4+$0x36A0]  }
0x11e: {  	v30 =	vld [tilespmem:s4+$0x36B0];
	v29 =	vbroadcast v2, $0xD;
	[tilespmem:s4+$0x3640] =	vst v3;
	v3 =	vmul.f32 v22, v16  }
0x11f: {  	v31 =	vmul.f32 v23, v16;
	[tilespmem:s4+$0x3650] =	vst v27;
	v32 =	vld [tilespmem:s4+$0x36C0]  }
0x120: {  	v33 =	vld [tilespmem:s4+$0x36D0];
	[tilespmem:s4+$0x3660] =	vst v3;
	v3 =	vmul.f32 v25, v29  }
0x121: {  	[tilespmem:s4+$0x3670] =	vst v31;
	v35 =	vld [tilespmem:s4+$0x36E0];
	v34 =	vmul.f32 v26, v29  }
0x122: {  	v36 =	vld [tilespmem:s4+$0x36F0];
	[tilespmem:s4+$0x3680] =	vst v3;
	v3 =	vmul.f32 v28, v29  }
0x123: {  	v37 =	vmul.f32 v30, v29;
	v38 =	vld [tilespmem:s4+$0x3700];
	[tilespmem:s4+$0x3690] =	vst v34  }
0x124: {  	v39 =	vld [tilespmem:s4+$0x3710];
	[tilespmem:s4+$0x36A0] =	vst v3;
	v3 =	vmul.f32 v32, v29  }
0x125: {  	v40 =	vmul.f32 v33, v29;
	[tilespmem:s4+$0x36B0] =	vst v37;
	v41 =	vld [tilespmem:s4+$0x3720]  }
0x126: {  	v43 =	vld [tilespmem:s4+$0x3730];
	v42 =	vbroadcast v2, $0xE;
	[tilespmem:s4+$0x36C0] =	vst v3;
	v3 =	vmul.f32 v35, v29  }
0x127: {  	v44 =	vmul.f32 v36, v29;
	[tilespmem:s4+$0x36D0] =	vst v40;
	v45 =	vld [tilespmem:s4+$0x3740]  }
0x128: {  	v46 =	vld [tilespmem:s4+$0x3750];
	[tilespmem:s4+$0x36E0] =	vst v3;
	v3 =	vmul.f32 v38, v42  }
0x129: {  	[tilespmem:s4+$0x36F0] =	vst v44;
	v48 =	vld [tilespmem:s4+$0x3760];
	v47 =	vmul.f32 v39, v42  }
0x12a: {  	v49 =	vld [tilespmem:s4+$0x3770];
	[tilespmem:s4+$0x3700] =	vst v3;
	v3 =	vmul.f32 v41, v42  }
0x12b: {  	v50 =	vmul.f32 v43, v42;
	v51 =	vld [tilespmem:s4+$0x3780];
	[tilespmem:s4+$0x3710] =	vst v47  }
0x12c: {  	v52 =	vld [tilespmem:s4+$0x3790];
	[tilespmem:s4+$0x3720] =	vst v3;
	v3 =	vmul.f32 v45, v42  }
0x12d: {  	v53 =	vmul.f32 v46, v42;
	[tilespmem:s4+$0x3730] =	vst v50;
	v54 =	vld [tilespmem:s4+$0x37A0]  }
0x12e: {  	v2 =	vbroadcast v2, $0xF;
	v58 =	vld [tilespmem:s4+$0x37D0];
	[tilespmem:s4+$0x3740] =	vst v3;
	v3 =	vmul.f32 v48, v42  }
0x12f: {  	v57 =	vld [tilespmem:s4+$0x37C0];
	v56 =	vmul.f32 v49, v42;
	[tilespmem:s4+$0x3750] =	vst v53  }
0x130: {  	v55 =	vld [tilespmem:s4+$0x37B0];
	[tilespmem:s4+$0x3760] =	vst v3;
	v3 =	vmul.f32 v51, v2  }
0x131: {  	v60 =	vld [tilespmem:s4+$0x37E0];
	v59 =	vmul.f32 v52, v2;
	[tilespmem:s4+$0x3770] =	vst v56  }
0x132: {  	v61 =	vld [tilespmem:s4+$0x37F0];
	[tilespmem:s4+$0x3780] =	vst v3;
	v3 =	vmul.f32 v54, v2  }
0x133: {  	[tilespmem:s4+$0x3790] =	vst v59;
	v63 =	vmul.f32 v58, v2  }
0x134: {  	p1 =	sne.s32 s15, $0x7;
	[tilespmem:s4+$0x37A0] =	vst v3;
	v3 =	vmul.f32 v57, v2  }
.Ltmp3:
0x135: {  	v62 =	vmul.f32 v55, v2;
	[tilespmem:s4+$0x37D0] =	vst v63;
	(pc) =	sbr.rel @p1 .LBB2_5-.Ltmp3, $4  }
0x136: {  	[tilespmem:s4+$0x37C0] =	vst v3;
	v3 =	vmul.f32 v60, v2  }
0x137: {  	[tilespmem:s4+$0x37B0] =	vst v62;
	v2 =	vmul.f32 v61, v2  }
0x138: {  	[tilespmem:s4+$0x37E0] =	vst v3  }
0x139: {  	s15 =	sadd.s32 $0x1, s15;
	[tilespmem:s4+$0x37F0] =	vst v2  }
0x13a: {  	s4 =	sshrl.u32 s28, $0x2;
	s15 =	sshrl.u32 s29, $0x2  }
0x13b: {  	s4 =	sadd.s32 s15, s4  }
0x13c: {  	s29 =	sor.u32 $0x1, s25;
	s4 =	sadd.s32 $0x1000, s4  }
0x13d: {  	[spmem:s2] =	stream.indirect.scatter.add.f32 [tilespmem:s31], [sflag:$0x3], $0x80, s4, s11, $0xb8;
	[tilespmem:$0x1E880] =	vst v63  }
0x13e: {  	p1 =	sgt.u32 s29, $0x4E;
	s4 =	sand.u32 $0xF, s29  }
0x13f: {  	p2 =	sne.s32 @!p1 s4, $0xF  }
0x140: {  	_ =	swait.ge [sflag:s0], $0x4000;
	p2 =	por p1, p2  }
.Ltmp4:
0x141: {  	[sflag:s0] =	ssyncset.done $0x0;
	(pc) =	sbr.rel @p2 .LBB2_8-.Ltmp4, $4  }
0x142: {  	[sflag:s0] =	ssyncadd.s32 $0xFFFFC000  }
0x143: {  	_ =	swait.ge [sflag:s14], $0x4000  }
0x144: {  	[sflag:s14] =	ssyncset.done $0x0  }
0x145: {  	[sflag:s14] =	ssyncadd.s32 $0xFFFFC000  }
0x146: {  	_ =	swait.ge [sflag:s3], $0x800  }
0x147: {  	[sflag:s3] =	ssyncset.done $0x0  }
0x148: {  	[sflag:s3] =	ssyncadd.s32 $0xFFFFF800  }
0x149: {  	_ =	swait.ge [sflag:s9], $0x800  }
0x14a: {  	[sflag:s9] =	ssyncset.done $0x0  }
0x14b: {  	[sflag:s9] =	ssyncadd.s32 $0xFFFFF800  }
0x14c: {  	_ =	swait.ge [sflag:s10], $0x800  }
0x14d: {  	[sflag:s10] =	ssyncset.done $0x0  }
0x14e: {  	[sflag:s10] =	ssyncadd.s32 $0xFFFFF800  }
.LBB2_9:
0x14f: {  	s15 =	sadd.s32 $0x100, s26  }
0x150: {  	s15 =	sand.u32 $0xF00, s15  }
0x151: {  	[tilespmem:s31], [sflag:$0x1] =	stream.indirect.gather [hbm4b:s1+s11], $0x80, s15, s11, $0xb8;
	[tilespmem:$0x1E880] =	vst v63  }
.LBB2_10:
0x152: {  	s15 =	sshll.u32 s24, $0xA  }
0x153: {  	s26 =	sshll.u32 s4, $0x9;
	s25 =	sand.u32 $0x2000, s15  }
0x154: {  	s4 =	sor.u32 s26, s25  }
0x155: {  	s4 =	sshrl.u32 s4, $0x2  }
0x156: {  	s4 =	sor.u32 $0x2000, s4  }
0x157: {  	v1 =	vmov s4;
	_ =	sdelay $0x1  }
0x158: {  	s28 =	simm.s32 $0x0  }
.LBB2_11:
0x159: {  	s4 =	sshll.u32 s28, $0x4  }
0x15a: {  	s4 =	sand.u32 $0x3FFFFFF0, s4  }
0x15b: {  	s29 =	sshll.u32 s28, $0xB;
	v2 =	vld.idx.msk [tilespmem:v1+s4+$0x0 ss:$0x1], $0xffff  }
0x15c: {  	s4 =	sand.u32 $0x3FFFF800, s29  }
0x15d: {  	v3 =	vld [tilespmem:s4+$0x7000]  }
0x15e: {  	v4 =	vld [tilespmem:s4+$0x7010]  }
0x15f: {  	v5 =	vld [tilespmem:s4+$0x7020]  }
0x160: {  	v7 =	vld [tilespmem:s4+$0x7030];
	v6 =	vbroadcast v2, $0x0  }
0x161: {  	v8 =	vld [tilespmem:s4+$0x7040]  }
0x162: {  	v9 =	vld [tilespmem:s4+$0x7050];
	v3 =	vmul.f32 v6, v3  }
0x163: {  	v10 =	vld [tilespmem:s4+$0x7060];
	v4 =	vmul.f32 v4, v6  }
0x164: {  	v24 =	vld [tilespmem:s4+$0x7070];
	[tilespmem:s4+$0x7000] =	vst v3;
	v3 =	vmul.f32 v5, v6  }
0x165: {  	v26 =	vld [tilespmem:s4+$0x7080];
	v25 =	vmul.f32 v7, v6;
	[tilespmem:s4+$0x7010] =	vst v4  }
0x166: {  	v27 =	vld [tilespmem:s4+$0x7090];
	[tilespmem:s4+$0x7020] =	vst v3;
	v3 =	vmul.f32 v8, v6  }
0x167: {  	v29 =	vld [tilespmem:s4+$0x70A0];
	v28 =	vmul.f32 v9, v6;
	[tilespmem:s4+$0x7030] =	vst v25  }
0x168: {  	v11 =	vld [tilespmem:s4+$0x70B0];
	v30 =	vbroadcast v2, $0x1;
	[tilespmem:s4+$0x7040] =	vst v3;
	v3 =	vmul.f32 v10, v6  }
0x169: {  	v32 =	vld [tilespmem:s4+$0x70C0];
	v31 =	vmul.f32 v24, v6;
	[tilespmem:s4+$0x7050] =	vst v28  }
0x16a: {  	v33 =	vld [tilespmem:s4+$0x70D0];
	[tilespmem:s4+$0x7060] =	vst v3;
	v3 =	vmul.f32 v26, v30  }
0x16b: {  	v35 =	vld [tilespmem:s4+$0x70E0];
	v34 =	vmul.f32 v27, v30;
	[tilespmem:s4+$0x7070] =	vst v31  }
0x16c: {  	v36 =	vld [tilespmem:s4+$0x70F0];
	[tilespmem:s4+$0x7080] =	vst v3;
	v3 =	vmul.f32 v29, v30  }
0x16d: {  	v38 =	vld [tilespmem:s4+$0x7100];
	v37 =	vmul.f32 v11, v30;
	[tilespmem:s4+$0x7090] =	vst v34  }
0x16e: {  	v39 =	vld [tilespmem:s4+$0x7110];
	[tilespmem:s4+$0x70A0] =	vst v3;
	v3 =	vmul.f32 v32, v30  }
0x16f: {  	v41 =	vld [tilespmem:s4+$0x7120];
	v40 =	vmul.f32 v33, v30;
	[tilespmem:s4+$0x70B0] =	vst v37  }
0x170: {  	v43 =	vld [tilespmem:s4+$0x7130];
	v42 =	vbroadcast v2, $0x2;
	[tilespmem:s4+$0x70C0] =	vst v3;
	v3 =	vmul.f32 v35, v30  }
0x171: {  	v45 =	vld [tilespmem:s4+$0x7140];
	v44 =	vmul.f32 v36, v30;
	[tilespmem:s4+$0x70D0] =	vst v40  }
0x172: {  	v46 =	vld [tilespmem:s4+$0x7150];
	[tilespmem:s4+$0x70E0] =	vst v3;
	v3 =	vmul.f32 v38, v42  }
0x173: {  	v48 =	vld [tilespmem:s4+$0x7160];
	v47 =	vmul.f32 v39, v42;
	[tilespmem:s4+$0x70F0] =	vst v44  }
0x174: {  	v49 =	vld [tilespmem:s4+$0x7170];
	[tilespmem:s4+$0x7100] =	vst v3;
	v3 =	vmul.f32 v41, v42  }
0x175: {  	v51 =	vld [tilespmem:s4+$0x7180];
	v50 =	vmul.f32 v43, v42;
	[tilespmem:s4+$0x7110] =	vst v47  }
0x176: {  	v52 =	vld [tilespmem:s4+$0x7190];
	[tilespmem:s4+$0x7120] =	vst v3;
	v3 =	vmul.f32 v45, v42  }
0x177: {  	v54 =	vld [tilespmem:s4+$0x71A0];
	v53 =	vmul.f32 v46, v42;
	[tilespmem:s4+$0x7130] =	vst v50  }
0x178: {  	v56 =	vld [tilespmem:s4+$0x71B0];
	v55 =	vbroadcast v2, $0x3;
	[tilespmem:s4+$0x7140] =	vst v3;
	v3 =	vmul.f32 v48, v42  }
0x179: {  	v58 =	vld [tilespmem:s4+$0x71C0];
	v57 =	vmul.f32 v49, v42;
	[tilespmem:s4+$0x7150] =	vst v53  }
0x17a: {  	v59 =	vld [tilespmem:s4+$0x71D0];
	[tilespmem:s4+$0x7160] =	vst v3;
	v3 =	vmul.f32 v51, v55  }
0x17b: {  	v61 =	vld [tilespmem:s4+$0x71E0];
	v60 =	vmul.f32 v52, v55;
	[tilespmem:s4+$0x7170] =	vst v57  }
0x17c: {  	v62 =	vld [tilespmem:s4+$0x71F0];
	[tilespmem:s4+$0x7180] =	vst v3;
	v3 =	vmul.f32 v54, v55  }
0x17d: {  	v12 =	vld [tilespmem:s4+$0x7200];
	v63 =	vmul.f32 v56, v55;
	[tilespmem:s4+$0x7190] =	vst v60  }
0x17e: {  	v13 =	vld [tilespmem:s4+$0x7210];
	[tilespmem:s4+$0x71A0] =	vst v3;
	v3 =	vmul.f32 v58, v55  }
0x17f: {  	v15 =	vld [tilespmem:s4+$0x7220];
	v14 =	vmul.f32 v59, v55;
	[tilespmem:s4+$0x71B0] =	vst v63  }
0x180: {  	v17 =	vld [tilespmem:s4+$0x7230];
	v16 =	vbroadcast v2, $0x4;
	[tilespmem:s4+$0x71C0] =	vst v3;
	v3 =	vmul.f32 v61, v55  }
0x181: {  	v19 =	vld [tilespmem:s4+$0x7240];
	v18 =	vmul.f32 v62, v55;
	[tilespmem:s4+$0x71D0] =	vst v14  }
0x182: {  	v20 =	vld [tilespmem:s4+$0x7250];
	[tilespmem:s4+$0x71E0] =	vst v3;
	v3 =	vmul.f32 v12, v16  }
0x183: {  	v22 =	vld [tilespmem:s4+$0x7260];
	v21 =	vmul.f32 v13, v16;
	[tilespmem:s4+$0x71F0] =	vst v18  }
0x184: {  	v23 =	vld [tilespmem:s4+$0x7270];
	[tilespmem:s4+$0x7200] =	vst v3;
	v3 =	vmul.f32 v15, v16  }
0x185: {  	v24 =	vmul.f32 v17, v16;
	[tilespmem:s4+$0x7210] =	vst v21;
	v25 =	vld [tilespmem:s4+$0x7280]  }
0x186: {  	v33 =	vld [tilespmem:s4+$0x72D0];
	[tilespmem:s4+$0x7220] =	vst v3;
	v3 =	vmul.f32 v19, v16  }
0x187: {  	v27 =	vmul.f32 v20, v16;
	[tilespmem:s4+$0x7230] =	vst v24;
	v28 =	vld [tilespmem:s4+$0x72A0]  }
0x188: {  	v36 =	vld [tilespmem:s4+$0x72F0];
	v29 =	vbroadcast v2, $0x5;
	[tilespmem:s4+$0x7240] =	vst v3;
	v3 =	vmul.f32 v22, v16  }
0x189: {  	[tilespmem:s4+$0x7250] =	vst v27;
	v31 =	vmul.f32 v23, v16;
	v32 =	vld [tilespmem:s4+$0x72C0]  }
0x18a: {  	v26 =	vld [tilespmem:s4+$0x7290];
	[tilespmem:s4+$0x7260] =	vst v3;
	v3 =	vmul.f32 v25, v29  }
0x18b: {  	[tilespmem:s4+$0x7270] =	vst v31;
	v40 =	vmul.f32 v33, v29;
	v35 =	vld [tilespmem:s4+$0x72E0]  }
0x18c: {  	v30 =	vld [tilespmem:s4+$0x72B0];
	[tilespmem:s4+$0x7280] =	vst v3;
	v3 =	vmul.f32 v28, v29  }
0x18d: {  	v44 =	vmul.f32 v36, v29;
	[tilespmem:s4+$0x72D0] =	vst v40;
	v38 =	vld [tilespmem:s4+$0x7300]  }
0x18e: {  	v39 =	vld [tilespmem:s4+$0x7310];
	[tilespmem:s4+$0x72A0] =	vst v3;
	v3 =	vmul.f32 v32, v29  }
0x18f: {  	v34 =	vmul.f32 v26, v29;
	[tilespmem:s4+$0x72F0] =	vst v44;
	v41 =	vld [tilespmem:s4+$0x7320]  }
0x190: {  	v43 =	vld [tilespmem:s4+$0x7330];
	v42 =	vbroadcast v2, $0x6;
	[tilespmem:s4+$0x72C0] =	vst v3;
	v3 =	vmul.f32 v35, v29  }
0x191: {  	[tilespmem:s4+$0x7290] =	vst v34;
	v37 =	vmul.f32 v30, v29;
	v45 =	vld [tilespmem:s4+$0x7340]  }
0x192: {  	v46 =	vld [tilespmem:s4+$0x7350];
	[tilespmem:s4+$0x72E0] =	vst v3;
	v3 =	vmul.f32 v38, v42  }
0x193: {  	[tilespmem:s4+$0x72B0] =	vst v37;
	v48 =	vld [tilespmem:s4+$0x7360];
	v47 =	vmul.f32 v39, v42  }
0x194: {  	v49 =	vld [tilespmem:s4+$0x7370];
	[tilespmem:s4+$0x7300] =	vst v3;
	v3 =	vmul.f32 v41, v42  }
0x195: {  	v50 =	vmul.f32 v43, v42;
	v51 =	vld [tilespmem:s4+$0x7380];
	[tilespmem:s4+$0x7310] =	vst v47  }
0x196: {  	v52 =	vld [tilespmem:s4+$0x7390];
	[tilespmem:s4+$0x7320] =	vst v3;
	v3 =	vmul.f32 v45, v42  }
0x197: {  	v53 =	vmul.f32 v46, v42;
	[tilespmem:s4+$0x7330] =	vst v50;
	v54 =	vld [tilespmem:s4+$0x73A0]  }
0x198: {  	v56 =	vld [tilespmem:s4+$0x73B0];
	v55 =	vbroadcast v2, $0x7;
	[tilespmem:s4+$0x7340] =	vst v3;
	v3 =	vmul.f32 v48, v42  }
0x199: {  	v57 =	vmul.f32 v49, v42;
	[tilespmem:s4+$0x7350] =	vst v53;
	v58 =	vld [tilespmem:s4+$0x73C0]  }
0x19a: {  	v59 =	vld [tilespmem:s4+$0x73D0];
	[tilespmem:s4+$0x7360] =	vst v3;
	v3 =	vmul.f32 v51, v55  }
0x19b: {  	[tilespmem:s4+$0x7370] =	vst v57;
	v61 =	vld [tilespmem:s4+$0x73E0];
	v60 =	vmul.f32 v52, v55  }
0x19c: {  	v62 =	vld [tilespmem:s4+$0x73F0];
	[tilespmem:s4+$0x7380] =	vst v3;
	v3 =	vmul.f32 v54, v55  }
0x19d: {  	v63 =	vmul.f32 v56, v55;
	v12 =	vld [tilespmem:s4+$0x7400];
	[tilespmem:s4+$0x7390] =	vst v60  }
0x19e: {  	v13 =	vld [tilespmem:s4+$0x7410];
	[tilespmem:s4+$0x73A0] =	vst v3;
	v3 =	vmul.f32 v58, v55  }
0x19f: {  	v14 =	vmul.f32 v59, v55;
	[tilespmem:s4+$0x73B0] =	vst v63;
	v15 =	vld [tilespmem:s4+$0x7420]  }
0x1a0: {  	v17 =	vld [tilespmem:s4+$0x7430];
	v16 =	vbroadcast v2, $0x8;
	[tilespmem:s4+$0x73C0] =	vst v3;
	v3 =	vmul.f32 v61, v55  }
0x1a1: {  	v18 =	vmul.f32 v62, v55;
	[tilespmem:s4+$0x73D0] =	vst v14;
	v19 =	vld [tilespmem:s4+$0x7440]  }
0x1a2: {  	v20 =	vld [tilespmem:s4+$0x7450];
	[tilespmem:s4+$0x73E0] =	vst v3;
	v3 =	vmul.f32 v12, v16  }
0x1a3: {  	[tilespmem:s4+$0x73F0] =	vst v18;
	v22 =	vld [tilespmem:s4+$0x7460];
	v21 =	vmul.f32 v13, v16  }
0x1a4: {  	v23 =	vld [tilespmem:s4+$0x7470];
	[tilespmem:s4+$0x7400] =	vst v3;
	v3 =	vmul.f32 v15, v16  }
0x1a5: {  	v24 =	vmul.f32 v17, v16;
	v25 =	vld [tilespmem:s4+$0x7480];
	[tilespmem:s4+$0x7410] =	vst v21  }
0x1a6: {  	v26 =	vld [tilespmem:s4+$0x7490];
	[tilespmem:s4+$0x7420] =	vst v3;
	v3 =	vmul.f32 v19, v16  }
0x1a7: {  	v27 =	vmul.f32 v20, v16;
	[tilespmem:s4+$0x7430] =	vst v24;
	v28 =	vld [tilespmem:s4+$0x74A0]  }
0x1a8: {  	v30 =	vld [tilespmem:s4+$0x74B0];
	v29 =	vbroadcast v2, $0x9;
	[tilespmem:s4+$0x7440] =	vst v3;
	v3 =	vmul.f32 v22, v16  }
0x1a9: {  	v31 =	vmul.f32 v23, v16;
	[tilespmem:s4+$0x7450] =	vst v27;
	v32 =	vld [tilespmem:s4+$0x74C0]  }
0x1aa: {  	v33 =	vld [tilespmem:s4+$0x74D0];
	[tilespmem:s4+$0x7460] =	vst v3;
	v3 =	vmul.f32 v25, v29  }
0x1ab: {  	[tilespmem:s4+$0x7470] =	vst v31;
	v35 =	vld [tilespmem:s4+$0x74E0];
	v34 =	vmul.f32 v26, v29  }
0x1ac: {  	v36 =	vld [tilespmem:s4+$0x74F0];
	[tilespmem:s4+$0x7480] =	vst v3;
	v3 =	vmul.f32 v28, v29  }
0x1ad: {  	v37 =	vmul.f32 v30, v29;
	v38 =	vld [tilespmem:s4+$0x7500];
	[tilespmem:s4+$0x7490] =	vst v34  }
0x1ae: {  	v39 =	vld [tilespmem:s4+$0x7510];
	[tilespmem:s4+$0x74A0] =	vst v3;
	v3 =	vmul.f32 v32, v29  }
0x1af: {  	v40 =	vmul.f32 v33, v29;
	[tilespmem:s4+$0x74B0] =	vst v37;
	v41 =	vld [tilespmem:s4+$0x7520]  }
0x1b0: {  	v43 =	vld [tilespmem:s4+$0x7530];
	v42 =	vbroadcast v2, $0xA;
	[tilespmem:s4+$0x74C0] =	vst v3;
	v3 =	vmul.f32 v35, v29  }
0x1b1: {  	v44 =	vmul.f32 v36, v29;
	[tilespmem:s4+$0x74D0] =	vst v40;
	v45 =	vld [tilespmem:s4+$0x7540]  }
0x1b2: {  	v46 =	vld [tilespmem:s4+$0x7550];
	[tilespmem:s4+$0x74E0] =	vst v3;
	v3 =	vmul.f32 v38, v42  }
0x1b3: {  	[tilespmem:s4+$0x74F0] =	vst v44;
	v48 =	vld [tilespmem:s4+$0x7560];
	v47 =	vmul.f32 v39, v42  }
0x1b4: {  	v49 =	vld [tilespmem:s4+$0x7570];
	[tilespmem:s4+$0x7500] =	vst v3;
	v3 =	vmul.f32 v41, v42  }
0x1b5: {  	v50 =	vmul.f32 v43, v42;
	v51 =	vld [tilespmem:s4+$0x7580];
	[tilespmem:s4+$0x7510] =	vst v47  }
0x1b6: {  	v52 =	vld [tilespmem:s4+$0x7590];
	[tilespmem:s4+$0x7520] =	vst v3;
	v3 =	vmul.f32 v45, v42  }
0x1b7: {  	v53 =	vmul.f32 v46, v42;
	[tilespmem:s4+$0x7530] =	vst v50;
	v54 =	vld [tilespmem:s4+$0x75A0]  }
0x1b8: {  	v56 =	vld [tilespmem:s4+$0x75B0];
	v55 =	vbroadcast v2, $0xB;
	[tilespmem:s4+$0x7540] =	vst v3;
	v3 =	vmul.f32 v48, v42  }
0x1b9: {  	v57 =	vmul.f32 v49, v42;
	[tilespmem:s4+$0x7550] =	vst v53;
	v58 =	vld [tilespmem:s4+$0x75C0]  }
0x1ba: {  	v59 =	vld [tilespmem:s4+$0x75D0];
	[tilespmem:s4+$0x7560] =	vst v3;
	v3 =	vmul.f32 v51, v55  }
0x1bb: {  	[tilespmem:s4+$0x7570] =	vst v57;
	v61 =	vld [tilespmem:s4+$0x75E0];
	v60 =	vmul.f32 v52, v55  }
0x1bc: {  	v62 =	vld [tilespmem:s4+$0x75F0];
	[tilespmem:s4+$0x7580] =	vst v3;
	v3 =	vmul.f32 v54, v55  }
0x1bd: {  	v63 =	vmul.f32 v56, v55;
	v12 =	vld [tilespmem:s4+$0x7600];
	[tilespmem:s4+$0x7590] =	vst v60  }
0x1be: {  	v13 =	vld [tilespmem:s4+$0x7610];
	[tilespmem:s4+$0x75A0] =	vst v3;
	v3 =	vmul.f32 v58, v55  }
0x1bf: {  	v14 =	vmul.f32 v59, v55;
	[tilespmem:s4+$0x75B0] =	vst v63;
	v15 =	vld [tilespmem:s4+$0x7620]  }
0x1c0: {  	v17 =	vld [tilespmem:s4+$0x7630];
	v16 =	vbroadcast v2, $0xC;
	[tilespmem:s4+$0x75C0] =	vst v3;
	v3 =	vmul.f32 v61, v55  }
0x1c1: {  	v18 =	vmul.f32 v62, v55;
	[tilespmem:s4+$0x75D0] =	vst v14;
	v19 =	vld [tilespmem:s4+$0x7640]  }
0x1c2: {  	v20 =	vld [tilespmem:s4+$0x7650];
	[tilespmem:s4+$0x75E0] =	vst v3;
	v3 =	vmul.f32 v12, v16  }
0x1c3: {  	[tilespmem:s4+$0x75F0] =	vst v18;
	v22 =	vld [tilespmem:s4+$0x7660];
	v21 =	vmul.f32 v13, v16  }
0x1c4: {  	v23 =	vld [tilespmem:s4+$0x7670];
	[tilespmem:s4+$0x7600] =	vst v3;
	v3 =	vmul.f32 v15, v16  }
0x1c5: {  	v24 =	vmul.f32 v17, v16;
	v25 =	vld [tilespmem:s4+$0x7680];
	[tilespmem:s4+$0x7610] =	vst v21  }
0x1c6: {  	v26 =	vld [tilespmem:s4+$0x7690];
	[tilespmem:s4+$0x7620] =	vst v3;
	v3 =	vmul.f32 v19, v16  }
0x1c7: {  	v27 =	vmul.f32 v20, v16;
	[tilespmem:s4+$0x7630] =	vst v24;
	v28 =	vld [tilespmem:s4+$0x76A0]  }
0x1c8: {  	v30 =	vld [tilespmem:s4+$0x76B0];
	v29 =	vbroadcast v2, $0xD;
	[tilespmem:s4+$0x7640] =	vst v3;
	v3 =	vmul.f32 v22, v16  }
0x1c9: {  	v31 =	vmul.f32 v23, v16;
	[tilespmem:s4+$0x7650] =	vst v27;
	v32 =	vld [tilespmem:s4+$0x76C0]  }
0x1ca: {  	v33 =	vld [tilespmem:s4+$0x76D0];
	[tilespmem:s4+$0x7660] =	vst v3;
	v3 =	vmul.f32 v25, v29  }
0x1cb: {  	[tilespmem:s4+$0x7670] =	vst v31;
	v35 =	vld [tilespmem:s4+$0x76E0];
	v34 =	vmul.f32 v26, v29  }
0x1cc: {  	v36 =	vld [tilespmem:s4+$0x76F0];
	[tilespmem:s4+$0x7680] =	vst v3;
	v3 =	vmul.f32 v28, v29  }
0x1cd: {  	v37 =	vmul.f32 v30, v29;
	v38 =	vld [tilespmem:s4+$0x7700];
	[tilespmem:s4+$0x7690] =	vst v34  }
0x1ce: {  	v39 =	vld [tilespmem:s4+$0x7710];
	[tilespmem:s4+$0x76A0] =	vst v3;
	v3 =	vmul.f32 v32, v29  }
0x1cf: {  	v40 =	vmul.f32 v33, v29;
	[tilespmem:s4+$0x76B0] =	vst v37;
	v41 =	vld [tilespmem:s4+$0x7720]  }
0x1d0: {  	v43 =	vld [tilespmem:s4+$0x7730];
	v42 =	vbroadcast v2, $0xE;
	[tilespmem:s4+$0x76C0] =	vst v3;
	v3 =	vmul.f32 v35, v29  }
0x1d1: {  	v44 =	vmul.f32 v36, v29;
	[tilespmem:s4+$0x76D0] =	vst v40;
	v45 =	vld [tilespmem:s4+$0x7740]  }
0x1d2: {  	v46 =	vld [tilespmem:s4+$0x7750];
	[tilespmem:s4+$0x76E0] =	vst v3;
	v3 =	vmul.f32 v38, v42  }
0x1d3: {  	[tilespmem:s4+$0x76F0] =	vst v44;
	v48 =	vld [tilespmem:s4+$0x7760];
	v47 =	vmul.f32 v39, v42  }
0x1d4: {  	v49 =	vld [tilespmem:s4+$0x7770];
	[tilespmem:s4+$0x7700] =	vst v3;
	v3 =	vmul.f32 v41, v42  }
0x1d5: {  	v50 =	vmul.f32 v43, v42;
	v51 =	vld [tilespmem:s4+$0x7780];
	[tilespmem:s4+$0x7710] =	vst v47  }
0x1d6: {  	v52 =	vld [tilespmem:s4+$0x7790];
	[tilespmem:s4+$0x7720] =	vst v3;
	v3 =	vmul.f32 v45, v42  }
0x1d7: {  	v53 =	vmul.f32 v46, v42;
	[tilespmem:s4+$0x7730] =	vst v50;
	v54 =	vld [tilespmem:s4+$0x77A0]  }
0x1d8: {  	v2 =	vbroadcast v2, $0xF;
	v58 =	vld [tilespmem:s4+$0x77D0];
	[tilespmem:s4+$0x7740] =	vst v3;
	v3 =	vmul.f32 v48, v42  }
0x1d9: {  	v57 =	vld [tilespmem:s4+$0x77C0];
	v56 =	vmul.f32 v49, v42;
	[tilespmem:s4+$0x7750] =	vst v53  }
0x1da: {  	v55 =	vld [tilespmem:s4+$0x77B0];
	[tilespmem:s4+$0x7760] =	vst v3;
	v3 =	vmul.f32 v51, v2  }
0x1db: {  	v60 =	vld [tilespmem:s4+$0x77E0];
	v59 =	vmul.f32 v52, v2;
	[tilespmem:s4+$0x7770] =	vst v56  }
0x1dc: {  	v61 =	vld [tilespmem:s4+$0x77F0];
	[tilespmem:s4+$0x7780] =	vst v3;
	v3 =	vmul.f32 v54, v2  }
0x1dd: {  	[tilespmem:s4+$0x7790] =	vst v59;
	v63 =	vmul.f32 v58, v2  }
0x1de: {  	p1 =	sne.s32 s28, $0x7;
	[tilespmem:s4+$0x77A0] =	vst v3;
	v3 =	vmul.f32 v57, v2  }
.Ltmp5:
0x1df: {  	v62 =	vmul.f32 v55, v2;
	[tilespmem:s4+$0x77D0] =	vst v63;
	(pc) =	sbr.rel @p1 .LBB2_11-.Ltmp5, $4  }
0x1e0: {  	[tilespmem:s4+$0x77C0] =	vst v3;
	v3 =	vmul.f32 v60, v2  }
0x1e1: {  	[tilespmem:s4+$0x77B0] =	vst v62;
	v2 =	vmul.f32 v61, v2  }
0x1e2: {  	[tilespmem:s4+$0x77E0] =	vst v3  }
0x1e3: {  	s28 =	sadd.s32 $0x1, s28;
	[tilespmem:s4+$0x77F0] =	vst v2  }
0x1e4: {  	s24 =	sadd.s32 $0x1, s24  }
0x1e5: {  	p1 =	sne.s32 s24, $0x28  }
.Ltmp6:
0x1e6: {  	_ = 	snop;
	(pc) =	sbr.rel @p1 .LBB2_4-.Ltmp6, $4  }
.Ltmp7:
0x1e7: {  	s4 =	sshrl.u32 s25, $0x2;
	s15 =	sshrl.u32 s26, $0x2;
	(pc) =	sbr.rel @!p1 .LBB2_13-.Ltmp7, $4  }
0x1e8: {  	s4 =	sadd.s32 s15, s4  }
0x1e9: {  	s4 =	sadd.s32 $0x1000, s4  }
0x1ea: {  	[spmem:s2] =	stream.indirect.scatter.add.f32 [tilespmem:s13], [sflag:$0x4], $0x80, s4, s11, $0xb8;
	[tilespmem:$0x1E880] =	vst v63  }
0x1eb: {  	_ = 	snop  }
.LBB2_8:
.Ltmp8:
0x1ec: {  	(pc) =	sbr.rel @p1 .LBB2_10-.Ltmp8, $4  }
.Ltmp9:
0x1ed: {  	(pc) =	sbr.rel @!p1 .LBB2_9-.Ltmp9, $4  }
0x1ee: {  	_ = 	snop  }
0x1ef: {  	_ = 	snop  }
0x1f0: {  	_ = 	snop  }
0x1f1: {  	_ = 	snop  }
.LBB2_14:
0x1f2: {  	_ =	sfence.sel $0x180000  }
0x1f3: {  	[bflag:$0x0] =	sbarrier.arrive $0xFFFF  }
0x1f4: {  	_ =	strace $0x90000047  }
0x1f5: {  	s0 =	stileid.u32;
	[bflag:$0x2] =	sbarrier.arrive $0xFFFF  }
0x1f6: {  	p0 =	sne.s32 s0, $0x0;
	s0 =	rddreg [dreg:$0x3]  }
0x1f7: {  	s0 =	sadd.s32 @!p0 $0x100000, s0  }
0x1f8: {  	[sflag:s0] =	ssyncadd.tile.s32 @!p0 $0x1;
	_ =	shalt  }
.Lfunc_end2:
_tile_overlayer_lowered:
.L_overlay_start_2:
0x1f9: {  	(tag) =	ssettag $0x2  }
0x1fa: {  	s0 =	rddreg [dreg:$0x0];
	s2 =	stileid.u32  }
0x1fb: {  	s1 =	rddreg [dreg:$0x1];
	p0 =	sne.s32 s2, $0x0  }
0x1fc: {  	s3 =	rddreg [dreg:$0x2];
	[bflag:$0x3] =	sbarrier.arrive $0xFFFF;
	s2 =	simm.s32 @!p0 $0x1C08  }
0x1fd: {  	[timem:s3], [sflag:s2] =	dma.local @!p0 [hbm:s0], s1  }
0x1fe: {  	s0 =	simm.s32 @!p0 $0x8  }
0x1ff: {  	_ =	swait.ge @!p0 [sflag:s0], s1  }
0x200: {  	s1 =	ssub.s32 @!p0 $0x0, s1;
	[sflag:s0] =	ssyncset.done @!p0 $0x0  }
0x201: {  	[sflag:s0] =	ssyncadd.s32 @!p0 s1  }
0x202: {  	[bflag:$0x3] =	sbarrier.arrive $0xFFFF  }
0x203: {  	_ =	shalt  }

</sc_bundles>
